<compile_context>
chip_gen: v7x
topology: tpu7x:2x2x1
jax: 0.10.2.dev20260603
libtpu: 0.0.44.dev20260713+nightly
codegen_flags: <defaults>
</compile_context>

<pallas_src>
import functools

import jax
import jax.numpy as jnp
from jax import lax
from jax.experimental import pallas as pl
from jax.experimental.pallas import tpu as pltpu
from jax.experimental.pallas import tpu_sc as plsc

EMBED_DIM = 64
NUM_CORES = 2
NUM_SUBCORES = 16
NUM_WORKERS = NUM_CORES * NUM_SUBCORES
CHUNK = 128
NBUF = 5


@jax.jit
def _embedding_lookup(idx_t, table):
    seq, batch = idx_t.shape
    total = seq * batch
    blocks_per_row = batch // CHUNK
    per_worker = total // NUM_WORKERS
    n_chunks = per_worker // CHUNK
    n_groups = n_chunks // NBUF

    mesh = plsc.VectorSubcoreMesh(
        core_axis_name="c",
        subcore_axis_name="s",
        num_cores=NUM_CORES,
        num_subcores=NUM_SUBCORES,
    )

    @functools.partial(
        pl.kernel,
        mesh=mesh,
        compiler_params=pltpu.CompilerParams(use_tc_tiling_on_sc=False),
        out_type=jax.ShapeDtypeStruct((seq, batch, EMBED_DIM), jnp.float32),
        scratch_types=(
            [pltpu.VMEM((per_worker,), jnp.int32)]
            + [pltpu.VMEM((CHUNK, EMBED_DIM), jnp.float32) for _ in range(NBUF)]
            + [pltpu.SemaphoreType.DMA for _ in range(2 * NBUF)]
            + [pltpu.SemaphoreType.DMA]
        ),
    )
    def emb(idx_hbm, table_hbm, out_hbm, idx_v, *rest):
        bufs = rest[:NBUF]
        sem_g = rest[NBUF : 2 * NBUF]
        sem_w = rest[2 * NBUF : 3 * NBUF]
        sem_i = rest[3 * NBUF]

        wid = lax.axis_index("s") * NUM_CORES + lax.axis_index("c")
        base = wid * per_worker
        t0 = wid * n_chunks

        descs = []
        for k in range(n_chunks):
            t = t0 + k
            descs.append(
                pltpu.make_async_copy(
                    idx_hbm.at[
                        t // blocks_per_row,
                        pl.ds((t % blocks_per_row) * CHUNK, CHUNK),
                    ],
                    idx_v.at[pl.ds(k * CHUNK, CHUNK)],
                    sem_i,
                )
            )
        for d in descs:
            d.start()
        for d in descs:
            d.wait()

        def gather(k, b):
            return pltpu.make_async_copy(
                table_hbm.at[idx_v.at[pl.ds(k * CHUNK, CHUNK)]], bufs[b], sem_g[b]
            )

        def writeback(k, b):
            t = t0 + k
            return pltpu.make_async_copy(
                bufs[b],
                out_hbm.at[
                    t // blocks_per_row,
                    pl.ds((t % blocks_per_row) * CHUNK, CHUNK),
                    slice(None),
                ],
                sem_w[b],
            )

        for b in range(NBUF):
            gather(b, b).start()

        def group(g, carry):
            j0 = g * NBUF
            for b in range(NBUF):
                gather(j0 + b, b).wait()
                writeback(j0 + b, b).start()
            for b in range(NBUF):
                writeback(j0 + b, b).wait()
                gather(j0 + NBUF + b, b).start()
            return carry

        lax.fori_loop(0, n_groups - 1, group, 0)

        j0 = (n_groups - 1) * NBUF
        for b in range(NBUF):
            gather(j0 + b, b).wait()
            writeback(j0 + b, b).start()
        for b in range(NBUF):
            writeback(j0 + b, b).wait()

    return emb(idx_t, table)


def kernel(input_sentence, W):
    batch, seq = input_sentence.shape
    idx_t = input_sentence.T.astype(jnp.int32)
    out = _embedding_lookup(idx_t, W)
    return out.transpose(1, 0, 2)

# --- scband reference (transcript-rebuilt; emitter-appended) ---
"""Pipeline reference for scband-word-embedding-31602369364546 (READ-ONLY COPY).

The authoritative reference and input builder live on the scoring server;
editing this copy changes nothing except your own understanding.
"""

import jax, jax.numpy as jnp
import numpy as np

VOCAB = 1000000
EMBED_DIM = 64
BATCH = 4096
SEQ = 50

def setup_inputs(seed: int = 0) -> dict:
    key = jax.random.key(seed)
    k_idx, k_w = jax.random.split(key)
    input_sentence = jax.random.randint(k_idx, (BATCH, SEQ), 0, VOCAB, dtype=jnp.int64 if jax.config.jax_enable_x64 else jnp.int32)
    # learned embedding table, uniform(-1, 1) as in the torch module
    W = jax.random.uniform(k_w, (VOCAB, EMBED_DIM), dtype=jnp.float32, minval=-1.0, maxval=1.0)
    return {"input_sentence": input_sentence, "W": W}

def reference(input_sentence, W):
    # nn.Embedding forward: gather rows of the table
    return jnp.take(W, input_sentence, axis=0)

if __name__ == "__main__":
    import jax
    _d = setup_inputs()
    print(jax.jit(kernel)(*tuple(_d.values())))

</pallas_src>

<mosaic_0001>
#map = affine_map<(d0, d1) -> (0, 0)>
#map1 = affine_map<(d0, d1) -> (0, 0, 0)>
module attributes {stable_mosaic.version = 14 : i64} {
  func.func @emb(%arg0: i32, %arg1: i32, %arg2: memref<50x4096xi32, #tpu.memory_space<hbm>>, %arg3: memref<1000000x64xf32, #tpu.memory_space<hbm>>, %arg4: memref<50x4096x64xf32, #tpu.memory_space<hbm>>, %arg5: memref<6400xi32, #tpu.memory_space<vmem>>, %arg6: memref<128x64xf32, #tpu.memory_space<vmem>>, %arg7: memref<128x64xf32, #tpu.memory_space<vmem>>, %arg8: memref<128x64xf32, #tpu.memory_space<vmem>>, %arg9: memref<128x64xf32, #tpu.memory_space<vmem>>, %arg10: memref<128x64xf32, #tpu.memory_space<vmem>>, %arg11: memref<!tpu.dma_semaphore, #tpu.memory_space<semaphore_mem>>, %arg12: memref<!tpu.dma_semaphore, #tpu.memory_space<semaphore_mem>>, %arg13: memref<!tpu.dma_semaphore, #tpu.memory_space<semaphore_mem>>, %arg14: memref<!tpu.dma_semaphore, #tpu.memory_space<semaphore_mem>>, %arg15: memref<!tpu.dma_semaphore, #tpu.memory_space<semaphore_mem>>, %arg16: memref<!tpu.dma_semaphore, #tpu.memory_space<semaphore_mem>>, %arg17: memref<!tpu.dma_semaphore, #tpu.memory_space<semaphore_mem>>, %arg18: memref<!tpu.dma_semaphore, #tpu.memory_space<semaphore_mem>>, %arg19: memref<!tpu.dma_semaphore, #tpu.memory_space<semaphore_mem>>, %arg20: memref<!tpu.dma_semaphore, #tpu.memory_space<semaphore_mem>>, %arg21: memref<!tpu.dma_semaphore, #tpu.memory_space<semaphore_mem>>) attributes {dimension_semantics = [#tpu.dimension_semantics<core_parallel>, #tpu.dimension_semantics<subcore_parallel>], iteration_bounds = array<i64: 2, 16>, scalar_prefetch = 0 : i64, scratch_operands = 17 : i64, tpu.core_type = #tpu.core_type<sc_vector_subcore>, window_params = [{transform_indices = #map}, {transform_indices = #map}, {transform_indices = #map1}]} {
    %mul3A = arith.constant 2 : i32
    %mul3A_0 = arith.muli %arg1, %mul3A : i32
    %add3A = arith.addi %mul3A_0, %arg0 : i32
    %mul3A_1 = arith.constant 6400 : i32
    %mul3A_2 = arith.muli %add3A, %mul3A_1 : i32
    %mul3A_3 = arith.constant 50 : i32
    %mul3A_4 = arith.muli %add3A, %mul3A_3 : i32
    %add3A_5 = arith.constant 0 : i32
    %add3A_6 = arith.addi %mul3A_4, %add3A_5 : i32
    %jit3A = arith.constant 32 : i32
    %div3A = arith.divsi %add3A_6, %jit3A : i32
    %sign3A = arith.constant 0 : i32
    %sign3A_7 = arith.cmpi sgt, %add3A_6, %sign3A : i32
    %sign3A_8 = arith.extui %sign3A_7 : i1 to i32
    %sign3A_9 = arith.constant 0 : i32
    %sign3A_10 = arith.cmpi slt, %add3A_6, %sign3A_9 : i32
    %sign3A_11 = arith.extui %sign3A_10 : i1 to i32
    %sign3A_12 = arith.subi %sign3A_8, %sign3A_11 : i32
    %sign3A_13 = arith.constant 0 : i32
    %sign3A_14 = arith.cmpi sgt, %jit3A, %sign3A_13 : i32
    %sign3A_15 = arith.extui %sign3A_14 : i1 to i32
    %sign3A_16 = arith.constant 0 : i32
    %sign3A_17 = arith.cmpi slt, %jit3A, %sign3A_16 : i32
    %sign3A_18 = arith.extui %sign3A_17 : i1 to i32
    %sign3A_19 = arith.subi %sign3A_15, %sign3A_18 : i32
    %ne3A = arith.cmpi ne, %sign3A_12, %sign3A_19 : i32
    %rem3A = arith.remsi %add3A_6, %jit3A : i32
    %ne3A_20 = arith.constant 0 : i32
    %ne3A_21 = arith.cmpi ne, %rem3A, %ne3A_20 : i32
    %and3A = arith.andi %ne3A, %ne3A_21 : i1
    %sub3A = arith.constant 1 : i32
    %sub3A_22 = arith.subi %div3A, %sub3A : i32
    %select_n3A = arith.select %and3A, %sub3A_22, %div3A : i32
    %jit3A_23 = arith.constant 32 : i32
    %eq3A = arith.constant 0 : i32
    %eq3A_24 = arith.cmpi eq, %jit3A_23, %eq3A : i32
    %jit3A_25 = arith.constant 1 : i32
    %select_n3A_26 = arith.select %eq3A_24, %jit3A_25, %jit3A_23 : i32
    %rem3A_27 = arith.remsi %add3A_6, %select_n3A_26 : i32
    %ne3A_28 = arith.constant 0 : i32
    %ne3A_29 = arith.cmpi ne, %rem3A_27, %ne3A_28 : i32
    %lt3A = arith.constant 0 : i32
    %lt3A_30 = arith.cmpi slt, %rem3A_27, %lt3A : i32
    %lt3A_31 = arith.constant 0 : i32
    %lt3A_32 = arith.cmpi slt, %select_n3A_26, %lt3A_31 : i32
    %ne3A_33 = arith.xori %lt3A_30, %lt3A_32 : i1
    %and3A_34 = arith.andi %ne3A_33, %ne3A_29 : i1
    %add3A_35 = arith.addi %rem3A_27, %select_n3A_26 : i32
    %select_n3A_36 = arith.select %and3A_34, %add3A_35, %rem3A_27 : i32
    %mul3A_37 = arith.constant 128 : i32
    %mul3A_38 = arith.muli %select_n3A_36, %mul3A_37 : i32
    %add3A_39 = arith.constant 1 : i32
    %add3A_40 = arith.addi %mul3A_4, %add3A_39 : i32
    %jit3A_41 = arith.constant 32 : i32
    %div3A_42 = arith.divsi %add3A_40, %jit3A_41 : i32
    %sign3A_43 = arith.constant 0 : i32
    %sign3A_44 = arith.cmpi sgt, %add3A_40, %sign3A_43 : i32
    %sign3A_45 = arith.extui %sign3A_44 : i1 to i32
    %sign3A_46 = arith.constant 0 : i32
    %sign3A_47 = arith.cmpi slt, %add3A_40, %sign3A_46 : i32
    %sign3A_48 = arith.extui %sign3A_47 : i1 to i32
    %sign3A_49 = arith.subi %sign3A_45, %sign3A_48 : i32
    %sign3A_50 = arith.constant 0 : i32
    %sign3A_51 = arith.cmpi sgt, %jit3A_41, %sign3A_50 : i32
    %sign3A_52 = arith.extui %sign3A_51 : i1 to i32
    %sign3A_53 = arith.constant 0 : i32
    %sign3A_54 = arith.cmpi slt, %jit3A_41, %sign3A_53 : i32
    %sign3A_55 = arith.extui %sign3A_54 : i1 to i32
    %sign3A_56 = arith.subi %sign3A_52, %sign3A_55 : i32
    %ne3A_57 = arith.cmpi ne, %sign3A_49, %sign3A_56 : i32
    %rem3A_58 = arith.remsi %add3A_40, %jit3A_41 : i32
    %ne3A_59 = arith.constant 0 : i32
    %ne3A_60 = arith.cmpi ne, %rem3A_58, %ne3A_59 : i32
    %and3A_61 = arith.andi %ne3A_57, %ne3A_60 : i1
    %sub3A_62 = arith.constant 1 : i32
    %sub3A_63 = arith.subi %div3A_42, %sub3A_62 : i32
    %select_n3A_64 = arith.select %and3A_61, %sub3A_63, %div3A_42 : i32
    %jit3A_65 = arith.constant 32 : i32
    %eq3A_66 = arith.constant 0 : i32
    %eq3A_67 = arith.cmpi eq, %jit3A_65, %eq3A_66 : i32
    %jit3A_68 = arith.constant 1 : i32
    %select_n3A_69 = arith.select %eq3A_67, %jit3A_68, %jit3A_65 : i32
    %rem3A_70 = arith.remsi %add3A_40, %select_n3A_69 : i32
    %ne3A_71 = arith.constant 0 : i32
    %ne3A_72 = arith.cmpi ne, %rem3A_70, %ne3A_71 : i32
    %lt3A_73 = arith.constant 0 : i32
    %lt3A_74 = arith.cmpi slt, %rem3A_70, %lt3A_73 : i32
    %lt3A_75 = arith.constant 0 : i32
    %lt3A_76 = arith.cmpi slt, %select_n3A_69, %lt3A_75 : i32
    %ne3A_77 = arith.xori %lt3A_74, %lt3A_76 : i1
    %and3A_78 = arith.andi %ne3A_77, %ne3A_72 : i1
    %add3A_79 = arith.addi %rem3A_70, %select_n3A_69 : i32
    %select_n3A_80 = arith.select %and3A_78, %add3A_79, %rem3A_70 : i32
    %mul3A_81 = arith.constant 128 : i32
    %mul3A_82 = arith.muli %select_n3A_80, %mul3A_81 : i32
    %add3A_83 = arith.constant 2 : i32
    %add3A_84 = arith.addi %mul3A_4, %add3A_83 : i32
    %jit3A_85 = arith.constant 32 : i32
    %div3A_86 = arith.divsi %add3A_84, %jit3A_85 : i32
    %sign3A_87 = arith.constant 0 : i32
    %sign3A_88 = arith.cmpi sgt, %add3A_84, %sign3A_87 : i32
    %sign3A_89 = arith.extui %sign3A_88 : i1 to i32
    %sign3A_90 = arith.constant 0 : i32
    %sign3A_91 = arith.cmpi slt, %add3A_84, %sign3A_90 : i32
    %sign3A_92 = arith.extui %sign3A_91 : i1 to i32
    %sign3A_93 = arith.subi %sign3A_89, %sign3A_92 : i32
    %sign3A_94 = arith.constant 0 : i32
    %sign3A_95 = arith.cmpi sgt, %jit3A_85, %sign3A_94 : i32
    %sign3A_96 = arith.extui %sign3A_95 : i1 to i32
    %sign3A_97 = arith.constant 0 : i32
    %sign3A_98 = arith.cmpi slt, %jit3A_85, %sign3A_97 : i32
    %sign3A_99 = arith.extui %sign3A_98 : i1 to i32
    %sign3A_100 = arith.subi %sign3A_96, %sign3A_99 : i32
    %ne3A_101 = arith.cmpi ne, %sign3A_93, %sign3A_100 : i32
    %rem3A_102 = arith.remsi %add3A_84, %jit3A_85 : i32
    %ne3A_103 = arith.constant 0 : i32
    %ne3A_104 = arith.cmpi ne, %rem3A_102, %ne3A_103 : i32
    %and3A_105 = arith.andi %ne3A_101, %ne3A_104 : i1
    %sub3A_106 = arith.constant 1 : i32
    %sub3A_107 = arith.subi %div3A_86, %sub3A_106 : i32
    %select_n3A_108 = arith.select %and3A_105, %sub3A_107, %div3A_86 : i32
    %jit3A_109 = arith.constant 32 : i32
    %eq3A_110 = arith.constant 0 : i32
    %eq3A_111 = arith.cmpi eq, %jit3A_109, %eq3A_110 : i32
    %jit3A_112 = arith.constant 1 : i32
    %select_n3A_113 = arith.select %eq3A_111, %jit3A_112, %jit3A_109 : i32
    %rem3A_114 = arith.remsi %add3A_84, %select_n3A_113 : i32
    %ne3A_115 = arith.constant 0 : i32
    %ne3A_116 = arith.cmpi ne, %rem3A_114, %ne3A_115 : i32
    %lt3A_117 = arith.constant 0 : i32
    %lt3A_118 = arith.cmpi slt, %rem3A_114, %lt3A_117 : i32
    %lt3A_119 = arith.constant 0 : i32
    %lt3A_120 = arith.cmpi slt, %select_n3A_113, %lt3A_119 : i32
    %ne3A_121 = arith.xori %lt3A_118, %lt3A_120 : i1
    %and3A_122 = arith.andi %ne3A_121, %ne3A_116 : i1
    %add3A_123 = arith.addi %rem3A_114, %select_n3A_113 : i32
    %select_n3A_124 = arith.select %and3A_122, %add3A_123, %rem3A_114 : i32
    %mul3A_125 = arith.constant 128 : i32
    %mul3A_126 = arith.muli %select_n3A_124, %mul3A_125 : i32
    %add3A_127 = arith.constant 3 : i32
    %add3A_128 = arith.addi %mul3A_4, %add3A_127 : i32
    %jit3A_129 = arith.constant 32 : i32
    %div3A_130 = arith.divsi %add3A_128, %jit3A_129 : i32
    %sign3A_131 = arith.constant 0 : i32
    %sign3A_132 = arith.cmpi sgt, %add3A_128, %sign3A_131 : i32
    %sign3A_133 = arith.extui %sign3A_132 : i1 to i32
    %sign3A_134 = arith.constant 0 : i32
    %sign3A_135 = arith.cmpi slt, %add3A_128, %sign3A_134 : i32
    %sign3A_136 = arith.extui %sign3A_135 : i1 to i32
    %sign3A_137 = arith.subi %sign3A_133, %sign3A_136 : i32
    %sign3A_138 = arith.constant 0 : i32
    %sign3A_139 = arith.cmpi sgt, %jit3A_129, %sign3A_138 : i32
    %sign3A_140 = arith.extui %sign3A_139 : i1 to i32
    %sign3A_141 = arith.constant 0 : i32
    %sign3A_142 = arith.cmpi slt, %jit3A_129, %sign3A_141 : i32
    %sign3A_143 = arith.extui %sign3A_142 : i1 to i32
    %sign3A_144 = arith.subi %sign3A_140, %sign3A_143 : i32
    %ne3A_145 = arith.cmpi ne, %sign3A_137, %sign3A_144 : i32
    %rem3A_146 = arith.remsi %add3A_128, %jit3A_129 : i32
    %ne3A_147 = arith.constant 0 : i32
    %ne3A_148 = arith.cmpi ne, %rem3A_146, %ne3A_147 : i32
    %and3A_149 = arith.andi %ne3A_145, %ne3A_148 : i1
    %sub3A_150 = arith.constant 1 : i32
    %sub3A_151 = arith.subi %div3A_130, %sub3A_150 : i32
    %select_n3A_152 = arith.select %and3A_149, %sub3A_151, %div3A_130 : i32
    %jit3A_153 = arith.constant 32 : i32
    %eq3A_154 = arith.constant 0 : i32
    %eq3A_155 = arith.cmpi eq, %jit3A_153, %eq3A_154 : i32
    %jit3A_156 = arith.constant 1 : i32
    %select_n3A_157 = arith.select %eq3A_155, %jit3A_156, %jit3A_153 : i32
    %rem3A_158 = arith.remsi %add3A_128, %select_n3A_157 : i32
    %ne3A_159 = arith.constant 0 : i32
    %ne3A_160 = arith.cmpi ne, %rem3A_158, %ne3A_159 : i32
    %lt3A_161 = arith.constant 0 : i32
    %lt3A_162 = arith.cmpi slt, %rem3A_158, %lt3A_161 : i32
    %lt3A_163 = arith.constant 0 : i32
    %lt3A_164 = arith.cmpi slt, %select_n3A_157, %lt3A_163 : i32
    %ne3A_165 = arith.xori %lt3A_162, %lt3A_164 : i1
    %and3A_166 = arith.andi %ne3A_165, %ne3A_160 : i1
    %add3A_167 = arith.addi %rem3A_158, %select_n3A_157 : i32
    %select_n3A_168 = arith.select %and3A_166, %add3A_167, %rem3A_158 : i32
    %mul3A_169 = arith.constant 128 : i32
    %mul3A_170 = arith.muli %select_n3A_168, %mul3A_169 : i32
    %add3A_171 = arith.constant 4 : i32
    %add3A_172 = arith.addi %mul3A_4, %add3A_171 : i32
    %jit3A_173 = arith.constant 32 : i32
    %div3A_174 = arith.divsi %add3A_172, %jit3A_173 : i32
    %sign3A_175 = arith.constant 0 : i32
    %sign3A_176 = arith.cmpi sgt, %add3A_172, %sign3A_175 : i32
    %sign3A_177 = arith.extui %sign3A_176 : i1 to i32
    %sign3A_178 = arith.constant 0 : i32
    %sign3A_179 = arith.cmpi slt, %add3A_172, %sign3A_178 : i32
    %sign3A_180 = arith.extui %sign3A_179 : i1 to i32
    %sign3A_181 = arith.subi %sign3A_177, %sign3A_180 : i32
    %sign3A_182 = arith.constant 0 : i32
    %sign3A_183 = arith.cmpi sgt, %jit3A_173, %sign3A_182 : i32
    %sign3A_184 = arith.extui %sign3A_183 : i1 to i32
    %sign3A_185 = arith.constant 0 : i32
    %sign3A_186 = arith.cmpi slt, %jit3A_173, %sign3A_185 : i32
    %sign3A_187 = arith.extui %sign3A_186 : i1 to i32
    %sign3A_188 = arith.subi %sign3A_184, %sign3A_187 : i32
    %ne3A_189 = arith.cmpi ne, %sign3A_181, %sign3A_188 : i32
    %rem3A_190 = arith.remsi %add3A_172, %jit3A_173 : i32
    %ne3A_191 = arith.constant 0 : i32
    %ne3A_192 = arith.cmpi ne, %rem3A_190, %ne3A_191 : i32
    %and3A_193 = arith.andi %ne3A_189, %ne3A_192 : i1
    %sub3A_194 = arith.constant 1 : i32
    %sub3A_195 = arith.subi %div3A_174, %sub3A_194 : i32
    %select_n3A_196 = arith.select %and3A_193, %sub3A_195, %div3A_174 : i32
    %jit3A_197 = arith.constant 32 : i32
    %eq3A_198 = arith.constant 0 : i32
    %eq3A_199 = arith.cmpi eq, %jit3A_197, %eq3A_198 : i32
    %jit3A_200 = arith.constant 1 : i32
    %select_n3A_201 = arith.select %eq3A_199, %jit3A_200, %jit3A_197 : i32
    %rem3A_202 = arith.remsi %add3A_172, %select_n3A_201 : i32
    %ne3A_203 = arith.constant 0 : i32
    %ne3A_204 = arith.cmpi ne, %rem3A_202, %ne3A_203 : i32
    %lt3A_205 = arith.constant 0 : i32
    %lt3A_206 = arith.cmpi slt, %rem3A_202, %lt3A_205 : i32
    %lt3A_207 = arith.constant 0 : i32
    %lt3A_208 = arith.cmpi slt, %select_n3A_201, %lt3A_207 : i32
    %ne3A_209 = arith.xori %lt3A_206, %lt3A_208 : i1
    %and3A_210 = arith.andi %ne3A_209, %ne3A_204 : i1
    %add3A_211 = arith.addi %rem3A_202, %select_n3A_201 : i32
    %select_n3A_212 = arith.select %and3A_210, %add3A_211, %rem3A_202 : i32
    %mul3A_213 = arith.constant 128 : i32
    %mul3A_214 = arith.muli %select_n3A_212, %mul3A_213 : i32
    %add3A_215 = arith.constant 5 : i32
    %add3A_216 = arith.addi %mul3A_4, %add3A_215 : i32
    %jit3A_217 = arith.constant 32 : i32
    %div3A_218 = arith.divsi %add3A_216, %jit3A_217 : i32
    %sign3A_219 = arith.constant 0 : i32
    %sign3A_220 = arith.cmpi sgt, %add3A_216, %sign3A_219 : i32
    %sign3A_221 = arith.extui %sign3A_220 : i1 to i32
    %sign3A_222 = arith.constant 0 : i32
    %sign3A_223 = arith.cmpi slt, %add3A_216, %sign3A_222 : i32
    %sign3A_224 = arith.extui %sign3A_223 : i1 to i32
    %sign3A_225 = arith.subi %sign3A_221, %sign3A_224 : i32
    %sign3A_226 = arith.constant 0 : i32
    %sign3A_227 = arith.cmpi sgt, %jit3A_217, %sign3A_226 : i32
    %sign3A_228 = arith.extui %sign3A_227 : i1 to i32
    %sign3A_229 = arith.constant 0 : i32
    %sign3A_230 = arith.cmpi slt, %jit3A_217, %sign3A_229 : i32
    %sign3A_231 = arith.extui %sign3A_230 : i1 to i32
    %sign3A_232 = arith.subi %sign3A_228, %sign3A_231 : i32
    %ne3A_233 = arith.cmpi ne, %sign3A_225, %sign3A_232 : i32
    %rem3A_234 = arith.remsi %add3A_216, %jit3A_217 : i32
    %ne3A_235 = arith.constant 0 : i32
    %ne3A_236 = arith.cmpi ne, %rem3A_234, %ne3A_235 : i32
    %and3A_237 = arith.andi %ne3A_233, %ne3A_236 : i1
    %sub3A_238 = arith.constant 1 : i32
    %sub3A_239 = arith.subi %div3A_218, %sub3A_238 : i32
    %select_n3A_240 = arith.select %and3A_237, %sub3A_239, %div3A_218 : i32
    %jit3A_241 = arith.constant 32 : i32
    %eq3A_242 = arith.constant 0 : i32
    %eq3A_243 = arith.cmpi eq, %jit3A_241, %eq3A_242 : i32
    %jit3A_244 = arith.constant 1 : i32
    %select_n3A_245 = arith.select %eq3A_243, %jit3A_244, %jit3A_241 : i32
    %rem3A_246 = arith.remsi %add3A_216, %select_n3A_245 : i32
    %ne3A_247 = arith.constant 0 : i32
    %ne3A_248 = arith.cmpi ne, %rem3A_246, %ne3A_247 : i32
    %lt3A_249 = arith.constant 0 : i32
    %lt3A_250 = arith.cmpi slt, %rem3A_246, %lt3A_249 : i32
    %lt3A_251 = arith.constant 0 : i32
    %lt3A_252 = arith.cmpi slt, %select_n3A_245, %lt3A_251 : i32
    %ne3A_253 = arith.xori %lt3A_250, %lt3A_252 : i1
    %and3A_254 = arith.andi %ne3A_253, %ne3A_248 : i1
    %add3A_255 = arith.addi %rem3A_246, %select_n3A_245 : i32
    %select_n3A_256 = arith.select %and3A_254, %add3A_255, %rem3A_246 : i32
    %mul3A_257 = arith.constant 128 : i32
    %mul3A_258 = arith.muli %select_n3A_256, %mul3A_257 : i32
    %add3A_259 = arith.constant 6 : i32
    %add3A_260 = arith.addi %mul3A_4, %add3A_259 : i32
    %jit3A_261 = arith.constant 32 : i32
    %div3A_262 = arith.divsi %add3A_260, %jit3A_261 : i32
    %sign3A_263 = arith.constant 0 : i32
    %sign3A_264 = arith.cmpi sgt, %add3A_260, %sign3A_263 : i32
    %sign3A_265 = arith.extui %sign3A_264 : i1 to i32
    %sign3A_266 = arith.constant 0 : i32
    %sign3A_267 = arith.cmpi slt, %add3A_260, %sign3A_266 : i32
    %sign3A_268 = arith.extui %sign3A_267 : i1 to i32
    %sign3A_269 = arith.subi %sign3A_265, %sign3A_268 : i32
    %sign3A_270 = arith.constant 0 : i32
    %sign3A_271 = arith.cmpi sgt, %jit3A_261, %sign3A_270 : i32
    %sign3A_272 = arith.extui %sign3A_271 : i1 to i32
    %sign3A_273 = arith.constant 0 : i32
    %sign3A_274 = arith.cmpi slt, %jit3A_261, %sign3A_273 : i32
    %sign3A_275 = arith.extui %sign3A_274 : i1 to i32
    %sign3A_276 = arith.subi %sign3A_272, %sign3A_275 : i32
    %ne3A_277 = arith.cmpi ne, %sign3A_269, %sign3A_276 : i32
    %rem3A_278 = arith.remsi %add3A_260, %jit3A_261 : i32
    %ne3A_279 = arith.constant 0 : i32
    %ne3A_280 = arith.cmpi ne, %rem3A_278, %ne3A_279 : i32
    %and3A_281 = arith.andi %ne3A_277, %ne3A_280 : i1
    %sub3A_282 = arith.constant 1 : i32
    %sub3A_283 = arith.subi %div3A_262, %sub3A_282 : i32
    %select_n3A_284 = arith.select %and3A_281, %sub3A_283, %div3A_262 : i32
    %jit3A_285 = arith.constant 32 : i32
    %eq3A_286 = arith.constant 0 : i32
    %eq3A_287 = arith.cmpi eq, %jit3A_285, %eq3A_286 : i32
    %jit3A_288 = arith.constant 1 : i32
    %select_n3A_289 = arith.select %eq3A_287, %jit3A_288, %jit3A_285 : i32
    %rem3A_290 = arith.remsi %add3A_260, %select_n3A_289 : i32
    %ne3A_291 = arith.constant 0 : i32
    %ne3A_292 = arith.cmpi ne, %rem3A_290, %ne3A_291 : i32
    %lt3A_293 = arith.constant 0 : i32
    %lt3A_294 = arith.cmpi slt, %rem3A_290, %lt3A_293 : i32
    %lt3A_295 = arith.constant 0 : i32
    %lt3A_296 = arith.cmpi slt, %select_n3A_289, %lt3A_295 : i32
    %ne3A_297 = arith.xori %lt3A_294, %lt3A_296 : i1
    %and3A_298 = arith.andi %ne3A_297, %ne3A_292 : i1
    %add3A_299 = arith.addi %rem3A_290, %select_n3A_289 : i32
    %select_n3A_300 = arith.select %and3A_298, %add3A_299, %rem3A_290 : i32
    %mul3A_301 = arith.constant 128 : i32
    %mul3A_302 = arith.muli %select_n3A_300, %mul3A_301 : i32
    %add3A_303 = arith.constant 7 : i32
    %add3A_304 = arith.addi %mul3A_4, %add3A_303 : i32
    %jit3A_305 = arith.constant 32 : i32
    %div3A_306 = arith.divsi %add3A_304, %jit3A_305 : i32
    %sign3A_307 = arith.constant 0 : i32
    %sign3A_308 = arith.cmpi sgt, %add3A_304, %sign3A_307 : i32
    %sign3A_309 = arith.extui %sign3A_308 : i1 to i32
    %sign3A_310 = arith.constant 0 : i32
    %sign3A_311 = arith.cmpi slt, %add3A_304, %sign3A_310 : i32
    %sign3A_312 = arith.extui %sign3A_311 : i1 to i32
    %sign3A_313 = arith.subi %sign3A_309, %sign3A_312 : i32
    %sign3A_314 = arith.constant 0 : i32
    %sign3A_315 = arith.cmpi sgt, %jit3A_305, %sign3A_314 : i32
    %sign3A_316 = arith.extui %sign3A_315 : i1 to i32
    %sign3A_317 = arith.constant 0 : i32
    %sign3A_318 = arith.cmpi slt, %jit3A_305, %sign3A_317 : i32
    %sign3A_319 = arith.extui %sign3A_318 : i1 to i32
    %sign3A_320 = arith.subi %sign3A_316, %sign3A_319 : i32
    %ne3A_321 = arith.cmpi ne, %sign3A_313, %sign3A_320 : i32
    %rem3A_322 = arith.remsi %add3A_304, %jit3A_305 : i32
    %ne3A_323 = arith.constant 0 : i32
    %ne3A_324 = arith.cmpi ne, %rem3A_322, %ne3A_323 : i32
    %and3A_325 = arith.andi %ne3A_321, %ne3A_324 : i1
    %sub3A_326 = arith.constant 1 : i32
    %sub3A_327 = arith.subi %div3A_306, %sub3A_326 : i32
    %select_n3A_328 = arith.select %and3A_325, %sub3A_327, %div3A_306 : i32
    %jit3A_329 = arith.constant 32 : i32
    %eq3A_330 = arith.constant 0 : i32
    %eq3A_331 = arith.cmpi eq, %jit3A_329, %eq3A_330 : i32
    %jit3A_332 = arith.constant 1 : i32
    %select_n3A_333 = arith.select %eq3A_331, %jit3A_332, %jit3A_329 : i32
    %rem3A_334 = arith.remsi %add3A_304, %select_n3A_333 : i32
    %ne3A_335 = arith.constant 0 : i32
    %ne3A_336 = arith.cmpi ne, %rem3A_334, %ne3A_335 : i32
    %lt3A_337 = arith.constant 0 : i32
    %lt3A_338 = arith.cmpi slt, %rem3A_334, %lt3A_337 : i32
    %lt3A_339 = arith.constant 0 : i32
    %lt3A_340 = arith.cmpi slt, %select_n3A_333, %lt3A_339 : i32
    %ne3A_341 = arith.xori %lt3A_338, %lt3A_340 : i1
    %and3A_342 = arith.andi %ne3A_341, %ne3A_336 : i1
    %add3A_343 = arith.addi %rem3A_334, %select_n3A_333 : i32
    %select_n3A_344 = arith.select %and3A_342, %add3A_343, %rem3A_334 : i32
    %mul3A_345 = arith.constant 128 : i32
    %mul3A_346 = arith.muli %select_n3A_344, %mul3A_345 : i32
    %add3A_347 = arith.constant 8 : i32
    %add3A_348 = arith.addi %mul3A_4, %add3A_347 : i32
    %jit3A_349 = arith.constant 32 : i32
    %div3A_350 = arith.divsi %add3A_348, %jit3A_349 : i32
    %sign3A_351 = arith.constant 0 : i32
    %sign3A_352 = arith.cmpi sgt, %add3A_348, %sign3A_351 : i32
    %sign3A_353 = arith.extui %sign3A_352 : i1 to i32
    %sign3A_354 = arith.constant 0 : i32
    %sign3A_355 = arith.cmpi slt, %add3A_348, %sign3A_354 : i32
    %sign3A_356 = arith.extui %sign3A_355 : i1 to i32
    %sign3A_357 = arith.subi %sign3A_353, %sign3A_356 : i32
    %sign3A_358 = arith.constant 0 : i32
    %sign3A_359 = arith.cmpi sgt, %jit3A_349, %sign3A_358 : i32
    %sign3A_360 = arith.extui %sign3A_359 : i1 to i32
    %sign3A_361 = arith.constant 0 : i32
    %sign3A_362 = arith.cmpi slt, %jit3A_349, %sign3A_361 : i32
    %sign3A_363 = arith.extui %sign3A_362 : i1 to i32
    %sign3A_364 = arith.subi %sign3A_360, %sign3A_363 : i32
    %ne3A_365 = arith.cmpi ne, %sign3A_357, %sign3A_364 : i32
    %rem3A_366 = arith.remsi %add3A_348, %jit3A_349 : i32
    %ne3A_367 = arith.constant 0 : i32
    %ne3A_368 = arith.cmpi ne, %rem3A_366, %ne3A_367 : i32
    %and3A_369 = arith.andi %ne3A_365, %ne3A_368 : i1
    %sub3A_370 = arith.constant 1 : i32
    %sub3A_371 = arith.subi %div3A_350, %sub3A_370 : i32
    %select_n3A_372 = arith.select %and3A_369, %sub3A_371, %div3A_350 : i32
    %jit3A_373 = arith.constant 32 : i32
    %eq3A_374 = arith.constant 0 : i32
    %eq3A_375 = arith.cmpi eq, %jit3A_373, %eq3A_374 : i32
    %jit3A_376 = arith.constant 1 : i32
    %select_n3A_377 = arith.select %eq3A_375, %jit3A_376, %jit3A_373 : i32
    %rem3A_378 = arith.remsi %add3A_348, %select_n3A_377 : i32
    %ne3A_379 = arith.constant 0 : i32
    %ne3A_380 = arith.cmpi ne, %rem3A_378, %ne3A_379 : i32
    %lt3A_381 = arith.constant 0 : i32
    %lt3A_382 = arith.cmpi slt, %rem3A_378, %lt3A_381 : i32
    %lt3A_383 = arith.constant 0 : i32
    %lt3A_384 = arith.cmpi slt, %select_n3A_377, %lt3A_383 : i32
    %ne3A_385 = arith.xori %lt3A_382, %lt3A_384 : i1
    %and3A_386 = arith.andi %ne3A_385, %ne3A_380 : i1
    %add3A_387 = arith.addi %rem3A_378, %select_n3A_377 : i32
    %select_n3A_388 = arith.select %and3A_386, %add3A_387, %rem3A_378 : i32
    %mul3A_389 = arith.constant 128 : i32
    %mul3A_390 = arith.muli %select_n3A_388, %mul3A_389 : i32
    %add3A_391 = arith.constant 9 : i32
    %add3A_392 = arith.addi %mul3A_4, %add3A_391 : i32
    %jit3A_393 = arith.constant 32 : i32
    %div3A_394 = arith.divsi %add3A_392, %jit3A_393 : i32
    %sign3A_395 = arith.constant 0 : i32
    %sign3A_396 = arith.cmpi sgt, %add3A_392, %sign3A_395 : i32
    %sign3A_397 = arith.extui %sign3A_396 : i1 to i32
    %sign3A_398 = arith.constant 0 : i32
    %sign3A_399 = arith.cmpi slt, %add3A_392, %sign3A_398 : i32
    %sign3A_400 = arith.extui %sign3A_399 : i1 to i32
    %sign3A_401 = arith.subi %sign3A_397, %sign3A_400 : i32
    %sign3A_402 = arith.constant 0 : i32
    %sign3A_403 = arith.cmpi sgt, %jit3A_393, %sign3A_402 : i32
    %sign3A_404 = arith.extui %sign3A_403 : i1 to i32
    %sign3A_405 = arith.constant 0 : i32
    %sign3A_406 = arith.cmpi slt, %jit3A_393, %sign3A_405 : i32
    %sign3A_407 = arith.extui %sign3A_406 : i1 to i32
    %sign3A_408 = arith.subi %sign3A_404, %sign3A_407 : i32
    %ne3A_409 = arith.cmpi ne, %sign3A_401, %sign3A_408 : i32
    %rem3A_410 = arith.remsi %add3A_392, %jit3A_393 : i32
    %ne3A_411 = arith.constant 0 : i32
    %ne3A_412 = arith.cmpi ne, %rem3A_410, %ne3A_411 : i32
    %and3A_413 = arith.andi %ne3A_409, %ne3A_412 : i1
    %sub3A_414 = arith.constant 1 : i32
    %sub3A_415 = arith.subi %div3A_394, %sub3A_414 : i32
    %select_n3A_416 = arith.select %and3A_413, %sub3A_415, %div3A_394 : i32
    %jit3A_417 = arith.constant 32 : i32
    %eq3A_418 = arith.constant 0 : i32
    %eq3A_419 = arith.cmpi eq, %jit3A_417, %eq3A_418 : i32
    %jit3A_420 = arith.constant 1 : i32
    %select_n3A_421 = arith.select %eq3A_419, %jit3A_420, %jit3A_417 : i32
    %rem3A_422 = arith.remsi %add3A_392, %select_n3A_421 : i32
    %ne3A_423 = arith.constant 0 : i32
    %ne3A_424 = arith.cmpi ne, %rem3A_422, %ne3A_423 : i32
    %lt3A_425 = arith.constant 0 : i32
    %lt3A_426 = arith.cmpi slt, %rem3A_422, %lt3A_425 : i32
    %lt3A_427 = arith.constant 0 : i32
    %lt3A_428 = arith.cmpi slt, %select_n3A_421, %lt3A_427 : i32
    %ne3A_429 = arith.xori %lt3A_426, %lt3A_428 : i1
    %and3A_430 = arith.andi %ne3A_429, %ne3A_424 : i1
    %add3A_431 = arith.addi %rem3A_422, %select_n3A_421 : i32
    %select_n3A_432 = arith.select %and3A_430, %add3A_431, %rem3A_422 : i32
    %mul3A_433 = arith.constant 128 : i32
    %mul3A_434 = arith.muli %select_n3A_432, %mul3A_433 : i32
    %add3A_435 = arith.constant 10 : i32
    %add3A_436 = arith.addi %mul3A_4, %add3A_435 : i32
    %jit3A_437 = arith.constant 32 : i32
    %div3A_438 = arith.divsi %add3A_436, %jit3A_437 : i32
    %sign3A_439 = arith.constant 0 : i32
    %sign3A_440 = arith.cmpi sgt, %add3A_436, %sign3A_439 : i32
    %sign3A_441 = arith.extui %sign3A_440 : i1 to i32
    %sign3A_442 = arith.constant 0 : i32
    %sign3A_443 = arith.cmpi slt, %add3A_436, %sign3A_442 : i32
    %sign3A_444 = arith.extui %sign3A_443 : i1 to i32
    %sign3A_445 = arith.subi %sign3A_441, %sign3A_444 : i32
    %sign3A_446 = arith.constant 0 : i32
    %sign3A_447 = arith.cmpi sgt, %jit3A_437, %sign3A_446 : i32
    %sign3A_448 = arith.extui %sign3A_447 : i1 to i32
    %sign3A_449 = arith.constant 0 : i32
    %sign3A_450 = arith.cmpi slt, %jit3A_437, %sign3A_449 : i32
    %sign3A_451 = arith.extui %sign3A_450 : i1 to i32
    %sign3A_452 = arith.subi %sign3A_448, %sign3A_451 : i32
    %ne3A_453 = arith.cmpi ne, %sign3A_445, %sign3A_452 : i32
    %rem3A_454 = arith.remsi %add3A_436, %jit3A_437 : i32
    %ne3A_455 = arith.constant 0 : i32
    %ne3A_456 = arith.cmpi ne, %rem3A_454, %ne3A_455 : i32
    %and3A_457 = arith.andi %ne3A_453, %ne3A_456 : i1
    %sub3A_458 = arith.constant 1 : i32
    %sub3A_459 = arith.subi %div3A_438, %sub3A_458 : i32
    %select_n3A_460 = arith.select %and3A_457, %sub3A_459, %div3A_438 : i32
    %jit3A_461 = arith.constant 32 : i32
    %eq3A_462 = arith.constant 0 : i32
    %eq3A_463 = arith.cmpi eq, %jit3A_461, %eq3A_462 : i32
    %jit3A_464 = arith.constant 1 : i32
    %select_n3A_465 = arith.select %eq3A_463, %jit3A_464, %jit3A_461 : i32
    %rem3A_466 = arith.remsi %add3A_436, %select_n3A_465 : i32
    %ne3A_467 = arith.constant 0 : i32
    %ne3A_468 = arith.cmpi ne, %rem3A_466, %ne3A_467 : i32
    %lt3A_469 = arith.constant 0 : i32
    %lt3A_470 = arith.cmpi slt, %rem3A_466, %lt3A_469 : i32
    %lt3A_471 = arith.constant 0 : i32
    %lt3A_472 = arith.cmpi slt, %select_n3A_465, %lt3A_471 : i32
    %ne3A_473 = arith.xori %lt3A_470, %lt3A_472 : i1
    %and3A_474 = arith.andi %ne3A_473, %ne3A_468 : i1
    %add3A_475 = arith.addi %rem3A_466, %select_n3A_465 : i32
    %select_n3A_476 = arith.select %and3A_474, %add3A_475, %rem3A_466 : i32
    %mul3A_477 = arith.constant 128 : i32
    %mul3A_478 = arith.muli %select_n3A_476, %mul3A_477 : i32
    %add3A_479 = arith.constant 11 : i32
    %add3A_480 = arith.addi %mul3A_4, %add3A_479 : i32
    %jit3A_481 = arith.constant 32 : i32
    %div3A_482 = arith.divsi %add3A_480, %jit3A_481 : i32
    %sign3A_483 = arith.constant 0 : i32
    %sign3A_484 = arith.cmpi sgt, %add3A_480, %sign3A_483 : i32
    %sign3A_485 = arith.extui %sign3A_484 : i1 to i32
    %sign3A_486 = arith.constant 0 : i32
    %sign3A_487 = arith.cmpi slt, %add3A_480, %sign3A_486 : i32
    %sign3A_488 = arith.extui %sign3A_487 : i1 to i32
    %sign3A_489 = arith.subi %sign3A_485, %sign3A_488 : i32
    %sign3A_490 = arith.constant 0 : i32
    %sign3A_491 = arith.cmpi sgt, %jit3A_481, %sign3A_490 : i32
    %sign3A_492 = arith.extui %sign3A_491 : i1 to i32
    %sign3A_493 = arith.constant 0 : i32
    %sign3A_494 = arith.cmpi slt, %jit3A_481, %sign3A_493 : i32
    %sign3A_495 = arith.extui %sign3A_494 : i1 to i32
    %sign3A_496 = arith.subi %sign3A_492, %sign3A_495 : i32
    %ne3A_497 = arith.cmpi ne, %sign3A_489, %sign3A_496 : i32
    %rem3A_498 = arith.remsi %add3A_480, %jit3A_481 : i32
    %ne3A_499 = arith.constant 0 : i32
    %ne3A_500 = arith.cmpi ne, %rem3A_498, %ne3A_499 : i32
    %and3A_501 = arith.andi %ne3A_497, %ne3A_500 : i1
    %sub3A_502 = arith.constant 1 : i32
    %sub3A_503 = arith.subi %div3A_482, %sub3A_502 : i32
    %select_n3A_504 = arith.select %and3A_501, %sub3A_503, %div3A_482 : i32
    %jit3A_505 = arith.constant 32 : i32
    %eq3A_506 = arith.constant 0 : i32
    %eq3A_507 = arith.cmpi eq, %jit3A_505, %eq3A_506 : i32
    %jit3A_508 = arith.constant 1 : i32
    %select_n3A_509 = arith.select %eq3A_507, %jit3A_508, %jit3A_505 : i32
    %rem3A_510 = arith.remsi %add3A_480, %select_n3A_509 : i32
    %ne3A_511 = arith.constant 0 : i32
    %ne3A_512 = arith.cmpi ne, %rem3A_510, %ne3A_511 : i32
    %lt3A_513 = arith.constant 0 : i32
    %lt3A_514 = arith.cmpi slt, %rem3A_510, %lt3A_513 : i32
    %lt3A_515 = arith.constant 0 : i32
    %lt3A_516 = arith.cmpi slt, %select_n3A_509, %lt3A_515 : i32
    %ne3A_517 = arith.xori %lt3A_514, %lt3A_516 : i1
    %and3A_518 = arith.andi %ne3A_517, %ne3A_512 : i1
    %add3A_519 = arith.addi %rem3A_510, %select_n3A_509 : i32
    %select_n3A_520 = arith.select %and3A_518, %add3A_519, %rem3A_510 : i32
    %mul3A_521 = arith.constant 128 : i32
    %mul3A_522 = arith.muli %select_n3A_520, %mul3A_521 : i32
    %add3A_523 = arith.constant 12 : i32
    %add3A_524 = arith.addi %mul3A_4, %add3A_523 : i32
    %jit3A_525 = arith.constant 32 : i32
    %div3A_526 = arith.divsi %add3A_524, %jit3A_525 : i32
    %sign3A_527 = arith.constant 0 : i32
    %sign3A_528 = arith.cmpi sgt, %add3A_524, %sign3A_527 : i32
    %sign3A_529 = arith.extui %sign3A_528 : i1 to i32
    %sign3A_530 = arith.constant 0 : i32
    %sign3A_531 = arith.cmpi slt, %add3A_524, %sign3A_530 : i32
    %sign3A_532 = arith.extui %sign3A_531 : i1 to i32
    %sign3A_533 = arith.subi %sign3A_529, %sign3A_532 : i32
    %sign3A_534 = arith.constant 0 : i32
    %sign3A_535 = arith.cmpi sgt, %jit3A_525, %sign3A_534 : i32
    %sign3A_536 = arith.extui %sign3A_535 : i1 to i32
    %sign3A_537 = arith.constant 0 : i32
    %sign3A_538 = arith.cmpi slt, %jit3A_525, %sign3A_537 : i32
    %sign3A_539 = arith.extui %sign3A_538 : i1 to i32
    %sign3A_540 = arith.subi %sign3A_536, %sign3A_539 : i32
    %ne3A_541 = arith.cmpi ne, %sign3A_533, %sign3A_540 : i32
    %rem3A_542 = arith.remsi %add3A_524, %jit3A_525 : i32
    %ne3A_543 = arith.constant 0 : i32
    %ne3A_544 = arith.cmpi ne, %rem3A_542, %ne3A_543 : i32
    %and3A_545 = arith.andi %ne3A_541, %ne3A_544 : i1
    %sub3A_546 = arith.constant 1 : i32
    %sub3A_547 = arith.subi %div3A_526, %sub3A_546 : i32
    %select_n3A_548 = arith.select %and3A_545, %sub3A_547, %div3A_526 : i32
    %jit3A_549 = arith.constant 32 : i32
    %eq3A_550 = arith.constant 0 : i32
    %eq3A_551 = arith.cmpi eq, %jit3A_549, %eq3A_550 : i32
    %jit3A_552 = arith.constant 1 : i32
    %select_n3A_553 = arith.select %eq3A_551, %jit3A_552, %jit3A_549 : i32
    %rem3A_554 = arith.remsi %add3A_524, %select_n3A_553 : i32
    %ne3A_555 = arith.constant 0 : i32
    %ne3A_556 = arith.cmpi ne, %rem3A_554, %ne3A_555 : i32
    %lt3A_557 = arith.constant 0 : i32
    %lt3A_558 = arith.cmpi slt, %rem3A_554, %lt3A_557 : i32
    %lt3A_559 = arith.constant 0 : i32
    %lt3A_560 = arith.cmpi slt, %select_n3A_553, %lt3A_559 : i32
    %ne3A_561 = arith.xori %lt3A_558, %lt3A_560 : i1
    %and3A_562 = arith.andi %ne3A_561, %ne3A_556 : i1
    %add3A_563 = arith.addi %rem3A_554, %select_n3A_553 : i32
    %select_n3A_564 = arith.select %and3A_562, %add3A_563, %rem3A_554 : i32
    %mul3A_565 = arith.constant 128 : i32
    %mul3A_566 = arith.muli %select_n3A_564, %mul3A_565 : i32
    %add3A_567 = arith.constant 13 : i32
    %add3A_568 = arith.addi %mul3A_4, %add3A_567 : i32
    %jit3A_569 = arith.constant 32 : i32
    %div3A_570 = arith.divsi %add3A_568, %jit3A_569 : i32
    %sign3A_571 = arith.constant 0 : i32
    %sign3A_572 = arith.cmpi sgt, %add3A_568, %sign3A_571 : i32
    %sign3A_573 = arith.extui %sign3A_572 : i1 to i32
    %sign3A_574 = arith.constant 0 : i32
    %sign3A_575 = arith.cmpi slt, %add3A_568, %sign3A_574 : i32
    %sign3A_576 = arith.extui %sign3A_575 : i1 to i32
    %sign3A_577 = arith.subi %sign3A_573, %sign3A_576 : i32
    %sign3A_578 = arith.constant 0 : i32
    %sign3A_579 = arith.cmpi sgt, %jit3A_569, %sign3A_578 : i32
    %sign3A_580 = arith.extui %sign3A_579 : i1 to i32
    %sign3A_581 = arith.constant 0 : i32
    %sign3A_582 = arith.cmpi slt, %jit3A_569, %sign3A_581 : i32
    %sign3A_583 = arith.extui %sign3A_582 : i1 to i32
    %sign3A_584 = arith.subi %sign3A_580, %sign3A_583 : i32
    %ne3A_585 = arith.cmpi ne, %sign3A_577, %sign3A_584 : i32
    %rem3A_586 = arith.remsi %add3A_568, %jit3A_569 : i32
    %ne3A_587 = arith.constant 0 : i32
    %ne3A_588 = arith.cmpi ne, %rem3A_586, %ne3A_587 : i32
    %and3A_589 = arith.andi %ne3A_585, %ne3A_588 : i1
    %sub3A_590 = arith.constant 1 : i32
    %sub3A_591 = arith.subi %div3A_570, %sub3A_590 : i32
    %select_n3A_592 = arith.select %and3A_589, %sub3A_591, %div3A_570 : i32
    %jit3A_593 = arith.constant 32 : i32
    %eq3A_594 = arith.constant 0 : i32
    %eq3A_595 = arith.cmpi eq, %jit3A_593, %eq3A_594 : i32
    %jit3A_596 = arith.constant 1 : i32
    %select_n3A_597 = arith.select %eq3A_595, %jit3A_596, %jit3A_593 : i32
    %rem3A_598 = arith.remsi %add3A_568, %select_n3A_597 : i32
    %ne3A_599 = arith.constant 0 : i32
    %ne3A_600 = arith.cmpi ne, %rem3A_598, %ne3A_599 : i32
    %lt3A_601 = arith.constant 0 : i32
    %lt3A_602 = arith.cmpi slt, %rem3A_598, %lt3A_601 : i32
    %lt3A_603 = arith.constant 0 : i32
    %lt3A_604 = arith.cmpi slt, %select_n3A_597, %lt3A_603 : i32
    %ne3A_605 = arith.xori %lt3A_602, %lt3A_604 : i1
    %and3A_606 = arith.andi %ne3A_605, %ne3A_600 : i1
    %add3A_607 = arith.addi %rem3A_598, %select_n3A_597 : i32
    %select_n3A_608 = arith.select %and3A_606, %add3A_607, %rem3A_598 : i32
    %mul3A_609 = arith.constant 128 : i32
    %mul3A_610 = arith.muli %select_n3A_608, %mul3A_609 : i32
    %add3A_611 = arith.constant 14 : i32
    %add3A_612 = arith.addi %mul3A_4, %add3A_611 : i32
    %jit3A_613 = arith.constant 32 : i32
    %div3A_614 = arith.divsi %add3A_612, %jit3A_613 : i32
    %sign3A_615 = arith.constant 0 : i32
    %sign3A_616 = arith.cmpi sgt, %add3A_612, %sign3A_615 : i32
    %sign3A_617 = arith.extui %sign3A_616 : i1 to i32
    %sign3A_618 = arith.constant 0 : i32
    %sign3A_619 = arith.cmpi slt, %add3A_612, %sign3A_618 : i32
    %sign3A_620 = arith.extui %sign3A_619 : i1 to i32
    %sign3A_621 = arith.subi %sign3A_617, %sign3A_620 : i32
    %sign3A_622 = arith.constant 0 : i32
    %sign3A_623 = arith.cmpi sgt, %jit3A_613, %sign3A_622 : i32
    %sign3A_624 = arith.extui %sign3A_623 : i1 to i32
    %sign3A_625 = arith.constant 0 : i32
    %sign3A_626 = arith.cmpi slt, %jit3A_613, %sign3A_625 : i32
    %sign3A_627 = arith.extui %sign3A_626 : i1 to i32
    %sign3A_628 = arith.subi %sign3A_624, %sign3A_627 : i32
    %ne3A_629 = arith.cmpi ne, %sign3A_621, %sign3A_628 : i32
    %rem3A_630 = arith.remsi %add3A_612, %jit3A_613 : i32
    %ne3A_631 = arith.constant 0 : i32
    %ne3A_632 = arith.cmpi ne, %rem3A_630, %ne3A_631 : i32
    %and3A_633 = arith.andi %ne3A_629, %ne3A_632 : i1
    %sub3A_634 = arith.constant 1 : i32
    %sub3A_635 = arith.subi %div3A_614, %sub3A_634 : i32
    %select_n3A_636 = arith.select %and3A_633, %sub3A_635, %div3A_614 : i32
    %jit3A_637 = arith.constant 32 : i32
    %eq3A_638 = arith.constant 0 : i32
    %eq3A_639 = arith.cmpi eq, %jit3A_637, %eq3A_638 : i32
    %jit3A_640 = arith.constant 1 : i32
    %select_n3A_641 = arith.select %eq3A_639, %jit3A_640, %jit3A_637 : i32
    %rem3A_642 = arith.remsi %add3A_612, %select_n3A_641 : i32
    %ne3A_643 = arith.constant 0 : i32
    %ne3A_644 = arith.cmpi ne, %rem3A_642, %ne3A_643 : i32
    %lt3A_645 = arith.constant 0 : i32
    %lt3A_646 = arith.cmpi slt, %rem3A_642, %lt3A_645 : i32
    %lt3A_647 = arith.constant 0 : i32
    %lt3A_648 = arith.cmpi slt, %select_n3A_641, %lt3A_647 : i32
    %ne3A_649 = arith.xori %lt3A_646, %lt3A_648 : i1
    %and3A_650 = arith.andi %ne3A_649, %ne3A_644 : i1
    %add3A_651 = arith.addi %rem3A_642, %select_n3A_641 : i32
    %select_n3A_652 = arith.select %and3A_650, %add3A_651, %rem3A_642 : i32
    %mul3A_653 = arith.constant 128 : i32
    %mul3A_654 = arith.muli %select_n3A_652, %mul3A_653 : i32
    %add3A_655 = arith.constant 15 : i32
    %add3A_656 = arith.addi %mul3A_4, %add3A_655 : i32
    %jit3A_657 = arith.constant 32 : i32
    %div3A_658 = arith.divsi %add3A_656, %jit3A_657 : i32
    %sign3A_659 = arith.constant 0 : i32
    %sign3A_660 = arith.cmpi sgt, %add3A_656, %sign3A_659 : i32
    %sign3A_661 = arith.extui %sign3A_660 : i1 to i32
    %sign3A_662 = arith.constant 0 : i32
    %sign3A_663 = arith.cmpi slt, %add3A_656, %sign3A_662 : i32
    %sign3A_664 = arith.extui %sign3A_663 : i1 to i32
    %sign3A_665 = arith.subi %sign3A_661, %sign3A_664 : i32
    %sign3A_666 = arith.constant 0 : i32
    %sign3A_667 = arith.cmpi sgt, %jit3A_657, %sign3A_666 : i32
    %sign3A_668 = arith.extui %sign3A_667 : i1 to i32
    %sign3A_669 = arith.constant 0 : i32
    %sign3A_670 = arith.cmpi slt, %jit3A_657, %sign3A_669 : i32
    %sign3A_671 = arith.extui %sign3A_670 : i1 to i32
    %sign3A_672 = arith.subi %sign3A_668, %sign3A_671 : i32
    %ne3A_673 = arith.cmpi ne, %sign3A_665, %sign3A_672 : i32
    %rem3A_674 = arith.remsi %add3A_656, %jit3A_657 : i32
    %ne3A_675 = arith.constant 0 : i32
    %ne3A_676 = arith.cmpi ne, %rem3A_674, %ne3A_675 : i32
    %and3A_677 = arith.andi %ne3A_673, %ne3A_676 : i1
    %sub3A_678 = arith.constant 1 : i32
    %sub3A_679 = arith.subi %div3A_658, %sub3A_678 : i32
    %select_n3A_680 = arith.select %and3A_677, %sub3A_679, %div3A_658 : i32
    %jit3A_681 = arith.constant 32 : i32
    %eq3A_682 = arith.constant 0 : i32
    %eq3A_683 = arith.cmpi eq, %jit3A_681, %eq3A_682 : i32
    %jit3A_684 = arith.constant 1 : i32
    %select_n3A_685 = arith.select %eq3A_683, %jit3A_684, %jit3A_681 : i32
    %rem3A_686 = arith.remsi %add3A_656, %select_n3A_685 : i32
    %ne3A_687 = arith.constant 0 : i32
    %ne3A_688 = arith.cmpi ne, %rem3A_686, %ne3A_687 : i32
    %lt3A_689 = arith.constant 0 : i32
    %lt3A_690 = arith.cmpi slt, %rem3A_686, %lt3A_689 : i32
    %lt3A_691 = arith.constant 0 : i32
    %lt3A_692 = arith.cmpi slt, %select_n3A_685, %lt3A_691 : i32
    %ne3A_693 = arith.xori %lt3A_690, %lt3A_692 : i1
    %and3A_694 = arith.andi %ne3A_693, %ne3A_688 : i1
    %add3A_695 = arith.addi %rem3A_686, %select_n3A_685 : i32
    %select_n3A_696 = arith.select %and3A_694, %add3A_695, %rem3A_686 : i32
    %mul3A_697 = arith.constant 128 : i32
    %mul3A_698 = arith.muli %select_n3A_696, %mul3A_697 : i32
    %add3A_699 = arith.constant 16 : i32
    %add3A_700 = arith.addi %mul3A_4, %add3A_699 : i32
    %jit3A_701 = arith.constant 32 : i32
    %div3A_702 = arith.divsi %add3A_700, %jit3A_701 : i32
    %sign3A_703 = arith.constant 0 : i32
    %sign3A_704 = arith.cmpi sgt, %add3A_700, %sign3A_703 : i32
    %sign3A_705 = arith.extui %sign3A_704 : i1 to i32
    %sign3A_706 = arith.constant 0 : i32
    %sign3A_707 = arith.cmpi slt, %add3A_700, %sign3A_706 : i32
    %sign3A_708 = arith.extui %sign3A_707 : i1 to i32
    %sign3A_709 = arith.subi %sign3A_705, %sign3A_708 : i32
    %sign3A_710 = arith.constant 0 : i32
    %sign3A_711 = arith.cmpi sgt, %jit3A_701, %sign3A_710 : i32
    %sign3A_712 = arith.extui %sign3A_711 : i1 to i32
    %sign3A_713 = arith.constant 0 : i32
    %sign3A_714 = arith.cmpi slt, %jit3A_701, %sign3A_713 : i32
    %sign3A_715 = arith.extui %sign3A_714 : i1 to i32
    %sign3A_716 = arith.subi %sign3A_712, %sign3A_715 : i32
    %ne3A_717 = arith.cmpi ne, %sign3A_709, %sign3A_716 : i32
    %rem3A_718 = arith.remsi %add3A_700, %jit3A_701 : i32
    %ne3A_719 = arith.constant 0 : i32
    %ne3A_720 = arith.cmpi ne, %rem3A_718, %ne3A_719 : i32
    %and3A_721 = arith.andi %ne3A_717, %ne3A_720 : i1
    %sub3A_722 = arith.constant 1 : i32
    %sub3A_723 = arith.subi %div3A_702, %sub3A_722 : i32
    %select_n3A_724 = arith.select %and3A_721, %sub3A_723, %div3A_702 : i32
    %jit3A_725 = arith.constant 32 : i32
    %eq3A_726 = arith.constant 0 : i32
    %eq3A_727 = arith.cmpi eq, %jit3A_725, %eq3A_726 : i32
    %jit3A_728 = arith.constant 1 : i32
    %select_n3A_729 = arith.select %eq3A_727, %jit3A_728, %jit3A_725 : i32
    %rem3A_730 = arith.remsi %add3A_700, %select_n3A_729 : i32
    %ne3A_731 = arith.constant 0 : i32
    %ne3A_732 = arith.cmpi ne, %rem3A_730, %ne3A_731 : i32
    %lt3A_733 = arith.constant 0 : i32
    %lt3A_734 = arith.cmpi slt, %rem3A_730, %lt3A_733 : i32
    %lt3A_735 = arith.constant 0 : i32
    %lt3A_736 = arith.cmpi slt, %select_n3A_729, %lt3A_735 : i32
    %ne3A_737 = arith.xori %lt3A_734, %lt3A_736 : i1
    %and3A_738 = arith.andi %ne3A_737, %ne3A_732 : i1
    %add3A_739 = arith.addi %rem3A_730, %select_n3A_729 : i32
    %select_n3A_740 = arith.select %and3A_738, %add3A_739, %rem3A_730 : i32
    %mul3A_741 = arith.constant 128 : i32
    %mul3A_742 = arith.muli %select_n3A_740, %mul3A_741 : i32
    %add3A_743 = arith.constant 17 : i32
    %add3A_744 = arith.addi %mul3A_4, %add3A_743 : i32
    %jit3A_745 = arith.constant 32 : i32
    %div3A_746 = arith.divsi %add3A_744, %jit3A_745 : i32
    %sign3A_747 = arith.constant 0 : i32
    %sign3A_748 = arith.cmpi sgt, %add3A_744, %sign3A_747 : i32
    %sign3A_749 = arith.extui %sign3A_748 : i1 to i32
    %sign3A_750 = arith.constant 0 : i32
    %sign3A_751 = arith.cmpi slt, %add3A_744, %sign3A_750 : i32
    %sign3A_752 = arith.extui %sign3A_751 : i1 to i32
    %sign3A_753 = arith.subi %sign3A_749, %sign3A_752 : i32
    %sign3A_754 = arith.constant 0 : i32
    %sign3A_755 = arith.cmpi sgt, %jit3A_745, %sign3A_754 : i32
    %sign3A_756 = arith.extui %sign3A_755 : i1 to i32
    %sign3A_757 = arith.constant 0 : i32
    %sign3A_758 = arith.cmpi slt, %jit3A_745, %sign3A_757 : i32
    %sign3A_759 = arith.extui %sign3A_758 : i1 to i32
    %sign3A_760 = arith.subi %sign3A_756, %sign3A_759 : i32
    %ne3A_761 = arith.cmpi ne, %sign3A_753, %sign3A_760 : i32
    %rem3A_762 = arith.remsi %add3A_744, %jit3A_745 : i32
    %ne3A_763 = arith.constant 0 : i32
    %ne3A_764 = arith.cmpi ne, %rem3A_762, %ne3A_763 : i32
    %and3A_765 = arith.andi %ne3A_761, %ne3A_764 : i1
    %sub3A_766 = arith.constant 1 : i32
    %sub3A_767 = arith.subi %div3A_746, %sub3A_766 : i32
    %select_n3A_768 = arith.select %and3A_765, %sub3A_767, %div3A_746 : i32
    %jit3A_769 = arith.constant 32 : i32
    %eq3A_770 = arith.constant 0 : i32
    %eq3A_771 = arith.cmpi eq, %jit3A_769, %eq3A_770 : i32
    %jit3A_772 = arith.constant 1 : i32
    %select_n3A_773 = arith.select %eq3A_771, %jit3A_772, %jit3A_769 : i32
    %rem3A_774 = arith.remsi %add3A_744, %select_n3A_773 : i32
    %ne3A_775 = arith.constant 0 : i32
    %ne3A_776 = arith.cmpi ne, %rem3A_774, %ne3A_775 : i32
    %lt3A_777 = arith.constant 0 : i32
    %lt3A_778 = arith.cmpi slt, %rem3A_774, %lt3A_777 : i32
    %lt3A_779 = arith.constant 0 : i32
    %lt3A_780 = arith.cmpi slt, %select_n3A_773, %lt3A_779 : i32
    %ne3A_781 = arith.xori %lt3A_778, %lt3A_780 : i1
    %and3A_782 = arith.andi %ne3A_781, %ne3A_776 : i1
    %add3A_783 = arith.addi %rem3A_774, %select_n3A_773 : i32
    %select_n3A_784 = arith.select %and3A_782, %add3A_783, %rem3A_774 : i32
    %mul3A_785 = arith.constant 128 : i32
    %mul3A_786 = arith.muli %select_n3A_784, %mul3A_785 : i32
    %add3A_787 = arith.constant 18 : i32
    %add3A_788 = arith.addi %mul3A_4, %add3A_787 : i32
    %jit3A_789 = arith.constant 32 : i32
    %div3A_790 = arith.divsi %add3A_788, %jit3A_789 : i32
    %sign3A_791 = arith.constant 0 : i32
    %sign3A_792 = arith.cmpi sgt, %add3A_788, %sign3A_791 : i32
    %sign3A_793 = arith.extui %sign3A_792 : i1 to i32
    %sign3A_794 = arith.constant 0 : i32
    %sign3A_795 = arith.cmpi slt, %add3A_788, %sign3A_794 : i32
    %sign3A_796 = arith.extui %sign3A_795 : i1 to i32
    %sign3A_797 = arith.subi %sign3A_793, %sign3A_796 : i32
    %sign3A_798 = arith.constant 0 : i32
    %sign3A_799 = arith.cmpi sgt, %jit3A_789, %sign3A_798 : i32
    %sign3A_800 = arith.extui %sign3A_799 : i1 to i32
    %sign3A_801 = arith.constant 0 : i32
    %sign3A_802 = arith.cmpi slt, %jit3A_789, %sign3A_801 : i32
    %sign3A_803 = arith.extui %sign3A_802 : i1 to i32
    %sign3A_804 = arith.subi %sign3A_800, %sign3A_803 : i32
    %ne3A_805 = arith.cmpi ne, %sign3A_797, %sign3A_804 : i32
    %rem3A_806 = arith.remsi %add3A_788, %jit3A_789 : i32
    %ne3A_807 = arith.constant 0 : i32
    %ne3A_808 = arith.cmpi ne, %rem3A_806, %ne3A_807 : i32
    %and3A_809 = arith.andi %ne3A_805, %ne3A_808 : i1
    %sub3A_810 = arith.constant 1 : i32
    %sub3A_811 = arith.subi %div3A_790, %sub3A_810 : i32
    %select_n3A_812 = arith.select %and3A_809, %sub3A_811, %div3A_790 : i32
    %jit3A_813 = arith.constant 32 : i32
    %eq3A_814 = arith.constant 0 : i32
    %eq3A_815 = arith.cmpi eq, %jit3A_813, %eq3A_814 : i32
    %jit3A_816 = arith.constant 1 : i32
    %select_n3A_817 = arith.select %eq3A_815, %jit3A_816, %jit3A_813 : i32
    %rem3A_818 = arith.remsi %add3A_788, %select_n3A_817 : i32
    %ne3A_819 = arith.constant 0 : i32
    %ne3A_820 = arith.cmpi ne, %rem3A_818, %ne3A_819 : i32
    %lt3A_821 = arith.constant 0 : i32
    %lt3A_822 = arith.cmpi slt, %rem3A_818, %lt3A_821 : i32
    %lt3A_823 = arith.constant 0 : i32
    %lt3A_824 = arith.cmpi slt, %select_n3A_817, %lt3A_823 : i32
    %ne3A_825 = arith.xori %lt3A_822, %lt3A_824 : i1
    %and3A_826 = arith.andi %ne3A_825, %ne3A_820 : i1
    %add3A_827 = arith.addi %rem3A_818, %select_n3A_817 : i32
    %select_n3A_828 = arith.select %and3A_826, %add3A_827, %rem3A_818 : i32
    %mul3A_829 = arith.constant 128 : i32
    %mul3A_830 = arith.muli %select_n3A_828, %mul3A_829 : i32
    %add3A_831 = arith.constant 19 : i32
    %add3A_832 = arith.addi %mul3A_4, %add3A_831 : i32
    %jit3A_833 = arith.constant 32 : i32
    %div3A_834 = arith.divsi %add3A_832, %jit3A_833 : i32
    %sign3A_835 = arith.constant 0 : i32
    %sign3A_836 = arith.cmpi sgt, %add3A_832, %sign3A_835 : i32
    %sign3A_837 = arith.extui %sign3A_836 : i1 to i32
    %sign3A_838 = arith.constant 0 : i32
    %sign3A_839 = arith.cmpi slt, %add3A_832, %sign3A_838 : i32
    %sign3A_840 = arith.extui %sign3A_839 : i1 to i32
    %sign3A_841 = arith.subi %sign3A_837, %sign3A_840 : i32
    %sign3A_842 = arith.constant 0 : i32
    %sign3A_843 = arith.cmpi sgt, %jit3A_833, %sign3A_842 : i32
    %sign3A_844 = arith.extui %sign3A_843 : i1 to i32
    %sign3A_845 = arith.constant 0 : i32
    %sign3A_846 = arith.cmpi slt, %jit3A_833, %sign3A_845 : i32
    %sign3A_847 = arith.extui %sign3A_846 : i1 to i32
    %sign3A_848 = arith.subi %sign3A_844, %sign3A_847 : i32
    %ne3A_849 = arith.cmpi ne, %sign3A_841, %sign3A_848 : i32
    %rem3A_850 = arith.remsi %add3A_832, %jit3A_833 : i32
    %ne3A_851 = arith.constant 0 : i32
    %ne3A_852 = arith.cmpi ne, %rem3A_850, %ne3A_851 : i32
    %and3A_853 = arith.andi %ne3A_849, %ne3A_852 : i1
    %sub3A_854 = arith.constant 1 : i32
    %sub3A_855 = arith.subi %div3A_834, %sub3A_854 : i32
    %select_n3A_856 = arith.select %and3A_853, %sub3A_855, %div3A_834 : i32
    %jit3A_857 = arith.constant 32 : i32
    %eq3A_858 = arith.constant 0 : i32
    %eq3A_859 = arith.cmpi eq, %jit3A_857, %eq3A_858 : i32
    %jit3A_860 = arith.constant 1 : i32
    %select_n3A_861 = arith.select %eq3A_859, %jit3A_860, %jit3A_857 : i32
    %rem3A_862 = arith.remsi %add3A_832, %select_n3A_861 : i32
    %ne3A_863 = arith.constant 0 : i32
    %ne3A_864 = arith.cmpi ne, %rem3A_862, %ne3A_863 : i32
    %lt3A_865 = arith.constant 0 : i32
    %lt3A_866 = arith.cmpi slt, %rem3A_862, %lt3A_865 : i32
    %lt3A_867 = arith.constant 0 : i32
    %lt3A_868 = arith.cmpi slt, %select_n3A_861, %lt3A_867 : i32
    %ne3A_869 = arith.xori %lt3A_866, %lt3A_868 : i1
    %and3A_870 = arith.andi %ne3A_869, %ne3A_864 : i1
    %add3A_871 = arith.addi %rem3A_862, %select_n3A_861 : i32
    %select_n3A_872 = arith.select %and3A_870, %add3A_871, %rem3A_862 : i32
    %mul3A_873 = arith.constant 128 : i32
    %mul3A_874 = arith.muli %select_n3A_872, %mul3A_873 : i32
    %add3A_875 = arith.constant 20 : i32
    %add3A_876 = arith.addi %mul3A_4, %add3A_875 : i32
    %jit3A_877 = arith.constant 32 : i32
    %div3A_878 = arith.divsi %add3A_876, %jit3A_877 : i32
    %sign3A_879 = arith.constant 0 : i32
    %sign3A_880 = arith.cmpi sgt, %add3A_876, %sign3A_879 : i32
    %sign3A_881 = arith.extui %sign3A_880 : i1 to i32
    %sign3A_882 = arith.constant 0 : i32
    %sign3A_883 = arith.cmpi slt, %add3A_876, %sign3A_882 : i32
    %sign3A_884 = arith.extui %sign3A_883 : i1 to i32
    %sign3A_885 = arith.subi %sign3A_881, %sign3A_884 : i32
    %sign3A_886 = arith.constant 0 : i32
    %sign3A_887 = arith.cmpi sgt, %jit3A_877, %sign3A_886 : i32
    %sign3A_888 = arith.extui %sign3A_887 : i1 to i32
    %sign3A_889 = arith.constant 0 : i32
    %sign3A_890 = arith.cmpi slt, %jit3A_877, %sign3A_889 : i32
    %sign3A_891 = arith.extui %sign3A_890 : i1 to i32
    %sign3A_892 = arith.subi %sign3A_888, %sign3A_891 : i32
    %ne3A_893 = arith.cmpi ne, %sign3A_885, %sign3A_892 : i32
    %rem3A_894 = arith.remsi %add3A_876, %jit3A_877 : i32
    %ne3A_895 = arith.constant 0 : i32
    %ne3A_896 = arith.cmpi ne, %rem3A_894, %ne3A_895 : i32
    %and3A_897 = arith.andi %ne3A_893, %ne3A_896 : i1
    %sub3A_898 = arith.constant 1 : i32
    %sub3A_899 = arith.subi %div3A_878, %sub3A_898 : i32
    %select_n3A_900 = arith.select %and3A_897, %sub3A_899, %div3A_878 : i32
    %jit3A_901 = arith.constant 32 : i32
    %eq3A_902 = arith.constant 0 : i32
    %eq3A_903 = arith.cmpi eq, %jit3A_901, %eq3A_902 : i32
    %jit3A_904 = arith.constant 1 : i32
    %select_n3A_905 = arith.select %eq3A_903, %jit3A_904, %jit3A_901 : i32
    %rem3A_906 = arith.remsi %add3A_876, %select_n3A_905 : i32
    %ne3A_907 = arith.constant 0 : i32
    %ne3A_908 = arith.cmpi ne, %rem3A_906, %ne3A_907 : i32
    %lt3A_909 = arith.constant 0 : i32
    %lt3A_910 = arith.cmpi slt, %rem3A_906, %lt3A_909 : i32
    %lt3A_911 = arith.constant 0 : i32
    %lt3A_912 = arith.cmpi slt, %select_n3A_905, %lt3A_911 : i32
    %ne3A_913 = arith.xori %lt3A_910, %lt3A_912 : i1
    %and3A_914 = arith.andi %ne3A_913, %ne3A_908 : i1
    %add3A_915 = arith.addi %rem3A_906, %select_n3A_905 : i32
    %select_n3A_916 = arith.select %and3A_914, %add3A_915, %rem3A_906 : i32
    %mul3A_917 = arith.constant 128 : i32
    %mul3A_918 = arith.muli %select_n3A_916, %mul3A_917 : i32
    %add3A_919 = arith.constant 21 : i32
    %add3A_920 = arith.addi %mul3A_4, %add3A_919 : i32
    %jit3A_921 = arith.constant 32 : i32
    %div3A_922 = arith.divsi %add3A_920, %jit3A_921 : i32
    %sign3A_923 = arith.constant 0 : i32
    %sign3A_924 = arith.cmpi sgt, %add3A_920, %sign3A_923 : i32
    %sign3A_925 = arith.extui %sign3A_924 : i1 to i32
    %sign3A_926 = arith.constant 0 : i32
    %sign3A_927 = arith.cmpi slt, %add3A_920, %sign3A_926 : i32
    %sign3A_928 = arith.extui %sign3A_927 : i1 to i32
    %sign3A_929 = arith.subi %sign3A_925, %sign3A_928 : i32
    %sign3A_930 = arith.constant 0 : i32
    %sign3A_931 = arith.cmpi sgt, %jit3A_921, %sign3A_930 : i32
    %sign3A_932 = arith.extui %sign3A_931 : i1 to i32
    %sign3A_933 = arith.constant 0 : i32
    %sign3A_934 = arith.cmpi slt, %jit3A_921, %sign3A_933 : i32
    %sign3A_935 = arith.extui %sign3A_934 : i1 to i32
    %sign3A_936 = arith.subi %sign3A_932, %sign3A_935 : i32
    %ne3A_937 = arith.cmpi ne, %sign3A_929, %sign3A_936 : i32
    %rem3A_938 = arith.remsi %add3A_920, %jit3A_921 : i32
    %ne3A_939 = arith.constant 0 : i32
    %ne3A_940 = arith.cmpi ne, %rem3A_938, %ne3A_939 : i32
    %and3A_941 = arith.andi %ne3A_937, %ne3A_940 : i1
    %sub3A_942 = arith.constant 1 : i32
    %sub3A_943 = arith.subi %div3A_922, %sub3A_942 : i32
    %select_n3A_944 = arith.select %and3A_941, %sub3A_943, %div3A_922 : i32
    %jit3A_945 = arith.constant 32 : i32
    %eq3A_946 = arith.constant 0 : i32
    %eq3A_947 = arith.cmpi eq, %jit3A_945, %eq3A_946 : i32
    %jit3A_948 = arith.constant 1 : i32
    %select_n3A_949 = arith.select %eq3A_947, %jit3A_948, %jit3A_945 : i32
    %rem3A_950 = arith.remsi %add3A_920, %select_n3A_949 : i32
    %ne3A_951 = arith.constant 0 : i32
    %ne3A_952 = arith.cmpi ne, %rem3A_950, %ne3A_951 : i32
    %lt3A_953 = arith.constant 0 : i32
    %lt3A_954 = arith.cmpi slt, %rem3A_950, %lt3A_953 : i32
    %lt3A_955 = arith.constant 0 : i32
    %lt3A_956 = arith.cmpi slt, %select_n3A_949, %lt3A_955 : i32
    %ne3A_957 = arith.xori %lt3A_954, %lt3A_956 : i1
    %and3A_958 = arith.andi %ne3A_957, %ne3A_952 : i1
    %add3A_959 = arith.addi %rem3A_950, %select_n3A_949 : i32
    %select_n3A_960 = arith.select %and3A_958, %add3A_959, %rem3A_950 : i32
    %mul3A_961 = arith.constant 128 : i32
    %mul3A_962 = arith.muli %select_n3A_960, %mul3A_961 : i32
    %add3A_963 = arith.constant 22 : i32
    %add3A_964 = arith.addi %mul3A_4, %add3A_963 : i32
    %jit3A_965 = arith.constant 32 : i32
    %div3A_966 = arith.divsi %add3A_964, %jit3A_965 : i32
    %sign3A_967 = arith.constant 0 : i32
    %sign3A_968 = arith.cmpi sgt, %add3A_964, %sign3A_967 : i32
    %sign3A_969 = arith.extui %sign3A_968 : i1 to i32
    %sign3A_970 = arith.constant 0 : i32
    %sign3A_971 = arith.cmpi slt, %add3A_964, %sign3A_970 : i32
    %sign3A_972 = arith.extui %sign3A_971 : i1 to i32
    %sign3A_973 = arith.subi %sign3A_969, %sign3A_972 : i32
    %sign3A_974 = arith.constant 0 : i32
    %sign3A_975 = arith.cmpi sgt, %jit3A_965, %sign3A_974 : i32
    %sign3A_976 = arith.extui %sign3A_975 : i1 to i32
    %sign3A_977 = arith.constant 0 : i32
    %sign3A_978 = arith.cmpi slt, %jit3A_965, %sign3A_977 : i32
    %sign3A_979 = arith.extui %sign3A_978 : i1 to i32
    %sign3A_980 = arith.subi %sign3A_976, %sign3A_979 : i32
    %ne3A_981 = arith.cmpi ne, %sign3A_973, %sign3A_980 : i32
    %rem3A_982 = arith.remsi %add3A_964, %jit3A_965 : i32
    %ne3A_983 = arith.constant 0 : i32
    %ne3A_984 = arith.cmpi ne, %rem3A_982, %ne3A_983 : i32
    %and3A_985 = arith.andi %ne3A_981, %ne3A_984 : i1
    %sub3A_986 = arith.constant 1 : i32
    %sub3A_987 = arith.subi %div3A_966, %sub3A_986 : i32
    %select_n3A_988 = arith.select %and3A_985, %sub3A_987, %div3A_966 : i32
    %jit3A_989 = arith.constant 32 : i32
    %eq3A_990 = arith.constant 0 : i32
    %eq3A_991 = arith.cmpi eq, %jit3A_989, %eq3A_990 : i32
    %jit3A_992 = arith.constant 1 : i32
    %select_n3A_993 = arith.select %eq3A_991, %jit3A_992, %jit3A_989 : i32
    %rem3A_994 = arith.remsi %add3A_964, %select_n3A_993 : i32
    %ne3A_995 = arith.constant 0 : i32
    %ne3A_996 = arith.cmpi ne, %rem3A_994, %ne3A_995 : i32
    %lt3A_997 = arith.constant 0 : i32
    %lt3A_998 = arith.cmpi slt, %rem3A_994, %lt3A_997 : i32
    %lt3A_999 = arith.constant 0 : i32
    %lt3A_1000 = arith.cmpi slt, %select_n3A_993, %lt3A_999 : i32
    %ne3A_1001 = arith.xori %lt3A_998, %lt3A_1000 : i1
    %and3A_1002 = arith.andi %ne3A_1001, %ne3A_996 : i1
    %add3A_1003 = arith.addi %rem3A_994, %select_n3A_993 : i32
    %select_n3A_1004 = arith.select %and3A_1002, %add3A_1003, %rem3A_994 : i32
    %mul3A_1005 = arith.constant 128 : i32
    %mul3A_1006 = arith.muli %select_n3A_1004, %mul3A_1005 : i32
    %add3A_1007 = arith.constant 23 : i32
    %add3A_1008 = arith.addi %mul3A_4, %add3A_1007 : i32
    %jit3A_1009 = arith.constant 32 : i32
    %div3A_1010 = arith.divsi %add3A_1008, %jit3A_1009 : i32
    %sign3A_1011 = arith.constant 0 : i32
    %sign3A_1012 = arith.cmpi sgt, %add3A_1008, %sign3A_1011 : i32
    %sign3A_1013 = arith.extui %sign3A_1012 : i1 to i32
    %sign3A_1014 = arith.constant 0 : i32
    %sign3A_1015 = arith.cmpi slt, %add3A_1008, %sign3A_1014 : i32
    %sign3A_1016 = arith.extui %sign3A_1015 : i1 to i32
    %sign3A_1017 = arith.subi %sign3A_1013, %sign3A_1016 : i32
    %sign3A_1018 = arith.constant 0 : i32
    %sign3A_1019 = arith.cmpi sgt, %jit3A_1009, %sign3A_1018 : i32
    %sign3A_1020 = arith.extui %sign3A_1019 : i1 to i32
    %sign3A_1021 = arith.constant 0 : i32
    %sign3A_1022 = arith.cmpi slt, %jit3A_1009, %sign3A_1021 : i32
    %sign3A_1023 = arith.extui %sign3A_1022 : i1 to i32
    %sign3A_1024 = arith.subi %sign3A_1020, %sign3A_1023 : i32
    %ne3A_1025 = arith.cmpi ne, %sign3A_1017, %sign3A_1024 : i32
    %rem3A_1026 = arith.remsi %add3A_1008, %jit3A_1009 : i32
    %ne3A_1027 = arith.constant 0 : i32
    %ne3A_1028 = arith.cmpi ne, %rem3A_1026, %ne3A_1027 : i32
    %and3A_1029 = arith.andi %ne3A_1025, %ne3A_1028 : i1
    %sub3A_1030 = arith.constant 1 : i32
    %sub3A_1031 = arith.subi %div3A_1010, %sub3A_1030 : i32
    %select_n3A_1032 = arith.select %and3A_1029, %sub3A_1031, %div3A_1010 : i32
    %jit3A_1033 = arith.constant 32 : i32
    %eq3A_1034 = arith.constant 0 : i32
    %eq3A_1035 = arith.cmpi eq, %jit3A_1033, %eq3A_1034 : i32
    %jit3A_1036 = arith.constant 1 : i32
    %select_n3A_1037 = arith.select %eq3A_1035, %jit3A_1036, %jit3A_1033 : i32
    %rem3A_1038 = arith.remsi %add3A_1008, %select_n3A_1037 : i32
    %ne3A_1039 = arith.constant 0 : i32
    %ne3A_1040 = arith.cmpi ne, %rem3A_1038, %ne3A_1039 : i32
    %lt3A_1041 = arith.constant 0 : i32
    %lt3A_1042 = arith.cmpi slt, %rem3A_1038, %lt3A_1041 : i32
    %lt3A_1043 = arith.constant 0 : i32
    %lt3A_1044 = arith.cmpi slt, %select_n3A_1037, %lt3A_1043 : i32
    %ne3A_1045 = arith.xori %lt3A_1042, %lt3A_1044 : i1
    %and3A_1046 = arith.andi %ne3A_1045, %ne3A_1040 : i1
    %add3A_1047 = arith.addi %rem3A_1038, %select_n3A_1037 : i32
    %select_n3A_1048 = arith.select %and3A_1046, %add3A_1047, %rem3A_1038 : i32
    %mul3A_1049 = arith.constant 128 : i32
    %mul3A_1050 = arith.muli %select_n3A_1048, %mul3A_1049 : i32
    %add3A_1051 = arith.constant 24 : i32
    %add3A_1052 = arith.addi %mul3A_4, %add3A_1051 : i32
    %jit3A_1053 = arith.constant 32 : i32
    %div3A_1054 = arith.divsi %add3A_1052, %jit3A_1053 : i32
    %sign3A_1055 = arith.constant 0 : i32
    %sign3A_1056 = arith.cmpi sgt, %add3A_1052, %sign3A_1055 : i32
    %sign3A_1057 = arith.extui %sign3A_1056 : i1 to i32
    %sign3A_1058 = arith.constant 0 : i32
    %sign3A_1059 = arith.cmpi slt, %add3A_1052, %sign3A_1058 : i32
    %sign3A_1060 = arith.extui %sign3A_1059 : i1 to i32
    %sign3A_1061 = arith.subi %sign3A_1057, %sign3A_1060 : i32
    %sign3A_1062 = arith.constant 0 : i32
    %sign3A_1063 = arith.cmpi sgt, %jit3A_1053, %sign3A_1062 : i32
    %sign3A_1064 = arith.extui %sign3A_1063 : i1 to i32
    %sign3A_1065 = arith.constant 0 : i32
    %sign3A_1066 = arith.cmpi slt, %jit3A_1053, %sign3A_1065 : i32
    %sign3A_1067 = arith.extui %sign3A_1066 : i1 to i32
    %sign3A_1068 = arith.subi %sign3A_1064, %sign3A_1067 : i32
    %ne3A_1069 = arith.cmpi ne, %sign3A_1061, %sign3A_1068 : i32
    %rem3A_1070 = arith.remsi %add3A_1052, %jit3A_1053 : i32
    %ne3A_1071 = arith.constant 0 : i32
    %ne3A_1072 = arith.cmpi ne, %rem3A_1070, %ne3A_1071 : i32
    %and3A_1073 = arith.andi %ne3A_1069, %ne3A_1072 : i1
    %sub3A_1074 = arith.constant 1 : i32
    %sub3A_1075 = arith.subi %div3A_1054, %sub3A_1074 : i32
    %select_n3A_1076 = arith.select %and3A_1073, %sub3A_1075, %div3A_1054 : i32
    %jit3A_1077 = arith.constant 32 : i32
    %eq3A_1078 = arith.constant 0 : i32
    %eq3A_1079 = arith.cmpi eq, %jit3A_1077, %eq3A_1078 : i32
    %jit3A_1080 = arith.constant 1 : i32
    %select_n3A_1081 = arith.select %eq3A_1079, %jit3A_1080, %jit3A_1077 : i32
    %rem3A_1082 = arith.remsi %add3A_1052, %select_n3A_1081 : i32
    %ne3A_1083 = arith.constant 0 : i32
    %ne3A_1084 = arith.cmpi ne, %rem3A_1082, %ne3A_1083 : i32
    %lt3A_1085 = arith.constant 0 : i32
    %lt3A_1086 = arith.cmpi slt, %rem3A_1082, %lt3A_1085 : i32
    %lt3A_1087 = arith.constant 0 : i32
    %lt3A_1088 = arith.cmpi slt, %select_n3A_1081, %lt3A_1087 : i32
    %ne3A_1089 = arith.xori %lt3A_1086, %lt3A_1088 : i1
    %and3A_1090 = arith.andi %ne3A_1089, %ne3A_1084 : i1
    %add3A_1091 = arith.addi %rem3A_1082, %select_n3A_1081 : i32
    %select_n3A_1092 = arith.select %and3A_1090, %add3A_1091, %rem3A_1082 : i32
    %mul3A_1093 = arith.constant 128 : i32
    %mul3A_1094 = arith.muli %select_n3A_1092, %mul3A_1093 : i32
    %add3A_1095 = arith.constant 25 : i32
    %add3A_1096 = arith.addi %mul3A_4, %add3A_1095 : i32
    %jit3A_1097 = arith.constant 32 : i32
    %div3A_1098 = arith.divsi %add3A_1096, %jit3A_1097 : i32
    %sign3A_1099 = arith.constant 0 : i32
    %sign3A_1100 = arith.cmpi sgt, %add3A_1096, %sign3A_1099 : i32
    %sign3A_1101 = arith.extui %sign3A_1100 : i1 to i32
    %sign3A_1102 = arith.constant 0 : i32
    %sign3A_1103 = arith.cmpi slt, %add3A_1096, %sign3A_1102 : i32
    %sign3A_1104 = arith.extui %sign3A_1103 : i1 to i32
    %sign3A_1105 = arith.subi %sign3A_1101, %sign3A_1104 : i32
    %sign3A_1106 = arith.constant 0 : i32
    %sign3A_1107 = arith.cmpi sgt, %jit3A_1097, %sign3A_1106 : i32
    %sign3A_1108 = arith.extui %sign3A_1107 : i1 to i32
    %sign3A_1109 = arith.constant 0 : i32
    %sign3A_1110 = arith.cmpi slt, %jit3A_1097, %sign3A_1109 : i32
    %sign3A_1111 = arith.extui %sign3A_1110 : i1 to i32
    %sign3A_1112 = arith.subi %sign3A_1108, %sign3A_1111 : i32
    %ne3A_1113 = arith.cmpi ne, %sign3A_1105, %sign3A_1112 : i32
    %rem3A_1114 = arith.remsi %add3A_1096, %jit3A_1097 : i32
    %ne3A_1115 = arith.constant 0 : i32
    %ne3A_1116 = arith.cmpi ne, %rem3A_1114, %ne3A_1115 : i32
    %and3A_1117 = arith.andi %ne3A_1113, %ne3A_1116 : i1
    %sub3A_1118 = arith.constant 1 : i32
    %sub3A_1119 = arith.subi %div3A_1098, %sub3A_1118 : i32
    %select_n3A_1120 = arith.select %and3A_1117, %sub3A_1119, %div3A_1098 : i32
    %jit3A_1121 = arith.constant 32 : i32
    %eq3A_1122 = arith.constant 0 : i32
    %eq3A_1123 = arith.cmpi eq, %jit3A_1121, %eq3A_1122 : i32
    %jit3A_1124 = arith.constant 1 : i32
    %select_n3A_1125 = arith.select %eq3A_1123, %jit3A_1124, %jit3A_1121 : i32
    %rem3A_1126 = arith.remsi %add3A_1096, %select_n3A_1125 : i32
    %ne3A_1127 = arith.constant 0 : i32
    %ne3A_1128 = arith.cmpi ne, %rem3A_1126, %ne3A_1127 : i32
    %lt3A_1129 = arith.constant 0 : i32
    %lt3A_1130 = arith.cmpi slt, %rem3A_1126, %lt3A_1129 : i32
    %lt3A_1131 = arith.constant 0 : i32
    %lt3A_1132 = arith.cmpi slt, %select_n3A_1125, %lt3A_1131 : i32
    %ne3A_1133 = arith.xori %lt3A_1130, %lt3A_1132 : i1
    %and3A_1134 = arith.andi %ne3A_1133, %ne3A_1128 : i1
    %add3A_1135 = arith.addi %rem3A_1126, %select_n3A_1125 : i32
    %select_n3A_1136 = arith.select %and3A_1134, %add3A_1135, %rem3A_1126 : i32
    %mul3A_1137 = arith.constant 128 : i32
    %mul3A_1138 = arith.muli %select_n3A_1136, %mul3A_1137 : i32
    %add3A_1139 = arith.constant 26 : i32
    %add3A_1140 = arith.addi %mul3A_4, %add3A_1139 : i32
    %jit3A_1141 = arith.constant 32 : i32
    %div3A_1142 = arith.divsi %add3A_1140, %jit3A_1141 : i32
    %sign3A_1143 = arith.constant 0 : i32
    %sign3A_1144 = arith.cmpi sgt, %add3A_1140, %sign3A_1143 : i32
    %sign3A_1145 = arith.extui %sign3A_1144 : i1 to i32
    %sign3A_1146 = arith.constant 0 : i32
    %sign3A_1147 = arith.cmpi slt, %add3A_1140, %sign3A_1146 : i32
    %sign3A_1148 = arith.extui %sign3A_1147 : i1 to i32
    %sign3A_1149 = arith.subi %sign3A_1145, %sign3A_1148 : i32
    %sign3A_1150 = arith.constant 0 : i32
    %sign3A_1151 = arith.cmpi sgt, %jit3A_1141, %sign3A_1150 : i32
    %sign3A_1152 = arith.extui %sign3A_1151 : i1 to i32
    %sign3A_1153 = arith.constant 0 : i32
    %sign3A_1154 = arith.cmpi slt, %jit3A_1141, %sign3A_1153 : i32
    %sign3A_1155 = arith.extui %sign3A_1154 : i1 to i32
    %sign3A_1156 = arith.subi %sign3A_1152, %sign3A_1155 : i32
    %ne3A_1157 = arith.cmpi ne, %sign3A_1149, %sign3A_1156 : i32
    %rem3A_1158 = arith.remsi %add3A_1140, %jit3A_1141 : i32
    %ne3A_1159 = arith.constant 0 : i32
    %ne3A_1160 = arith.cmpi ne, %rem3A_1158, %ne3A_1159 : i32
    %and3A_1161 = arith.andi %ne3A_1157, %ne3A_1160 : i1
    %sub3A_1162 = arith.constant 1 : i32
    %sub3A_1163 = arith.subi %div3A_1142, %sub3A_1162 : i32
    %select_n3A_1164 = arith.select %and3A_1161, %sub3A_1163, %div3A_1142 : i32
    %jit3A_1165 = arith.constant 32 : i32
    %eq3A_1166 = arith.constant 0 : i32
    %eq3A_1167 = arith.cmpi eq, %jit3A_1165, %eq3A_1166 : i32
    %jit3A_1168 = arith.constant 1 : i32
    %select_n3A_1169 = arith.select %eq3A_1167, %jit3A_1168, %jit3A_1165 : i32
    %rem3A_1170 = arith.remsi %add3A_1140, %select_n3A_1169 : i32
    %ne3A_1171 = arith.constant 0 : i32
    %ne3A_1172 = arith.cmpi ne, %rem3A_1170, %ne3A_1171 : i32
    %lt3A_1173 = arith.constant 0 : i32
    %lt3A_1174 = arith.cmpi slt, %rem3A_1170, %lt3A_1173 : i32
    %lt3A_1175 = arith.constant 0 : i32
    %lt3A_1176 = arith.cmpi slt, %select_n3A_1169, %lt3A_1175 : i32
    %ne3A_1177 = arith.xori %lt3A_1174, %lt3A_1176 : i1
    %and3A_1178 = arith.andi %ne3A_1177, %ne3A_1172 : i1
    %add3A_1179 = arith.addi %rem3A_1170, %select_n3A_1169 : i32
    %select_n3A_1180 = arith.select %and3A_1178, %add3A_1179, %rem3A_1170 : i32
    %mul3A_1181 = arith.constant 128 : i32
    %mul3A_1182 = arith.muli %select_n3A_1180, %mul3A_1181 : i32
    %add3A_1183 = arith.constant 27 : i32
    %add3A_1184 = arith.addi %mul3A_4, %add3A_1183 : i32
    %jit3A_1185 = arith.constant 32 : i32
    %div3A_1186 = arith.divsi %add3A_1184, %jit3A_1185 : i32
    %sign3A_1187 = arith.constant 0 : i32
    %sign3A_1188 = arith.cmpi sgt, %add3A_1184, %sign3A_1187 : i32
    %sign3A_1189 = arith.extui %sign3A_1188 : i1 to i32
    %sign3A_1190 = arith.constant 0 : i32
    %sign3A_1191 = arith.cmpi slt, %add3A_1184, %sign3A_1190 : i32
    %sign3A_1192 = arith.extui %sign3A_1191 : i1 to i32
    %sign3A_1193 = arith.subi %sign3A_1189, %sign3A_1192 : i32
    %sign3A_1194 = arith.constant 0 : i32
    %sign3A_1195 = arith.cmpi sgt, %jit3A_1185, %sign3A_1194 : i32
    %sign3A_1196 = arith.extui %sign3A_1195 : i1 to i32
    %sign3A_1197 = arith.constant 0 : i32
    %sign3A_1198 = arith.cmpi slt, %jit3A_1185, %sign3A_1197 : i32
    %sign3A_1199 = arith.extui %sign3A_1198 : i1 to i32
    %sign3A_1200 = arith.subi %sign3A_1196, %sign3A_1199 : i32
    %ne3A_1201 = arith.cmpi ne, %sign3A_1193, %sign3A_1200 : i32
    %rem3A_1202 = arith.remsi %add3A_1184, %jit3A_1185 : i32
    %ne3A_1203 = arith.constant 0 : i32
    %ne3A_1204 = arith.cmpi ne, %rem3A_1202, %ne3A_1203 : i32
    %and3A_1205 = arith.andi %ne3A_1201, %ne3A_1204 : i1
    %sub3A_1206 = arith.constant 1 : i32
    %sub3A_1207 = arith.subi %div3A_1186, %sub3A_1206 : i32
    %select_n3A_1208 = arith.select %and3A_1205, %sub3A_1207, %div3A_1186 : i32
    %jit3A_1209 = arith.constant 32 : i32
    %eq3A_1210 = arith.constant 0 : i32
    %eq3A_1211 = arith.cmpi eq, %jit3A_1209, %eq3A_1210 : i32
    %jit3A_1212 = arith.constant 1 : i32
    %select_n3A_1213 = arith.select %eq3A_1211, %jit3A_1212, %jit3A_1209 : i32
    %rem3A_1214 = arith.remsi %add3A_1184, %select_n3A_1213 : i32
    %ne3A_1215 = arith.constant 0 : i32
    %ne3A_1216 = arith.cmpi ne, %rem3A_1214, %ne3A_1215 : i32
    %lt3A_1217 = arith.constant 0 : i32
    %lt3A_1218 = arith.cmpi slt, %rem3A_1214, %lt3A_1217 : i32
    %lt3A_1219 = arith.constant 0 : i32
    %lt3A_1220 = arith.cmpi slt, %select_n3A_1213, %lt3A_1219 : i32
    %ne3A_1221 = arith.xori %lt3A_1218, %lt3A_1220 : i1
    %and3A_1222 = arith.andi %ne3A_1221, %ne3A_1216 : i1
    %add3A_1223 = arith.addi %rem3A_1214, %select_n3A_1213 : i32
    %select_n3A_1224 = arith.select %and3A_1222, %add3A_1223, %rem3A_1214 : i32
    %mul3A_1225 = arith.constant 128 : i32
    %mul3A_1226 = arith.muli %select_n3A_1224, %mul3A_1225 : i32
    %add3A_1227 = arith.constant 28 : i32
    %add3A_1228 = arith.addi %mul3A_4, %add3A_1227 : i32
    %jit3A_1229 = arith.constant 32 : i32
    %div3A_1230 = arith.divsi %add3A_1228, %jit3A_1229 : i32
    %sign3A_1231 = arith.constant 0 : i32
    %sign3A_1232 = arith.cmpi sgt, %add3A_1228, %sign3A_1231 : i32
    %sign3A_1233 = arith.extui %sign3A_1232 : i1 to i32
    %sign3A_1234 = arith.constant 0 : i32
    %sign3A_1235 = arith.cmpi slt, %add3A_1228, %sign3A_1234 : i32
    %sign3A_1236 = arith.extui %sign3A_1235 : i1 to i32
    %sign3A_1237 = arith.subi %sign3A_1233, %sign3A_1236 : i32
    %sign3A_1238 = arith.constant 0 : i32
    %sign3A_1239 = arith.cmpi sgt, %jit3A_1229, %sign3A_1238 : i32
    %sign3A_1240 = arith.extui %sign3A_1239 : i1 to i32
    %sign3A_1241 = arith.constant 0 : i32
    %sign3A_1242 = arith.cmpi slt, %jit3A_1229, %sign3A_1241 : i32
    %sign3A_1243 = arith.extui %sign3A_1242 : i1 to i32
    %sign3A_1244 = arith.subi %sign3A_1240, %sign3A_1243 : i32
    %ne3A_1245 = arith.cmpi ne, %sign3A_1237, %sign3A_1244 : i32
    %rem3A_1246 = arith.remsi %add3A_1228, %jit3A_1229 : i32
    %ne3A_1247 = arith.constant 0 : i32
    %ne3A_1248 = arith.cmpi ne, %rem3A_1246, %ne3A_1247 : i32
    %and3A_1249 = arith.andi %ne3A_1245, %ne3A_1248 : i1
    %sub3A_1250 = arith.constant 1 : i32
    %sub3A_1251 = arith.subi %div3A_1230, %sub3A_1250 : i32
    %select_n3A_1252 = arith.select %and3A_1249, %sub3A_1251, %div3A_1230 : i32
    %jit3A_1253 = arith.constant 32 : i32
    %eq3A_1254 = arith.constant 0 : i32
    %eq3A_1255 = arith.cmpi eq, %jit3A_1253, %eq3A_1254 : i32
    %jit3A_1256 = arith.constant 1 : i32
    %select_n3A_1257 = arith.select %eq3A_1255, %jit3A_1256, %jit3A_1253 : i32
    %rem3A_1258 = arith.remsi %add3A_1228, %select_n3A_1257 : i32
    %ne3A_1259 = arith.constant 0 : i32
    %ne3A_1260 = arith.cmpi ne, %rem3A_1258, %ne3A_1259 : i32
    %lt3A_1261 = arith.constant 0 : i32
    %lt3A_1262 = arith.cmpi slt, %rem3A_1258, %lt3A_1261 : i32
    %lt3A_1263 = arith.constant 0 : i32
    %lt3A_1264 = arith.cmpi slt, %select_n3A_1257, %lt3A_1263 : i32
    %ne3A_1265 = arith.xori %lt3A_1262, %lt3A_1264 : i1
    %and3A_1266 = arith.andi %ne3A_1265, %ne3A_1260 : i1
    %add3A_1267 = arith.addi %rem3A_1258, %select_n3A_1257 : i32
    %select_n3A_1268 = arith.select %and3A_1266, %add3A_1267, %rem3A_1258 : i32
    %mul3A_1269 = arith.constant 128 : i32
    %mul3A_1270 = arith.muli %select_n3A_1268, %mul3A_1269 : i32
    %add3A_1271 = arith.constant 29 : i32
    %add3A_1272 = arith.addi %mul3A_4, %add3A_1271 : i32
    %jit3A_1273 = arith.constant 32 : i32
    %div3A_1274 = arith.divsi %add3A_1272, %jit3A_1273 : i32
    %sign3A_1275 = arith.constant 0 : i32
    %sign3A_1276 = arith.cmpi sgt, %add3A_1272, %sign3A_1275 : i32
    %sign3A_1277 = arith.extui %sign3A_1276 : i1 to i32
    %sign3A_1278 = arith.constant 0 : i32
    %sign3A_1279 = arith.cmpi slt, %add3A_1272, %sign3A_1278 : i32
    %sign3A_1280 = arith.extui %sign3A_1279 : i1 to i32
    %sign3A_1281 = arith.subi %sign3A_1277, %sign3A_1280 : i32
    %sign3A_1282 = arith.constant 0 : i32
    %sign3A_1283 = arith.cmpi sgt, %jit3A_1273, %sign3A_1282 : i32
    %sign3A_1284 = arith.extui %sign3A_1283 : i1 to i32
    %sign3A_1285 = arith.constant 0 : i32
    %sign3A_1286 = arith.cmpi slt, %jit3A_1273, %sign3A_1285 : i32
    %sign3A_1287 = arith.extui %sign3A_1286 : i1 to i32
    %sign3A_1288 = arith.subi %sign3A_1284, %sign3A_1287 : i32
    %ne3A_1289 = arith.cmpi ne, %sign3A_1281, %sign3A_1288 : i32
    %rem3A_1290 = arith.remsi %add3A_1272, %jit3A_1273 : i32
    %ne3A_1291 = arith.constant 0 : i32
    %ne3A_1292 = arith.cmpi ne, %rem3A_1290, %ne3A_1291 : i32
    %and3A_1293 = arith.andi %ne3A_1289, %ne3A_1292 : i1
    %sub3A_1294 = arith.constant 1 : i32
    %sub3A_1295 = arith.subi %div3A_1274, %sub3A_1294 : i32
    %select_n3A_1296 = arith.select %and3A_1293, %sub3A_1295, %div3A_1274 : i32
    %jit3A_1297 = arith.constant 32 : i32
    %eq3A_1298 = arith.constant 0 : i32
    %eq3A_1299 = arith.cmpi eq, %jit3A_1297, %eq3A_1298 : i32
    %jit3A_1300 = arith.constant 1 : i32
    %select_n3A_1301 = arith.select %eq3A_1299, %jit3A_1300, %jit3A_1297 : i32
    %rem3A_1302 = arith.remsi %add3A_1272, %select_n3A_1301 : i32
    %ne3A_1303 = arith.constant 0 : i32
    %ne3A_1304 = arith.cmpi ne, %rem3A_1302, %ne3A_1303 : i32
    %lt3A_1305 = arith.constant 0 : i32
    %lt3A_1306 = arith.cmpi slt, %rem3A_1302, %lt3A_1305 : i32
    %lt3A_1307 = arith.constant 0 : i32
    %lt3A_1308 = arith.cmpi slt, %select_n3A_1301, %lt3A_1307 : i32
    %ne3A_1309 = arith.xori %lt3A_1306, %lt3A_1308 : i1
    %and3A_1310 = arith.andi %ne3A_1309, %ne3A_1304 : i1
    %add3A_1311 = arith.addi %rem3A_1302, %select_n3A_1301 : i32
    %select_n3A_1312 = arith.select %and3A_1310, %add3A_1311, %rem3A_1302 : i32
    %mul3A_1313 = arith.constant 128 : i32
    %mul3A_1314 = arith.muli %select_n3A_1312, %mul3A_1313 : i32
    %add3A_1315 = arith.constant 30 : i32
    %add3A_1316 = arith.addi %mul3A_4, %add3A_1315 : i32
    %jit3A_1317 = arith.constant 32 : i32
    %div3A_1318 = arith.divsi %add3A_1316, %jit3A_1317 : i32
    %sign3A_1319 = arith.constant 0 : i32
    %sign3A_1320 = arith.cmpi sgt, %add3A_1316, %sign3A_1319 : i32
    %sign3A_1321 = arith.extui %sign3A_1320 : i1 to i32
    %sign3A_1322 = arith.constant 0 : i32
    %sign3A_1323 = arith.cmpi slt, %add3A_1316, %sign3A_1322 : i32
    %sign3A_1324 = arith.extui %sign3A_1323 : i1 to i32
    %sign3A_1325 = arith.subi %sign3A_1321, %sign3A_1324 : i32
    %sign3A_1326 = arith.constant 0 : i32
    %sign3A_1327 = arith.cmpi sgt, %jit3A_1317, %sign3A_1326 : i32
    %sign3A_1328 = arith.extui %sign3A_1327 : i1 to i32
    %sign3A_1329 = arith.constant 0 : i32
    %sign3A_1330 = arith.cmpi slt, %jit3A_1317, %sign3A_1329 : i32
    %sign3A_1331 = arith.extui %sign3A_1330 : i1 to i32
    %sign3A_1332 = arith.subi %sign3A_1328, %sign3A_1331 : i32
    %ne3A_1333 = arith.cmpi ne, %sign3A_1325, %sign3A_1332 : i32
    %rem3A_1334 = arith.remsi %add3A_1316, %jit3A_1317 : i32
    %ne3A_1335 = arith.constant 0 : i32
    %ne3A_1336 = arith.cmpi ne, %rem3A_1334, %ne3A_1335 : i32
    %and3A_1337 = arith.andi %ne3A_1333, %ne3A_1336 : i1
    %sub3A_1338 = arith.constant 1 : i32
    %sub3A_1339 = arith.subi %div3A_1318, %sub3A_1338 : i32
    %select_n3A_1340 = arith.select %and3A_1337, %sub3A_1339, %div3A_1318 : i32
    %jit3A_1341 = arith.constant 32 : i32
    %eq3A_1342 = arith.constant 0 : i32
    %eq3A_1343 = arith.cmpi eq, %jit3A_1341, %eq3A_1342 : i32
    %jit3A_1344 = arith.constant 1 : i32
    %select_n3A_1345 = arith.select %eq3A_1343, %jit3A_1344, %jit3A_1341 : i32
    %rem3A_1346 = arith.remsi %add3A_1316, %select_n3A_1345 : i32
    %ne3A_1347 = arith.constant 0 : i32
    %ne3A_1348 = arith.cmpi ne, %rem3A_1346, %ne3A_1347 : i32
    %lt3A_1349 = arith.constant 0 : i32
    %lt3A_1350 = arith.cmpi slt, %rem3A_1346, %lt3A_1349 : i32
    %lt3A_1351 = arith.constant 0 : i32
    %lt3A_1352 = arith.cmpi slt, %select_n3A_1345, %lt3A_1351 : i32
    %ne3A_1353 = arith.xori %lt3A_1350, %lt3A_1352 : i1
    %and3A_1354 = arith.andi %ne3A_1353, %ne3A_1348 : i1
    %add3A_1355 = arith.addi %rem3A_1346, %select_n3A_1345 : i32
    %select_n3A_1356 = arith.select %and3A_1354, %add3A_1355, %rem3A_1346 : i32
    %mul3A_1357 = arith.constant 128 : i32
    %mul3A_1358 = arith.muli %select_n3A_1356, %mul3A_1357 : i32
    %add3A_1359 = arith.constant 31 : i32
    %add3A_1360 = arith.addi %mul3A_4, %add3A_1359 : i32
    %jit3A_1361 = arith.constant 32 : i32
    %div3A_1362 = arith.divsi %add3A_1360, %jit3A_1361 : i32
    %sign3A_1363 = arith.constant 0 : i32
    %sign3A_1364 = arith.cmpi sgt, %add3A_1360, %sign3A_1363 : i32
    %sign3A_1365 = arith.extui %sign3A_1364 : i1 to i32
    %sign3A_1366 = arith.constant 0 : i32
    %sign3A_1367 = arith.cmpi slt, %add3A_1360, %sign3A_1366 : i32
    %sign3A_1368 = arith.extui %sign3A_1367 : i1 to i32
    %sign3A_1369 = arith.subi %sign3A_1365, %sign3A_1368 : i32
    %sign3A_1370 = arith.constant 0 : i32
    %sign3A_1371 = arith.cmpi sgt, %jit3A_1361, %sign3A_1370 : i32
    %sign3A_1372 = arith.extui %sign3A_1371 : i1 to i32
    %sign3A_1373 = arith.constant 0 : i32
    %sign3A_1374 = arith.cmpi slt, %jit3A_1361, %sign3A_1373 : i32
    %sign3A_1375 = arith.extui %sign3A_1374 : i1 to i32
    %sign3A_1376 = arith.subi %sign3A_1372, %sign3A_1375 : i32
    %ne3A_1377 = arith.cmpi ne, %sign3A_1369, %sign3A_1376 : i32
    %rem3A_1378 = arith.remsi %add3A_1360, %jit3A_1361 : i32
    %ne3A_1379 = arith.constant 0 : i32
    %ne3A_1380 = arith.cmpi ne, %rem3A_1378, %ne3A_1379 : i32
    %and3A_1381 = arith.andi %ne3A_1377, %ne3A_1380 : i1
    %sub3A_1382 = arith.constant 1 : i32
    %sub3A_1383 = arith.subi %div3A_1362, %sub3A_1382 : i32
    %select_n3A_1384 = arith.select %and3A_1381, %sub3A_1383, %div3A_1362 : i32
    %jit3A_1385 = arith.constant 32 : i32
    %eq3A_1386 = arith.constant 0 : i32
    %eq3A_1387 = arith.cmpi eq, %jit3A_1385, %eq3A_1386 : i32
    %jit3A_1388 = arith.constant 1 : i32
    %select_n3A_1389 = arith.select %eq3A_1387, %jit3A_1388, %jit3A_1385 : i32
    %rem3A_1390 = arith.remsi %add3A_1360, %select_n3A_1389 : i32
    %ne3A_1391 = arith.constant 0 : i32
    %ne3A_1392 = arith.cmpi ne, %rem3A_1390, %ne3A_1391 : i32
    %lt3A_1393 = arith.constant 0 : i32
    %lt3A_1394 = arith.cmpi slt, %rem3A_1390, %lt3A_1393 : i32
    %lt3A_1395 = arith.constant 0 : i32
    %lt3A_1396 = arith.cmpi slt, %select_n3A_1389, %lt3A_1395 : i32
    %ne3A_1397 = arith.xori %lt3A_1394, %lt3A_1396 : i1
    %and3A_1398 = arith.andi %ne3A_1397, %ne3A_1392 : i1
    %add3A_1399 = arith.addi %rem3A_1390, %select_n3A_1389 : i32
    %select_n3A_1400 = arith.select %and3A_1398, %add3A_1399, %rem3A_1390 : i32
    %mul3A_1401 = arith.constant 128 : i32
    %mul3A_1402 = arith.muli %select_n3A_1400, %mul3A_1401 : i32
    %add3A_1403 = arith.constant 32 : i32
    %add3A_1404 = arith.addi %mul3A_4, %add3A_1403 : i32
    %jit3A_1405 = arith.constant 32 : i32
    %div3A_1406 = arith.divsi %add3A_1404, %jit3A_1405 : i32
    %sign3A_1407 = arith.constant 0 : i32
    %sign3A_1408 = arith.cmpi sgt, %add3A_1404, %sign3A_1407 : i32
    %sign3A_1409 = arith.extui %sign3A_1408 : i1 to i32
    %sign3A_1410 = arith.constant 0 : i32
    %sign3A_1411 = arith.cmpi slt, %add3A_1404, %sign3A_1410 : i32
    %sign3A_1412 = arith.extui %sign3A_1411 : i1 to i32
    %sign3A_1413 = arith.subi %sign3A_1409, %sign3A_1412 : i32
    %sign3A_1414 = arith.constant 0 : i32
    %sign3A_1415 = arith.cmpi sgt, %jit3A_1405, %sign3A_1414 : i32
    %sign3A_1416 = arith.extui %sign3A_1415 : i1 to i32
    %sign3A_1417 = arith.constant 0 : i32
    %sign3A_1418 = arith.cmpi slt, %jit3A_1405, %sign3A_1417 : i32
    %sign3A_1419 = arith.extui %sign3A_1418 : i1 to i32
    %sign3A_1420 = arith.subi %sign3A_1416, %sign3A_1419 : i32
    %ne3A_1421 = arith.cmpi ne, %sign3A_1413, %sign3A_1420 : i32
    %rem3A_1422 = arith.remsi %add3A_1404, %jit3A_1405 : i32
    %ne3A_1423 = arith.constant 0 : i32
    %ne3A_1424 = arith.cmpi ne, %rem3A_1422, %ne3A_1423 : i32
    %and3A_1425 = arith.andi %ne3A_1421, %ne3A_1424 : i1
    %sub3A_1426 = arith.constant 1 : i32
    %sub3A_1427 = arith.subi %div3A_1406, %sub3A_1426 : i32
    %select_n3A_1428 = arith.select %and3A_1425, %sub3A_1427, %div3A_1406 : i32
    %jit3A_1429 = arith.constant 32 : i32
    %eq3A_1430 = arith.constant 0 : i32
    %eq3A_1431 = arith.cmpi eq, %jit3A_1429, %eq3A_1430 : i32
    %jit3A_1432 = arith.constant 1 : i32
    %select_n3A_1433 = arith.select %eq3A_1431, %jit3A_1432, %jit3A_1429 : i32
    %rem3A_1434 = arith.remsi %add3A_1404, %select_n3A_1433 : i32
    %ne3A_1435 = arith.constant 0 : i32
    %ne3A_1436 = arith.cmpi ne, %rem3A_1434, %ne3A_1435 : i32
    %lt3A_1437 = arith.constant 0 : i32
    %lt3A_1438 = arith.cmpi slt, %rem3A_1434, %lt3A_1437 : i32
    %lt3A_1439 = arith.constant 0 : i32
    %lt3A_1440 = arith.cmpi slt, %select_n3A_1433, %lt3A_1439 : i32
    %ne3A_1441 = arith.xori %lt3A_1438, %lt3A_1440 : i1
    %and3A_1442 = arith.andi %ne3A_1441, %ne3A_1436 : i1
    %add3A_1443 = arith.addi %rem3A_1434, %select_n3A_1433 : i32
    %select_n3A_1444 = arith.select %and3A_1442, %add3A_1443, %rem3A_1434 : i32
    %mul3A_1445 = arith.constant 128 : i32
    %mul3A_1446 = arith.muli %select_n3A_1444, %mul3A_1445 : i32
    %add3A_1447 = arith.constant 33 : i32
    %add3A_1448 = arith.addi %mul3A_4, %add3A_1447 : i32
    %jit3A_1449 = arith.constant 32 : i32
    %div3A_1450 = arith.divsi %add3A_1448, %jit3A_1449 : i32
    %sign3A_1451 = arith.constant 0 : i32
    %sign3A_1452 = arith.cmpi sgt, %add3A_1448, %sign3A_1451 : i32
    %sign3A_1453 = arith.extui %sign3A_1452 : i1 to i32
    %sign3A_1454 = arith.constant 0 : i32
    %sign3A_1455 = arith.cmpi slt, %add3A_1448, %sign3A_1454 : i32
    %sign3A_1456 = arith.extui %sign3A_1455 : i1 to i32
    %sign3A_1457 = arith.subi %sign3A_1453, %sign3A_1456 : i32
    %sign3A_1458 = arith.constant 0 : i32
    %sign3A_1459 = arith.cmpi sgt, %jit3A_1449, %sign3A_1458 : i32
    %sign3A_1460 = arith.extui %sign3A_1459 : i1 to i32
    %sign3A_1461 = arith.constant 0 : i32
    %sign3A_1462 = arith.cmpi slt, %jit3A_1449, %sign3A_1461 : i32
    %sign3A_1463 = arith.extui %sign3A_1462 : i1 to i32
    %sign3A_1464 = arith.subi %sign3A_1460, %sign3A_1463 : i32
    %ne3A_1465 = arith.cmpi ne, %sign3A_1457, %sign3A_1464 : i32
    %rem3A_1466 = arith.remsi %add3A_1448, %jit3A_1449 : i32
    %ne3A_1467 = arith.constant 0 : i32
    %ne3A_1468 = arith.cmpi ne, %rem3A_1466, %ne3A_1467 : i32
    %and3A_1469 = arith.andi %ne3A_1465, %ne3A_1468 : i1
    %sub3A_1470 = arith.constant 1 : i32
    %sub3A_1471 = arith.subi %div3A_1450, %sub3A_1470 : i32
    %select_n3A_1472 = arith.select %and3A_1469, %sub3A_1471, %div3A_1450 : i32
    %jit3A_1473 = arith.constant 32 : i32
    %eq3A_1474 = arith.constant 0 : i32
    %eq3A_1475 = arith.cmpi eq, %jit3A_1473, %eq3A_1474 : i32
    %jit3A_1476 = arith.constant 1 : i32
    %select_n3A_1477 = arith.select %eq3A_1475, %jit3A_1476, %jit3A_1473 : i32
    %rem3A_1478 = arith.remsi %add3A_1448, %select_n3A_1477 : i32
    %ne3A_1479 = arith.constant 0 : i32
    %ne3A_1480 = arith.cmpi ne, %rem3A_1478, %ne3A_1479 : i32
    %lt3A_1481 = arith.constant 0 : i32
    %lt3A_1482 = arith.cmpi slt, %rem3A_1478, %lt3A_1481 : i32
    %lt3A_1483 = arith.constant 0 : i32
    %lt3A_1484 = arith.cmpi slt, %select_n3A_1477, %lt3A_1483 : i32
    %ne3A_1485 = arith.xori %lt3A_1482, %lt3A_1484 : i1
    %and3A_1486 = arith.andi %ne3A_1485, %ne3A_1480 : i1
    %add3A_1487 = arith.addi %rem3A_1478, %select_n3A_1477 : i32
    %select_n3A_1488 = arith.select %and3A_1486, %add3A_1487, %rem3A_1478 : i32
    %mul3A_1489 = arith.constant 128 : i32
    %mul3A_1490 = arith.muli %select_n3A_1488, %mul3A_1489 : i32
    %add3A_1491 = arith.constant 34 : i32
    %add3A_1492 = arith.addi %mul3A_4, %add3A_1491 : i32
    %jit3A_1493 = arith.constant 32 : i32
    %div3A_1494 = arith.divsi %add3A_1492, %jit3A_1493 : i32
    %sign3A_1495 = arith.constant 0 : i32
    %sign3A_1496 = arith.cmpi sgt, %add3A_1492, %sign3A_1495 : i32
    %sign3A_1497 = arith.extui %sign3A_1496 : i1 to i32
    %sign3A_1498 = arith.constant 0 : i32
    %sign3A_1499 = arith.cmpi slt, %add3A_1492, %sign3A_1498 : i32
    %sign3A_1500 = arith.extui %sign3A_1499 : i1 to i32
    %sign3A_1501 = arith.subi %sign3A_1497, %sign3A_1500 : i32
    %sign3A_1502 = arith.constant 0 : i32
    %sign3A_1503 = arith.cmpi sgt, %jit3A_1493, %sign3A_1502 : i32
    %sign3A_1504 = arith.extui %sign3A_1503 : i1 to i32
    %sign3A_1505 = arith.constant 0 : i32
    %sign3A_1506 = arith.cmpi slt, %jit3A_1493, %sign3A_1505 : i32
    %sign3A_1507 = arith.extui %sign3A_1506 : i1 to i32
    %sign3A_1508 = arith.subi %sign3A_1504, %sign3A_1507 : i32
    %ne3A_1509 = arith.cmpi ne, %sign3A_1501, %sign3A_1508 : i32
    %rem3A_1510 = arith.remsi %add3A_1492, %jit3A_1493 : i32
    %ne3A_1511 = arith.constant 0 : i32
    %ne3A_1512 = arith.cmpi ne, %rem3A_1510, %ne3A_1511 : i32
    %and3A_1513 = arith.andi %ne3A_1509, %ne3A_1512 : i1
    %sub3A_1514 = arith.constant 1 : i32
    %sub3A_1515 = arith.subi %div3A_1494, %sub3A_1514 : i32
    %select_n3A_1516 = arith.select %and3A_1513, %sub3A_1515, %div3A_1494 : i32
    %jit3A_1517 = arith.constant 32 : i32
    %eq3A_1518 = arith.constant 0 : i32
    %eq3A_1519 = arith.cmpi eq, %jit3A_1517, %eq3A_1518 : i32
    %jit3A_1520 = arith.constant 1 : i32
    %select_n3A_1521 = arith.select %eq3A_1519, %jit3A_1520, %jit3A_1517 : i32
    %rem3A_1522 = arith.remsi %add3A_1492, %select_n3A_1521 : i32
    %ne3A_1523 = arith.constant 0 : i32
    %ne3A_1524 = arith.cmpi ne, %rem3A_1522, %ne3A_1523 : i32
    %lt3A_1525 = arith.constant 0 : i32
    %lt3A_1526 = arith.cmpi slt, %rem3A_1522, %lt3A_1525 : i32
    %lt3A_1527 = arith.constant 0 : i32
    %lt3A_1528 = arith.cmpi slt, %select_n3A_1521, %lt3A_1527 : i32
    %ne3A_1529 = arith.xori %lt3A_1526, %lt3A_1528 : i1
    %and3A_1530 = arith.andi %ne3A_1529, %ne3A_1524 : i1
    %add3A_1531 = arith.addi %rem3A_1522, %select_n3A_1521 : i32
    %select_n3A_1532 = arith.select %and3A_1530, %add3A_1531, %rem3A_1522 : i32
    %mul3A_1533 = arith.constant 128 : i32
    %mul3A_1534 = arith.muli %select_n3A_1532, %mul3A_1533 : i32
    %add3A_1535 = arith.constant 35 : i32
    %add3A_1536 = arith.addi %mul3A_4, %add3A_1535 : i32
    %jit3A_1537 = arith.constant 32 : i32
    %div3A_1538 = arith.divsi %add3A_1536, %jit3A_1537 : i32
    %sign3A_1539 = arith.constant 0 : i32
    %sign3A_1540 = arith.cmpi sgt, %add3A_1536, %sign3A_1539 : i32
    %sign3A_1541 = arith.extui %sign3A_1540 : i1 to i32
    %sign3A_1542 = arith.constant 0 : i32
    %sign3A_1543 = arith.cmpi slt, %add3A_1536, %sign3A_1542 : i32
    %sign3A_1544 = arith.extui %sign3A_1543 : i1 to i32
    %sign3A_1545 = arith.subi %sign3A_1541, %sign3A_1544 : i32
    %sign3A_1546 = arith.constant 0 : i32
    %sign3A_1547 = arith.cmpi sgt, %jit3A_1537, %sign3A_1546 : i32
    %sign3A_1548 = arith.extui %sign3A_1547 : i1 to i32
    %sign3A_1549 = arith.constant 0 : i32
    %sign3A_1550 = arith.cmpi slt, %jit3A_1537, %sign3A_1549 : i32
    %sign3A_1551 = arith.extui %sign3A_1550 : i1 to i32
    %sign3A_1552 = arith.subi %sign3A_1548, %sign3A_1551 : i32
    %ne3A_1553 = arith.cmpi ne, %sign3A_1545, %sign3A_1552 : i32
    %rem3A_1554 = arith.remsi %add3A_1536, %jit3A_1537 : i32
    %ne3A_1555 = arith.constant 0 : i32
    %ne3A_1556 = arith.cmpi ne, %rem3A_1554, %ne3A_1555 : i32
    %and3A_1557 = arith.andi %ne3A_1553, %ne3A_1556 : i1
    %sub3A_1558 = arith.constant 1 : i32
    %sub3A_1559 = arith.subi %div3A_1538, %sub3A_1558 : i32
    %select_n3A_1560 = arith.select %and3A_1557, %sub3A_1559, %div3A_1538 : i32
    %jit3A_1561 = arith.constant 32 : i32
    %eq3A_1562 = arith.constant 0 : i32
    %eq3A_1563 = arith.cmpi eq, %jit3A_1561, %eq3A_1562 : i32
    %jit3A_1564 = arith.constant 1 : i32
    %select_n3A_1565 = arith.select %eq3A_1563, %jit3A_1564, %jit3A_1561 : i32
    %rem3A_1566 = arith.remsi %add3A_1536, %select_n3A_1565 : i32
    %ne3A_1567 = arith.constant 0 : i32
    %ne3A_1568 = arith.cmpi ne, %rem3A_1566, %ne3A_1567 : i32
    %lt3A_1569 = arith.constant 0 : i32
    %lt3A_1570 = arith.cmpi slt, %rem3A_1566, %lt3A_1569 : i32
    %lt3A_1571 = arith.constant 0 : i32
    %lt3A_1572 = arith.cmpi slt, %select_n3A_1565, %lt3A_1571 : i32
    %ne3A_1573 = arith.xori %lt3A_1570, %lt3A_1572 : i1
    %and3A_1574 = arith.andi %ne3A_1573, %ne3A_1568 : i1
    %add3A_1575 = arith.addi %rem3A_1566, %select_n3A_1565 : i32
    %select_n3A_1576 = arith.select %and3A_1574, %add3A_1575, %rem3A_1566 : i32
    %mul3A_1577 = arith.constant 128 : i32
    %mul3A_1578 = arith.muli %select_n3A_1576, %mul3A_1577 : i32
    %add3A_1579 = arith.constant 36 : i32
    %add3A_1580 = arith.addi %mul3A_4, %add3A_1579 : i32
    %jit3A_1581 = arith.constant 32 : i32
    %div3A_1582 = arith.divsi %add3A_1580, %jit3A_1581 : i32
    %sign3A_1583 = arith.constant 0 : i32
    %sign3A_1584 = arith.cmpi sgt, %add3A_1580, %sign3A_1583 : i32
    %sign3A_1585 = arith.extui %sign3A_1584 : i1 to i32
    %sign3A_1586 = arith.constant 0 : i32
    %sign3A_1587 = arith.cmpi slt, %add3A_1580, %sign3A_1586 : i32
    %sign3A_1588 = arith.extui %sign3A_1587 : i1 to i32
    %sign3A_1589 = arith.subi %sign3A_1585, %sign3A_1588 : i32
    %sign3A_1590 = arith.constant 0 : i32
    %sign3A_1591 = arith.cmpi sgt, %jit3A_1581, %sign3A_1590 : i32
    %sign3A_1592 = arith.extui %sign3A_1591 : i1 to i32
    %sign3A_1593 = arith.constant 0 : i32
    %sign3A_1594 = arith.cmpi slt, %jit3A_1581, %sign3A_1593 : i32
    %sign3A_1595 = arith.extui %sign3A_1594 : i1 to i32
    %sign3A_1596 = arith.subi %sign3A_1592, %sign3A_1595 : i32
    %ne3A_1597 = arith.cmpi ne, %sign3A_1589, %sign3A_1596 : i32
    %rem3A_1598 = arith.remsi %add3A_1580, %jit3A_1581 : i32
    %ne3A_1599 = arith.constant 0 : i32
    %ne3A_1600 = arith.cmpi ne, %rem3A_1598, %ne3A_1599 : i32
    %and3A_1601 = arith.andi %ne3A_1597, %ne3A_1600 : i1
    %sub3A_1602 = arith.constant 1 : i32
    %sub3A_1603 = arith.subi %div3A_1582, %sub3A_1602 : i32
    %select_n3A_1604 = arith.select %and3A_1601, %sub3A_1603, %div3A_1582 : i32
    %jit3A_1605 = arith.constant 32 : i32
    %eq3A_1606 = arith.constant 0 : i32
    %eq3A_1607 = arith.cmpi eq, %jit3A_1605, %eq3A_1606 : i32
    %jit3A_1608 = arith.constant 1 : i32
    %select_n3A_1609 = arith.select %eq3A_1607, %jit3A_1608, %jit3A_1605 : i32
    %rem3A_1610 = arith.remsi %add3A_1580, %select_n3A_1609 : i32
    %ne3A_1611 = arith.constant 0 : i32
    %ne3A_1612 = arith.cmpi ne, %rem3A_1610, %ne3A_1611 : i32
    %lt3A_1613 = arith.constant 0 : i32
    %lt3A_1614 = arith.cmpi slt, %rem3A_1610, %lt3A_1613 : i32
    %lt3A_1615 = arith.constant 0 : i32
    %lt3A_1616 = arith.cmpi slt, %select_n3A_1609, %lt3A_1615 : i32
    %ne3A_1617 = arith.xori %lt3A_1614, %lt3A_1616 : i1
    %and3A_1618 = arith.andi %ne3A_1617, %ne3A_1612 : i1
    %add3A_1619 = arith.addi %rem3A_1610, %select_n3A_1609 : i32
    %select_n3A_1620 = arith.select %and3A_1618, %add3A_1619, %rem3A_1610 : i32
    %mul3A_1621 = arith.constant 128 : i32
    %mul3A_1622 = arith.muli %select_n3A_1620, %mul3A_1621 : i32
    %add3A_1623 = arith.constant 37 : i32
    %add3A_1624 = arith.addi %mul3A_4, %add3A_1623 : i32
    %jit3A_1625 = arith.constant 32 : i32
    %div3A_1626 = arith.divsi %add3A_1624, %jit3A_1625 : i32
    %sign3A_1627 = arith.constant 0 : i32
    %sign3A_1628 = arith.cmpi sgt, %add3A_1624, %sign3A_1627 : i32
    %sign3A_1629 = arith.extui %sign3A_1628 : i1 to i32
    %sign3A_1630 = arith.constant 0 : i32
    %sign3A_1631 = arith.cmpi slt, %add3A_1624, %sign3A_1630 : i32
    %sign3A_1632 = arith.extui %sign3A_1631 : i1 to i32
    %sign3A_1633 = arith.subi %sign3A_1629, %sign3A_1632 : i32
    %sign3A_1634 = arith.constant 0 : i32
    %sign3A_1635 = arith.cmpi sgt, %jit3A_1625, %sign3A_1634 : i32
    %sign3A_1636 = arith.extui %sign3A_1635 : i1 to i32
    %sign3A_1637 = arith.constant 0 : i32
    %sign3A_1638 = arith.cmpi slt, %jit3A_1625, %sign3A_1637 : i32
    %sign3A_1639 = arith.extui %sign3A_1638 : i1 to i32
    %sign3A_1640 = arith.subi %sign3A_1636, %sign3A_1639 : i32
    %ne3A_1641 = arith.cmpi ne, %sign3A_1633, %sign3A_1640 : i32
    %rem3A_1642 = arith.remsi %add3A_1624, %jit3A_1625 : i32
    %ne3A_1643 = arith.constant 0 : i32
    %ne3A_1644 = arith.cmpi ne, %rem3A_1642, %ne3A_1643 : i32
    %and3A_1645 = arith.andi %ne3A_1641, %ne3A_1644 : i1
    %sub3A_1646 = arith.constant 1 : i32
    %sub3A_1647 = arith.subi %div3A_1626, %sub3A_1646 : i32
    %select_n3A_1648 = arith.select %and3A_1645, %sub3A_1647, %div3A_1626 : i32
    %jit3A_1649 = arith.constant 32 : i32
    %eq3A_1650 = arith.constant 0 : i32
    %eq3A_1651 = arith.cmpi eq, %jit3A_1649, %eq3A_1650 : i32
    %jit3A_1652 = arith.constant 1 : i32
    %select_n3A_1653 = arith.select %eq3A_1651, %jit3A_1652, %jit3A_1649 : i32
    %rem3A_1654 = arith.remsi %add3A_1624, %select_n3A_1653 : i32
    %ne3A_1655 = arith.constant 0 : i32
    %ne3A_1656 = arith.cmpi ne, %rem3A_1654, %ne3A_1655 : i32
    %lt3A_1657 = arith.constant 0 : i32
    %lt3A_1658 = arith.cmpi slt, %rem3A_1654, %lt3A_1657 : i32
    %lt3A_1659 = arith.constant 0 : i32
    %lt3A_1660 = arith.cmpi slt, %select_n3A_1653, %lt3A_1659 : i32
    %ne3A_1661 = arith.xori %lt3A_1658, %lt3A_1660 : i1
    %and3A_1662 = arith.andi %ne3A_1661, %ne3A_1656 : i1
    %add3A_1663 = arith.addi %rem3A_1654, %select_n3A_1653 : i32
    %select_n3A_1664 = arith.select %and3A_1662, %add3A_1663, %rem3A_1654 : i32
    %mul3A_1665 = arith.constant 128 : i32
    %mul3A_1666 = arith.muli %select_n3A_1664, %mul3A_1665 : i32
    %add3A_1667 = arith.constant 38 : i32
    %add3A_1668 = arith.addi %mul3A_4, %add3A_1667 : i32
    %jit3A_1669 = arith.constant 32 : i32
    %div3A_1670 = arith.divsi %add3A_1668, %jit3A_1669 : i32
    %sign3A_1671 = arith.constant 0 : i32
    %sign3A_1672 = arith.cmpi sgt, %add3A_1668, %sign3A_1671 : i32
    %sign3A_1673 = arith.extui %sign3A_1672 : i1 to i32
    %sign3A_1674 = arith.constant 0 : i32
    %sign3A_1675 = arith.cmpi slt, %add3A_1668, %sign3A_1674 : i32
    %sign3A_1676 = arith.extui %sign3A_1675 : i1 to i32
    %sign3A_1677 = arith.subi %sign3A_1673, %sign3A_1676 : i32
    %sign3A_1678 = arith.constant 0 : i32
    %sign3A_1679 = arith.cmpi sgt, %jit3A_1669, %sign3A_1678 : i32
    %sign3A_1680 = arith.extui %sign3A_1679 : i1 to i32
    %sign3A_1681 = arith.constant 0 : i32
    %sign3A_1682 = arith.cmpi slt, %jit3A_1669, %sign3A_1681 : i32
    %sign3A_1683 = arith.extui %sign3A_1682 : i1 to i32
    %sign3A_1684 = arith.subi %sign3A_1680, %sign3A_1683 : i32
    %ne3A_1685 = arith.cmpi ne, %sign3A_1677, %sign3A_1684 : i32
    %rem3A_1686 = arith.remsi %add3A_1668, %jit3A_1669 : i32
    %ne3A_1687 = arith.constant 0 : i32
    %ne3A_1688 = arith.cmpi ne, %rem3A_1686, %ne3A_1687 : i32
    %and3A_1689 = arith.andi %ne3A_1685, %ne3A_1688 : i1
    %sub3A_1690 = arith.constant 1 : i32
    %sub3A_1691 = arith.subi %div3A_1670, %sub3A_1690 : i32
    %select_n3A_1692 = arith.select %and3A_1689, %sub3A_1691, %div3A_1670 : i32
    %jit3A_1693 = arith.constant 32 : i32
    %eq3A_1694 = arith.constant 0 : i32
    %eq3A_1695 = arith.cmpi eq, %jit3A_1693, %eq3A_1694 : i32
    %jit3A_1696 = arith.constant 1 : i32
    %select_n3A_1697 = arith.select %eq3A_1695, %jit3A_1696, %jit3A_1693 : i32
    %rem3A_1698 = arith.remsi %add3A_1668, %select_n3A_1697 : i32
    %ne3A_1699 = arith.constant 0 : i32
    %ne3A_1700 = arith.cmpi ne, %rem3A_1698, %ne3A_1699 : i32
    %lt3A_1701 = arith.constant 0 : i32
    %lt3A_1702 = arith.cmpi slt, %rem3A_1698, %lt3A_1701 : i32
    %lt3A_1703 = arith.constant 0 : i32
    %lt3A_1704 = arith.cmpi slt, %select_n3A_1697, %lt3A_1703 : i32
    %ne3A_1705 = arith.xori %lt3A_1702, %lt3A_1704 : i1
    %and3A_1706 = arith.andi %ne3A_1705, %ne3A_1700 : i1
    %add3A_1707 = arith.addi %rem3A_1698, %select_n3A_1697 : i32
    %select_n3A_1708 = arith.select %and3A_1706, %add3A_1707, %rem3A_1698 : i32
    %mul3A_1709 = arith.constant 128 : i32
    %mul3A_1710 = arith.muli %select_n3A_1708, %mul3A_1709 : i32
    %add3A_1711 = arith.constant 39 : i32
    %add3A_1712 = arith.addi %mul3A_4, %add3A_1711 : i32
    %jit3A_1713 = arith.constant 32 : i32
    %div3A_1714 = arith.divsi %add3A_1712, %jit3A_1713 : i32
    %sign3A_1715 = arith.constant 0 : i32
    %sign3A_1716 = arith.cmpi sgt, %add3A_1712, %sign3A_1715 : i32
    %sign3A_1717 = arith.extui %sign3A_1716 : i1 to i32
    %sign3A_1718 = arith.constant 0 : i32
    %sign3A_1719 = arith.cmpi slt, %add3A_1712, %sign3A_1718 : i32
    %sign3A_1720 = arith.extui %sign3A_1719 : i1 to i32
    %sign3A_1721 = arith.subi %sign3A_1717, %sign3A_1720 : i32
    %sign3A_1722 = arith.constant 0 : i32
    %sign3A_1723 = arith.cmpi sgt, %jit3A_1713, %sign3A_1722 : i32
    %sign3A_1724 = arith.extui %sign3A_1723 : i1 to i32
    %sign3A_1725 = arith.constant 0 : i32
    %sign3A_1726 = arith.cmpi slt, %jit3A_1713, %sign3A_1725 : i32
    %sign3A_1727 = arith.extui %sign3A_1726 : i1 to i32
    %sign3A_1728 = arith.subi %sign3A_1724, %sign3A_1727 : i32
    %ne3A_1729 = arith.cmpi ne, %sign3A_1721, %sign3A_1728 : i32
    %rem3A_1730 = arith.remsi %add3A_1712, %jit3A_1713 : i32
    %ne3A_1731 = arith.constant 0 : i32
    %ne3A_1732 = arith.cmpi ne, %rem3A_1730, %ne3A_1731 : i32
    %and3A_1733 = arith.andi %ne3A_1729, %ne3A_1732 : i1
    %sub3A_1734 = arith.constant 1 : i32
    %sub3A_1735 = arith.subi %div3A_1714, %sub3A_1734 : i32
    %select_n3A_1736 = arith.select %and3A_1733, %sub3A_1735, %div3A_1714 : i32
    %jit3A_1737 = arith.constant 32 : i32
    %eq3A_1738 = arith.constant 0 : i32
    %eq3A_1739 = arith.cmpi eq, %jit3A_1737, %eq3A_1738 : i32
    %jit3A_1740 = arith.constant 1 : i32
    %select_n3A_1741 = arith.select %eq3A_1739, %jit3A_1740, %jit3A_1737 : i32
    %rem3A_1742 = arith.remsi %add3A_1712, %select_n3A_1741 : i32
    %ne3A_1743 = arith.constant 0 : i32
    %ne3A_1744 = arith.cmpi ne, %rem3A_1742, %ne3A_1743 : i32
    %lt3A_1745 = arith.constant 0 : i32
    %lt3A_1746 = arith.cmpi slt, %rem3A_1742, %lt3A_1745 : i32
    %lt3A_1747 = arith.constant 0 : i32
    %lt3A_1748 = arith.cmpi slt, %select_n3A_1741, %lt3A_1747 : i32
    %ne3A_1749 = arith.xori %lt3A_1746, %lt3A_1748 : i1
    %and3A_1750 = arith.andi %ne3A_1749, %ne3A_1744 : i1
    %add3A_1751 = arith.addi %rem3A_1742, %select_n3A_1741 : i32
    %select_n3A_1752 = arith.select %and3A_1750, %add3A_1751, %rem3A_1742 : i32
    %mul3A_1753 = arith.constant 128 : i32
    %mul3A_1754 = arith.muli %select_n3A_1752, %mul3A_1753 : i32
    %add3A_1755 = arith.constant 40 : i32
    %add3A_1756 = arith.addi %mul3A_4, %add3A_1755 : i32
    %jit3A_1757 = arith.constant 32 : i32
    %div3A_1758 = arith.divsi %add3A_1756, %jit3A_1757 : i32
    %sign3A_1759 = arith.constant 0 : i32
    %sign3A_1760 = arith.cmpi sgt, %add3A_1756, %sign3A_1759 : i32
    %sign3A_1761 = arith.extui %sign3A_1760 : i1 to i32
    %sign3A_1762 = arith.constant 0 : i32
    %sign3A_1763 = arith.cmpi slt, %add3A_1756, %sign3A_1762 : i32
    %sign3A_1764 = arith.extui %sign3A_1763 : i1 to i32
    %sign3A_1765 = arith.subi %sign3A_1761, %sign3A_1764 : i32
    %sign3A_1766 = arith.constant 0 : i32
    %sign3A_1767 = arith.cmpi sgt, %jit3A_1757, %sign3A_1766 : i32
    %sign3A_1768 = arith.extui %sign3A_1767 : i1 to i32
    %sign3A_1769 = arith.constant 0 : i32
    %sign3A_1770 = arith.cmpi slt, %jit3A_1757, %sign3A_1769 : i32
    %sign3A_1771 = arith.extui %sign3A_1770 : i1 to i32
    %sign3A_1772 = arith.subi %sign3A_1768, %sign3A_1771 : i32
    %ne3A_1773 = arith.cmpi ne, %sign3A_1765, %sign3A_1772 : i32
    %rem3A_1774 = arith.remsi %add3A_1756, %jit3A_1757 : i32
    %ne3A_1775 = arith.constant 0 : i32
    %ne3A_1776 = arith.cmpi ne, %rem3A_1774, %ne3A_1775 : i32
    %and3A_1777 = arith.andi %ne3A_1773, %ne3A_1776 : i1
    %sub3A_1778 = arith.constant 1 : i32
    %sub3A_1779 = arith.subi %div3A_1758, %sub3A_1778 : i32
    %select_n3A_1780 = arith.select %and3A_1777, %sub3A_1779, %div3A_1758 : i32
    %jit3A_1781 = arith.constant 32 : i32
    %eq3A_1782 = arith.constant 0 : i32
    %eq3A_1783 = arith.cmpi eq, %jit3A_1781, %eq3A_1782 : i32
    %jit3A_1784 = arith.constant 1 : i32
    %select_n3A_1785 = arith.select %eq3A_1783, %jit3A_1784, %jit3A_1781 : i32
    %rem3A_1786 = arith.remsi %add3A_1756, %select_n3A_1785 : i32
    %ne3A_1787 = arith.constant 0 : i32
    %ne3A_1788 = arith.cmpi ne, %rem3A_1786, %ne3A_1787 : i32
    %lt3A_1789 = arith.constant 0 : i32
    %lt3A_1790 = arith.cmpi slt, %rem3A_1786, %lt3A_1789 : i32
    %lt3A_1791 = arith.constant 0 : i32
    %lt3A_1792 = arith.cmpi slt, %select_n3A_1785, %lt3A_1791 : i32
    %ne3A_1793 = arith.xori %lt3A_1790, %lt3A_1792 : i1
    %and3A_1794 = arith.andi %ne3A_1793, %ne3A_1788 : i1
    %add3A_1795 = arith.addi %rem3A_1786, %select_n3A_1785 : i32
    %select_n3A_1796 = arith.select %and3A_1794, %add3A_1795, %rem3A_1786 : i32
    %mul3A_1797 = arith.constant 128 : i32
    %mul3A_1798 = arith.muli %select_n3A_1796, %mul3A_1797 : i32
    %add3A_1799 = arith.constant 41 : i32
    %add3A_1800 = arith.addi %mul3A_4, %add3A_1799 : i32
    %jit3A_1801 = arith.constant 32 : i32
    %div3A_1802 = arith.divsi %add3A_1800, %jit3A_1801 : i32
    %sign3A_1803 = arith.constant 0 : i32
    %sign3A_1804 = arith.cmpi sgt, %add3A_1800, %sign3A_1803 : i32
    %sign3A_1805 = arith.extui %sign3A_1804 : i1 to i32
    %sign3A_1806 = arith.constant 0 : i32
    %sign3A_1807 = arith.cmpi slt, %add3A_1800, %sign3A_1806 : i32
    %sign3A_1808 = arith.extui %sign3A_1807 : i1 to i32
    %sign3A_1809 = arith.subi %sign3A_1805, %sign3A_1808 : i32
    %sign3A_1810 = arith.constant 0 : i32
    %sign3A_1811 = arith.cmpi sgt, %jit3A_1801, %sign3A_1810 : i32
    %sign3A_1812 = arith.extui %sign3A_1811 : i1 to i32
    %sign3A_1813 = arith.constant 0 : i32
    %sign3A_1814 = arith.cmpi slt, %jit3A_1801, %sign3A_1813 : i32
    %sign3A_1815 = arith.extui %sign3A_1814 : i1 to i32
    %sign3A_1816 = arith.subi %sign3A_1812, %sign3A_1815 : i32
    %ne3A_1817 = arith.cmpi ne, %sign3A_1809, %sign3A_1816 : i32
    %rem3A_1818 = arith.remsi %add3A_1800, %jit3A_1801 : i32
    %ne3A_1819 = arith.constant 0 : i32
    %ne3A_1820 = arith.cmpi ne, %rem3A_1818, %ne3A_1819 : i32
    %and3A_1821 = arith.andi %ne3A_1817, %ne3A_1820 : i1
    %sub3A_1822 = arith.constant 1 : i32
    %sub3A_1823 = arith.subi %div3A_1802, %sub3A_1822 : i32
    %select_n3A_1824 = arith.select %and3A_1821, %sub3A_1823, %div3A_1802 : i32
    %jit3A_1825 = arith.constant 32 : i32
    %eq3A_1826 = arith.constant 0 : i32
    %eq3A_1827 = arith.cmpi eq, %jit3A_1825, %eq3A_1826 : i32
    %jit3A_1828 = arith.constant 1 : i32
    %select_n3A_1829 = arith.select %eq3A_1827, %jit3A_1828, %jit3A_1825 : i32
    %rem3A_1830 = arith.remsi %add3A_1800, %select_n3A_1829 : i32
    %ne3A_1831 = arith.constant 0 : i32
    %ne3A_1832 = arith.cmpi ne, %rem3A_1830, %ne3A_1831 : i32
    %lt3A_1833 = arith.constant 0 : i32
    %lt3A_1834 = arith.cmpi slt, %rem3A_1830, %lt3A_1833 : i32
    %lt3A_1835 = arith.constant 0 : i32
    %lt3A_1836 = arith.cmpi slt, %select_n3A_1829, %lt3A_1835 : i32
    %ne3A_1837 = arith.xori %lt3A_1834, %lt3A_1836 : i1
    %and3A_1838 = arith.andi %ne3A_1837, %ne3A_1832 : i1
    %add3A_1839 = arith.addi %rem3A_1830, %select_n3A_1829 : i32
    %select_n3A_1840 = arith.select %and3A_1838, %add3A_1839, %rem3A_1830 : i32
    %mul3A_1841 = arith.constant 128 : i32
    %mul3A_1842 = arith.muli %select_n3A_1840, %mul3A_1841 : i32
    %add3A_1843 = arith.constant 42 : i32
    %add3A_1844 = arith.addi %mul3A_4, %add3A_1843 : i32
    %jit3A_1845 = arith.constant 32 : i32
    %div3A_1846 = arith.divsi %add3A_1844, %jit3A_1845 : i32
    %sign3A_1847 = arith.constant 0 : i32
    %sign3A_1848 = arith.cmpi sgt, %add3A_1844, %sign3A_1847 : i32
    %sign3A_1849 = arith.extui %sign3A_1848 : i1 to i32
    %sign3A_1850 = arith.constant 0 : i32
    %sign3A_1851 = arith.cmpi slt, %add3A_1844, %sign3A_1850 : i32
    %sign3A_1852 = arith.extui %sign3A_1851 : i1 to i32
    %sign3A_1853 = arith.subi %sign3A_1849, %sign3A_1852 : i32
    %sign3A_1854 = arith.constant 0 : i32
    %sign3A_1855 = arith.cmpi sgt, %jit3A_1845, %sign3A_1854 : i32
    %sign3A_1856 = arith.extui %sign3A_1855 : i1 to i32
    %sign3A_1857 = arith.constant 0 : i32
    %sign3A_1858 = arith.cmpi slt, %jit3A_1845, %sign3A_1857 : i32
    %sign3A_1859 = arith.extui %sign3A_1858 : i1 to i32
    %sign3A_1860 = arith.subi %sign3A_1856, %sign3A_1859 : i32
    %ne3A_1861 = arith.cmpi ne, %sign3A_1853, %sign3A_1860 : i32
    %rem3A_1862 = arith.remsi %add3A_1844, %jit3A_1845 : i32
    %ne3A_1863 = arith.constant 0 : i32
    %ne3A_1864 = arith.cmpi ne, %rem3A_1862, %ne3A_1863 : i32
    %and3A_1865 = arith.andi %ne3A_1861, %ne3A_1864 : i1
    %sub3A_1866 = arith.constant 1 : i32
    %sub3A_1867 = arith.subi %div3A_1846, %sub3A_1866 : i32
    %select_n3A_1868 = arith.select %and3A_1865, %sub3A_1867, %div3A_1846 : i32
    %jit3A_1869 = arith.constant 32 : i32
    %eq3A_1870 = arith.constant 0 : i32
    %eq3A_1871 = arith.cmpi eq, %jit3A_1869, %eq3A_1870 : i32
    %jit3A_1872 = arith.constant 1 : i32
    %select_n3A_1873 = arith.select %eq3A_1871, %jit3A_1872, %jit3A_1869 : i32
    %rem3A_1874 = arith.remsi %add3A_1844, %select_n3A_1873 : i32
    %ne3A_1875 = arith.constant 0 : i32
    %ne3A_1876 = arith.cmpi ne, %rem3A_1874, %ne3A_1875 : i32
    %lt3A_1877 = arith.constant 0 : i32
    %lt3A_1878 = arith.cmpi slt, %rem3A_1874, %lt3A_1877 : i32
    %lt3A_1879 = arith.constant 0 : i32
    %lt3A_1880 = arith.cmpi slt, %select_n3A_1873, %lt3A_1879 : i32
    %ne3A_1881 = arith.xori %lt3A_1878, %lt3A_1880 : i1
    %and3A_1882 = arith.andi %ne3A_1881, %ne3A_1876 : i1
    %add3A_1883 = arith.addi %rem3A_1874, %select_n3A_1873 : i32
    %select_n3A_1884 = arith.select %and3A_1882, %add3A_1883, %rem3A_1874 : i32
    %mul3A_1885 = arith.constant 128 : i32
    %mul3A_1886 = arith.muli %select_n3A_1884, %mul3A_1885 : i32
    %add3A_1887 = arith.constant 43 : i32
    %add3A_1888 = arith.addi %mul3A_4, %add3A_1887 : i32
    %jit3A_1889 = arith.constant 32 : i32
    %div3A_1890 = arith.divsi %add3A_1888, %jit3A_1889 : i32
    %sign3A_1891 = arith.constant 0 : i32
    %sign3A_1892 = arith.cmpi sgt, %add3A_1888, %sign3A_1891 : i32
    %sign3A_1893 = arith.extui %sign3A_1892 : i1 to i32
    %sign3A_1894 = arith.constant 0 : i32
    %sign3A_1895 = arith.cmpi slt, %add3A_1888, %sign3A_1894 : i32
    %sign3A_1896 = arith.extui %sign3A_1895 : i1 to i32
    %sign3A_1897 = arith.subi %sign3A_1893, %sign3A_1896 : i32
    %sign3A_1898 = arith.constant 0 : i32
    %sign3A_1899 = arith.cmpi sgt, %jit3A_1889, %sign3A_1898 : i32
    %sign3A_1900 = arith.extui %sign3A_1899 : i1 to i32
    %sign3A_1901 = arith.constant 0 : i32
    %sign3A_1902 = arith.cmpi slt, %jit3A_1889, %sign3A_1901 : i32
    %sign3A_1903 = arith.extui %sign3A_1902 : i1 to i32
    %sign3A_1904 = arith.subi %sign3A_1900, %sign3A_1903 : i32
    %ne3A_1905 = arith.cmpi ne, %sign3A_1897, %sign3A_1904 : i32
    %rem3A_1906 = arith.remsi %add3A_1888, %jit3A_1889 : i32
    %ne3A_1907 = arith.constant 0 : i32
    %ne3A_1908 = arith.cmpi ne, %rem3A_1906, %ne3A_1907 : i32
    %and3A_1909 = arith.andi %ne3A_1905, %ne3A_1908 : i1
    %sub3A_1910 = arith.constant 1 : i32
    %sub3A_1911 = arith.subi %div3A_1890, %sub3A_1910 : i32
    %select_n3A_1912 = arith.select %and3A_1909, %sub3A_1911, %div3A_1890 : i32
    %jit3A_1913 = arith.constant 32 : i32
    %eq3A_1914 = arith.constant 0 : i32
    %eq3A_1915 = arith.cmpi eq, %jit3A_1913, %eq3A_1914 : i32
    %jit3A_1916 = arith.constant 1 : i32
    %select_n3A_1917 = arith.select %eq3A_1915, %jit3A_1916, %jit3A_1913 : i32
    %rem3A_1918 = arith.remsi %add3A_1888, %select_n3A_1917 : i32
    %ne3A_1919 = arith.constant 0 : i32
    %ne3A_1920 = arith.cmpi ne, %rem3A_1918, %ne3A_1919 : i32
    %lt3A_1921 = arith.constant 0 : i32
    %lt3A_1922 = arith.cmpi slt, %rem3A_1918, %lt3A_1921 : i32
    %lt3A_1923 = arith.constant 0 : i32
    %lt3A_1924 = arith.cmpi slt, %select_n3A_1917, %lt3A_1923 : i32
    %ne3A_1925 = arith.xori %lt3A_1922, %lt3A_1924 : i1
    %and3A_1926 = arith.andi %ne3A_1925, %ne3A_1920 : i1
    %add3A_1927 = arith.addi %rem3A_1918, %select_n3A_1917 : i32
    %select_n3A_1928 = arith.select %and3A_1926, %add3A_1927, %rem3A_1918 : i32
    %mul3A_1929 = arith.constant 128 : i32
    %mul3A_1930 = arith.muli %select_n3A_1928, %mul3A_1929 : i32
    %add3A_1931 = arith.constant 44 : i32
    %add3A_1932 = arith.addi %mul3A_4, %add3A_1931 : i32
    %jit3A_1933 = arith.constant 32 : i32
    %div3A_1934 = arith.divsi %add3A_1932, %jit3A_1933 : i32
    %sign3A_1935 = arith.constant 0 : i32
    %sign3A_1936 = arith.cmpi sgt, %add3A_1932, %sign3A_1935 : i32
    %sign3A_1937 = arith.extui %sign3A_1936 : i1 to i32
    %sign3A_1938 = arith.constant 0 : i32
    %sign3A_1939 = arith.cmpi slt, %add3A_1932, %sign3A_1938 : i32
    %sign3A_1940 = arith.extui %sign3A_1939 : i1 to i32
    %sign3A_1941 = arith.subi %sign3A_1937, %sign3A_1940 : i32
    %sign3A_1942 = arith.constant 0 : i32
    %sign3A_1943 = arith.cmpi sgt, %jit3A_1933, %sign3A_1942 : i32
    %sign3A_1944 = arith.extui %sign3A_1943 : i1 to i32
    %sign3A_1945 = arith.constant 0 : i32
    %sign3A_1946 = arith.cmpi slt, %jit3A_1933, %sign3A_1945 : i32
    %sign3A_1947 = arith.extui %sign3A_1946 : i1 to i32
    %sign3A_1948 = arith.subi %sign3A_1944, %sign3A_1947 : i32
    %ne3A_1949 = arith.cmpi ne, %sign3A_1941, %sign3A_1948 : i32
    %rem3A_1950 = arith.remsi %add3A_1932, %jit3A_1933 : i32
    %ne3A_1951 = arith.constant 0 : i32
    %ne3A_1952 = arith.cmpi ne, %rem3A_1950, %ne3A_1951 : i32
    %and3A_1953 = arith.andi %ne3A_1949, %ne3A_1952 : i1
    %sub3A_1954 = arith.constant 1 : i32
    %sub3A_1955 = arith.subi %div3A_1934, %sub3A_1954 : i32
    %select_n3A_1956 = arith.select %and3A_1953, %sub3A_1955, %div3A_1934 : i32
    %jit3A_1957 = arith.constant 32 : i32
    %eq3A_1958 = arith.constant 0 : i32
    %eq3A_1959 = arith.cmpi eq, %jit3A_1957, %eq3A_1958 : i32
    %jit3A_1960 = arith.constant 1 : i32
    %select_n3A_1961 = arith.select %eq3A_1959, %jit3A_1960, %jit3A_1957 : i32
    %rem3A_1962 = arith.remsi %add3A_1932, %select_n3A_1961 : i32
    %ne3A_1963 = arith.constant 0 : i32
    %ne3A_1964 = arith.cmpi ne, %rem3A_1962, %ne3A_1963 : i32
    %lt3A_1965 = arith.constant 0 : i32
    %lt3A_1966 = arith.cmpi slt, %rem3A_1962, %lt3A_1965 : i32
    %lt3A_1967 = arith.constant 0 : i32
    %lt3A_1968 = arith.cmpi slt, %select_n3A_1961, %lt3A_1967 : i32
    %ne3A_1969 = arith.xori %lt3A_1966, %lt3A_1968 : i1
    %and3A_1970 = arith.andi %ne3A_1969, %ne3A_1964 : i1
    %add3A_1971 = arith.addi %rem3A_1962, %select_n3A_1961 : i32
    %select_n3A_1972 = arith.select %and3A_1970, %add3A_1971, %rem3A_1962 : i32
    %mul3A_1973 = arith.constant 128 : i32
    %mul3A_1974 = arith.muli %select_n3A_1972, %mul3A_1973 : i32
    %add3A_1975 = arith.constant 45 : i32
    %add3A_1976 = arith.addi %mul3A_4, %add3A_1975 : i32
    %jit3A_1977 = arith.constant 32 : i32
    %div3A_1978 = arith.divsi %add3A_1976, %jit3A_1977 : i32
    %sign3A_1979 = arith.constant 0 : i32
    %sign3A_1980 = arith.cmpi sgt, %add3A_1976, %sign3A_1979 : i32
    %sign3A_1981 = arith.extui %sign3A_1980 : i1 to i32
    %sign3A_1982 = arith.constant 0 : i32
    %sign3A_1983 = arith.cmpi slt, %add3A_1976, %sign3A_1982 : i32
    %sign3A_1984 = arith.extui %sign3A_1983 : i1 to i32
    %sign3A_1985 = arith.subi %sign3A_1981, %sign3A_1984 : i32
    %sign3A_1986 = arith.constant 0 : i32
    %sign3A_1987 = arith.cmpi sgt, %jit3A_1977, %sign3A_1986 : i32
    %sign3A_1988 = arith.extui %sign3A_1987 : i1 to i32
    %sign3A_1989 = arith.constant 0 : i32
    %sign3A_1990 = arith.cmpi slt, %jit3A_1977, %sign3A_1989 : i32
    %sign3A_1991 = arith.extui %sign3A_1990 : i1 to i32
    %sign3A_1992 = arith.subi %sign3A_1988, %sign3A_1991 : i32
    %ne3A_1993 = arith.cmpi ne, %sign3A_1985, %sign3A_1992 : i32
    %rem3A_1994 = arith.remsi %add3A_1976, %jit3A_1977 : i32
    %ne3A_1995 = arith.constant 0 : i32
    %ne3A_1996 = arith.cmpi ne, %rem3A_1994, %ne3A_1995 : i32
    %and3A_1997 = arith.andi %ne3A_1993, %ne3A_1996 : i1
    %sub3A_1998 = arith.constant 1 : i32
    %sub3A_1999 = arith.subi %div3A_1978, %sub3A_1998 : i32
    %select_n3A_2000 = arith.select %and3A_1997, %sub3A_1999, %div3A_1978 : i32
    %jit3A_2001 = arith.constant 32 : i32
    %eq3A_2002 = arith.constant 0 : i32
    %eq3A_2003 = arith.cmpi eq, %jit3A_2001, %eq3A_2002 : i32
    %jit3A_2004 = arith.constant 1 : i32
    %select_n3A_2005 = arith.select %eq3A_2003, %jit3A_2004, %jit3A_2001 : i32
    %rem3A_2006 = arith.remsi %add3A_1976, %select_n3A_2005 : i32
    %ne3A_2007 = arith.constant 0 : i32
    %ne3A_2008 = arith.cmpi ne, %rem3A_2006, %ne3A_2007 : i32
    %lt3A_2009 = arith.constant 0 : i32
    %lt3A_2010 = arith.cmpi slt, %rem3A_2006, %lt3A_2009 : i32
    %lt3A_2011 = arith.constant 0 : i32
    %lt3A_2012 = arith.cmpi slt, %select_n3A_2005, %lt3A_2011 : i32
    %ne3A_2013 = arith.xori %lt3A_2010, %lt3A_2012 : i1
    %and3A_2014 = arith.andi %ne3A_2013, %ne3A_2008 : i1
    %add3A_2015 = arith.addi %rem3A_2006, %select_n3A_2005 : i32
    %select_n3A_2016 = arith.select %and3A_2014, %add3A_2015, %rem3A_2006 : i32
    %mul3A_2017 = arith.constant 128 : i32
    %mul3A_2018 = arith.muli %select_n3A_2016, %mul3A_2017 : i32
    %add3A_2019 = arith.constant 46 : i32
    %add3A_2020 = arith.addi %mul3A_4, %add3A_2019 : i32
    %jit3A_2021 = arith.constant 32 : i32
    %div3A_2022 = arith.divsi %add3A_2020, %jit3A_2021 : i32
    %sign3A_2023 = arith.constant 0 : i32
    %sign3A_2024 = arith.cmpi sgt, %add3A_2020, %sign3A_2023 : i32
    %sign3A_2025 = arith.extui %sign3A_2024 : i1 to i32
    %sign3A_2026 = arith.constant 0 : i32
    %sign3A_2027 = arith.cmpi slt, %add3A_2020, %sign3A_2026 : i32
    %sign3A_2028 = arith.extui %sign3A_2027 : i1 to i32
    %sign3A_2029 = arith.subi %sign3A_2025, %sign3A_2028 : i32
    %sign3A_2030 = arith.constant 0 : i32
    %sign3A_2031 = arith.cmpi sgt, %jit3A_2021, %sign3A_2030 : i32
    %sign3A_2032 = arith.extui %sign3A_2031 : i1 to i32
    %sign3A_2033 = arith.constant 0 : i32
    %sign3A_2034 = arith.cmpi slt, %jit3A_2021, %sign3A_2033 : i32
    %sign3A_2035 = arith.extui %sign3A_2034 : i1 to i32
    %sign3A_2036 = arith.subi %sign3A_2032, %sign3A_2035 : i32
    %ne3A_2037 = arith.cmpi ne, %sign3A_2029, %sign3A_2036 : i32
    %rem3A_2038 = arith.remsi %add3A_2020, %jit3A_2021 : i32
    %ne3A_2039 = arith.constant 0 : i32
    %ne3A_2040 = arith.cmpi ne, %rem3A_2038, %ne3A_2039 : i32
    %and3A_2041 = arith.andi %ne3A_2037, %ne3A_2040 : i1
    %sub3A_2042 = arith.constant 1 : i32
    %sub3A_2043 = arith.subi %div3A_2022, %sub3A_2042 : i32
    %select_n3A_2044 = arith.select %and3A_2041, %sub3A_2043, %div3A_2022 : i32
    %jit3A_2045 = arith.constant 32 : i32
    %eq3A_2046 = arith.constant 0 : i32
    %eq3A_2047 = arith.cmpi eq, %jit3A_2045, %eq3A_2046 : i32
    %jit3A_2048 = arith.constant 1 : i32
    %select_n3A_2049 = arith.select %eq3A_2047, %jit3A_2048, %jit3A_2045 : i32
    %rem3A_2050 = arith.remsi %add3A_2020, %select_n3A_2049 : i32
    %ne3A_2051 = arith.constant 0 : i32
    %ne3A_2052 = arith.cmpi ne, %rem3A_2050, %ne3A_2051 : i32
    %lt3A_2053 = arith.constant 0 : i32
    %lt3A_2054 = arith.cmpi slt, %rem3A_2050, %lt3A_2053 : i32
    %lt3A_2055 = arith.constant 0 : i32
    %lt3A_2056 = arith.cmpi slt, %select_n3A_2049, %lt3A_2055 : i32
    %ne3A_2057 = arith.xori %lt3A_2054, %lt3A_2056 : i1
    %and3A_2058 = arith.andi %ne3A_2057, %ne3A_2052 : i1
    %add3A_2059 = arith.addi %rem3A_2050, %select_n3A_2049 : i32
    %select_n3A_2060 = arith.select %and3A_2058, %add3A_2059, %rem3A_2050 : i32
    %mul3A_2061 = arith.constant 128 : i32
    %mul3A_2062 = arith.muli %select_n3A_2060, %mul3A_2061 : i32
    %add3A_2063 = arith.constant 47 : i32
    %add3A_2064 = arith.addi %mul3A_4, %add3A_2063 : i32
    %jit3A_2065 = arith.constant 32 : i32
    %div3A_2066 = arith.divsi %add3A_2064, %jit3A_2065 : i32
    %sign3A_2067 = arith.constant 0 : i32
    %sign3A_2068 = arith.cmpi sgt, %add3A_2064, %sign3A_2067 : i32
    %sign3A_2069 = arith.extui %sign3A_2068 : i1 to i32
    %sign3A_2070 = arith.constant 0 : i32
    %sign3A_2071 = arith.cmpi slt, %add3A_2064, %sign3A_2070 : i32
    %sign3A_2072 = arith.extui %sign3A_2071 : i1 to i32
    %sign3A_2073 = arith.subi %sign3A_2069, %sign3A_2072 : i32
    %sign3A_2074 = arith.constant 0 : i32
    %sign3A_2075 = arith.cmpi sgt, %jit3A_2065, %sign3A_2074 : i32
    %sign3A_2076 = arith.extui %sign3A_2075 : i1 to i32
    %sign3A_2077 = arith.constant 0 : i32
    %sign3A_2078 = arith.cmpi slt, %jit3A_2065, %sign3A_2077 : i32
    %sign3A_2079 = arith.extui %sign3A_2078 : i1 to i32
    %sign3A_2080 = arith.subi %sign3A_2076, %sign3A_2079 : i32
    %ne3A_2081 = arith.cmpi ne, %sign3A_2073, %sign3A_2080 : i32
    %rem3A_2082 = arith.remsi %add3A_2064, %jit3A_2065 : i32
    %ne3A_2083 = arith.constant 0 : i32
    %ne3A_2084 = arith.cmpi ne, %rem3A_2082, %ne3A_2083 : i32
    %and3A_2085 = arith.andi %ne3A_2081, %ne3A_2084 : i1
    %sub3A_2086 = arith.constant 1 : i32
    %sub3A_2087 = arith.subi %div3A_2066, %sub3A_2086 : i32
    %select_n3A_2088 = arith.select %and3A_2085, %sub3A_2087, %div3A_2066 : i32
    %jit3A_2089 = arith.constant 32 : i32
    %eq3A_2090 = arith.constant 0 : i32
    %eq3A_2091 = arith.cmpi eq, %jit3A_2089, %eq3A_2090 : i32
    %jit3A_2092 = arith.constant 1 : i32
    %select_n3A_2093 = arith.select %eq3A_2091, %jit3A_2092, %jit3A_2089 : i32
    %rem3A_2094 = arith.remsi %add3A_2064, %select_n3A_2093 : i32
    %ne3A_2095 = arith.constant 0 : i32
    %ne3A_2096 = arith.cmpi ne, %rem3A_2094, %ne3A_2095 : i32
    %lt3A_2097 = arith.constant 0 : i32
    %lt3A_2098 = arith.cmpi slt, %rem3A_2094, %lt3A_2097 : i32
    %lt3A_2099 = arith.constant 0 : i32
    %lt3A_2100 = arith.cmpi slt, %select_n3A_2093, %lt3A_2099 : i32
    %ne3A_2101 = arith.xori %lt3A_2098, %lt3A_2100 : i1
    %and3A_2102 = arith.andi %ne3A_2101, %ne3A_2096 : i1
    %add3A_2103 = arith.addi %rem3A_2094, %select_n3A_2093 : i32
    %select_n3A_2104 = arith.select %and3A_2102, %add3A_2103, %rem3A_2094 : i32
    %mul3A_2105 = arith.constant 128 : i32
    %mul3A_2106 = arith.muli %select_n3A_2104, %mul3A_2105 : i32
    %add3A_2107 = arith.constant 48 : i32
    %add3A_2108 = arith.addi %mul3A_4, %add3A_2107 : i32
    %jit3A_2109 = arith.constant 32 : i32
    %div3A_2110 = arith.divsi %add3A_2108, %jit3A_2109 : i32
    %sign3A_2111 = arith.constant 0 : i32
    %sign3A_2112 = arith.cmpi sgt, %add3A_2108, %sign3A_2111 : i32
    %sign3A_2113 = arith.extui %sign3A_2112 : i1 to i32
    %sign3A_2114 = arith.constant 0 : i32
    %sign3A_2115 = arith.cmpi slt, %add3A_2108, %sign3A_2114 : i32
    %sign3A_2116 = arith.extui %sign3A_2115 : i1 to i32
    %sign3A_2117 = arith.subi %sign3A_2113, %sign3A_2116 : i32
    %sign3A_2118 = arith.constant 0 : i32
    %sign3A_2119 = arith.cmpi sgt, %jit3A_2109, %sign3A_2118 : i32
    %sign3A_2120 = arith.extui %sign3A_2119 : i1 to i32
    %sign3A_2121 = arith.constant 0 : i32
    %sign3A_2122 = arith.cmpi slt, %jit3A_2109, %sign3A_2121 : i32
    %sign3A_2123 = arith.extui %sign3A_2122 : i1 to i32
    %sign3A_2124 = arith.subi %sign3A_2120, %sign3A_2123 : i32
    %ne3A_2125 = arith.cmpi ne, %sign3A_2117, %sign3A_2124 : i32
    %rem3A_2126 = arith.remsi %add3A_2108, %jit3A_2109 : i32
    %ne3A_2127 = arith.constant 0 : i32
    %ne3A_2128 = arith.cmpi ne, %rem3A_2126, %ne3A_2127 : i32
    %and3A_2129 = arith.andi %ne3A_2125, %ne3A_2128 : i1
    %sub3A_2130 = arith.constant 1 : i32
    %sub3A_2131 = arith.subi %div3A_2110, %sub3A_2130 : i32
    %select_n3A_2132 = arith.select %and3A_2129, %sub3A_2131, %div3A_2110 : i32
    %jit3A_2133 = arith.constant 32 : i32
    %eq3A_2134 = arith.constant 0 : i32
    %eq3A_2135 = arith.cmpi eq, %jit3A_2133, %eq3A_2134 : i32
    %jit3A_2136 = arith.constant 1 : i32
    %select_n3A_2137 = arith.select %eq3A_2135, %jit3A_2136, %jit3A_2133 : i32
    %rem3A_2138 = arith.remsi %add3A_2108, %select_n3A_2137 : i32
    %ne3A_2139 = arith.constant 0 : i32
    %ne3A_2140 = arith.cmpi ne, %rem3A_2138, %ne3A_2139 : i32
    %lt3A_2141 = arith.constant 0 : i32
    %lt3A_2142 = arith.cmpi slt, %rem3A_2138, %lt3A_2141 : i32
    %lt3A_2143 = arith.constant 0 : i32
    %lt3A_2144 = arith.cmpi slt, %select_n3A_2137, %lt3A_2143 : i32
    %ne3A_2145 = arith.xori %lt3A_2142, %lt3A_2144 : i1
    %and3A_2146 = arith.andi %ne3A_2145, %ne3A_2140 : i1
    %add3A_2147 = arith.addi %rem3A_2138, %select_n3A_2137 : i32
    %select_n3A_2148 = arith.select %and3A_2146, %add3A_2147, %rem3A_2138 : i32
    %mul3A_2149 = arith.constant 128 : i32
    %mul3A_2150 = arith.muli %select_n3A_2148, %mul3A_2149 : i32
    %add3A_2151 = arith.constant 49 : i32
    %add3A_2152 = arith.addi %mul3A_4, %add3A_2151 : i32
    %jit3A_2153 = arith.constant 32 : i32
    %div3A_2154 = arith.divsi %add3A_2152, %jit3A_2153 : i32
    %sign3A_2155 = arith.constant 0 : i32
    %sign3A_2156 = arith.cmpi sgt, %add3A_2152, %sign3A_2155 : i32
    %sign3A_2157 = arith.extui %sign3A_2156 : i1 to i32
    %sign3A_2158 = arith.constant 0 : i32
    %sign3A_2159 = arith.cmpi slt, %add3A_2152, %sign3A_2158 : i32
    %sign3A_2160 = arith.extui %sign3A_2159 : i1 to i32
    %sign3A_2161 = arith.subi %sign3A_2157, %sign3A_2160 : i32
    %sign3A_2162 = arith.constant 0 : i32
    %sign3A_2163 = arith.cmpi sgt, %jit3A_2153, %sign3A_2162 : i32
    %sign3A_2164 = arith.extui %sign3A_2163 : i1 to i32
    %sign3A_2165 = arith.constant 0 : i32
    %sign3A_2166 = arith.cmpi slt, %jit3A_2153, %sign3A_2165 : i32
    %sign3A_2167 = arith.extui %sign3A_2166 : i1 to i32
    %sign3A_2168 = arith.subi %sign3A_2164, %sign3A_2167 : i32
    %ne3A_2169 = arith.cmpi ne, %sign3A_2161, %sign3A_2168 : i32
    %rem3A_2170 = arith.remsi %add3A_2152, %jit3A_2153 : i32
    %ne3A_2171 = arith.constant 0 : i32
    %ne3A_2172 = arith.cmpi ne, %rem3A_2170, %ne3A_2171 : i32
    %and3A_2173 = arith.andi %ne3A_2169, %ne3A_2172 : i1
    %sub3A_2174 = arith.constant 1 : i32
    %sub3A_2175 = arith.subi %div3A_2154, %sub3A_2174 : i32
    %select_n3A_2176 = arith.select %and3A_2173, %sub3A_2175, %div3A_2154 : i32
    %jit3A_2177 = arith.constant 32 : i32
    %eq3A_2178 = arith.constant 0 : i32
    %eq3A_2179 = arith.cmpi eq, %jit3A_2177, %eq3A_2178 : i32
    %jit3A_2180 = arith.constant 1 : i32
    %select_n3A_2181 = arith.select %eq3A_2179, %jit3A_2180, %jit3A_2177 : i32
    %rem3A_2182 = arith.remsi %add3A_2152, %select_n3A_2181 : i32
    %ne3A_2183 = arith.constant 0 : i32
    %ne3A_2184 = arith.cmpi ne, %rem3A_2182, %ne3A_2183 : i32
    %lt3A_2185 = arith.constant 0 : i32
    %lt3A_2186 = arith.cmpi slt, %rem3A_2182, %lt3A_2185 : i32
    %lt3A_2187 = arith.constant 0 : i32
    %lt3A_2188 = arith.cmpi slt, %select_n3A_2181, %lt3A_2187 : i32
    %ne3A_2189 = arith.xori %lt3A_2186, %lt3A_2188 : i1
    %and3A_2190 = arith.andi %ne3A_2189, %ne3A_2184 : i1
    %add3A_2191 = arith.addi %rem3A_2182, %select_n3A_2181 : i32
    %select_n3A_2192 = arith.select %and3A_2190, %add3A_2191, %rem3A_2182 : i32
    %mul3A_2193 = arith.constant 128 : i32
    %mul3A_2194 = arith.muli %select_n3A_2192, %mul3A_2193 : i32
    %dma_start3A = arith.constant 0 : i32
    %dma_start3A_2195 = tpu.memref_slice %arg5[%dma_start3A] : memref<6400xi32, #tpu.memory_space<vmem>> -> memref<128xi32, #tpu.memory_space<vmem>>
    %dma_start3A_2196 = tpu.memref_slice %arg2[%select_n3A, %mul3A_38] : memref<50x4096xi32, #tpu.memory_space<hbm>> -> memref<1x128xi32, #tpu.memory_space<hbm>>
    %dma_start3A_2197 = tpu.memref_squeeze %dma_start3A_2196 : memref<1x128xi32, #tpu.memory_space<hbm>> -> memref<128xi32, #tpu.memory_space<hbm>>
    %dma_start3A_2198 = arith.constant 0 : i32
    %dma_start3A_2199 = tpu.memref_slice %arg5[%dma_start3A_2198] : memref<6400xi32, #tpu.memory_space<vmem>> -> memref<128xi32, #tpu.memory_space<vmem>>
    %dma_start3A_2200 = tpu.memref_slice %arg2[%select_n3A, %mul3A_38] : memref<50x4096xi32, #tpu.memory_space<hbm>> -> memref<1x128xi32, #tpu.memory_space<hbm>>
    %dma_start3A_2201 = tpu.memref_squeeze %dma_start3A_2200 : memref<1x128xi32, #tpu.memory_space<hbm>> -> memref<128xi32, #tpu.memory_space<hbm>>
    tpu.enqueue_dma source(%dma_start3A_2201 : memref<128xi32, #tpu.memory_space<hbm>>) target(%dma_start3A_2199 : memref<128xi32, #tpu.memory_space<vmem>>) target_semaphore(%arg21 : memref<!tpu.dma_semaphore, #tpu.memory_space<semaphore_mem>>)
    %dma_start3A_2202 = arith.constant 128 : i32
    %dma_start3A_2203 = tpu.memref_slice %arg5[%dma_start3A_2202] : memref<6400xi32, #tpu.memory_space<vmem>> -> memref<128xi32, #tpu.memory_space<vmem>>
    %dma_start3A_2204 = tpu.memref_slice %arg2[%select_n3A_64, %mul3A_82] : memref<50x4096xi32, #tpu.memory_space<hbm>> -> memref<1x128xi32, #tpu.memory_space<hbm>>
    %dma_start3A_2205 = tpu.memref_squeeze %dma_start3A_2204 : memref<1x128xi32, #tpu.memory_space<hbm>> -> memref<128xi32, #tpu.memory_space<hbm>>
    %dma_start3A_2206 = arith.constant 128 : i32
    %dma_start3A_2207 = tpu.memref_slice %arg5[%dma_start3A_2206] : memref<6400xi32, #tpu.memory_space<vmem>> -> memref<128xi32, #tpu.memory_space<vmem>>
    %dma_start3A_2208 = tpu.memref_slice %arg2[%select_n3A_64, %mul3A_82] : memref<50x4096xi32, #tpu.memory_space<hbm>> -> memref<1x128xi32, #tpu.memory_space<hbm>>
    %dma_start3A_2209 = tpu.memref_squeeze %dma_start3A_2208 : memref<1x128xi32, #tpu.memory_space<hbm>> -> memref<128xi32, #tpu.memory_space<hbm>>
    tpu.enqueue_dma source(%dma_start3A_2209 : memref<128xi32, #tpu.memory_space<hbm>>) target(%dma_start3A_2207 : memref<128xi32, #tpu.memory_space<vmem>>) target_semaphore(%arg21 : memref<!tpu.dma_semaphore, #tpu.memory_space<semaphore_mem>>)
    %dma_start3A_2210 = arith.constant 256 : i32
    %dma_start3A_2211 = tpu.memref_slice %arg5[%dma_start3A_2210] : memref<6400xi32, #tpu.memory_space<vmem>> -> memref<128xi32, #tpu.memory_space<vmem>>
    %dma_start3A_2212 = tpu.memref_slice %arg2[%select_n3A_108, %mul3A_126] : memref<50x4096xi32, #tpu.memory_space<hbm>> -> memref<1x128xi32, #tpu.memory_space<hbm>>
    %dma_start3A_2213 = tpu.memref_squeeze %dma_start3A_2212 : memref<1x128xi32, #tpu.memory_space<hbm>> -> memref<128xi32, #tpu.memory_space<hbm>>
    %dma_start3A_2214 = arith.constant 256 : i32
    %dma_start3A_2215 = tpu.memref_slice %arg5[%dma_start3A_2214] : memref<6400xi32, #tpu.memory_space<vmem>> -> memref<128xi32, #tpu.memory_space<vmem>>
    %dma_start3A_2216 = tpu.memref_slice %arg2[%select_n3A_108, %mul3A_126] : memref<50x4096xi32, #tpu.memory_space<hbm>> -> memref<1x128xi32, #tpu.memory_space<hbm>>
    %dma_start3A_2217 = tpu.memref_squeeze %dma_start3A_2216 : memref<1x128xi32, #tpu.memory_space<hbm>> -> memref<128xi32, #tpu.memory_space<hbm>>
    tpu.enqueue_dma source(%dma_start3A_2217 : memref<128xi32, #tpu.memory_space<hbm>>) target(%dma_start3A_2215 : memref<128xi32, #tpu.memory_space<vmem>>) target_semaphore(%arg21 : memref<!tpu.dma_semaphore, #tpu.memory_space<semaphore_mem>>)
    %dma_start3A_2218 = arith.constant 384 : i32
    %dma_start3A_2219 = tpu.memref_slice %arg5[%dma_start3A_2218] : memref<6400xi32, #tpu.memory_space<vmem>> -> memref<128xi32, #tpu.memory_space<vmem>>
    %dma_start3A_2220 = tpu.memref_slice %arg2[%select_n3A_152, %mul3A_170] : memref<50x4096xi32, #tpu.memory_space<hbm>> -> memref<1x128xi32, #tpu.memory_space<hbm>>
    %dma_start3A_2221 = tpu.memref_squeeze %dma_start3A_2220 : memref<1x128xi32, #tpu.memory_space<hbm>> -> memref<128xi32, #tpu.memory_space<hbm>>
    %dma_start3A_2222 = arith.constant 384 : i32
    %dma_start3A_2223 = tpu.memref_slice %arg5[%dma_start3A_2222] : memref<6400xi32, #tpu.memory_space<vmem>> -> memref<128xi32, #tpu.memory_space<vmem>>
    %dma_start3A_2224 = tpu.memref_slice %arg2[%select_n3A_152, %mul3A_170] : memref<50x4096xi32, #tpu.memory_space<hbm>> -> memref<1x128xi32, #tpu.memory_space<hbm>>
    %dma_start3A_2225 = tpu.memref_squeeze %dma_start3A_2224 : memref<1x128xi32, #tpu.memory_space<hbm>> -> memref<128xi32, #tpu.memory_space<hbm>>
    tpu.enqueue_dma source(%dma_start3A_2225 : memref<128xi32, #tpu.memory_space<hbm>>) target(%dma_start3A_2223 : memref<128xi32, #tpu.memory_space<vmem>>) target_semaphore(%arg21 : memref<!tpu.dma_semaphore, #tpu.memory_space<semaphore_mem>>)
    %dma_start3A_2226 = arith.constant 512 : i32
    %dma_start3A_2227 = tpu.memref_slice %arg5[%dma_start3A_2226] : memref<6400xi32, #tpu.memory_space<vmem>> -> memref<128xi32, #tpu.memory_space<vmem>>
    %dma_start3A_2228 = tpu.memref_slice %arg2[%select_n3A_196, %mul3A_214] : memref<50x4096xi32, #tpu.memory_space<hbm>> -> memref<1x128xi32, #tpu.memory_space<hbm>>
    %dma_start3A_2229 = tpu.memref_squeeze %dma_start3A_2228 : memref<1x128xi32, #tpu.memory_space<hbm>> -> memref<128xi32, #tpu.memory_space<hbm>>
    %dma_start3A_2230 = arith.constant 512 : i32
    %dma_start3A_2231 = tpu.memref_slice %arg5[%dma_start3A_2230] : memref<6400xi32, #tpu.memory_space<vmem>> -> memref<128xi32, #tpu.memory_space<vmem>>
    %dma_start3A_2232 = tpu.memref_slice %arg2[%select_n3A_196, %mul3A_214] : memref<50x4096xi32, #tpu.memory_space<hbm>> -> memref<1x128xi32, #tpu.memory_space<hbm>>
    %dma_start3A_2233 = tpu.memref_squeeze %dma_start3A_2232 : memref<1x128xi32, #tpu.memory_space<hbm>> -> memref<128xi32, #tpu.memory_space<hbm>>
    tpu.enqueue_dma source(%dma_start3A_2233 : memref<128xi32, #tpu.memory_space<hbm>>) target(%dma_start3A_2231 : memref<128xi32, #tpu.memory_space<vmem>>) target_semaphore(%arg21 : memref<!tpu.dma_semaphore, #tpu.memory_space<semaphore_mem>>)
    %dma_start3A_2234 = arith.constant 640 : i32
    %dma_start3A_2235 = tpu.memref_slice %arg5[%dma_start3A_2234] : memref<6400xi32, #tpu.memory_space<vmem>> -> memref<128xi32, #tpu.memory_space<vmem>>
    %dma_start3A_2236 = tpu.memref_slice %arg2[%select_n3A_240, %mul3A_258] : memref<50x4096xi32, #tpu.memory_space<hbm>> -> memref<1x128xi32, #tpu.memory_space<hbm>>
    %dma_start3A_2237 = tpu.memref_squeeze %dma_start3A_2236 : memref<1x128xi32, #tpu.memory_space<hbm>> -> memref<128xi32, #tpu.memory_space<hbm>>
    %dma_start3A_2238 = arith.constant 640 : i32
    %dma_start3A_2239 = tpu.memref_slice %arg5[%dma_start3A_2238] : memref<6400xi32, #tpu.memory_space<vmem>> -> memref<128xi32, #tpu.memory_space<vmem>>
    %dma_start3A_2240 = tpu.memref_slice %arg2[%select_n3A_240, %mul3A_258] : memref<50x4096xi32, #tpu.memory_space<hbm>> -> memref<1x128xi32, #tpu.memory_space<hbm>>
    %dma_start3A_2241 = tpu.memref_squeeze %dma_start3A_2240 : memref<1x128xi32, #tpu.memory_space<hbm>> -> memref<128xi32, #tpu.memory_space<hbm>>
    tpu.enqueue_dma source(%dma_start3A_2241 : memref<128xi32, #tpu.memory_space<hbm>>) target(%dma_start3A_2239 : memref<128xi32, #tpu.memory_space<vmem>>) target_semaphore(%arg21 : memref<!tpu.dma_semaphore, #tpu.memory_space<semaphore_mem>>)
    %dma_start3A_2242 = arith.constant 768 : i32
    %dma_start3A_2243 = tpu.memref_slice %arg5[%dma_start3A_2242] : memref<6400xi32, #tpu.memory_space<vmem>> -> memref<128xi32, #tpu.memory_space<vmem>>
    %dma_start3A_2244 = tpu.memref_slice %arg2[%select_n3A_284, %mul3A_302] : memref<50x4096xi32, #tpu.memory_space<hbm>> -> memref<1x128xi32, #tpu.memory_space<hbm>>
    %dma_start3A_2245 = tpu.memref_squeeze %dma_start3A_2244 : memref<1x128xi32, #tpu.memory_space<hbm>> -> memref<128xi32, #tpu.memory_space<hbm>>
    %dma_start3A_2246 = arith.constant 768 : i32
    %dma_start3A_2247 = tpu.memref_slice %arg5[%dma_start3A_2246] : memref<6400xi32, #tpu.memory_space<vmem>> -> memref<128xi32, #tpu.memory_space<vmem>>
    %dma_start3A_2248 = tpu.memref_slice %arg2[%select_n3A_284, %mul3A_302] : memref<50x4096xi32, #tpu.memory_space<hbm>> -> memref<1x128xi32, #tpu.memory_space<hbm>>
    %dma_start3A_2249 = tpu.memref_squeeze %dma_start3A_2248 : memref<1x128xi32, #tpu.memory_space<hbm>> -> memref<128xi32, #tpu.memory_space<hbm>>
    tpu.enqueue_dma source(%dma_start3A_2249 : memref<128xi32, #tpu.memory_space<hbm>>) target(%dma_start3A_2247 : memref<128xi32, #tpu.memory_space<vmem>>) target_semaphore(%arg21 : memref<!tpu.dma_semaphore, #tpu.memory_space<semaphore_mem>>)
    %dma_start3A_2250 = arith.constant 896 : i32
    %dma_start3A_2251 = tpu.memref_slice %arg5[%dma_start3A_2250] : memref<6400xi32, #tpu.memory_space<vmem>> -> memref<128xi32, #tpu.memory_space<vmem>>
    %dma_start3A_2252 = tpu.memref_slice %arg2[%select_n3A_328, %mul3A_346] : memref<50x4096xi32, #tpu.memory_space<hbm>> -> memref<1x128xi32, #tpu.memory_space<hbm>>
    %dma_start3A_2253 = tpu.memref_squeeze %dma_start3A_2252 : memref<1x128xi32, #tpu.memory_space<hbm>> -> memref<128xi32, #tpu.memory_space<hbm>>
    %dma_start3A_2254 = arith.constant 896 : i32
    %dma_start3A_2255 = tpu.memref_slice %arg5[%dma_start3A_2254] : memref<6400xi32, #tpu.memory_space<vmem>> -> memref<128xi32, #tpu.memory_space<vmem>>
    %dma_start3A_2256 = tpu.memref_slice %arg2[%select_n3A_328, %mul3A_346] : memref<50x4096xi32, #tpu.memory_space<hbm>> -> memref<1x128xi32, #tpu.memory_space<hbm>>
    %dma_start3A_2257 = tpu.memref_squeeze %dma_start3A_2256 : memref<1x128xi32, #tpu.memory_space<hbm>> -> memref<128xi32, #tpu.memory_space<hbm>>
    tpu.enqueue_dma source(%dma_start3A_2257 : memref<128xi32, #tpu.memory_space<hbm>>) target(%dma_start3A_2255 : memref<128xi32, #tpu.memory_space<vmem>>) target_semaphore(%arg21 : memref<!tpu.dma_semaphore, #tpu.memory_space<semaphore_mem>>)
    %dma_start3A_2258 = arith.constant 1024 : i32
    %dma_start3A_2259 = tpu.memref_slice %arg5[%dma_start3A_2258] : memref<6400xi32, #tpu.memory_space<vmem>> -> memref<128xi32, #tpu.memory_space<vmem>>
    %dma_start3A_2260 = tpu.memref_slice %arg2[%select_n3A_372, %mul3A_390] : memref<50x4096xi32, #tpu.memory_space<hbm>> -> memref<1x128xi32, #tpu.memory_space<hbm>>
    %dma_start3A_2261 = tpu.memref_squeeze %dma_start3A_2260 : memref<1x128xi32, #tpu.memory_space<hbm>> -> memref<128xi32, #tpu.memory_space<hbm>>
    %dma_start3A_2262 = arith.constant 1024 : i32
    %dma_start3A_2263 = tpu.memref_slice %arg5[%dma_start3A_2262] : memref<6400xi32, #tpu.memory_space<vmem>> -> memref<128xi32, #tpu.memory_space<vmem>>
    %dma_start3A_2264 = tpu.memref_slice %arg2[%select_n3A_372, %mul3A_390] : memref<50x4096xi32, #tpu.memory_space<hbm>> -> memref<1x128xi32, #tpu.memory_space<hbm>>
    %dma_start3A_2265 = tpu.memref_squeeze %dma_start3A_2264 : memref<1x128xi32, #tpu.memory_space<hbm>> -> memref<128xi32, #tpu.memory_space<hbm>>
    tpu.enqueue_dma source(%dma_start3A_2265 : memref<128xi32, #tpu.memory_space<hbm>>) target(%dma_start3A_2263 : memref<128xi32, #tpu.memory_space<vmem>>) target_semaphore(%arg21 : memref<!tpu.dma_semaphore, #tpu.memory_space<semaphore_mem>>)
    %dma_start3A_2266 = arith.constant 1152 : i32
    %dma_start3A_2267 = tpu.memref_slice %arg5[%dma_start3A_2266] : memref<6400xi32, #tpu.memory_space<vmem>> -> memref<128xi32, #tpu.memory_space<vmem>>
    %dma_start3A_2268 = tpu.memref_slice %arg2[%select_n3A_416, %mul3A_434] : memref<50x4096xi32, #tpu.memory_space<hbm>> -> memref<1x128xi32, #tpu.memory_space<hbm>>
    %dma_start3A_2269 = tpu.memref_squeeze %dma_start3A_2268 : memref<1x128xi32, #tpu.memory_space<hbm>> -> memref<128xi32, #tpu.memory_space<hbm>>
    %dma_start3A_2270 = arith.constant 1152 : i32
    %dma_start3A_2271 = tpu.memref_slice %arg5[%dma_start3A_2270] : memref<6400xi32, #tpu.memory_space<vmem>> -> memref<128xi32, #tpu.memory_space<vmem>>
    %dma_start3A_2272 = tpu.memref_slice %arg2[%select_n3A_416, %mul3A_434] : memref<50x4096xi32, #tpu.memory_space<hbm>> -> memref<1x128xi32, #tpu.memory_space<hbm>>
    %dma_start3A_2273 = tpu.memref_squeeze %dma_start3A_2272 : memref<1x128xi32, #tpu.memory_space<hbm>> -> memref<128xi32, #tpu.memory_space<hbm>>
    tpu.enqueue_dma source(%dma_start3A_2273 : memref<128xi32, #tpu.memory_space<hbm>>) target(%dma_start3A_2271 : memref<128xi32, #tpu.memory_space<vmem>>) target_semaphore(%arg21 : memref<!tpu.dma_semaphore, #tpu.memory_space<semaphore_mem>>)
    %dma_start3A_2274 = arith.constant 1280 : i32
    %dma_start3A_2275 = tpu.memref_slice %arg5[%dma_start3A_2274] : memref<6400xi32, #tpu.memory_space<vmem>> -> memref<128xi32, #tpu.memory_space<vmem>>
    %dma_start3A_2276 = tpu.memref_slice %arg2[%select_n3A_460, %mul3A_478] : memref<50x4096xi32, #tpu.memory_space<hbm>> -> memref<1x128xi32, #tpu.memory_space<hbm>>
    %dma_start3A_2277 = tpu.memref_squeeze %dma_start3A_2276 : memref<1x128xi32, #tpu.memory_space<hbm>> -> memref<128xi32, #tpu.memory_space<hbm>>
    %dma_start3A_2278 = arith.constant 1280 : i32
    %dma_start3A_2279 = tpu.memref_slice %arg5[%dma_start3A_2278] : memref<6400xi32, #tpu.memory_space<vmem>> -> memref<128xi32, #tpu.memory_space<vmem>>
    %dma_start3A_2280 = tpu.memref_slice %arg2[%select_n3A_460, %mul3A_478] : memref<50x4096xi32, #tpu.memory_space<hbm>> -> memref<1x128xi32, #tpu.memory_space<hbm>>
    %dma_start3A_2281 = tpu.memref_squeeze %dma_start3A_2280 : memref<1x128xi32, #tpu.memory_space<hbm>> -> memref<128xi32, #tpu.memory_space<hbm>>
    tpu.enqueue_dma source(%dma_start3A_2281 : memref<128xi32, #tpu.memory_space<hbm>>) target(%dma_start3A_2279 : memref<128xi32, #tpu.memory_space<vmem>>) target_semaphore(%arg21 : memref<!tpu.dma_semaphore, #tpu.memory_space<semaphore_mem>>)
    %dma_start3A_2282 = arith.constant 1408 : i32
    %dma_start3A_2283 = tpu.memref_slice %arg5[%dma_start3A_2282] : memref<6400xi32, #tpu.memory_space<vmem>> -> memref<128xi32, #tpu.memory_space<vmem>>
    %dma_start3A_2284 = tpu.memref_slice %arg2[%select_n3A_504, %mul3A_522] : memref<50x4096xi32, #tpu.memory_space<hbm>> -> memref<1x128xi32, #tpu.memory_space<hbm>>
    %dma_start3A_2285 = tpu.memref_squeeze %dma_start3A_2284 : memref<1x128xi32, #tpu.memory_space<hbm>> -> memref<128xi32, #tpu.memory_space<hbm>>
    %dma_start3A_2286 = arith.constant 1408 : i32
    %dma_start3A_2287 = tpu.memref_slice %arg5[%dma_start3A_2286] : memref<6400xi32, #tpu.memory_space<vmem>> -> memref<128xi32, #tpu.memory_space<vmem>>
    %dma_start3A_2288 = tpu.memref_slice %arg2[%select_n3A_504, %mul3A_522] : memref<50x4096xi32, #tpu.memory_space<hbm>> -> memref<1x128xi32, #tpu.memory_space<hbm>>
    %dma_start3A_2289 = tpu.memref_squeeze %dma_start3A_2288 : memref<1x128xi32, #tpu.memory_space<hbm>> -> memref<128xi32, #tpu.memory_space<hbm>>
    tpu.enqueue_dma source(%dma_start3A_2289 : memref<128xi32, #tpu.memory_space<hbm>>) target(%dma_start3A_2287 : memref<128xi32, #tpu.memory_space<vmem>>) target_semaphore(%arg21 : memref<!tpu.dma_semaphore, #tpu.memory_space<semaphore_mem>>)
    %dma_start3A_2290 = arith.constant 1536 : i32
    %dma_start3A_2291 = tpu.memref_slice %arg5[%dma_start3A_2290] : memref<6400xi32, #tpu.memory_space<vmem>> -> memref<128xi32, #tpu.memory_space<vmem>>
    %dma_start3A_2292 = tpu.memref_slice %arg2[%select_n3A_548, %mul3A_566] : memref<50x4096xi32, #tpu.memory_space<hbm>> -> memref<1x128xi32, #tpu.memory_space<hbm>>
    %dma_start3A_2293 = tpu.memref_squeeze %dma_start3A_2292 : memref<1x128xi32, #tpu.memory_space<hbm>> -> memref<128xi32, #tpu.memory_space<hbm>>
    %dma_start3A_2294 = arith.constant 1536 : i32
    %dma_start3A_2295 = tpu.memref_slice %arg5[%dma_start3A_2294] : memref<6400xi32, #tpu.memory_space<vmem>> -> memref<128xi32, #tpu.memory_space<vmem>>
    %dma_start3A_2296 = tpu.memref_slice %arg2[%select_n3A_548, %mul3A_566] : memref<50x4096xi32, #tpu.memory_space<hbm>> -> memref<1x128xi32, #tpu.memory_space<hbm>>
    %dma_start3A_2297 = tpu.memref_squeeze %dma_start3A_2296 : memref<1x128xi32, #tpu.memory_space<hbm>> -> memref<128xi32, #tpu.memory_space<hbm>>
    tpu.enqueue_dma source(%dma_start3A_2297 : memref<128xi32, #tpu.memory_space<hbm>>) target(%dma_start3A_2295 : memref<128xi32, #tpu.memory_space<vmem>>) target_semaphore(%arg21 : memref<!tpu.dma_semaphore, #tpu.memory_space<semaphore_mem>>)
    %dma_start3A_2298 = arith.constant 1664 : i32
    %dma_start3A_2299 = tpu.memref_slice %arg5[%dma_start3A_2298] : memref<6400xi32, #tpu.memory_space<vmem>> -> memref<128xi32, #tpu.memory_space<vmem>>
    %dma_start3A_2300 = tpu.memref_slice %arg2[%select_n3A_592, %mul3A_610] : memref<50x4096xi32, #tpu.memory_space<hbm>> -> memref<1x128xi32, #tpu.memory_space<hbm>>
    %dma_start3A_2301 = tpu.memref_squeeze %dma_start3A_2300 : memref<1x128xi32, #tpu.memory_space<hbm>> -> memref<128xi32, #tpu.memory_space<hbm>>
    %dma_start3A_2302 = arith.constant 1664 : i32
    %dma_start3A_2303 = tpu.memref_slice %arg5[%dma_start3A_2302] : memref<6400xi32, #tpu.memory_space<vmem>> -> memref<128xi32, #tpu.memory_space<vmem>>
    %dma_start3A_2304 = tpu.memref_slice %arg2[%select_n3A_592, %mul3A_610] : memref<50x4096xi32, #tpu.memory_space<hbm>> -> memref<1x128xi32, #tpu.memory_space<hbm>>
    %dma_start3A_2305 = tpu.memref_squeeze %dma_start3A_2304 : memref<1x128xi32, #tpu.memory_space<hbm>> -> memref<128xi32, #tpu.memory_space<hbm>>
    tpu.enqueue_dma source(%dma_start3A_2305 : memref<128xi32, #tpu.memory_space<hbm>>) target(%dma_start3A_2303 : memref<128xi32, #tpu.memory_space<vmem>>) target_semaphore(%arg21 : memref<!tpu.dma_semaphore, #tpu.memory_space<semaphore_mem>>)
    %dma_start3A_2306 = arith.constant 1792 : i32
    %dma_start3A_2307 = tpu.memref_slice %arg5[%dma_start3A_2306] : memref<6400xi32, #tpu.memory_space<vmem>> -> memref<128xi32, #tpu.memory_space<vmem>>
    %dma_start3A_2308 = tpu.memref_slice %arg2[%select_n3A_636, %mul3A_654] : memref<50x4096xi32, #tpu.memory_space<hbm>> -> memref<1x128xi32, #tpu.memory_space<hbm>>
    %dma_start3A_2309 = tpu.memref_squeeze %dma_start3A_2308 : memref<1x128xi32, #tpu.memory_space<hbm>> -> memref<128xi32, #tpu.memory_space<hbm>>
    %dma_start3A_2310 = arith.constant 1792 : i32
    %dma_start3A_2311 = tpu.memref_slice %arg5[%dma_start3A_2310] : memref<6400xi32, #tpu.memory_space<vmem>> -> memref<128xi32, #tpu.memory_space<vmem>>
    %dma_start3A_2312 = tpu.memref_slice %arg2[%select_n3A_636, %mul3A_654] : memref<50x4096xi32, #tpu.memory_space<hbm>> -> memref<1x128xi32, #tpu.memory_space<hbm>>
    %dma_start3A_2313 = tpu.memref_squeeze %dma_start3A_2312 : memref<1x128xi32, #tpu.memory_space<hbm>> -> memref<128xi32, #tpu.memory_space<hbm>>
    tpu.enqueue_dma source(%dma_start3A_2313 : memref<128xi32, #tpu.memory_space<hbm>>) target(%dma_start3A_2311 : memref<128xi32, #tpu.memory_space<vmem>>) target_semaphore(%arg21 : memref<!tpu.dma_semaphore, #tpu.memory_space<semaphore_mem>>)
    %dma_start3A_2314 = arith.constant 1920 : i32
    %dma_start3A_2315 = tpu.memref_slice %arg5[%dma_start3A_2314] : memref<6400xi32, #tpu.memory_space<vmem>> -> memref<128xi32, #tpu.memory_space<vmem>>
    %dma_start3A_2316 = tpu.memref_slice %arg2[%select_n3A_680, %mul3A_698] : memref<50x4096xi32, #tpu.memory_space<hbm>> -> memref<1x128xi32, #tpu.memory_space<hbm>>
    %dma_start3A_2317 = tpu.memref_squeeze %dma_start3A_2316 : memref<1x128xi32, #tpu.memory_space<hbm>> -> memref<128xi32, #tpu.memory_space<hbm>>
    %dma_start3A_2318 = arith.constant 1920 : i32
    %dma_start3A_2319 = tpu.memref_slice %arg5[%dma_start3A_2318] : memref<6400xi32, #tpu.memory_space<vmem>> -> memref<128xi32, #tpu.memory_space<vmem>>
    %dma_start3A_2320 = tpu.memref_slice %arg2[%select_n3A_680, %mul3A_698] : memref<50x4096xi32, #tpu.memory_space<hbm>> -> memref<1x128xi32, #tpu.memory_space<hbm>>
    %dma_start3A_2321 = tpu.memref_squeeze %dma_start3A_2320 : memref<1x128xi32, #tpu.memory_space<hbm>> -> memref<128xi32, #tpu.memory_space<hbm>>
    tpu.enqueue_dma source(%dma_start3A_2321 : memref<128xi32, #tpu.memory_space<hbm>>) target(%dma_start3A_2319 : memref<128xi32, #tpu.memory_space<vmem>>) target_semaphore(%arg21 : memref<!tpu.dma_semaphore, #tpu.memory_space<semaphore_mem>>)
    %dma_start3A_2322 = arith.constant 2048 : i32
    %dma_start3A_2323 = tpu.memref_slice %arg5[%dma_start3A_2322] : memref<6400xi32, #tpu.memory_space<vmem>> -> memref<128xi32, #tpu.memory_space<vmem>>
    %dma_start3A_2324 = tpu.memref_slice %arg2[%select_n3A_724, %mul3A_742] : memref<50x4096xi32, #tpu.memory_space<hbm>> -> memref<1x128xi32, #tpu.memory_space<hbm>>
    %dma_start3A_2325 = tpu.memref_squeeze %dma_start3A_2324 : memref<1x128xi32, #tpu.memory_space<hbm>> -> memref<128xi32, #tpu.memory_space<hbm>>
    %dma_start3A_2326 = arith.constant 2048 : i32
    %dma_start3A_2327 = tpu.memref_slice %arg5[%dma_start3A_2326] : memref<6400xi32, #tpu.memory_space<vmem>> -> memref<128xi32, #tpu.memory_space<vmem>>
    %dma_start3A_2328 = tpu.memref_slice %arg2[%select_n3A_724, %mul3A_742] : memref<50x4096xi32, #tpu.memory_space<hbm>> -> memref<1x128xi32, #tpu.memory_space<hbm>>
    %dma_start3A_2329 = tpu.memref_squeeze %dma_start3A_2328 : memref<1x128xi32, #tpu.memory_space<hbm>> -> memref<128xi32, #tpu.memory_space<hbm>>
    tpu.enqueue_dma source(%dma_start3A_2329 : memref<128xi32, #tpu.memory_space<hbm>>) target(%dma_start3A_2327 : memref<128xi32, #tpu.memory_space<vmem>>) target_semaphore(%arg21 : memref<!tpu.dma_semaphore, #tpu.memory_space<semaphore_mem>>)
    %dma_start3A_2330 = arith.constant 2176 : i32
    %dma_start3A_2331 = tpu.memref_slice %arg5[%dma_start3A_2330] : memref<6400xi32, #tpu.memory_space<vmem>> -> memref<128xi32, #tpu.memory_space<vmem>>
    %dma_start3A_2332 = tpu.memref_slice %arg2[%select_n3A_768, %mul3A_786] : memref<50x4096xi32, #tpu.memory_space<hbm>> -> memref<1x128xi32, #tpu.memory_space<hbm>>
    %dma_start3A_2333 = tpu.memref_squeeze %dma_start3A_2332 : memref<1x128xi32, #tpu.memory_space<hbm>> -> memref<128xi32, #tpu.memory_space<hbm>>
    %dma_start3A_2334 = arith.constant 2176 : i32
    %dma_start3A_2335 = tpu.memref_slice %arg5[%dma_start3A_2334] : memref<6400xi32, #tpu.memory_space<vmem>> -> memref<128xi32, #tpu.memory_space<vmem>>
    %dma_start3A_2336 = tpu.memref_slice %arg2[%select_n3A_768, %mul3A_786] : memref<50x4096xi32, #tpu.memory_space<hbm>> -> memref<1x128xi32, #tpu.memory_space<hbm>>
    %dma_start3A_2337 = tpu.memref_squeeze %dma_start3A_2336 : memref<1x128xi32, #tpu.memory_space<hbm>> -> memref<128xi32, #tpu.memory_space<hbm>>
    tpu.enqueue_dma source(%dma_start3A_2337 : memref<128xi32, #tpu.memory_space<hbm>>) target(%dma_start3A_2335 : memref<128xi32, #tpu.memory_space<vmem>>) target_semaphore(%arg21 : memref<!tpu.dma_semaphore, #tpu.memory_space<semaphore_mem>>)
    %dma_start3A_2338 = arith.constant 2304 : i32
    %dma_start3A_2339 = tpu.memref_slice %arg5[%dma_start3A_2338] : memref<6400xi32, #tpu.memory_space<vmem>> -> memref<128xi32, #tpu.memory_space<vmem>>
    %dma_start3A_2340 = tpu.memref_slice %arg2[%select_n3A_812, %mul3A_830] : memref<50x4096xi32, #tpu.memory_space<hbm>> -> memref<1x128xi32, #tpu.memory_space<hbm>>
    %dma_start3A_2341 = tpu.memref_squeeze %dma_start3A_2340 : memref<1x128xi32, #tpu.memory_space<hbm>> -> memref<128xi32, #tpu.memory_space<hbm>>
    %dma_start3A_2342 = arith.constant 2304 : i32
    %dma_start3A_2343 = tpu.memref_slice %arg5[%dma_start3A_2342] : memref<6400xi32, #tpu.memory_space<vmem>> -> memref<128xi32, #tpu.memory_space<vmem>>
    %dma_start3A_2344 = tpu.memref_slice %arg2[%select_n3A_812, %mul3A_830] : memref<50x4096xi32, #tpu.memory_space<hbm>> -> memref<1x128xi32, #tpu.memory_space<hbm>>
    %dma_start3A_2345 = tpu.memref_squeeze %dma_start3A_2344 : memref<1x128xi32, #tpu.memory_space<hbm>> -> memref<128xi32, #tpu.memory_space<hbm>>
    tpu.enqueue_dma source(%dma_start3A_2345 : memref<128xi32, #tpu.memory_space<hbm>>) target(%dma_start3A_2343 : memref<128xi32, #tpu.memory_space<vmem>>) target_semaphore(%arg21 : memref<!tpu.dma_semaphore, #tpu.memory_space<semaphore_mem>>)
    %dma_start3A_2346 = arith.constant 2432 : i32
    %dma_start3A_2347 = tpu.memref_slice %arg5[%dma_start3A_2346] : memref<6400xi32, #tpu.memory_space<vmem>> -> memref<128xi32, #tpu.memory_space<vmem>>
    %dma_start3A_2348 = tpu.memref_slice %arg2[%select_n3A_856, %mul3A_874] : memref<50x4096xi32, #tpu.memory_space<hbm>> -> memref<1x128xi32, #tpu.memory_space<hbm>>
    %dma_start3A_2349 = tpu.memref_squeeze %dma_start3A_2348 : memref<1x128xi32, #tpu.memory_space<hbm>> -> memref<128xi32, #tpu.memory_space<hbm>>
    %dma_start3A_2350 = arith.constant 2432 : i32
    %dma_start3A_2351 = tpu.memref_slice %arg5[%dma_start3A_2350] : memref<6400xi32, #tpu.memory_space<vmem>> -> memref<128xi32, #tpu.memory_space<vmem>>
    %dma_start3A_2352 = tpu.memref_slice %arg2[%select_n3A_856, %mul3A_874] : memref<50x4096xi32, #tpu.memory_space<hbm>> -> memref<1x128xi32, #tpu.memory_space<hbm>>
    %dma_start3A_2353 = tpu.memref_squeeze %dma_start3A_2352 : memref<1x128xi32, #tpu.memory_space<hbm>> -> memref<128xi32, #tpu.memory_space<hbm>>
    tpu.enqueue_dma source(%dma_start3A_2353 : memref<128xi32, #tpu.memory_space<hbm>>) target(%dma_start3A_2351 : memref<128xi32, #tpu.memory_space<vmem>>) target_semaphore(%arg21 : memref<!tpu.dma_semaphore, #tpu.memory_space<semaphore_mem>>)
    %dma_start3A_2354 = arith.constant 2560 : i32
    %dma_start3A_2355 = tpu.memref_slice %arg5[%dma_start3A_2354] : memref<6400xi32, #tpu.memory_space<vmem>> -> memref<128xi32, #tpu.memory_space<vmem>>
    %dma_start3A_2356 = tpu.memref_slice %arg2[%select_n3A_900, %mul3A_918] : memref<50x4096xi32, #tpu.memory_space<hbm>> -> memref<1x128xi32, #tpu.memory_space<hbm>>
    %dma_start3A_2357 = tpu.memref_squeeze %dma_start3A_2356 : memref<1x128xi32, #tpu.memory_space<hbm>> -> memref<128xi32, #tpu.memory_space<hbm>>
    %dma_start3A_2358 = arith.constant 2560 : i32
    %dma_start3A_2359 = tpu.memref_slice %arg5[%dma_start3A_2358] : memref<6400xi32, #tpu.memory_space<vmem>> -> memref<128xi32, #tpu.memory_space<vmem>>
    %dma_start3A_2360 = tpu.memref_slice %arg2[%select_n3A_900, %mul3A_918] : memref<50x4096xi32, #tpu.memory_space<hbm>> -> memref<1x128xi32, #tpu.memory_space<hbm>>
    %dma_start3A_2361 = tpu.memref_squeeze %dma_start3A_2360 : memref<1x128xi32, #tpu.memory_space<hbm>> -> memref<128xi32, #tpu.memory_space<hbm>>
    tpu.enqueue_dma source(%dma_start3A_2361 : memref<128xi32, #tpu.memory_space<hbm>>) target(%dma_start3A_2359 : memref<128xi32, #tpu.memory_space<vmem>>) target_semaphore(%arg21 : memref<!tpu.dma_semaphore, #tpu.memory_space<semaphore_mem>>)
    %dma_start3A_2362 = arith.constant 2688 : i32
    %dma_start3A_2363 = tpu.memref_slice %arg5[%dma_start3A_2362] : memref<6400xi32, #tpu.memory_space<vmem>> -> memref<128xi32, #tpu.memory_space<vmem>>
    %dma_start3A_2364 = tpu.memref_slice %arg2[%select_n3A_944, %mul3A_962] : memref<50x4096xi32, #tpu.memory_space<hbm>> -> memref<1x128xi32, #tpu.memory_space<hbm>>
    %dma_start3A_2365 = tpu.memref_squeeze %dma_start3A_2364 : memref<1x128xi32, #tpu.memory_space<hbm>> -> memref<128xi32, #tpu.memory_space<hbm>>
    %dma_start3A_2366 = arith.constant 2688 : i32
    %dma_start3A_2367 = tpu.memref_slice %arg5[%dma_start3A_2366] : memref<6400xi32, #tpu.memory_space<vmem>> -> memref<128xi32, #tpu.memory_space<vmem>>
    %dma_start3A_2368 = tpu.memref_slice %arg2[%select_n3A_944, %mul3A_962] : memref<50x4096xi32, #tpu.memory_space<hbm>> -> memref<1x128xi32, #tpu.memory_space<hbm>>
    %dma_start3A_2369 = tpu.memref_squeeze %dma_start3A_2368 : memref<1x128xi32, #tpu.memory_space<hbm>> -> memref<128xi32, #tpu.memory_space<hbm>>
    tpu.enqueue_dma source(%dma_start3A_2369 : memref<128xi32, #tpu.memory_space<hbm>>) target(%dma_start3A_2367 : memref<128xi32, #tpu.memory_space<vmem>>) target_semaphore(%arg21 : memref<!tpu.dma_semaphore, #tpu.memory_space<semaphore_mem>>)
    %dma_start3A_2370 = arith.constant 2816 : i32
    %dma_start3A_2371 = tpu.memref_slice %arg5[%dma_start3A_2370] : memref<6400xi32, #tpu.memory_space<vmem>> -> memref<128xi32, #tpu.memory_space<vmem>>
    %dma_start3A_2372 = tpu.memref_slice %arg2[%select_n3A_988, %mul3A_1006] : memref<50x4096xi32, #tpu.memory_space<hbm>> -> memref<1x128xi32, #tpu.memory_space<hbm>>
    %dma_start3A_2373 = tpu.memref_squeeze %dma_start3A_2372 : memref<1x128xi32, #tpu.memory_space<hbm>> -> memref<128xi32, #tpu.memory_space<hbm>>
    %dma_start3A_2374 = arith.constant 2816 : i32
    %dma_start3A_2375 = tpu.memref_slice %arg5[%dma_start3A_2374] : memref<6400xi32, #tpu.memory_space<vmem>> -> memref<128xi32, #tpu.memory_space<vmem>>
    %dma_start3A_2376 = tpu.memref_slice %arg2[%select_n3A_988, %mul3A_1006] : memref<50x4096xi32, #tpu.memory_space<hbm>> -> memref<1x128xi32, #tpu.memory_space<hbm>>
    %dma_start3A_2377 = tpu.memref_squeeze %dma_start3A_2376 : memref<1x128xi32, #tpu.memory_space<hbm>> -> memref<128xi32, #tpu.memory_space<hbm>>
    tpu.enqueue_dma source(%dma_start3A_2377 : memref<128xi32, #tpu.memory_space<hbm>>) target(%dma_start3A_2375 : memref<128xi32, #tpu.memory_space<vmem>>) target_semaphore(%arg21 : memref<!tpu.dma_semaphore, #tpu.memory_space<semaphore_mem>>)
    %dma_start3A_2378 = arith.constant 2944 : i32
    %dma_start3A_2379 = tpu.memref_slice %arg5[%dma_start3A_2378] : memref<6400xi32, #tpu.memory_space<vmem>> -> memref<128xi32, #tpu.memory_space<vmem>>
    %dma_start3A_2380 = tpu.memref_slice %arg2[%select_n3A_1032, %mul3A_1050] : memref<50x4096xi32, #tpu.memory_space<hbm>> -> memref<1x128xi32, #tpu.memory_space<hbm>>
    %dma_start3A_2381 = tpu.memref_squeeze %dma_start3A_2380 : memref<1x128xi32, #tpu.memory_space<hbm>> -> memref<128xi32, #tpu.memory_space<hbm>>
    %dma_start3A_2382 = arith.constant 2944 : i32
    %dma_start3A_2383 = tpu.memref_slice %arg5[%dma_start3A_2382] : memref<6400xi32, #tpu.memory_space<vmem>> -> memref<128xi32, #tpu.memory_space<vmem>>
    %dma_start3A_2384 = tpu.memref_slice %arg2[%select_n3A_1032, %mul3A_1050] : memref<50x4096xi32, #tpu.memory_space<hbm>> -> memref<1x128xi32, #tpu.memory_space<hbm>>
    %dma_start3A_2385 = tpu.memref_squeeze %dma_start3A_2384 : memref<1x128xi32, #tpu.memory_space<hbm>> -> memref<128xi32, #tpu.memory_space<hbm>>
    tpu.enqueue_dma source(%dma_start3A_2385 : memref<128xi32, #tpu.memory_space<hbm>>) target(%dma_start3A_2383 : memref<128xi32, #tpu.memory_space<vmem>>) target_semaphore(%arg21 : memref<!tpu.dma_semaphore, #tpu.memory_space<semaphore_mem>>)
    %dma_start3A_2386 = arith.constant 3072 : i32
    %dma_start3A_2387 = tpu.memref_slice %arg5[%dma_start3A_2386] : memref<6400xi32, #tpu.memory_space<vmem>> -> memref<128xi32, #tpu.memory_space<vmem>>
    %dma_start3A_2388 = tpu.memref_slice %arg2[%select_n3A_1076, %mul3A_1094] : memref<50x4096xi32, #tpu.memory_space<hbm>> -> memref<1x128xi32, #tpu.memory_space<hbm>>
    %dma_start3A_2389 = tpu.memref_squeeze %dma_start3A_2388 : memref<1x128xi32, #tpu.memory_space<hbm>> -> memref<128xi32, #tpu.memory_space<hbm>>
    %dma_start3A_2390 = arith.constant 3072 : i32
    %dma_start3A_2391 = tpu.memref_slice %arg5[%dma_start3A_2390] : memref<6400xi32, #tpu.memory_space<vmem>> -> memref<128xi32, #tpu.memory_space<vmem>>
    %dma_start3A_2392 = tpu.memref_slice %arg2[%select_n3A_1076, %mul3A_1094] : memref<50x4096xi32, #tpu.memory_space<hbm>> -> memref<1x128xi32, #tpu.memory_space<hbm>>
    %dma_start3A_2393 = tpu.memref_squeeze %dma_start3A_2392 : memref<1x128xi32, #tpu.memory_space<hbm>> -> memref<128xi32, #tpu.memory_space<hbm>>
    tpu.enqueue_dma source(%dma_start3A_2393 : memref<128xi32, #tpu.memory_space<hbm>>) target(%dma_start3A_2391 : memref<128xi32, #tpu.memory_space<vmem>>) target_semaphore(%arg21 : memref<!tpu.dma_semaphore, #tpu.memory_space<semaphore_mem>>)
    %dma_start3A_2394 = arith.constant 3200 : i32
    %dma_start3A_2395 = tpu.memref_slice %arg5[%dma_start3A_2394] : memref<6400xi32, #tpu.memory_space<vmem>> -> memref<128xi32, #tpu.memory_space<vmem>>
    %dma_start3A_2396 = tpu.memref_slice %arg2[%select_n3A_1120, %mul3A_1138] : memref<50x4096xi32, #tpu.memory_space<hbm>> -> memref<1x128xi32, #tpu.memory_space<hbm>>
    %dma_start3A_2397 = tpu.memref_squeeze %dma_start3A_2396 : memref<1x128xi32, #tpu.memory_space<hbm>> -> memref<128xi32, #tpu.memory_space<hbm>>
    %dma_start3A_2398 = arith.constant 3200 : i32
    %dma_start3A_2399 = tpu.memref_slice %arg5[%dma_start3A_2398] : memref<6400xi32, #tpu.memory_space<vmem>> -> memref<128xi32, #tpu.memory_space<vmem>>
    %dma_start3A_2400 = tpu.memref_slice %arg2[%select_n3A_1120, %mul3A_1138] : memref<50x4096xi32, #tpu.memory_space<hbm>> -> memref<1x128xi32, #tpu.memory_space<hbm>>
    %dma_start3A_2401 = tpu.memref_squeeze %dma_start3A_2400 : memref<1x128xi32, #tpu.memory_space<hbm>> -> memref<128xi32, #tpu.memory_space<hbm>>
    tpu.enqueue_dma source(%dma_start3A_2401 : memref<128xi32, #tpu.memory_space<hbm>>) target(%dma_start3A_2399 : memref<128xi32, #tpu.memory_space<vmem>>) target_semaphore(%arg21 : memref<!tpu.dma_semaphore, #tpu.memory_space<semaphore_mem>>)
    %dma_start3A_2402 = arith.constant 3328 : i32
    %dma_start3A_2403 = tpu.memref_slice %arg5[%dma_start3A_2402] : memref<6400xi32, #tpu.memory_space<vmem>> -> memref<128xi32, #tpu.memory_space<vmem>>
    %dma_start3A_2404 = tpu.memref_slice %arg2[%select_n3A_1164, %mul3A_1182] : memref<50x4096xi32, #tpu.memory_space<hbm>> -> memref<1x128xi32, #tpu.memory_space<hbm>>
    %dma_start3A_2405 = tpu.memref_squeeze %dma_start3A_2404 : memref<1x128xi32, #tpu.memory_space<hbm>> -> memref<128xi32, #tpu.memory_space<hbm>>
    %dma_start3A_2406 = arith.constant 3328 : i32
    %dma_start3A_2407 = tpu.memref_slice %arg5[%dma_start3A_2406] : memref<6400xi32, #tpu.memory_space<vmem>> -> memref<128xi32, #tpu.memory_space<vmem>>
    %dma_start3A_2408 = tpu.memref_slice %arg2[%select_n3A_1164, %mul3A_1182] : memref<50x4096xi32, #tpu.memory_space<hbm>> -> memref<1x128xi32, #tpu.memory_space<hbm>>
    %dma_start3A_2409 = tpu.memref_squeeze %dma_start3A_2408 : memref<1x128xi32, #tpu.memory_space<hbm>> -> memref<128xi32, #tpu.memory_space<hbm>>
    tpu.enqueue_dma source(%dma_start3A_2409 : memref<128xi32, #tpu.memory_space<hbm>>) target(%dma_start3A_2407 : memref<128xi32, #tpu.memory_space<vmem>>) target_semaphore(%arg21 : memref<!tpu.dma_semaphore, #tpu.memory_space<semaphore_mem>>)
    %dma_start3A_2410 = arith.constant 3456 : i32
    %dma_start3A_2411 = tpu.memref_slice %arg5[%dma_start3A_2410] : memref<6400xi32, #tpu.memory_space<vmem>> -> memref<128xi32, #tpu.memory_space<vmem>>
    %dma_start3A_2412 = tpu.memref_slice %arg2[%select_n3A_1208, %mul3A_1226] : memref<50x4096xi32, #tpu.memory_space<hbm>> -> memref<1x128xi32, #tpu.memory_space<hbm>>
    %dma_start3A_2413 = tpu.memref_squeeze %dma_start3A_2412 : memref<1x128xi32, #tpu.memory_space<hbm>> -> memref<128xi32, #tpu.memory_space<hbm>>
    %dma_start3A_2414 = arith.constant 3456 : i32
    %dma_start3A_2415 = tpu.memref_slice %arg5[%dma_start3A_2414] : memref<6400xi32, #tpu.memory_space<vmem>> -> memref<128xi32, #tpu.memory_space<vmem>>
    %dma_start3A_2416 = tpu.memref_slice %arg2[%select_n3A_1208, %mul3A_1226] : memref<50x4096xi32, #tpu.memory_space<hbm>> -> memref<1x128xi32, #tpu.memory_space<hbm>>
    %dma_start3A_2417 = tpu.memref_squeeze %dma_start3A_2416 : memref<1x128xi32, #tpu.memory_space<hbm>> -> memref<128xi32, #tpu.memory_space<hbm>>
    tpu.enqueue_dma source(%dma_start3A_2417 : memref<128xi32, #tpu.memory_space<hbm>>) target(%dma_start3A_2415 : memref<128xi32, #tpu.memory_space<vmem>>) target_semaphore(%arg21 : memref<!tpu.dma_semaphore, #tpu.memory_space<semaphore_mem>>)
    %dma_start3A_2418 = arith.constant 3584 : i32
    %dma_start3A_2419 = tpu.memref_slice %arg5[%dma_start3A_2418] : memref<6400xi32, #tpu.memory_space<vmem>> -> memref<128xi32, #tpu.memory_space<vmem>>
    %dma_start3A_2420 = tpu.memref_slice %arg2[%select_n3A_1252, %mul3A_1270] : memref<50x4096xi32, #tpu.memory_space<hbm>> -> memref<1x128xi32, #tpu.memory_space<hbm>>
    %dma_start3A_2421 = tpu.memref_squeeze %dma_start3A_2420 : memref<1x128xi32, #tpu.memory_space<hbm>> -> memref<128xi32, #tpu.memory_space<hbm>>
    %dma_start3A_2422 = arith.constant 3584 : i32
    %dma_start3A_2423 = tpu.memref_slice %arg5[%dma_start3A_2422] : memref<6400xi32, #tpu.memory_space<vmem>> -> memref<128xi32, #tpu.memory_space<vmem>>
    %dma_start3A_2424 = tpu.memref_slice %arg2[%select_n3A_1252, %mul3A_1270] : memref<50x4096xi32, #tpu.memory_space<hbm>> -> memref<1x128xi32, #tpu.memory_space<hbm>>
    %dma_start3A_2425 = tpu.memref_squeeze %dma_start3A_2424 : memref<1x128xi32, #tpu.memory_space<hbm>> -> memref<128xi32, #tpu.memory_space<hbm>>
    tpu.enqueue_dma source(%dma_start3A_2425 : memref<128xi32, #tpu.memory_space<hbm>>) target(%dma_start3A_2423 : memref<128xi32, #tpu.memory_space<vmem>>) target_semaphore(%arg21 : memref<!tpu.dma_semaphore, #tpu.memory_space<semaphore_mem>>)
    %dma_start3A_2426 = arith.constant 3712 : i32
    %dma_start3A_2427 = tpu.memref_slice %arg5[%dma_start3A_2426] : memref<6400xi32, #tpu.memory_space<vmem>> -> memref<128xi32, #tpu.memory_space<vmem>>
    %dma_start3A_2428 = tpu.memref_slice %arg2[%select_n3A_1296, %mul3A_1314] : memref<50x4096xi32, #tpu.memory_space<hbm>> -> memref<1x128xi32, #tpu.memory_space<hbm>>
    %dma_start3A_2429 = tpu.memref_squeeze %dma_start3A_2428 : memref<1x128xi32, #tpu.memory_space<hbm>> -> memref<128xi32, #tpu.memory_space<hbm>>
    %dma_start3A_2430 = arith.constant 3712 : i32
    %dma_start3A_2431 = tpu.memref_slice %arg5[%dma_start3A_2430] : memref<6400xi32, #tpu.memory_space<vmem>> -> memref<128xi32, #tpu.memory_space<vmem>>
    %dma_start3A_2432 = tpu.memref_slice %arg2[%select_n3A_1296, %mul3A_1314] : memref<50x4096xi32, #tpu.memory_space<hbm>> -> memref<1x128xi32, #tpu.memory_space<hbm>>
    %dma_start3A_2433 = tpu.memref_squeeze %dma_start3A_2432 : memref<1x128xi32, #tpu.memory_space<hbm>> -> memref<128xi32, #tpu.memory_space<hbm>>
    tpu.enqueue_dma source(%dma_start3A_2433 : memref<128xi32, #tpu.memory_space<hbm>>) target(%dma_start3A_2431 : memref<128xi32, #tpu.memory_space<vmem>>) target_semaphore(%arg21 : memref<!tpu.dma_semaphore, #tpu.memory_space<semaphore_mem>>)
    %dma_start3A_2434 = arith.constant 3840 : i32
    %dma_start3A_2435 = tpu.memref_slice %arg5[%dma_start3A_2434] : memref<6400xi32, #tpu.memory_space<vmem>> -> memref<128xi32, #tpu.memory_space<vmem>>
    %dma_start3A_2436 = tpu.memref_slice %arg2[%select_n3A_1340, %mul3A_1358] : memref<50x4096xi32, #tpu.memory_space<hbm>> -> memref<1x128xi32, #tpu.memory_space<hbm>>
    %dma_start3A_2437 = tpu.memref_squeeze %dma_start3A_2436 : memref<1x128xi32, #tpu.memory_space<hbm>> -> memref<128xi32, #tpu.memory_space<hbm>>
    %dma_start3A_2438 = arith.constant 3840 : i32
    %dma_start3A_2439 = tpu.memref_slice %arg5[%dma_start3A_2438] : memref<6400xi32, #tpu.memory_space<vmem>> -> memref<128xi32, #tpu.memory_space<vmem>>
    %dma_start3A_2440 = tpu.memref_slice %arg2[%select_n3A_1340, %mul3A_1358] : memref<50x4096xi32, #tpu.memory_space<hbm>> -> memref<1x128xi32, #tpu.memory_space<hbm>>
    %dma_start3A_2441 = tpu.memref_squeeze %dma_start3A_2440 : memref<1x128xi32, #tpu.memory_space<hbm>> -> memref<128xi32, #tpu.memory_space<hbm>>
    tpu.enqueue_dma source(%dma_start3A_2441 : memref<128xi32, #tpu.memory_space<hbm>>) target(%dma_start3A_2439 : memref<128xi32, #tpu.memory_space<vmem>>) target_semaphore(%arg21 : memref<!tpu.dma_semaphore, #tpu.memory_space<semaphore_mem>>)
    %dma_start3A_2442 = arith.constant 3968 : i32
    %dma_start3A_2443 = tpu.memref_slice %arg5[%dma_start3A_2442] : memref<6400xi32, #tpu.memory_space<vmem>> -> memref<128xi32, #tpu.memory_space<vmem>>
    %dma_start3A_2444 = tpu.memref_slice %arg2[%select_n3A_1384, %mul3A_1402] : memref<50x4096xi32, #tpu.memory_space<hbm>> -> memref<1x128xi32, #tpu.memory_space<hbm>>
    %dma_start3A_2445 = tpu.memref_squeeze %dma_start3A_2444 : memref<1x128xi32, #tpu.memory_space<hbm>> -> memref<128xi32, #tpu.memory_space<hbm>>
    %dma_start3A_2446 = arith.constant 3968 : i32
    %dma_start3A_2447 = tpu.memref_slice %arg5[%dma_start3A_2446] : memref<6400xi32, #tpu.memory_space<vmem>> -> memref<128xi32, #tpu.memory_space<vmem>>
    %dma_start3A_2448 = tpu.memref_slice %arg2[%select_n3A_1384, %mul3A_1402] : memref<50x4096xi32, #tpu.memory_space<hbm>> -> memref<1x128xi32, #tpu.memory_space<hbm>>
    %dma_start3A_2449 = tpu.memref_squeeze %dma_start3A_2448 : memref<1x128xi32, #tpu.memory_space<hbm>> -> memref<128xi32, #tpu.memory_space<hbm>>
    tpu.enqueue_dma source(%dma_start3A_2449 : memref<128xi32, #tpu.memory_space<hbm>>) target(%dma_start3A_2447 : memref<128xi32, #tpu.memory_space<vmem>>) target_semaphore(%arg21 : memref<!tpu.dma_semaphore, #tpu.memory_space<semaphore_mem>>)
    %dma_start3A_2450 = arith.constant 4096 : i32
    %dma_start3A_2451 = tpu.memref_slice %arg5[%dma_start3A_2450] : memref<6400xi32, #tpu.memory_space<vmem>> -> memref<128xi32, #tpu.memory_space<vmem>>
    %dma_start3A_2452 = tpu.memref_slice %arg2[%select_n3A_1428, %mul3A_1446] : memref<50x4096xi32, #tpu.memory_space<hbm>> -> memref<1x128xi32, #tpu.memory_space<hbm>>
    %dma_start3A_2453 = tpu.memref_squeeze %dma_start3A_2452 : memref<1x128xi32, #tpu.memory_space<hbm>> -> memref<128xi32, #tpu.memory_space<hbm>>
    %dma_start3A_2454 = arith.constant 4096 : i32
    %dma_start3A_2455 = tpu.memref_slice %arg5[%dma_start3A_2454] : memref<6400xi32, #tpu.memory_space<vmem>> -> memref<128xi32, #tpu.memory_space<vmem>>
    %dma_start3A_2456 = tpu.memref_slice %arg2[%select_n3A_1428, %mul3A_1446] : memref<50x4096xi32, #tpu.memory_space<hbm>> -> memref<1x128xi32, #tpu.memory_space<hbm>>
    %dma_start3A_2457 = tpu.memref_squeeze %dma_start3A_2456 : memref<1x128xi32, #tpu.memory_space<hbm>> -> memref<128xi32, #tpu.memory_space<hbm>>
    tpu.enqueue_dma source(%dma_start3A_2457 : memref<128xi32, #tpu.memory_space<hbm>>) target(%dma_start3A_2455 : memref<128xi32, #tpu.memory_space<vmem>>) target_semaphore(%arg21 : memref<!tpu.dma_semaphore, #tpu.memory_space<semaphore_mem>>)
    %dma_start3A_2458 = arith.constant 4224 : i32
    %dma_start3A_2459 = tpu.memref_slice %arg5[%dma_start3A_2458] : memref<6400xi32, #tpu.memory_space<vmem>> -> memref<128xi32, #tpu.memory_space<vmem>>
    %dma_start3A_2460 = tpu.memref_slice %arg2[%select_n3A_1472, %mul3A_1490] : memref<50x4096xi32, #tpu.memory_space<hbm>> -> memref<1x128xi32, #tpu.memory_space<hbm>>
    %dma_start3A_2461 = tpu.memref_squeeze %dma_start3A_2460 : memref<1x128xi32, #tpu.memory_space<hbm>> -> memref<128xi32, #tpu.memory_space<hbm>>
    %dma_start3A_2462 = arith.constant 4224 : i32
    %dma_start3A_2463 = tpu.memref_slice %arg5[%dma_start3A_2462] : memref<6400xi32, #tpu.memory_space<vmem>> -> memref<128xi32, #tpu.memory_space<vmem>>
    %dma_start3A_2464 = tpu.memref_slice %arg2[%select_n3A_1472, %mul3A_1490] : memref<50x4096xi32, #tpu.memory_space<hbm>> -> memref<1x128xi32, #tpu.memory_space<hbm>>
    %dma_start3A_2465 = tpu.memref_squeeze %dma_start3A_2464 : memref<1x128xi32, #tpu.memory_space<hbm>> -> memref<128xi32, #tpu.memory_space<hbm>>
    tpu.enqueue_dma source(%dma_start3A_2465 : memref<128xi32, #tpu.memory_space<hbm>>) target(%dma_start3A_2463 : memref<128xi32, #tpu.memory_space<vmem>>) target_semaphore(%arg21 : memref<!tpu.dma_semaphore, #tpu.memory_space<semaphore_mem>>)
    %dma_start3A_2466 = arith.constant 4352 : i32
    %dma_start3A_2467 = tpu.memref_slice %arg5[%dma_start3A_2466] : memref<6400xi32, #tpu.memory_space<vmem>> -> memref<128xi32, #tpu.memory_space<vmem>>
    %dma_start3A_2468 = tpu.memref_slice %arg2[%select_n3A_1516, %mul3A_1534] : memref<50x4096xi32, #tpu.memory_space<hbm>> -> memref<1x128xi32, #tpu.memory_space<hbm>>
    %dma_start3A_2469 = tpu.memref_squeeze %dma_start3A_2468 : memref<1x128xi32, #tpu.memory_space<hbm>> -> memref<128xi32, #tpu.memory_space<hbm>>
    %dma_start3A_2470 = arith.constant 4352 : i32
    %dma_start3A_2471 = tpu.memref_slice %arg5[%dma_start3A_2470] : memref<6400xi32, #tpu.memory_space<vmem>> -> memref<128xi32, #tpu.memory_space<vmem>>
    %dma_start3A_2472 = tpu.memref_slice %arg2[%select_n3A_1516, %mul3A_1534] : memref<50x4096xi32, #tpu.memory_space<hbm>> -> memref<1x128xi32, #tpu.memory_space<hbm>>
    %dma_start3A_2473 = tpu.memref_squeeze %dma_start3A_2472 : memref<1x128xi32, #tpu.memory_space<hbm>> -> memref<128xi32, #tpu.memory_space<hbm>>
    tpu.enqueue_dma source(%dma_start3A_2473 : memref<128xi32, #tpu.memory_space<hbm>>) target(%dma_start3A_2471 : memref<128xi32, #tpu.memory_space<vmem>>) target_semaphore(%arg21 : memref<!tpu.dma_semaphore, #tpu.memory_space<semaphore_mem>>)
    %dma_start3A_2474 = arith.constant 4480 : i32
    %dma_start3A_2475 = tpu.memref_slice %arg5[%dma_start3A_2474] : memref<6400xi32, #tpu.memory_space<vmem>> -> memref<128xi32, #tpu.memory_space<vmem>>
    %dma_start3A_2476 = tpu.memref_slice %arg2[%select_n3A_1560, %mul3A_1578] : memref<50x4096xi32, #tpu.memory_space<hbm>> -> memref<1x128xi32, #tpu.memory_space<hbm>>
    %dma_start3A_2477 = tpu.memref_squeeze %dma_start3A_2476 : memref<1x128xi32, #tpu.memory_space<hbm>> -> memref<128xi32, #tpu.memory_space<hbm>>
    %dma_start3A_2478 = arith.constant 4480 : i32
    %dma_start3A_2479 = tpu.memref_slice %arg5[%dma_start3A_2478] : memref<6400xi32, #tpu.memory_space<vmem>> -> memref<128xi32, #tpu.memory_space<vmem>>
    %dma_start3A_2480 = tpu.memref_slice %arg2[%select_n3A_1560, %mul3A_1578] : memref<50x4096xi32, #tpu.memory_space<hbm>> -> memref<1x128xi32, #tpu.memory_space<hbm>>
    %dma_start3A_2481 = tpu.memref_squeeze %dma_start3A_2480 : memref<1x128xi32, #tpu.memory_space<hbm>> -> memref<128xi32, #tpu.memory_space<hbm>>
    tpu.enqueue_dma source(%dma_start3A_2481 : memref<128xi32, #tpu.memory_space<hbm>>) target(%dma_start3A_2479 : memref<128xi32, #tpu.memory_space<vmem>>) target_semaphore(%arg21 : memref<!tpu.dma_semaphore, #tpu.memory_space<semaphore_mem>>)
    %dma_start3A_2482 = arith.constant 4608 : i32
    %dma_start3A_2483 = tpu.memref_slice %arg5[%dma_start3A_2482] : memref<6400xi32, #tpu.memory_space<vmem>> -> memref<128xi32, #tpu.memory_space<vmem>>
    %dma_start3A_2484 = tpu.memref_slice %arg2[%select_n3A_1604, %mul3A_1622] : memref<50x4096xi32, #tpu.memory_space<hbm>> -> memref<1x128xi32, #tpu.memory_space<hbm>>
    %dma_start3A_2485 = tpu.memref_squeeze %dma_start3A_2484 : memref<1x128xi32, #tpu.memory_space<hbm>> -> memref<128xi32, #tpu.memory_space<hbm>>
    %dma_start3A_2486 = arith.constant 4608 : i32
    %dma_start3A_2487 = tpu.memref_slice %arg5[%dma_start3A_2486] : memref<6400xi32, #tpu.memory_space<vmem>> -> memref<128xi32, #tpu.memory_space<vmem>>
    %dma_start3A_2488 = tpu.memref_slice %arg2[%select_n3A_1604, %mul3A_1622] : memref<50x4096xi32, #tpu.memory_space<hbm>> -> memref<1x128xi32, #tpu.memory_space<hbm>>
    %dma_start3A_2489 = tpu.memref_squeeze %dma_start3A_2488 : memref<1x128xi32, #tpu.memory_space<hbm>> -> memref<128xi32, #tpu.memory_space<hbm>>
    tpu.enqueue_dma source(%dma_start3A_2489 : memref<128xi32, #tpu.memory_space<hbm>>) target(%dma_start3A_2487 : memref<128xi32, #tpu.memory_space<vmem>>) target_semaphore(%arg21 : memref<!tpu.dma_semaphore, #tpu.memory_space<semaphore_mem>>)
    %dma_start3A_2490 = arith.constant 4736 : i32
    %dma_start3A_2491 = tpu.memref_slice %arg5[%dma_start3A_2490] : memref<6400xi32, #tpu.memory_space<vmem>> -> memref<128xi32, #tpu.memory_space<vmem>>
    %dma_start3A_2492 = tpu.memref_slice %arg2[%select_n3A_1648, %mul3A_1666] : memref<50x4096xi32, #tpu.memory_space<hbm>> -> memref<1x128xi32, #tpu.memory_space<hbm>>
    %dma_start3A_2493 = tpu.memref_squeeze %dma_start3A_2492 : memref<1x128xi32, #tpu.memory_space<hbm>> -> memref<128xi32, #tpu.memory_space<hbm>>
    %dma_start3A_2494 = arith.constant 4736 : i32
    %dma_start3A_2495 = tpu.memref_slice %arg5[%dma_start3A_2494] : memref<6400xi32, #tpu.memory_space<vmem>> -> memref<128xi32, #tpu.memory_space<vmem>>
    %dma_start3A_2496 = tpu.memref_slice %arg2[%select_n3A_1648, %mul3A_1666] : memref<50x4096xi32, #tpu.memory_space<hbm>> -> memref<1x128xi32, #tpu.memory_space<hbm>>
    %dma_start3A_2497 = tpu.memref_squeeze %dma_start3A_2496 : memref<1x128xi32, #tpu.memory_space<hbm>> -> memref<128xi32, #tpu.memory_space<hbm>>
    tpu.enqueue_dma source(%dma_start3A_2497 : memref<128xi32, #tpu.memory_space<hbm>>) target(%dma_start3A_2495 : memref<128xi32, #tpu.memory_space<vmem>>) target_semaphore(%arg21 : memref<!tpu.dma_semaphore, #tpu.memory_space<semaphore_mem>>)
    %dma_start3A_2498 = arith.constant 4864 : i32
    %dma_start3A_2499 = tpu.memref_slice %arg5[%dma_start3A_2498] : memref<6400xi32, #tpu.memory_space<vmem>> -> memref<128xi32, #tpu.memory_space<vmem>>
    %dma_start3A_2500 = tpu.memref_slice %arg2[%select_n3A_1692, %mul3A_1710] : memref<50x4096xi32, #tpu.memory_space<hbm>> -> memref<1x128xi32, #tpu.memory_space<hbm>>
    %dma_start3A_2501 = tpu.memref_squeeze %dma_start3A_2500 : memref<1x128xi32, #tpu.memory_space<hbm>> -> memref<128xi32, #tpu.memory_space<hbm>>
    %dma_start3A_2502 = arith.constant 4864 : i32
    %dma_start3A_2503 = tpu.memref_slice %arg5[%dma_start3A_2502] : memref<6400xi32, #tpu.memory_space<vmem>> -> memref<128xi32, #tpu.memory_space<vmem>>
    %dma_start3A_2504 = tpu.memref_slice %arg2[%select_n3A_1692, %mul3A_1710] : memref<50x4096xi32, #tpu.memory_space<hbm>> -> memref<1x128xi32, #tpu.memory_space<hbm>>
    %dma_start3A_2505 = tpu.memref_squeeze %dma_start3A_2504 : memref<1x128xi32, #tpu.memory_space<hbm>> -> memref<128xi32, #tpu.memory_space<hbm>>
    tpu.enqueue_dma source(%dma_start3A_2505 : memref<128xi32, #tpu.memory_space<hbm>>) target(%dma_start3A_2503 : memref<128xi32, #tpu.memory_space<vmem>>) target_semaphore(%arg21 : memref<!tpu.dma_semaphore, #tpu.memory_space<semaphore_mem>>)
    %dma_start3A_2506 = arith.constant 4992 : i32
    %dma_start3A_2507 = tpu.memref_slice %arg5[%dma_start3A_2506] : memref<6400xi32, #tpu.memory_space<vmem>> -> memref<128xi32, #tpu.memory_space<vmem>>
    %dma_start3A_2508 = tpu.memref_slice %arg2[%select_n3A_1736, %mul3A_1754] : memref<50x4096xi32, #tpu.memory_space<hbm>> -> memref<1x128xi32, #tpu.memory_space<hbm>>
    %dma_start3A_2509 = tpu.memref_squeeze %dma_start3A_2508 : memref<1x128xi32, #tpu.memory_space<hbm>> -> memref<128xi32, #tpu.memory_space<hbm>>
    %dma_start3A_2510 = arith.constant 4992 : i32
    %dma_start3A_2511 = tpu.memref_slice %arg5[%dma_start3A_2510] : memref<6400xi32, #tpu.memory_space<vmem>> -> memref<128xi32, #tpu.memory_space<vmem>>
    %dma_start3A_2512 = tpu.memref_slice %arg2[%select_n3A_1736, %mul3A_1754] : memref<50x4096xi32, #tpu.memory_space<hbm>> -> memref<1x128xi32, #tpu.memory_space<hbm>>
    %dma_start3A_2513 = tpu.memref_squeeze %dma_start3A_2512 : memref<1x128xi32, #tpu.memory_space<hbm>> -> memref<128xi32, #tpu.memory_space<hbm>>
    tpu.enqueue_dma source(%dma_start3A_2513 : memref<128xi32, #tpu.memory_space<hbm>>) target(%dma_start3A_2511 : memref<128xi32, #tpu.memory_space<vmem>>) target_semaphore(%arg21 : memref<!tpu.dma_semaphore, #tpu.memory_space<semaphore_mem>>)
    %dma_start3A_2514 = arith.constant 5120 : i32
    %dma_start3A_2515 = tpu.memref_slice %arg5[%dma_start3A_2514] : memref<6400xi32, #tpu.memory_space<vmem>> -> memref<128xi32, #tpu.memory_space<vmem>>
    %dma_start3A_2516 = tpu.memref_slice %arg2[%select_n3A_1780, %mul3A_1798] : memref<50x4096xi32, #tpu.memory_space<hbm>> -> memref<1x128xi32, #tpu.memory_space<hbm>>
    %dma_start3A_2517 = tpu.memref_squeeze %dma_start3A_2516 : memref<1x128xi32, #tpu.memory_space<hbm>> -> memref<128xi32, #tpu.memory_space<hbm>>
    %dma_start3A_2518 = arith.constant 5120 : i32
    %dma_start3A_2519 = tpu.memref_slice %arg5[%dma_start3A_2518] : memref<6400xi32, #tpu.memory_space<vmem>> -> memref<128xi32, #tpu.memory_space<vmem>>
    %dma_start3A_2520 = tpu.memref_slice %arg2[%select_n3A_1780, %mul3A_1798] : memref<50x4096xi32, #tpu.memory_space<hbm>> -> memref<1x128xi32, #tpu.memory_space<hbm>>
    %dma_start3A_2521 = tpu.memref_squeeze %dma_start3A_2520 : memref<1x128xi32, #tpu.memory_space<hbm>> -> memref<128xi32, #tpu.memory_space<hbm>>
    tpu.enqueue_dma source(%dma_start3A_2521 : memref<128xi32, #tpu.memory_space<hbm>>) target(%dma_start3A_2519 : memref<128xi32, #tpu.memory_space<vmem>>) target_semaphore(%arg21 : memref<!tpu.dma_semaphore, #tpu.memory_space<semaphore_mem>>)
    %dma_start3A_2522 = arith.constant 5248 : i32
    %dma_start3A_2523 = tpu.memref_slice %arg5[%dma_start3A_2522] : memref<6400xi32, #tpu.memory_space<vmem>> -> memref<128xi32, #tpu.memory_space<vmem>>
    %dma_start3A_2524 = tpu.memref_slice %arg2[%select_n3A_1824, %mul3A_1842] : memref<50x4096xi32, #tpu.memory_space<hbm>> -> memref<1x128xi32, #tpu.memory_space<hbm>>
    %dma_start3A_2525 = tpu.memref_squeeze %dma_start3A_2524 : memref<1x128xi32, #tpu.memory_space<hbm>> -> memref<128xi32, #tpu.memory_space<hbm>>
    %dma_start3A_2526 = arith.constant 5248 : i32
    %dma_start3A_2527 = tpu.memref_slice %arg5[%dma_start3A_2526] : memref<6400xi32, #tpu.memory_space<vmem>> -> memref<128xi32, #tpu.memory_space<vmem>>
    %dma_start3A_2528 = tpu.memref_slice %arg2[%select_n3A_1824, %mul3A_1842] : memref<50x4096xi32, #tpu.memory_space<hbm>> -> memref<1x128xi32, #tpu.memory_space<hbm>>
    %dma_start3A_2529 = tpu.memref_squeeze %dma_start3A_2528 : memref<1x128xi32, #tpu.memory_space<hbm>> -> memref<128xi32, #tpu.memory_space<hbm>>
    tpu.enqueue_dma source(%dma_start3A_2529 : memref<128xi32, #tpu.memory_space<hbm>>) target(%dma_start3A_2527 : memref<128xi32, #tpu.memory_space<vmem>>) target_semaphore(%arg21 : memref<!tpu.dma_semaphore, #tpu.memory_space<semaphore_mem>>)
    %dma_start3A_2530 = arith.constant 5376 : i32
    %dma_start3A_2531 = tpu.memref_slice %arg5[%dma_start3A_2530] : memref<6400xi32, #tpu.memory_space<vmem>> -> memref<128xi32, #tpu.memory_space<vmem>>
    %dma_start3A_2532 = tpu.memref_slice %arg2[%select_n3A_1868, %mul3A_1886] : memref<50x4096xi32, #tpu.memory_space<hbm>> -> memref<1x128xi32, #tpu.memory_space<hbm>>
    %dma_start3A_2533 = tpu.memref_squeeze %dma_start3A_2532 : memref<1x128xi32, #tpu.memory_space<hbm>> -> memref<128xi32, #tpu.memory_space<hbm>>
    %dma_start3A_2534 = arith.constant 5376 : i32
    %dma_start3A_2535 = tpu.memref_slice %arg5[%dma_start3A_2534] : memref<6400xi32, #tpu.memory_space<vmem>> -> memref<128xi32, #tpu.memory_space<vmem>>
    %dma_start3A_2536 = tpu.memref_slice %arg2[%select_n3A_1868, %mul3A_1886] : memref<50x4096xi32, #tpu.memory_space<hbm>> -> memref<1x128xi32, #tpu.memory_space<hbm>>
    %dma_start3A_2537 = tpu.memref_squeeze %dma_start3A_2536 : memref<1x128xi32, #tpu.memory_space<hbm>> -> memref<128xi32, #tpu.memory_space<hbm>>
    tpu.enqueue_dma source(%dma_start3A_2537 : memref<128xi32, #tpu.memory_space<hbm>>) target(%dma_start3A_2535 : memref<128xi32, #tpu.memory_space<vmem>>) target_semaphore(%arg21 : memref<!tpu.dma_semaphore, #tpu.memory_space<semaphore_mem>>)
    %dma_start3A_2538 = arith.constant 5504 : i32
    %dma_start3A_2539 = tpu.memref_slice %arg5[%dma_start3A_2538] : memref<6400xi32, #tpu.memory_space<vmem>> -> memref<128xi32, #tpu.memory_space<vmem>>
    %dma_start3A_2540 = tpu.memref_slice %arg2[%select_n3A_1912, %mul3A_1930] : memref<50x4096xi32, #tpu.memory_space<hbm>> -> memref<1x128xi32, #tpu.memory_space<hbm>>
    %dma_start3A_2541 = tpu.memref_squeeze %dma_start3A_2540 : memref<1x128xi32, #tpu.memory_space<hbm>> -> memref<128xi32, #tpu.memory_space<hbm>>
    %dma_start3A_2542 = arith.constant 5504 : i32
    %dma_start3A_2543 = tpu.memref_slice %arg5[%dma_start3A_2542] : memref<6400xi32, #tpu.memory_space<vmem>> -> memref<128xi32, #tpu.memory_space<vmem>>
    %dma_start3A_2544 = tpu.memref_slice %arg2[%select_n3A_1912, %mul3A_1930] : memref<50x4096xi32, #tpu.memory_space<hbm>> -> memref<1x128xi32, #tpu.memory_space<hbm>>
    %dma_start3A_2545 = tpu.memref_squeeze %dma_start3A_2544 : memref<1x128xi32, #tpu.memory_space<hbm>> -> memref<128xi32, #tpu.memory_space<hbm>>
    tpu.enqueue_dma source(%dma_start3A_2545 : memref<128xi32, #tpu.memory_space<hbm>>) target(%dma_start3A_2543 : memref<128xi32, #tpu.memory_space<vmem>>) target_semaphore(%arg21 : memref<!tpu.dma_semaphore, #tpu.memory_space<semaphore_mem>>)
    %dma_start3A_2546 = arith.constant 5632 : i32
    %dma_start3A_2547 = tpu.memref_slice %arg5[%dma_start3A_2546] : memref<6400xi32, #tpu.memory_space<vmem>> -> memref<128xi32, #tpu.memory_space<vmem>>
    %dma_start3A_2548 = tpu.memref_slice %arg2[%select_n3A_1956, %mul3A_1974] : memref<50x4096xi32, #tpu.memory_space<hbm>> -> memref<1x128xi32, #tpu.memory_space<hbm>>
    %dma_start3A_2549 = tpu.memref_squeeze %dma_start3A_2548 : memref<1x128xi32, #tpu.memory_space<hbm>> -> memref<128xi32, #tpu.memory_space<hbm>>
    %dma_start3A_2550 = arith.constant 5632 : i32
    %dma_start3A_2551 = tpu.memref_slice %arg5[%dma_start3A_2550] : memref<6400xi32, #tpu.memory_space<vmem>> -> memref<128xi32, #tpu.memory_space<vmem>>
    %dma_start3A_2552 = tpu.memref_slice %arg2[%select_n3A_1956, %mul3A_1974] : memref<50x4096xi32, #tpu.memory_space<hbm>> -> memref<1x128xi32, #tpu.memory_space<hbm>>
    %dma_start3A_2553 = tpu.memref_squeeze %dma_start3A_2552 : memref<1x128xi32, #tpu.memory_space<hbm>> -> memref<128xi32, #tpu.memory_space<hbm>>
    tpu.enqueue_dma source(%dma_start3A_2553 : memref<128xi32, #tpu.memory_space<hbm>>) target(%dma_start3A_2551 : memref<128xi32, #tpu.memory_space<vmem>>) target_semaphore(%arg21 : memref<!tpu.dma_semaphore, #tpu.memory_space<semaphore_mem>>)
    %dma_start3A_2554 = arith.constant 5760 : i32
    %dma_start3A_2555 = tpu.memref_slice %arg5[%dma_start3A_2554] : memref<6400xi32, #tpu.memory_space<vmem>> -> memref<128xi32, #tpu.memory_space<vmem>>
    %dma_start3A_2556 = tpu.memref_slice %arg2[%select_n3A_2000, %mul3A_2018] : memref<50x4096xi32, #tpu.memory_space<hbm>> -> memref<1x128xi32, #tpu.memory_space<hbm>>
    %dma_start3A_2557 = tpu.memref_squeeze %dma_start3A_2556 : memref<1x128xi32, #tpu.memory_space<hbm>> -> memref<128xi32, #tpu.memory_space<hbm>>
    %dma_start3A_2558 = arith.constant 5760 : i32
    %dma_start3A_2559 = tpu.memref_slice %arg5[%dma_start3A_2558] : memref<6400xi32, #tpu.memory_space<vmem>> -> memref<128xi32, #tpu.memory_space<vmem>>
    %dma_start3A_2560 = tpu.memref_slice %arg2[%select_n3A_2000, %mul3A_2018] : memref<50x4096xi32, #tpu.memory_space<hbm>> -> memref<1x128xi32, #tpu.memory_space<hbm>>
    %dma_start3A_2561 = tpu.memref_squeeze %dma_start3A_2560 : memref<1x128xi32, #tpu.memory_space<hbm>> -> memref<128xi32, #tpu.memory_space<hbm>>
    tpu.enqueue_dma source(%dma_start3A_2561 : memref<128xi32, #tpu.memory_space<hbm>>) target(%dma_start3A_2559 : memref<128xi32, #tpu.memory_space<vmem>>) target_semaphore(%arg21 : memref<!tpu.dma_semaphore, #tpu.memory_space<semaphore_mem>>)
    %dma_start3A_2562 = arith.constant 5888 : i32
    %dma_start3A_2563 = tpu.memref_slice %arg5[%dma_start3A_2562] : memref<6400xi32, #tpu.memory_space<vmem>> -> memref<128xi32, #tpu.memory_space<vmem>>
    %dma_start3A_2564 = tpu.memref_slice %arg2[%select_n3A_2044, %mul3A_2062] : memref<50x4096xi32, #tpu.memory_space<hbm>> -> memref<1x128xi32, #tpu.memory_space<hbm>>
    %dma_start3A_2565 = tpu.memref_squeeze %dma_start3A_2564 : memref<1x128xi32, #tpu.memory_space<hbm>> -> memref<128xi32, #tpu.memory_space<hbm>>
    %dma_start3A_2566 = arith.constant 5888 : i32
    %dma_start3A_2567 = tpu.memref_slice %arg5[%dma_start3A_2566] : memref<6400xi32, #tpu.memory_space<vmem>> -> memref<128xi32, #tpu.memory_space<vmem>>
    %dma_start3A_2568 = tpu.memref_slice %arg2[%select_n3A_2044, %mul3A_2062] : memref<50x4096xi32, #tpu.memory_space<hbm>> -> memref<1x128xi32, #tpu.memory_space<hbm>>
    %dma_start3A_2569 = tpu.memref_squeeze %dma_start3A_2568 : memref<1x128xi32, #tpu.memory_space<hbm>> -> memref<128xi32, #tpu.memory_space<hbm>>
    tpu.enqueue_dma source(%dma_start3A_2569 : memref<128xi32, #tpu.memory_space<hbm>>) target(%dma_start3A_2567 : memref<128xi32, #tpu.memory_space<vmem>>) target_semaphore(%arg21 : memref<!tpu.dma_semaphore, #tpu.memory_space<semaphore_mem>>)
    %dma_start3A_2570 = arith.constant 6016 : i32
    %dma_start3A_2571 = tpu.memref_slice %arg5[%dma_start3A_2570] : memref<6400xi32, #tpu.memory_space<vmem>> -> memref<128xi32, #tpu.memory_space<vmem>>
    %dma_start3A_2572 = tpu.memref_slice %arg2[%select_n3A_2088, %mul3A_2106] : memref<50x4096xi32, #tpu.memory_space<hbm>> -> memref<1x128xi32, #tpu.memory_space<hbm>>
    %dma_start3A_2573 = tpu.memref_squeeze %dma_start3A_2572 : memref<1x128xi32, #tpu.memory_space<hbm>> -> memref<128xi32, #tpu.memory_space<hbm>>
    %dma_start3A_2574 = arith.constant 6016 : i32
    %dma_start3A_2575 = tpu.memref_slice %arg5[%dma_start3A_2574] : memref<6400xi32, #tpu.memory_space<vmem>> -> memref<128xi32, #tpu.memory_space<vmem>>
    %dma_start3A_2576 = tpu.memref_slice %arg2[%select_n3A_2088, %mul3A_2106] : memref<50x4096xi32, #tpu.memory_space<hbm>> -> memref<1x128xi32, #tpu.memory_space<hbm>>
    %dma_start3A_2577 = tpu.memref_squeeze %dma_start3A_2576 : memref<1x128xi32, #tpu.memory_space<hbm>> -> memref<128xi32, #tpu.memory_space<hbm>>
    tpu.enqueue_dma source(%dma_start3A_2577 : memref<128xi32, #tpu.memory_space<hbm>>) target(%dma_start3A_2575 : memref<128xi32, #tpu.memory_space<vmem>>) target_semaphore(%arg21 : memref<!tpu.dma_semaphore, #tpu.memory_space<semaphore_mem>>)
    %dma_start3A_2578 = arith.constant 6144 : i32
    %dma_start3A_2579 = tpu.memref_slice %arg5[%dma_start3A_2578] : memref<6400xi32, #tpu.memory_space<vmem>> -> memref<128xi32, #tpu.memory_space<vmem>>
    %dma_start3A_2580 = tpu.memref_slice %arg2[%select_n3A_2132, %mul3A_2150] : memref<50x4096xi32, #tpu.memory_space<hbm>> -> memref<1x128xi32, #tpu.memory_space<hbm>>
    %dma_start3A_2581 = tpu.memref_squeeze %dma_start3A_2580 : memref<1x128xi32, #tpu.memory_space<hbm>> -> memref<128xi32, #tpu.memory_space<hbm>>
    %dma_start3A_2582 = arith.constant 6144 : i32
    %dma_start3A_2583 = tpu.memref_slice %arg5[%dma_start3A_2582] : memref<6400xi32, #tpu.memory_space<vmem>> -> memref<128xi32, #tpu.memory_space<vmem>>
    %dma_start3A_2584 = tpu.memref_slice %arg2[%select_n3A_2132, %mul3A_2150] : memref<50x4096xi32, #tpu.memory_space<hbm>> -> memref<1x128xi32, #tpu.memory_space<hbm>>
    %dma_start3A_2585 = tpu.memref_squeeze %dma_start3A_2584 : memref<1x128xi32, #tpu.memory_space<hbm>> -> memref<128xi32, #tpu.memory_space<hbm>>
    tpu.enqueue_dma source(%dma_start3A_2585 : memref<128xi32, #tpu.memory_space<hbm>>) target(%dma_start3A_2583 : memref<128xi32, #tpu.memory_space<vmem>>) target_semaphore(%arg21 : memref<!tpu.dma_semaphore, #tpu.memory_space<semaphore_mem>>)
    %dma_start3A_2586 = arith.constant 6272 : i32
    %dma_start3A_2587 = tpu.memref_slice %arg5[%dma_start3A_2586] : memref<6400xi32, #tpu.memory_space<vmem>> -> memref<128xi32, #tpu.memory_space<vmem>>
    %dma_start3A_2588 = tpu.memref_slice %arg2[%select_n3A_2176, %mul3A_2194] : memref<50x4096xi32, #tpu.memory_space<hbm>> -> memref<1x128xi32, #tpu.memory_space<hbm>>
    %dma_start3A_2589 = tpu.memref_squeeze %dma_start3A_2588 : memref<1x128xi32, #tpu.memory_space<hbm>> -> memref<128xi32, #tpu.memory_space<hbm>>
    %dma_start3A_2590 = arith.constant 6272 : i32
    %dma_start3A_2591 = tpu.memref_slice %arg5[%dma_start3A_2590] : memref<6400xi32, #tpu.memory_space<vmem>> -> memref<128xi32, #tpu.memory_space<vmem>>
    %dma_start3A_2592 = tpu.memref_slice %arg2[%select_n3A_2176, %mul3A_2194] : memref<50x4096xi32, #tpu.memory_space<hbm>> -> memref<1x128xi32, #tpu.memory_space<hbm>>
    %dma_start3A_2593 = tpu.memref_squeeze %dma_start3A_2592 : memref<1x128xi32, #tpu.memory_space<hbm>> -> memref<128xi32, #tpu.memory_space<hbm>>
    tpu.enqueue_dma source(%dma_start3A_2593 : memref<128xi32, #tpu.memory_space<hbm>>) target(%dma_start3A_2591 : memref<128xi32, #tpu.memory_space<vmem>>) target_semaphore(%arg21 : memref<!tpu.dma_semaphore, #tpu.memory_space<semaphore_mem>>)
    %dma_wait3A = arith.constant 0 : i32
    %dma_wait3A_2594 = tpu.memref_slice %arg5[%dma_wait3A] : memref<6400xi32, #tpu.memory_space<vmem>> -> memref<128xi32, #tpu.memory_space<vmem>>
    %dma_wait3A_2595 = tpu.memref_slice %arg2[%select_n3A, %mul3A_38] : memref<50x4096xi32, #tpu.memory_space<hbm>> -> memref<1x128xi32, #tpu.memory_space<hbm>>
    %dma_wait3A_2596 = tpu.memref_squeeze %dma_wait3A_2595 : memref<1x128xi32, #tpu.memory_space<hbm>> -> memref<128xi32, #tpu.memory_space<hbm>>
    %dma_wait3A_2597 = arith.constant 0 : i32
    %dma_wait3A_2598 = tpu.memref_slice %arg5[%dma_wait3A_2597] : memref<6400xi32, #tpu.memory_space<vmem>> -> memref<128xi32, #tpu.memory_space<vmem>>
    %dma_wait3A_2599 = tpu.memref_slice %arg2[%select_n3A, %mul3A_38] : memref<50x4096xi32, #tpu.memory_space<hbm>> -> memref<1x128xi32, #tpu.memory_space<hbm>>
    %dma_wait3A_2600 = tpu.memref_squeeze %dma_wait3A_2599 : memref<1x128xi32, #tpu.memory_space<hbm>> -> memref<128xi32, #tpu.memory_space<hbm>>
    tpu.wait_dma2 semaphore(%arg21 : memref<!tpu.dma_semaphore, #tpu.memory_space<semaphore_mem>>) src(%dma_wait3A_2600 : memref<128xi32, #tpu.memory_space<hbm>>) dst(%dma_wait3A_2598 : memref<128xi32, #tpu.memory_space<vmem>>)
    %dma_wait3A_2601 = arith.constant 128 : i32
    %dma_wait3A_2602 = tpu.memref_slice %arg5[%dma_wait3A_2601] : memref<6400xi32, #tpu.memory_space<vmem>> -> memref<128xi32, #tpu.memory_space<vmem>>
    %dma_wait3A_2603 = tpu.memref_slice %arg2[%select_n3A_64, %mul3A_82] : memref<50x4096xi32, #tpu.memory_space<hbm>> -> memref<1x128xi32, #tpu.memory_space<hbm>>
    %dma_wait3A_2604 = tpu.memref_squeeze %dma_wait3A_2603 : memref<1x128xi32, #tpu.memory_space<hbm>> -> memref<128xi32, #tpu.memory_space<hbm>>
    %dma_wait3A_2605 = arith.constant 128 : i32
    %dma_wait3A_2606 = tpu.memref_slice %arg5[%dma_wait3A_2605] : memref<6400xi32, #tpu.memory_space<vmem>> -> memref<128xi32, #tpu.memory_space<vmem>>
    %dma_wait3A_2607 = tpu.memref_slice %arg2[%select_n3A_64, %mul3A_82] : memref<50x4096xi32, #tpu.memory_space<hbm>> -> memref<1x128xi32, #tpu.memory_space<hbm>>
    %dma_wait3A_2608 = tpu.memref_squeeze %dma_wait3A_2607 : memref<1x128xi32, #tpu.memory_space<hbm>> -> memref<128xi32, #tpu.memory_space<hbm>>
    tpu.wait_dma2 semaphore(%arg21 : memref<!tpu.dma_semaphore, #tpu.memory_space<semaphore_mem>>) src(%dma_wait3A_2608 : memref<128xi32, #tpu.memory_space<hbm>>) dst(%dma_wait3A_2606 : memref<128xi32, #tpu.memory_space<vmem>>)
    %dma_wait3A_2609 = arith.constant 256 : i32
    %dma_wait3A_2610 = tpu.memref_slice %arg5[%dma_wait3A_2609] : memref<6400xi32, #tpu.memory_space<vmem>> -> memref<128xi32, #tpu.memory_space<vmem>>
    %dma_wait3A_2611 = tpu.memref_slice %arg2[%select_n3A_108, %mul3A_126] : memref<50x4096xi32, #tpu.memory_space<hbm>> -> memref<1x128xi32, #tpu.memory_space<hbm>>
    %dma_wait3A_2612 = tpu.memref_squeeze %dma_wait3A_2611 : memref<1x128xi32, #tpu.memory_space<hbm>> -> memref<128xi32, #tpu.memory_space<hbm>>
    %dma_wait3A_2613 = arith.constant 256 : i32
    %dma_wait3A_2614 = tpu.memref_slice %arg5[%dma_wait3A_2613] : memref<6400xi32, #tpu.memory_space<vmem>> -> memref<128xi32, #tpu.memory_space<vmem>>
    %dma_wait3A_2615 = tpu.memref_slice %arg2[%select_n3A_108, %mul3A_126] : memref<50x4096xi32, #tpu.memory_space<hbm>> -> memref<1x128xi32, #tpu.memory_space<hbm>>
    %dma_wait3A_2616 = tpu.memref_squeeze %dma_wait3A_2615 : memref<1x128xi32, #tpu.memory_space<hbm>> -> memref<128xi32, #tpu.memory_space<hbm>>
    tpu.wait_dma2 semaphore(%arg21 : memref<!tpu.dma_semaphore, #tpu.memory_space<semaphore_mem>>) src(%dma_wait3A_2616 : memref<128xi32, #tpu.memory_space<hbm>>) dst(%dma_wait3A_2614 : memref<128xi32, #tpu.memory_space<vmem>>)
    %dma_wait3A_2617 = arith.constant 384 : i32
    %dma_wait3A_2618 = tpu.memref_slice %arg5[%dma_wait3A_2617] : memref<6400xi32, #tpu.memory_space<vmem>> -> memref<128xi32, #tpu.memory_space<vmem>>
    %dma_wait3A_2619 = tpu.memref_slice %arg2[%select_n3A_152, %mul3A_170] : memref<50x4096xi32, #tpu.memory_space<hbm>> -> memref<1x128xi32, #tpu.memory_space<hbm>>
    %dma_wait3A_2620 = tpu.memref_squeeze %dma_wait3A_2619 : memref<1x128xi32, #tpu.memory_space<hbm>> -> memref<128xi32, #tpu.memory_space<hbm>>
    %dma_wait3A_2621 = arith.constant 384 : i32
    %dma_wait3A_2622 = tpu.memref_slice %arg5[%dma_wait3A_2621] : memref<6400xi32, #tpu.memory_space<vmem>> -> memref<128xi32, #tpu.memory_space<vmem>>
    %dma_wait3A_2623 = tpu.memref_slice %arg2[%select_n3A_152, %mul3A_170] : memref<50x4096xi32, #tpu.memory_space<hbm>> -> memref<1x128xi32, #tpu.memory_space<hbm>>
    %dma_wait3A_2624 = tpu.memref_squeeze %dma_wait3A_2623 : memref<1x128xi32, #tpu.memory_space<hbm>> -> memref<128xi32, #tpu.memory_space<hbm>>
    tpu.wait_dma2 semaphore(%arg21 : memref<!tpu.dma_semaphore, #tpu.memory_space<semaphore_mem>>) src(%dma_wait3A_2624 : memref<128xi32, #tpu.memory_space<hbm>>) dst(%dma_wait3A_2622 : memref<128xi32, #tpu.memory_space<vmem>>)
    %dma_wait3A_2625 = arith.constant 512 : i32
    %dma_wait3A_2626 = tpu.memref_slice %arg5[%dma_wait3A_2625] : memref<6400xi32, #tpu.memory_space<vmem>> -> memref<128xi32, #tpu.memory_space<vmem>>
    %dma_wait3A_2627 = tpu.memref_slice %arg2[%select_n3A_196, %mul3A_214] : memref<50x4096xi32, #tpu.memory_space<hbm>> -> memref<1x128xi32, #tpu.memory_space<hbm>>
    %dma_wait3A_2628 = tpu.memref_squeeze %dma_wait3A_2627 : memref<1x128xi32, #tpu.memory_space<hbm>> -> memref<128xi32, #tpu.memory_space<hbm>>
    %dma_wait3A_2629 = arith.constant 512 : i32
    %dma_wait3A_2630 = tpu.memref_slice %arg5[%dma_wait3A_2629] : memref<6400xi32, #tpu.memory_space<vmem>> -> memref<128xi32, #tpu.memory_space<vmem>>
    %dma_wait3A_2631 = tpu.memref_slice %arg2[%select_n3A_196, %mul3A_214] : memref<50x4096xi32, #tpu.memory_space<hbm>> -> memref<1x128xi32, #tpu.memory_space<hbm>>
    %dma_wait3A_2632 = tpu.memref_squeeze %dma_wait3A_2631 : memref<1x128xi32, #tpu.memory_space<hbm>> -> memref<128xi32, #tpu.memory_space<hbm>>
    tpu.wait_dma2 semaphore(%arg21 : memref<!tpu.dma_semaphore, #tpu.memory_space<semaphore_mem>>) src(%dma_wait3A_2632 : memref<128xi32, #tpu.memory_space<hbm>>) dst(%dma_wait3A_2630 : memref<128xi32, #tpu.memory_space<vmem>>)
    %dma_wait3A_2633 = arith.constant 640 : i32
    %dma_wait3A_2634 = tpu.memref_slice %arg5[%dma_wait3A_2633] : memref<6400xi32, #tpu.memory_space<vmem>> -> memref<128xi32, #tpu.memory_space<vmem>>
    %dma_wait3A_2635 = tpu.memref_slice %arg2[%select_n3A_240, %mul3A_258] : memref<50x4096xi32, #tpu.memory_space<hbm>> -> memref<1x128xi32, #tpu.memory_space<hbm>>
    %dma_wait3A_2636 = tpu.memref_squeeze %dma_wait3A_2635 : memref<1x128xi32, #tpu.memory_space<hbm>> -> memref<128xi32, #tpu.memory_space<hbm>>
    %dma_wait3A_2637 = arith.constant 640 : i32
    %dma_wait3A_2638 = tpu.memref_slice %arg5[%dma_wait3A_2637] : memref<6400xi32, #tpu.memory_space<vmem>> -> memref<128xi32, #tpu.memory_space<vmem>>
    %dma_wait3A_2639 = tpu.memref_slice %arg2[%select_n3A_240, %mul3A_258] : memref<50x4096xi32, #tpu.memory_space<hbm>> -> memref<1x128xi32, #tpu.memory_space<hbm>>
    %dma_wait3A_2640 = tpu.memref_squeeze %dma_wait3A_2639 : memref<1x128xi32, #tpu.memory_space<hbm>> -> memref<128xi32, #tpu.memory_space<hbm>>
    tpu.wait_dma2 semaphore(%arg21 : memref<!tpu.dma_semaphore, #tpu.memory_space<semaphore_mem>>) src(%dma_wait3A_2640 : memref<128xi32, #tpu.memory_space<hbm>>) dst(%dma_wait3A_2638 : memref<128xi32, #tpu.memory_space<vmem>>)
    %dma_wait3A_2641 = arith.constant 768 : i32
    %dma_wait3A_2642 = tpu.memref_slice %arg5[%dma_wait3A_2641] : memref<6400xi32, #tpu.memory_space<vmem>> -> memref<128xi32, #tpu.memory_space<vmem>>
    %dma_wait3A_2643 = tpu.memref_slice %arg2[%select_n3A_284, %mul3A_302] : memref<50x4096xi32, #tpu.memory_space<hbm>> -> memref<1x128xi32, #tpu.memory_space<hbm>>
    %dma_wait3A_2644 = tpu.memref_squeeze %dma_wait3A_2643 : memref<1x128xi32, #tpu.memory_space<hbm>> -> memref<128xi32, #tpu.memory_space<hbm>>
    %dma_wait3A_2645 = arith.constant 768 : i32
    %dma_wait3A_2646 = tpu.memref_slice %arg5[%dma_wait3A_2645] : memref<6400xi32, #tpu.memory_space<vmem>> -> memref<128xi32, #tpu.memory_space<vmem>>
    %dma_wait3A_2647 = tpu.memref_slice %arg2[%select_n3A_284, %mul3A_302] : memref<50x4096xi32, #tpu.memory_space<hbm>> -> memref<1x128xi32, #tpu.memory_space<hbm>>
    %dma_wait3A_2648 = tpu.memref_squeeze %dma_wait3A_2647 : memref<1x128xi32, #tpu.memory_space<hbm>> -> memref<128xi32, #tpu.memory_space<hbm>>
    tpu.wait_dma2 semaphore(%arg21 : memref<!tpu.dma_semaphore, #tpu.memory_space<semaphore_mem>>) src(%dma_wait3A_2648 : memref<128xi32, #tpu.memory_space<hbm>>) dst(%dma_wait3A_2646 : memref<128xi32, #tpu.memory_space<vmem>>)
    %dma_wait3A_2649 = arith.constant 896 : i32
    %dma_wait3A_2650 = tpu.memref_slice %arg5[%dma_wait3A_2649] : memref<6400xi32, #tpu.memory_space<vmem>> -> memref<128xi32, #tpu.memory_space<vmem>>
    %dma_wait3A_2651 = tpu.memref_slice %arg2[%select_n3A_328, %mul3A_346] : memref<50x4096xi32, #tpu.memory_space<hbm>> -> memref<1x128xi32, #tpu.memory_space<hbm>>
    %dma_wait3A_2652 = tpu.memref_squeeze %dma_wait3A_2651 : memref<1x128xi32, #tpu.memory_space<hbm>> -> memref<128xi32, #tpu.memory_space<hbm>>
    %dma_wait3A_2653 = arith.constant 896 : i32
    %dma_wait3A_2654 = tpu.memref_slice %arg5[%dma_wait3A_2653] : memref<6400xi32, #tpu.memory_space<vmem>> -> memref<128xi32, #tpu.memory_space<vmem>>
    %dma_wait3A_2655 = tpu.memref_slice %arg2[%select_n3A_328, %mul3A_346] : memref<50x4096xi32, #tpu.memory_space<hbm>> -> memref<1x128xi32, #tpu.memory_space<hbm>>
    %dma_wait3A_2656 = tpu.memref_squeeze %dma_wait3A_2655 : memref<1x128xi32, #tpu.memory_space<hbm>> -> memref<128xi32, #tpu.memory_space<hbm>>
    tpu.wait_dma2 semaphore(%arg21 : memref<!tpu.dma_semaphore, #tpu.memory_space<semaphore_mem>>) src(%dma_wait3A_2656 : memref<128xi32, #tpu.memory_space<hbm>>) dst(%dma_wait3A_2654 : memref<128xi32, #tpu.memory_space<vmem>>)
    %dma_wait3A_2657 = arith.constant 1024 : i32
    %dma_wait3A_2658 = tpu.memref_slice %arg5[%dma_wait3A_2657] : memref<6400xi32, #tpu.memory_space<vmem>> -> memref<128xi32, #tpu.memory_space<vmem>>
    %dma_wait3A_2659 = tpu.memref_slice %arg2[%select_n3A_372, %mul3A_390] : memref<50x4096xi32, #tpu.memory_space<hbm>> -> memref<1x128xi32, #tpu.memory_space<hbm>>
    %dma_wait3A_2660 = tpu.memref_squeeze %dma_wait3A_2659 : memref<1x128xi32, #tpu.memory_space<hbm>> -> memref<128xi32, #tpu.memory_space<hbm>>
    %dma_wait3A_2661 = arith.constant 1024 : i32
    %dma_wait3A_2662 = tpu.memref_slice %arg5[%dma_wait3A_2661] : memref<6400xi32, #tpu.memory_space<vmem>> -> memref<128xi32, #tpu.memory_space<vmem>>
    %dma_wait3A_2663 = tpu.memref_slice %arg2[%select_n3A_372, %mul3A_390] : memref<50x4096xi32, #tpu.memory_space<hbm>> -> memref<1x128xi32, #tpu.memory_space<hbm>>
    %dma_wait3A_2664 = tpu.memref_squeeze %dma_wait3A_2663 : memref<1x128xi32, #tpu.memory_space<hbm>> -> memref<128xi32, #tpu.memory_space<hbm>>
    tpu.wait_dma2 semaphore(%arg21 : memref<!tpu.dma_semaphore, #tpu.memory_space<semaphore_mem>>) src(%dma_wait3A_2664 : memref<128xi32, #tpu.memory_space<hbm>>) dst(%dma_wait3A_2662 : memref<128xi32, #tpu.memory_space<vmem>>)
    %dma_wait3A_2665 = arith.constant 1152 : i32
    %dma_wait3A_2666 = tpu.memref_slice %arg5[%dma_wait3A_2665] : memref<6400xi32, #tpu.memory_space<vmem>> -> memref<128xi32, #tpu.memory_space<vmem>>
    %dma_wait3A_2667 = tpu.memref_slice %arg2[%select_n3A_416, %mul3A_434] : memref<50x4096xi32, #tpu.memory_space<hbm>> -> memref<1x128xi32, #tpu.memory_space<hbm>>
    %dma_wait3A_2668 = tpu.memref_squeeze %dma_wait3A_2667 : memref<1x128xi32, #tpu.memory_space<hbm>> -> memref<128xi32, #tpu.memory_space<hbm>>
    %dma_wait3A_2669 = arith.constant 1152 : i32
    %dma_wait3A_2670 = tpu.memref_slice %arg5[%dma_wait3A_2669] : memref<6400xi32, #tpu.memory_space<vmem>> -> memref<128xi32, #tpu.memory_space<vmem>>
    %dma_wait3A_2671 = tpu.memref_slice %arg2[%select_n3A_416, %mul3A_434] : memref<50x4096xi32, #tpu.memory_space<hbm>> -> memref<1x128xi32, #tpu.memory_space<hbm>>
    %dma_wait3A_2672 = tpu.memref_squeeze %dma_wait3A_2671 : memref<1x128xi32, #tpu.memory_space<hbm>> -> memref<128xi32, #tpu.memory_space<hbm>>
    tpu.wait_dma2 semaphore(%arg21 : memref<!tpu.dma_semaphore, #tpu.memory_space<semaphore_mem>>) src(%dma_wait3A_2672 : memref<128xi32, #tpu.memory_space<hbm>>) dst(%dma_wait3A_2670 : memref<128xi32, #tpu.memory_space<vmem>>)
    %dma_wait3A_2673 = arith.constant 1280 : i32
    %dma_wait3A_2674 = tpu.memref_slice %arg5[%dma_wait3A_2673] : memref<6400xi32, #tpu.memory_space<vmem>> -> memref<128xi32, #tpu.memory_space<vmem>>
    %dma_wait3A_2675 = tpu.memref_slice %arg2[%select_n3A_460, %mul3A_478] : memref<50x4096xi32, #tpu.memory_space<hbm>> -> memref<1x128xi32, #tpu.memory_space<hbm>>
    %dma_wait3A_2676 = tpu.memref_squeeze %dma_wait3A_2675 : memref<1x128xi32, #tpu.memory_space<hbm>> -> memref<128xi32, #tpu.memory_space<hbm>>
    %dma_wait3A_2677 = arith.constant 1280 : i32
    %dma_wait3A_2678 = tpu.memref_slice %arg5[%dma_wait3A_2677] : memref<6400xi32, #tpu.memory_space<vmem>> -> memref<128xi32, #tpu.memory_space<vmem>>
    %dma_wait3A_2679 = tpu.memref_slice %arg2[%select_n3A_460, %mul3A_478] : memref<50x4096xi32, #tpu.memory_space<hbm>> -> memref<1x128xi32, #tpu.memory_space<hbm>>
    %dma_wait3A_2680 = tpu.memref_squeeze %dma_wait3A_2679 : memref<1x128xi32, #tpu.memory_space<hbm>> -> memref<128xi32, #tpu.memory_space<hbm>>
    tpu.wait_dma2 semaphore(%arg21 : memref<!tpu.dma_semaphore, #tpu.memory_space<semaphore_mem>>) src(%dma_wait3A_2680 : memref<128xi32, #tpu.memory_space<hbm>>) dst(%dma_wait3A_2678 : memref<128xi32, #tpu.memory_space<vmem>>)
    %dma_wait3A_2681 = arith.constant 1408 : i32
    %dma_wait3A_2682 = tpu.memref_slice %arg5[%dma_wait3A_2681] : memref<6400xi32, #tpu.memory_space<vmem>> -> memref<128xi32, #tpu.memory_space<vmem>>
    %dma_wait3A_2683 = tpu.memref_slice %arg2[%select_n3A_504, %mul3A_522] : memref<50x4096xi32, #tpu.memory_space<hbm>> -> memref<1x128xi32, #tpu.memory_space<hbm>>
    %dma_wait3A_2684 = tpu.memref_squeeze %dma_wait3A_2683 : memref<1x128xi32, #tpu.memory_space<hbm>> -> memref<128xi32, #tpu.memory_space<hbm>>
    %dma_wait3A_2685 = arith.constant 1408 : i32
    %dma_wait3A_2686 = tpu.memref_slice %arg5[%dma_wait3A_2685] : memref<6400xi32, #tpu.memory_space<vmem>> -> memref<128xi32, #tpu.memory_space<vmem>>
    %dma_wait3A_2687 = tpu.memref_slice %arg2[%select_n3A_504, %mul3A_522] : memref<50x4096xi32, #tpu.memory_space<hbm>> -> memref<1x128xi32, #tpu.memory_space<hbm>>
    %dma_wait3A_2688 = tpu.memref_squeeze %dma_wait3A_2687 : memref<1x128xi32, #tpu.memory_space<hbm>> -> memref<128xi32, #tpu.memory_space<hbm>>
    tpu.wait_dma2 semaphore(%arg21 : memref<!tpu.dma_semaphore, #tpu.memory_space<semaphore_mem>>) src(%dma_wait3A_2688 : memref<128xi32, #tpu.memory_space<hbm>>) dst(%dma_wait3A_2686 : memref<128xi32, #tpu.memory_space<vmem>>)
    %dma_wait3A_2689 = arith.constant 1536 : i32
    %dma_wait3A_2690 = tpu.memref_slice %arg5[%dma_wait3A_2689] : memref<6400xi32, #tpu.memory_space<vmem>> -> memref<128xi32, #tpu.memory_space<vmem>>
    %dma_wait3A_2691 = tpu.memref_slice %arg2[%select_n3A_548, %mul3A_566] : memref<50x4096xi32, #tpu.memory_space<hbm>> -> memref<1x128xi32, #tpu.memory_space<hbm>>
    %dma_wait3A_2692 = tpu.memref_squeeze %dma_wait3A_2691 : memref<1x128xi32, #tpu.memory_space<hbm>> -> memref<128xi32, #tpu.memory_space<hbm>>
    %dma_wait3A_2693 = arith.constant 1536 : i32
    %dma_wait3A_2694 = tpu.memref_slice %arg5[%dma_wait3A_2693] : memref<6400xi32, #tpu.memory_space<vmem>> -> memref<128xi32, #tpu.memory_space<vmem>>
    %dma_wait3A_2695 = tpu.memref_slice %arg2[%select_n3A_548, %mul3A_566] : memref<50x4096xi32, #tpu.memory_space<hbm>> -> memref<1x128xi32, #tpu.memory_space<hbm>>
    %dma_wait3A_2696 = tpu.memref_squeeze %dma_wait3A_2695 : memref<1x128xi32, #tpu.memory_space<hbm>> -> memref<128xi32, #tpu.memory_space<hbm>>
    tpu.wait_dma2 semaphore(%arg21 : memref<!tpu.dma_semaphore, #tpu.memory_space<semaphore_mem>>) src(%dma_wait3A_2696 : memref<128xi32, #tpu.memory_space<hbm>>) dst(%dma_wait3A_2694 : memref<128xi32, #tpu.memory_space<vmem>>)
    %dma_wait3A_2697 = arith.constant 1664 : i32
    %dma_wait3A_2698 = tpu.memref_slice %arg5[%dma_wait3A_2697] : memref<6400xi32, #tpu.memory_space<vmem>> -> memref<128xi32, #tpu.memory_space<vmem>>
    %dma_wait3A_2699 = tpu.memref_slice %arg2[%select_n3A_592, %mul3A_610] : memref<50x4096xi32, #tpu.memory_space<hbm>> -> memref<1x128xi32, #tpu.memory_space<hbm>>
    %dma_wait3A_2700 = tpu.memref_squeeze %dma_wait3A_2699 : memref<1x128xi32, #tpu.memory_space<hbm>> -> memref<128xi32, #tpu.memory_space<hbm>>
    %dma_wait3A_2701 = arith.constant 1664 : i32
    %dma_wait3A_2702 = tpu.memref_slice %arg5[%dma_wait3A_2701] : memref<6400xi32, #tpu.memory_space<vmem>> -> memref<128xi32, #tpu.memory_space<vmem>>
    %dma_wait3A_2703 = tpu.memref_slice %arg2[%select_n3A_592, %mul3A_610] : memref<50x4096xi32, #tpu.memory_space<hbm>> -> memref<1x128xi32, #tpu.memory_space<hbm>>
    %dma_wait3A_2704 = tpu.memref_squeeze %dma_wait3A_2703 : memref<1x128xi32, #tpu.memory_space<hbm>> -> memref<128xi32, #tpu.memory_space<hbm>>
    tpu.wait_dma2 semaphore(%arg21 : memref<!tpu.dma_semaphore, #tpu.memory_space<semaphore_mem>>) src(%dma_wait3A_2704 : memref<128xi32, #tpu.memory_space<hbm>>) dst(%dma_wait3A_2702 : memref<128xi32, #tpu.memory_space<vmem>>)
    %dma_wait3A_2705 = arith.constant 1792 : i32
    %dma_wait3A_2706 = tpu.memref_slice %arg5[%dma_wait3A_2705] : memref<6400xi32, #tpu.memory_space<vmem>> -> memref<128xi32, #tpu.memory_space<vmem>>
    %dma_wait3A_2707 = tpu.memref_slice %arg2[%select_n3A_636, %mul3A_654] : memref<50x4096xi32, #tpu.memory_space<hbm>> -> memref<1x128xi32, #tpu.memory_space<hbm>>
    %dma_wait3A_2708 = tpu.memref_squeeze %dma_wait3A_2707 : memref<1x128xi32, #tpu.memory_space<hbm>> -> memref<128xi32, #tpu.memory_space<hbm>>
    %dma_wait3A_2709 = arith.constant 1792 : i32
    %dma_wait3A_2710 = tpu.memref_slice %arg5[%dma_wait3A_2709] : memref<6400xi32, #tpu.memory_space<vmem>> -> memref<128xi32, #tpu.memory_space<vmem>>
    %dma_wait3A_2711 = tpu.memref_slice %arg2[%select_n3A_636, %mul3A_654] : memref<50x4096xi32, #tpu.memory_space<hbm>> -> memref<1x128xi32, #tpu.memory_space<hbm>>
    %dma_wait3A_2712 = tpu.memref_squeeze %dma_wait3A_2711 : memref<1x128xi32, #tpu.memory_space<hbm>> -> memref<128xi32, #tpu.memory_space<hbm>>
    tpu.wait_dma2 semaphore(%arg21 : memref<!tpu.dma_semaphore, #tpu.memory_space<semaphore_mem>>) src(%dma_wait3A_2712 : memref<128xi32, #tpu.memory_space<hbm>>) dst(%dma_wait3A_2710 : memref<128xi32, #tpu.memory_space<vmem>>)
    %dma_wait3A_2713 = arith.constant 1920 : i32
    %dma_wait3A_2714 = tpu.memref_slice %arg5[%dma_wait3A_2713] : memref<6400xi32, #tpu.memory_space<vmem>> -> memref<128xi32, #tpu.memory_space<vmem>>
    %dma_wait3A_2715 = tpu.memref_slice %arg2[%select_n3A_680, %mul3A_698] : memref<50x4096xi32, #tpu.memory_space<hbm>> -> memref<1x128xi32, #tpu.memory_space<hbm>>
    %dma_wait3A_2716 = tpu.memref_squeeze %dma_wait3A_2715 : memref<1x128xi32, #tpu.memory_space<hbm>> -> memref<128xi32, #tpu.memory_space<hbm>>
    %dma_wait3A_2717 = arith.constant 1920 : i32
    %dma_wait3A_2718 = tpu.memref_slice %arg5[%dma_wait3A_2717] : memref<6400xi32, #tpu.memory_space<vmem>> -> memref<128xi32, #tpu.memory_space<vmem>>
    %dma_wait3A_2719 = tpu.memref_slice %arg2[%select_n3A_680, %mul3A_698] : memref<50x4096xi32, #tpu.memory_space<hbm>> -> memref<1x128xi32, #tpu.memory_space<hbm>>
    %dma_wait3A_2720 = tpu.memref_squeeze %dma_wait3A_2719 : memref<1x128xi32, #tpu.memory_space<hbm>> -> memref<128xi32, #tpu.memory_space<hbm>>
    tpu.wait_dma2 semaphore(%arg21 : memref<!tpu.dma_semaphore, #tpu.memory_space<semaphore_mem>>) src(%dma_wait3A_2720 : memref<128xi32, #tpu.memory_space<hbm>>) dst(%dma_wait3A_2718 : memref<128xi32, #tpu.memory_space<vmem>>)
    %dma_wait3A_2721 = arith.constant 2048 : i32
    %dma_wait3A_2722 = tpu.memref_slice %arg5[%dma_wait3A_2721] : memref<6400xi32, #tpu.memory_space<vmem>> -> memref<128xi32, #tpu.memory_space<vmem>>
    %dma_wait3A_2723 = tpu.memref_slice %arg2[%select_n3A_724, %mul3A_742] : memref<50x4096xi32, #tpu.memory_space<hbm>> -> memref<1x128xi32, #tpu.memory_space<hbm>>
    %dma_wait3A_2724 = tpu.memref_squeeze %dma_wait3A_2723 : memref<1x128xi32, #tpu.memory_space<hbm>> -> memref<128xi32, #tpu.memory_space<hbm>>
    %dma_wait3A_2725 = arith.constant 2048 : i32
    %dma_wait3A_2726 = tpu.memref_slice %arg5[%dma_wait3A_2725] : memref<6400xi32, #tpu.memory_space<vmem>> -> memref<128xi32, #tpu.memory_space<vmem>>
    %dma_wait3A_2727 = tpu.memref_slice %arg2[%select_n3A_724, %mul3A_742] : memref<50x4096xi32, #tpu.memory_space<hbm>> -> memref<1x128xi32, #tpu.memory_space<hbm>>
    %dma_wait3A_2728 = tpu.memref_squeeze %dma_wait3A_2727 : memref<1x128xi32, #tpu.memory_space<hbm>> -> memref<128xi32, #tpu.memory_space<hbm>>
    tpu.wait_dma2 semaphore(%arg21 : memref<!tpu.dma_semaphore, #tpu.memory_space<semaphore_mem>>) src(%dma_wait3A_2728 : memref<128xi32, #tpu.memory_space<hbm>>) dst(%dma_wait3A_2726 : memref<128xi32, #tpu.memory_space<vmem>>)
    %dma_wait3A_2729 = arith.constant 2176 : i32
    %dma_wait3A_2730 = tpu.memref_slice %arg5[%dma_wait3A_2729] : memref<6400xi32, #tpu.memory_space<vmem>> -> memref<128xi32, #tpu.memory_space<vmem>>
    %dma_wait3A_2731 = tpu.memref_slice %arg2[%select_n3A_768, %mul3A_786] : memref<50x4096xi32, #tpu.memory_space<hbm>> -> memref<1x128xi32, #tpu.memory_space<hbm>>
    %dma_wait3A_2732 = tpu.memref_squeeze %dma_wait3A_2731 : memref<1x128xi32, #tpu.memory_space<hbm>> -> memref<128xi32, #tpu.memory_space<hbm>>
    %dma_wait3A_2733 = arith.constant 2176 : i32
    %dma_wait3A_2734 = tpu.memref_slice %arg5[%dma_wait3A_2733] : memref<6400xi32, #tpu.memory_space<vmem>> -> memref<128xi32, #tpu.memory_space<vmem>>
    %dma_wait3A_2735 = tpu.memref_slice %arg2[%select_n3A_768, %mul3A_786] : memref<50x4096xi32, #tpu.memory_space<hbm>> -> memref<1x128xi32, #tpu.memory_space<hbm>>
    %dma_wait3A_2736 = tpu.memref_squeeze %dma_wait3A_2735 : memref<1x128xi32, #tpu.memory_space<hbm>> -> memref<128xi32, #tpu.memory_space<hbm>>
    tpu.wait_dma2 semaphore(%arg21 : memref<!tpu.dma_semaphore, #tpu.memory_space<semaphore_mem>>) src(%dma_wait3A_2736 : memref<128xi32, #tpu.memory_space<hbm>>) dst(%dma_wait3A_2734 : memref<128xi32, #tpu.memory_space<vmem>>)
    %dma_wait3A_2737 = arith.constant 2304 : i32
    %dma_wait3A_2738 = tpu.memref_slice %arg5[%dma_wait3A_2737] : memref<6400xi32, #tpu.memory_space<vmem>> -> memref<128xi32, #tpu.memory_space<vmem>>
    %dma_wait3A_2739 = tpu.memref_slice %arg2[%select_n3A_812, %mul3A_830] : memref<50x4096xi32, #tpu.memory_space<hbm>> -> memref<1x128xi32, #tpu.memory_space<hbm>>
    %dma_wait3A_2740 = tpu.memref_squeeze %dma_wait3A_2739 : memref<1x128xi32, #tpu.memory_space<hbm>> -> memref<128xi32, #tpu.memory_space<hbm>>
    %dma_wait3A_2741 = arith.constant 2304 : i32
    %dma_wait3A_2742 = tpu.memref_slice %arg5[%dma_wait3A_2741] : memref<6400xi32, #tpu.memory_space<vmem>> -> memref<128xi32, #tpu.memory_space<vmem>>
    %dma_wait3A_2743 = tpu.memref_slice %arg2[%select_n3A_812, %mul3A_830] : memref<50x4096xi32, #tpu.memory_space<hbm>> -> memref<1x128xi32, #tpu.memory_space<hbm>>
    %dma_wait3A_2744 = tpu.memref_squeeze %dma_wait3A_2743 : memref<1x128xi32, #tpu.memory_space<hbm>> -> memref<128xi32, #tpu.memory_space<hbm>>
    tpu.wait_dma2 semaphore(%arg21 : memref<!tpu.dma_semaphore, #tpu.memory_space<semaphore_mem>>) src(%dma_wait3A_2744 : memref<128xi32, #tpu.memory_space<hbm>>) dst(%dma_wait3A_2742 : memref<128xi32, #tpu.memory_space<vmem>>)
    %dma_wait3A_2745 = arith.constant 2432 : i32
    %dma_wait3A_2746 = tpu.memref_slice %arg5[%dma_wait3A_2745] : memref<6400xi32, #tpu.memory_space<vmem>> -> memref<128xi32, #tpu.memory_space<vmem>>
    %dma_wait3A_2747 = tpu.memref_slice %arg2[%select_n3A_856, %mul3A_874] : memref<50x4096xi32, #tpu.memory_space<hbm>> -> memref<1x128xi32, #tpu.memory_space<hbm>>
    %dma_wait3A_2748 = tpu.memref_squeeze %dma_wait3A_2747 : memref<1x128xi32, #tpu.memory_space<hbm>> -> memref<128xi32, #tpu.memory_space<hbm>>
    %dma_wait3A_2749 = arith.constant 2432 : i32
    %dma_wait3A_2750 = tpu.memref_slice %arg5[%dma_wait3A_2749] : memref<6400xi32, #tpu.memory_space<vmem>> -> memref<128xi32, #tpu.memory_space<vmem>>
    %dma_wait3A_2751 = tpu.memref_slice %arg2[%select_n3A_856, %mul3A_874] : memref<50x4096xi32, #tpu.memory_space<hbm>> -> memref<1x128xi32, #tpu.memory_space<hbm>>
    %dma_wait3A_2752 = tpu.memref_squeeze %dma_wait3A_2751 : memref<1x128xi32, #tpu.memory_space<hbm>> -> memref<128xi32, #tpu.memory_space<hbm>>
    tpu.wait_dma2 semaphore(%arg21 : memref<!tpu.dma_semaphore, #tpu.memory_space<semaphore_mem>>) src(%dma_wait3A_2752 : memref<128xi32, #tpu.memory_space<hbm>>) dst(%dma_wait3A_2750 : memref<128xi32, #tpu.memory_space<vmem>>)
    %dma_wait3A_2753 = arith.constant 2560 : i32
    %dma_wait3A_2754 = tpu.memref_slice %arg5[%dma_wait3A_2753] : memref<6400xi32, #tpu.memory_space<vmem>> -> memref<128xi32, #tpu.memory_space<vmem>>
    %dma_wait3A_2755 = tpu.memref_slice %arg2[%select_n3A_900, %mul3A_918] : memref<50x4096xi32, #tpu.memory_space<hbm>> -> memref<1x128xi32, #tpu.memory_space<hbm>>
    %dma_wait3A_2756 = tpu.memref_squeeze %dma_wait3A_2755 : memref<1x128xi32, #tpu.memory_space<hbm>> -> memref<128xi32, #tpu.memory_space<hbm>>
    %dma_wait3A_2757 = arith.constant 2560 : i32
    %dma_wait3A_2758 = tpu.memref_slice %arg5[%dma_wait3A_2757] : memref<6400xi32, #tpu.memory_space<vmem>> -> memref<128xi32, #tpu.memory_space<vmem>>
    %dma_wait3A_2759 = tpu.memref_slice %arg2[%select_n3A_900, %mul3A_918] : memref<50x4096xi32, #tpu.memory_space<hbm>> -> memref<1x128xi32, #tpu.memory_space<hbm>>
    %dma_wait3A_2760 = tpu.memref_squeeze %dma_wait3A_2759 : memref<1x128xi32, #tpu.memory_space<hbm>> -> memref<128xi32, #tpu.memory_space<hbm>>
    tpu.wait_dma2 semaphore(%arg21 : memref<!tpu.dma_semaphore, #tpu.memory_space<semaphore_mem>>) src(%dma_wait3A_2760 : memref<128xi32, #tpu.memory_space<hbm>>) dst(%dma_wait3A_2758 : memref<128xi32, #tpu.memory_space<vmem>>)
    %dma_wait3A_2761 = arith.constant 2688 : i32
    %dma_wait3A_2762 = tpu.memref_slice %arg5[%dma_wait3A_2761] : memref<6400xi32, #tpu.memory_space<vmem>> -> memref<128xi32, #tpu.memory_space<vmem>>
    %dma_wait3A_2763 = tpu.memref_slice %arg2[%select_n3A_944, %mul3A_962] : memref<50x4096xi32, #tpu.memory_space<hbm>> -> memref<1x128xi32, #tpu.memory_space<hbm>>
    %dma_wait3A_2764 = tpu.memref_squeeze %dma_wait3A_2763 : memref<1x128xi32, #tpu.memory_space<hbm>> -> memref<128xi32, #tpu.memory_space<hbm>>
    %dma_wait3A_2765 = arith.constant 2688 : i32
    %dma_wait3A_2766 = tpu.memref_slice %arg5[%dma_wait3A_2765] : memref<6400xi32, #tpu.memory_space<vmem>> -> memref<128xi32, #tpu.memory_space<vmem>>
    %dma_wait3A_2767 = tpu.memref_slice %arg2[%select_n3A_944, %mul3A_962] : memref<50x4096xi32, #tpu.memory_space<hbm>> -> memref<1x128xi32, #tpu.memory_space<hbm>>
    %dma_wait3A_2768 = tpu.memref_squeeze %dma_wait3A_2767 : memref<1x128xi32, #tpu.memory_space<hbm>> -> memref<128xi32, #tpu.memory_space<hbm>>
    tpu.wait_dma2 semaphore(%arg21 : memref<!tpu.dma_semaphore, #tpu.memory_space<semaphore_mem>>) src(%dma_wait3A_2768 : memref<128xi32, #tpu.memory_space<hbm>>) dst(%dma_wait3A_2766 : memref<128xi32, #tpu.memory_space<vmem>>)
    %dma_wait3A_2769 = arith.constant 2816 : i32
    %dma_wait3A_2770 = tpu.memref_slice %arg5[%dma_wait3A_2769] : memref<6400xi32, #tpu.memory_space<vmem>> -> memref<128xi32, #tpu.memory_space<vmem>>
    %dma_wait3A_2771 = tpu.memref_slice %arg2[%select_n3A_988, %mul3A_1006] : memref<50x4096xi32, #tpu.memory_space<hbm>> -> memref<1x128xi32, #tpu.memory_space<hbm>>
    %dma_wait3A_2772 = tpu.memref_squeeze %dma_wait3A_2771 : memref<1x128xi32, #tpu.memory_space<hbm>> -> memref<128xi32, #tpu.memory_space<hbm>>
    %dma_wait3A_2773 = arith.constant 2816 : i32
    %dma_wait3A_2774 = tpu.memref_slice %arg5[%dma_wait3A_2773] : memref<6400xi32, #tpu.memory_space<vmem>> -> memref<128xi32, #tpu.memory_space<vmem>>
    %dma_wait3A_2775 = tpu.memref_slice %arg2[%select_n3A_988, %mul3A_1006] : memref<50x4096xi32, #tpu.memory_space<hbm>> -> memref<1x128xi32, #tpu.memory_space<hbm>>
    %dma_wait3A_2776 = tpu.memref_squeeze %dma_wait3A_2775 : memref<1x128xi32, #tpu.memory_space<hbm>> -> memref<128xi32, #tpu.memory_space<hbm>>
    tpu.wait_dma2 semaphore(%arg21 : memref<!tpu.dma_semaphore, #tpu.memory_space<semaphore_mem>>) src(%dma_wait3A_2776 : memref<128xi32, #tpu.memory_space<hbm>>) dst(%dma_wait3A_2774 : memref<128xi32, #tpu.memory_space<vmem>>)
    %dma_wait3A_2777 = arith.constant 2944 : i32
    %dma_wait3A_2778 = tpu.memref_slice %arg5[%dma_wait3A_2777] : memref<6400xi32, #tpu.memory_space<vmem>> -> memref<128xi32, #tpu.memory_space<vmem>>
    %dma_wait3A_2779 = tpu.memref_slice %arg2[%select_n3A_1032, %mul3A_1050] : memref<50x4096xi32, #tpu.memory_space<hbm>> -> memref<1x128xi32, #tpu.memory_space<hbm>>
    %dma_wait3A_2780 = tpu.memref_squeeze %dma_wait3A_2779 : memref<1x128xi32, #tpu.memory_space<hbm>> -> memref<128xi32, #tpu.memory_space<hbm>>
    %dma_wait3A_2781 = arith.constant 2944 : i32
    %dma_wait3A_2782 = tpu.memref_slice %arg5[%dma_wait3A_2781] : memref<6400xi32, #tpu.memory_space<vmem>> -> memref<128xi32, #tpu.memory_space<vmem>>
    %dma_wait3A_2783 = tpu.memref_slice %arg2[%select_n3A_1032, %mul3A_1050] : memref<50x4096xi32, #tpu.memory_space<hbm>> -> memref<1x128xi32, #tpu.memory_space<hbm>>
    %dma_wait3A_2784 = tpu.memref_squeeze %dma_wait3A_2783 : memref<1x128xi32, #tpu.memory_space<hbm>> -> memref<128xi32, #tpu.memory_space<hbm>>
    tpu.wait_dma2 semaphore(%arg21 : memref<!tpu.dma_semaphore, #tpu.memory_space<semaphore_mem>>) src(%dma_wait3A_2784 : memref<128xi32, #tpu.memory_space<hbm>>) dst(%dma_wait3A_2782 : memref<128xi32, #tpu.memory_space<vmem>>)
    %dma_wait3A_2785 = arith.constant 3072 : i32
    %dma_wait3A_2786 = tpu.memref_slice %arg5[%dma_wait3A_2785] : memref<6400xi32, #tpu.memory_space<vmem>> -> memref<128xi32, #tpu.memory_space<vmem>>
    %dma_wait3A_2787 = tpu.memref_slice %arg2[%select_n3A_1076, %mul3A_1094] : memref<50x4096xi32, #tpu.memory_space<hbm>> -> memref<1x128xi32, #tpu.memory_space<hbm>>
    %dma_wait3A_2788 = tpu.memref_squeeze %dma_wait3A_2787 : memref<1x128xi32, #tpu.memory_space<hbm>> -> memref<128xi32, #tpu.memory_space<hbm>>
    %dma_wait3A_2789 = arith.constant 3072 : i32
    %dma_wait3A_2790 = tpu.memref_slice %arg5[%dma_wait3A_2789] : memref<6400xi32, #tpu.memory_space<vmem>> -> memref<128xi32, #tpu.memory_space<vmem>>
    %dma_wait3A_2791 = tpu.memref_slice %arg2[%select_n3A_1076, %mul3A_1094] : memref<50x4096xi32, #tpu.memory_space<hbm>> -> memref<1x128xi32, #tpu.memory_space<hbm>>
    %dma_wait3A_2792 = tpu.memref_squeeze %dma_wait3A_2791 : memref<1x128xi32, #tpu.memory_space<hbm>> -> memref<128xi32, #tpu.memory_space<hbm>>
    tpu.wait_dma2 semaphore(%arg21 : memref<!tpu.dma_semaphore, #tpu.memory_space<semaphore_mem>>) src(%dma_wait3A_2792 : memref<128xi32, #tpu.memory_space<hbm>>) dst(%dma_wait3A_2790 : memref<128xi32, #tpu.memory_space<vmem>>)
    %dma_wait3A_2793 = arith.constant 3200 : i32
    %dma_wait3A_2794 = tpu.memref_slice %arg5[%dma_wait3A_2793] : memref<6400xi32, #tpu.memory_space<vmem>> -> memref<128xi32, #tpu.memory_space<vmem>>
    %dma_wait3A_2795 = tpu.memref_slice %arg2[%select_n3A_1120, %mul3A_1138] : memref<50x4096xi32, #tpu.memory_space<hbm>> -> memref<1x128xi32, #tpu.memory_space<hbm>>
    %dma_wait3A_2796 = tpu.memref_squeeze %dma_wait3A_2795 : memref<1x128xi32, #tpu.memory_space<hbm>> -> memref<128xi32, #tpu.memory_space<hbm>>
    %dma_wait3A_2797 = arith.constant 3200 : i32
    %dma_wait3A_2798 = tpu.memref_slice %arg5[%dma_wait3A_2797] : memref<6400xi32, #tpu.memory_space<vmem>> -> memref<128xi32, #tpu.memory_space<vmem>>
    %dma_wait3A_2799 = tpu.memref_slice %arg2[%select_n3A_1120, %mul3A_1138] : memref<50x4096xi32, #tpu.memory_space<hbm>> -> memref<1x128xi32, #tpu.memory_space<hbm>>
    %dma_wait3A_2800 = tpu.memref_squeeze %dma_wait3A_2799 : memref<1x128xi32, #tpu.memory_space<hbm>> -> memref<128xi32, #tpu.memory_space<hbm>>
    tpu.wait_dma2 semaphore(%arg21 : memref<!tpu.dma_semaphore, #tpu.memory_space<semaphore_mem>>) src(%dma_wait3A_2800 : memref<128xi32, #tpu.memory_space<hbm>>) dst(%dma_wait3A_2798 : memref<128xi32, #tpu.memory_space<vmem>>)
    %dma_wait3A_2801 = arith.constant 3328 : i32
    %dma_wait3A_2802 = tpu.memref_slice %arg5[%dma_wait3A_2801] : memref<6400xi32, #tpu.memory_space<vmem>> -> memref<128xi32, #tpu.memory_space<vmem>>
    %dma_wait3A_2803 = tpu.memref_slice %arg2[%select_n3A_1164, %mul3A_1182] : memref<50x4096xi32, #tpu.memory_space<hbm>> -> memref<1x128xi32, #tpu.memory_space<hbm>>
    %dma_wait3A_2804 = tpu.memref_squeeze %dma_wait3A_2803 : memref<1x128xi32, #tpu.memory_space<hbm>> -> memref<128xi32, #tpu.memory_space<hbm>>
    %dma_wait3A_2805 = arith.constant 3328 : i32
    %dma_wait3A_2806 = tpu.memref_slice %arg5[%dma_wait3A_2805] : memref<6400xi32, #tpu.memory_space<vmem>> -> memref<128xi32, #tpu.memory_space<vmem>>
    %dma_wait3A_2807 = tpu.memref_slice %arg2[%select_n3A_1164, %mul3A_1182] : memref<50x4096xi32, #tpu.memory_space<hbm>> -> memref<1x128xi32, #tpu.memory_space<hbm>>
    %dma_wait3A_2808 = tpu.memref_squeeze %dma_wait3A_2807 : memref<1x128xi32, #tpu.memory_space<hbm>> -> memref<128xi32, #tpu.memory_space<hbm>>
    tpu.wait_dma2 semaphore(%arg21 : memref<!tpu.dma_semaphore, #tpu.memory_space<semaphore_mem>>) src(%dma_wait3A_2808 : memref<128xi32, #tpu.memory_space<hbm>>) dst(%dma_wait3A_2806 : memref<128xi32, #tpu.memory_space<vmem>>)
    %dma_wait3A_2809 = arith.constant 3456 : i32
    %dma_wait3A_2810 = tpu.memref_slice %arg5[%dma_wait3A_2809] : memref<6400xi32, #tpu.memory_space<vmem>> -> memref<128xi32, #tpu.memory_space<vmem>>
    %dma_wait3A_2811 = tpu.memref_slice %arg2[%select_n3A_1208, %mul3A_1226] : memref<50x4096xi32, #tpu.memory_space<hbm>> -> memref<1x128xi32, #tpu.memory_space<hbm>>
    %dma_wait3A_2812 = tpu.memref_squeeze %dma_wait3A_2811 : memref<1x128xi32, #tpu.memory_space<hbm>> -> memref<128xi32, #tpu.memory_space<hbm>>
    %dma_wait3A_2813 = arith.constant 3456 : i32
    %dma_wait3A_2814 = tpu.memref_slice %arg5[%dma_wait3A_2813] : memref<6400xi32, #tpu.memory_space<vmem>> -> memref<128xi32, #tpu.memory_space<vmem>>
    %dma_wait3A_2815 = tpu.memref_slice %arg2[%select_n3A_1208, %mul3A_1226] : memref<50x4096xi32, #tpu.memory_space<hbm>> -> memref<1x128xi32, #tpu.memory_space<hbm>>
    %dma_wait3A_2816 = tpu.memref_squeeze %dma_wait3A_2815 : memref<1x128xi32, #tpu.memory_space<hbm>> -> memref<128xi32, #tpu.memory_space<hbm>>
    tpu.wait_dma2 semaphore(%arg21 : memref<!tpu.dma_semaphore, #tpu.memory_space<semaphore_mem>>) src(%dma_wait3A_2816 : memref<128xi32, #tpu.memory_space<hbm>>) dst(%dma_wait3A_2814 : memref<128xi32, #tpu.memory_space<vmem>>)
    %dma_wait3A_2817 = arith.constant 3584 : i32
    %dma_wait3A_2818 = tpu.memref_slice %arg5[%dma_wait3A_2817] : memref<6400xi32, #tpu.memory_space<vmem>> -> memref<128xi32, #tpu.memory_space<vmem>>
    %dma_wait3A_2819 = tpu.memref_slice %arg2[%select_n3A_1252, %mul3A_1270] : memref<50x4096xi32, #tpu.memory_space<hbm>> -> memref<1x128xi32, #tpu.memory_space<hbm>>
    %dma_wait3A_2820 = tpu.memref_squeeze %dma_wait3A_2819 : memref<1x128xi32, #tpu.memory_space<hbm>> -> memref<128xi32, #tpu.memory_space<hbm>>
    %dma_wait3A_2821 = arith.constant 3584 : i32
    %dma_wait3A_2822 = tpu.memref_slice %arg5[%dma_wait3A_2821] : memref<6400xi32, #tpu.memory_space<vmem>> -> memref<128xi32, #tpu.memory_space<vmem>>
    %dma_wait3A_2823 = tpu.memref_slice %arg2[%select_n3A_1252, %mul3A_1270] : memref<50x4096xi32, #tpu.memory_space<hbm>> -> memref<1x128xi32, #tpu.memory_space<hbm>>
    %dma_wait3A_2824 = tpu.memref_squeeze %dma_wait3A_2823 : memref<1x128xi32, #tpu.memory_space<hbm>> -> memref<128xi32, #tpu.memory_space<hbm>>
    tpu.wait_dma2 semaphore(%arg21 : memref<!tpu.dma_semaphore, #tpu.memory_space<semaphore_mem>>) src(%dma_wait3A_2824 : memref<128xi32, #tpu.memory_space<hbm>>) dst(%dma_wait3A_2822 : memref<128xi32, #tpu.memory_space<vmem>>)
    %dma_wait3A_2825 = arith.constant 3712 : i32
    %dma_wait3A_2826 = tpu.memref_slice %arg5[%dma_wait3A_2825] : memref<6400xi32, #tpu.memory_space<vmem>> -> memref<128xi32, #tpu.memory_space<vmem>>
    %dma_wait3A_2827 = tpu.memref_slice %arg2[%select_n3A_1296, %mul3A_1314] : memref<50x4096xi32, #tpu.memory_space<hbm>> -> memref<1x128xi32, #tpu.memory_space<hbm>>
    %dma_wait3A_2828 = tpu.memref_squeeze %dma_wait3A_2827 : memref<1x128xi32, #tpu.memory_space<hbm>> -> memref<128xi32, #tpu.memory_space<hbm>>
    %dma_wait3A_2829 = arith.constant 3712 : i32
    %dma_wait3A_2830 = tpu.memref_slice %arg5[%dma_wait3A_2829] : memref<6400xi32, #tpu.memory_space<vmem>> -> memref<128xi32, #tpu.memory_space<vmem>>
    %dma_wait3A_2831 = tpu.memref_slice %arg2[%select_n3A_1296, %mul3A_1314] : memref<50x4096xi32, #tpu.memory_space<hbm>> -> memref<1x128xi32, #tpu.memory_space<hbm>>
    %dma_wait3A_2832 = tpu.memref_squeeze %dma_wait3A_2831 : memref<1x128xi32, #tpu.memory_space<hbm>> -> memref<128xi32, #tpu.memory_space<hbm>>
    tpu.wait_dma2 semaphore(%arg21 : memref<!tpu.dma_semaphore, #tpu.memory_space<semaphore_mem>>) src(%dma_wait3A_2832 : memref<128xi32, #tpu.memory_space<hbm>>) dst(%dma_wait3A_2830 : memref<128xi32, #tpu.memory_space<vmem>>)
    %dma_wait3A_2833 = arith.constant 3840 : i32
    %dma_wait3A_2834 = tpu.memref_slice %arg5[%dma_wait3A_2833] : memref<6400xi32, #tpu.memory_space<vmem>> -> memref<128xi32, #tpu.memory_space<vmem>>
    %dma_wait3A_2835 = tpu.memref_slice %arg2[%select_n3A_1340, %mul3A_1358] : memref<50x4096xi32, #tpu.memory_space<hbm>> -> memref<1x128xi32, #tpu.memory_space<hbm>>
    %dma_wait3A_2836 = tpu.memref_squeeze %dma_wait3A_2835 : memref<1x128xi32, #tpu.memory_space<hbm>> -> memref<128xi32, #tpu.memory_space<hbm>>
    %dma_wait3A_2837 = arith.constant 3840 : i32
    %dma_wait3A_2838 = tpu.memref_slice %arg5[%dma_wait3A_2837] : memref<6400xi32, #tpu.memory_space<vmem>> -> memref<128xi32, #tpu.memory_space<vmem>>
    %dma_wait3A_2839 = tpu.memref_slice %arg2[%select_n3A_1340, %mul3A_1358] : memref<50x4096xi32, #tpu.memory_space<hbm>> -> memref<1x128xi32, #tpu.memory_space<hbm>>
    %dma_wait3A_2840 = tpu.memref_squeeze %dma_wait3A_2839 : memref<1x128xi32, #tpu.memory_space<hbm>> -> memref<128xi32, #tpu.memory_space<hbm>>
    tpu.wait_dma2 semaphore(%arg21 : memref<!tpu.dma_semaphore, #tpu.memory_space<semaphore_mem>>) src(%dma_wait3A_2840 : memref<128xi32, #tpu.memory_space<hbm>>) dst(%dma_wait3A_2838 : memref<128xi32, #tpu.memory_space<vmem>>)
    %dma_wait3A_2841 = arith.constant 3968 : i32
    %dma_wait3A_2842 = tpu.memref_slice %arg5[%dma_wait3A_2841] : memref<6400xi32, #tpu.memory_space<vmem>> -> memref<128xi32, #tpu.memory_space<vmem>>
    %dma_wait3A_2843 = tpu.memref_slice %arg2[%select_n3A_1384, %mul3A_1402] : memref<50x4096xi32, #tpu.memory_space<hbm>> -> memref<1x128xi32, #tpu.memory_space<hbm>>
    %dma_wait3A_2844 = tpu.memref_squeeze %dma_wait3A_2843 : memref<1x128xi32, #tpu.memory_space<hbm>> -> memref<128xi32, #tpu.memory_space<hbm>>
    %dma_wait3A_2845 = arith.constant 3968 : i32
    %dma_wait3A_2846 = tpu.memref_slice %arg5[%dma_wait3A_2845] : memref<6400xi32, #tpu.memory_space<vmem>> -> memref<128xi32, #tpu.memory_space<vmem>>
    %dma_wait3A_2847 = tpu.memref_slice %arg2[%select_n3A_1384, %mul3A_1402] : memref<50x4096xi32, #tpu.memory_space<hbm>> -> memref<1x128xi32, #tpu.memory_space<hbm>>
    %dma_wait3A_2848 = tpu.memref_squeeze %dma_wait3A_2847 : memref<1x128xi32, #tpu.memory_space<hbm>> -> memref<128xi32, #tpu.memory_space<hbm>>
    tpu.wait_dma2 semaphore(%arg21 : memref<!tpu.dma_semaphore, #tpu.memory_space<semaphore_mem>>) src(%dma_wait3A_2848 : memref<128xi32, #tpu.memory_space<hbm>>) dst(%dma_wait3A_2846 : memref<128xi32, #tpu.memory_space<vmem>>)
    %dma_wait3A_2849 = arith.constant 4096 : i32
    %dma_wait3A_2850 = tpu.memref_slice %arg5[%dma_wait3A_2849] : memref<6400xi32, #tpu.memory_space<vmem>> -> memref<128xi32, #tpu.memory_space<vmem>>
    %dma_wait3A_2851 = tpu.memref_slice %arg2[%select_n3A_1428, %mul3A_1446] : memref<50x4096xi32, #tpu.memory_space<hbm>> -> memref<1x128xi32, #tpu.memory_space<hbm>>
    %dma_wait3A_2852 = tpu.memref_squeeze %dma_wait3A_2851 : memref<1x128xi32, #tpu.memory_space<hbm>> -> memref<128xi32, #tpu.memory_space<hbm>>
    %dma_wait3A_2853 = arith.constant 4096 : i32
    %dma_wait3A_2854 = tpu.memref_slice %arg5[%dma_wait3A_2853] : memref<6400xi32, #tpu.memory_space<vmem>> -> memref<128xi32, #tpu.memory_space<vmem>>
    %dma_wait3A_2855 = tpu.memref_slice %arg2[%select_n3A_1428, %mul3A_1446] : memref<50x4096xi32, #tpu.memory_space<hbm>> -> memref<1x128xi32, #tpu.memory_space<hbm>>
    %dma_wait3A_2856 = tpu.memref_squeeze %dma_wait3A_2855 : memref<1x128xi32, #tpu.memory_space<hbm>> -> memref<128xi32, #tpu.memory_space<hbm>>
    tpu.wait_dma2 semaphore(%arg21 : memref<!tpu.dma_semaphore, #tpu.memory_space<semaphore_mem>>) src(%dma_wait3A_2856 : memref<128xi32, #tpu.memory_space<hbm>>) dst(%dma_wait3A_2854 : memref<128xi32, #tpu.memory_space<vmem>>)
    %dma_wait3A_2857 = arith.constant 4224 : i32
    %dma_wait3A_2858 = tpu.memref_slice %arg5[%dma_wait3A_2857] : memref<6400xi32, #tpu.memory_space<vmem>> -> memref<128xi32, #tpu.memory_space<vmem>>
    %dma_wait3A_2859 = tpu.memref_slice %arg2[%select_n3A_1472, %mul3A_1490] : memref<50x4096xi32, #tpu.memory_space<hbm>> -> memref<1x128xi32, #tpu.memory_space<hbm>>
    %dma_wait3A_2860 = tpu.memref_squeeze %dma_wait3A_2859 : memref<1x128xi32, #tpu.memory_space<hbm>> -> memref<128xi32, #tpu.memory_space<hbm>>
    %dma_wait3A_2861 = arith.constant 4224 : i32
    %dma_wait3A_2862 = tpu.memref_slice %arg5[%dma_wait3A_2861] : memref<6400xi32, #tpu.memory_space<vmem>> -> memref<128xi32, #tpu.memory_space<vmem>>
    %dma_wait3A_2863 = tpu.memref_slice %arg2[%select_n3A_1472, %mul3A_1490] : memref<50x4096xi32, #tpu.memory_space<hbm>> -> memref<1x128xi32, #tpu.memory_space<hbm>>
    %dma_wait3A_2864 = tpu.memref_squeeze %dma_wait3A_2863 : memref<1x128xi32, #tpu.memory_space<hbm>> -> memref<128xi32, #tpu.memory_space<hbm>>
    tpu.wait_dma2 semaphore(%arg21 : memref<!tpu.dma_semaphore, #tpu.memory_space<semaphore_mem>>) src(%dma_wait3A_2864 : memref<128xi32, #tpu.memory_space<hbm>>) dst(%dma_wait3A_2862 : memref<128xi32, #tpu.memory_space<vmem>>)
    %dma_wait3A_2865 = arith.constant 4352 : i32
    %dma_wait3A_2866 = tpu.memref_slice %arg5[%dma_wait3A_2865] : memref<6400xi32, #tpu.memory_space<vmem>> -> memref<128xi32, #tpu.memory_space<vmem>>
    %dma_wait3A_2867 = tpu.memref_slice %arg2[%select_n3A_1516, %mul3A_1534] : memref<50x4096xi32, #tpu.memory_space<hbm>> -> memref<1x128xi32, #tpu.memory_space<hbm>>
    %dma_wait3A_2868 = tpu.memref_squeeze %dma_wait3A_2867 : memref<1x128xi32, #tpu.memory_space<hbm>> -> memref<128xi32, #tpu.memory_space<hbm>>
    %dma_wait3A_2869 = arith.constant 4352 : i32
    %dma_wait3A_2870 = tpu.memref_slice %arg5[%dma_wait3A_2869] : memref<6400xi32, #tpu.memory_space<vmem>> -> memref<128xi32, #tpu.memory_space<vmem>>
    %dma_wait3A_2871 = tpu.memref_slice %arg2[%select_n3A_1516, %mul3A_1534] : memref<50x4096xi32, #tpu.memory_space<hbm>> -> memref<1x128xi32, #tpu.memory_space<hbm>>
    %dma_wait3A_2872 = tpu.memref_squeeze %dma_wait3A_2871 : memref<1x128xi32, #tpu.memory_space<hbm>> -> memref<128xi32, #tpu.memory_space<hbm>>
    tpu.wait_dma2 semaphore(%arg21 : memref<!tpu.dma_semaphore, #tpu.memory_space<semaphore_mem>>) src(%dma_wait3A_2872 : memref<128xi32, #tpu.memory_space<hbm>>) dst(%dma_wait3A_2870 : memref<128xi32, #tpu.memory_space<vmem>>)
    %dma_wait3A_2873 = arith.constant 4480 : i32
    %dma_wait3A_2874 = tpu.memref_slice %arg5[%dma_wait3A_2873] : memref<6400xi32, #tpu.memory_space<vmem>> -> memref<128xi32, #tpu.memory_space<vmem>>
    %dma_wait3A_2875 = tpu.memref_slice %arg2[%select_n3A_1560, %mul3A_1578] : memref<50x4096xi32, #tpu.memory_space<hbm>> -> memref<1x128xi32, #tpu.memory_space<hbm>>
    %dma_wait3A_2876 = tpu.memref_squeeze %dma_wait3A_2875 : memref<1x128xi32, #tpu.memory_space<hbm>> -> memref<128xi32, #tpu.memory_space<hbm>>
    %dma_wait3A_2877 = arith.constant 4480 : i32
    %dma_wait3A_2878 = tpu.memref_slice %arg5[%dma_wait3A_2877] : memref<6400xi32, #tpu.memory_space<vmem>> -> memref<128xi32, #tpu.memory_space<vmem>>
    %dma_wait3A_2879 = tpu.memref_slice %arg2[%select_n3A_1560, %mul3A_1578] : memref<50x4096xi32, #tpu.memory_space<hbm>> -> memref<1x128xi32, #tpu.memory_space<hbm>>
    %dma_wait3A_2880 = tpu.memref_squeeze %dma_wait3A_2879 : memref<1x128xi32, #tpu.memory_space<hbm>> -> memref<128xi32, #tpu.memory_space<hbm>>
    tpu.wait_dma2 semaphore(%arg21 : memref<!tpu.dma_semaphore, #tpu.memory_space<semaphore_mem>>) src(%dma_wait3A_2880 : memref<128xi32, #tpu.memory_space<hbm>>) dst(%dma_wait3A_2878 : memref<128xi32, #tpu.memory_space<vmem>>)
    %dma_wait3A_2881 = arith.constant 4608 : i32
    %dma_wait3A_2882 = tpu.memref_slice %arg5[%dma_wait3A_2881] : memref<6400xi32, #tpu.memory_space<vmem>> -> memref<128xi32, #tpu.memory_space<vmem>>
    %dma_wait3A_2883 = tpu.memref_slice %arg2[%select_n3A_1604, %mul3A_1622] : memref<50x4096xi32, #tpu.memory_space<hbm>> -> memref<1x128xi32, #tpu.memory_space<hbm>>
    %dma_wait3A_2884 = tpu.memref_squeeze %dma_wait3A_2883 : memref<1x128xi32, #tpu.memory_space<hbm>> -> memref<128xi32, #tpu.memory_space<hbm>>
    %dma_wait3A_2885 = arith.constant 4608 : i32
    %dma_wait3A_2886 = tpu.memref_slice %arg5[%dma_wait3A_2885] : memref<6400xi32, #tpu.memory_space<vmem>> -> memref<128xi32, #tpu.memory_space<vmem>>
    %dma_wait3A_2887 = tpu.memref_slice %arg2[%select_n3A_1604, %mul3A_1622] : memref<50x4096xi32, #tpu.memory_space<hbm>> -> memref<1x128xi32, #tpu.memory_space<hbm>>
    %dma_wait3A_2888 = tpu.memref_squeeze %dma_wait3A_2887 : memref<1x128xi32, #tpu.memory_space<hbm>> -> memref<128xi32, #tpu.memory_space<hbm>>
    tpu.wait_dma2 semaphore(%arg21 : memref<!tpu.dma_semaphore, #tpu.memory_space<semaphore_mem>>) src(%dma_wait3A_2888 : memref<128xi32, #tpu.memory_space<hbm>>) dst(%dma_wait3A_2886 : memref<128xi32, #tpu.memory_space<vmem>>)
    %dma_wait3A_2889 = arith.constant 4736 : i32
    %dma_wait3A_2890 = tpu.memref_slice %arg5[%dma_wait3A_2889] : memref<6400xi32, #tpu.memory_space<vmem>> -> memref<128xi32, #tpu.memory_space<vmem>>
    %dma_wait3A_2891 = tpu.memref_slice %arg2[%select_n3A_1648, %mul3A_1666] : memref<50x4096xi32, #tpu.memory_space<hbm>> -> memref<1x128xi32, #tpu.memory_space<hbm>>
    %dma_wait3A_2892 = tpu.memref_squeeze %dma_wait3A_2891 : memref<1x128xi32, #tpu.memory_space<hbm>> -> memref<128xi32, #tpu.memory_space<hbm>>
    %dma_wait3A_2893 = arith.constant 4736 : i32
    %dma_wait3A_2894 = tpu.memref_slice %arg5[%dma_wait3A_2893] : memref<6400xi32, #tpu.memory_space<vmem>> -> memref<128xi32, #tpu.memory_space<vmem>>
    %dma_wait3A_2895 = tpu.memref_slice %arg2[%select_n3A_1648, %mul3A_1666] : memref<50x4096xi32, #tpu.memory_space<hbm>> -> memref<1x128xi32, #tpu.memory_space<hbm>>
    %dma_wait3A_2896 = tpu.memref_squeeze %dma_wait3A_2895 : memref<1x128xi32, #tpu.memory_space<hbm>> -> memref<128xi32, #tpu.memory_space<hbm>>
    tpu.wait_dma2 semaphore(%arg21 : memref<!tpu.dma_semaphore, #tpu.memory_space<semaphore_mem>>) src(%dma_wait3A_2896 : memref<128xi32, #tpu.memory_space<hbm>>) dst(%dma_wait3A_2894 : memref<128xi32, #tpu.memory_space<vmem>>)
    %dma_wait3A_2897 = arith.constant 4864 : i32
    %dma_wait3A_2898 = tpu.memref_slice %arg5[%dma_wait3A_2897] : memref<6400xi32, #tpu.memory_space<vmem>> -> memref<128xi32, #tpu.memory_space<vmem>>
    %dma_wait3A_2899 = tpu.memref_slice %arg2[%select_n3A_1692, %mul3A_1710] : memref<50x4096xi32, #tpu.memory_space<hbm>> -> memref<1x128xi32, #tpu.memory_space<hbm>>
    %dma_wait3A_2900 = tpu.memref_squeeze %dma_wait3A_2899 : memref<1x128xi32, #tpu.memory_space<hbm>> -> memref<128xi32, #tpu.memory_space<hbm>>
    %dma_wait3A_2901 = arith.constant 4864 : i32
    %dma_wait3A_2902 = tpu.memref_slice %arg5[%dma_wait3A_2901] : memref<6400xi32, #tpu.memory_space<vmem>> -> memref<128xi32, #tpu.memory_space<vmem>>
    %dma_wait3A_2903 = tpu.memref_slice %arg2[%select_n3A_1692, %mul3A_1710] : memref<50x4096xi32, #tpu.memory_space<hbm>> -> memref<1x128xi32, #tpu.memory_space<hbm>>
    %dma_wait3A_2904 = tpu.memref_squeeze %dma_wait3A_2903 : memref<1x128xi32, #tpu.memory_space<hbm>> -> memref<128xi32, #tpu.memory_space<hbm>>
    tpu.wait_dma2 semaphore(%arg21 : memref<!tpu.dma_semaphore, #tpu.memory_space<semaphore_mem>>) src(%dma_wait3A_2904 : memref<128xi32, #tpu.memory_space<hbm>>) dst(%dma_wait3A_2902 : memref<128xi32, #tpu.memory_space<vmem>>)
    %dma_wait3A_2905 = arith.constant 4992 : i32
    %dma_wait3A_2906 = tpu.memref_slice %arg5[%dma_wait3A_2905] : memref<6400xi32, #tpu.memory_space<vmem>> -> memref<128xi32, #tpu.memory_space<vmem>>
    %dma_wait3A_2907 = tpu.memref_slice %arg2[%select_n3A_1736, %mul3A_1754] : memref<50x4096xi32, #tpu.memory_space<hbm>> -> memref<1x128xi32, #tpu.memory_space<hbm>>
    %dma_wait3A_2908 = tpu.memref_squeeze %dma_wait3A_2907 : memref<1x128xi32, #tpu.memory_space<hbm>> -> memref<128xi32, #tpu.memory_space<hbm>>
    %dma_wait3A_2909 = arith.constant 4992 : i32
    %dma_wait3A_2910 = tpu.memref_slice %arg5[%dma_wait3A_2909] : memref<6400xi32, #tpu.memory_space<vmem>> -> memref<128xi32, #tpu.memory_space<vmem>>
    %dma_wait3A_2911 = tpu.memref_slice %arg2[%select_n3A_1736, %mul3A_1754] : memref<50x4096xi32, #tpu.memory_space<hbm>> -> memref<1x128xi32, #tpu.memory_space<hbm>>
    %dma_wait3A_2912 = tpu.memref_squeeze %dma_wait3A_2911 : memref<1x128xi32, #tpu.memory_space<hbm>> -> memref<128xi32, #tpu.memory_space<hbm>>
    tpu.wait_dma2 semaphore(%arg21 : memref<!tpu.dma_semaphore, #tpu.memory_space<semaphore_mem>>) src(%dma_wait3A_2912 : memref<128xi32, #tpu.memory_space<hbm>>) dst(%dma_wait3A_2910 : memref<128xi32, #tpu.memory_space<vmem>>)
    %dma_wait3A_2913 = arith.constant 5120 : i32
    %dma_wait3A_2914 = tpu.memref_slice %arg5[%dma_wait3A_2913] : memref<6400xi32, #tpu.memory_space<vmem>> -> memref<128xi32, #tpu.memory_space<vmem>>
    %dma_wait3A_2915 = tpu.memref_slice %arg2[%select_n3A_1780, %mul3A_1798] : memref<50x4096xi32, #tpu.memory_space<hbm>> -> memref<1x128xi32, #tpu.memory_space<hbm>>
    %dma_wait3A_2916 = tpu.memref_squeeze %dma_wait3A_2915 : memref<1x128xi32, #tpu.memory_space<hbm>> -> memref<128xi32, #tpu.memory_space<hbm>>
    %dma_wait3A_2917 = arith.constant 5120 : i32
    %dma_wait3A_2918 = tpu.memref_slice %arg5[%dma_wait3A_2917] : memref<6400xi32, #tpu.memory_space<vmem>> -> memref<128xi32, #tpu.memory_space<vmem>>
    %dma_wait3A_2919 = tpu.memref_slice %arg2[%select_n3A_1780, %mul3A_1798] : memref<50x4096xi32, #tpu.memory_space<hbm>> -> memref<1x128xi32, #tpu.memory_space<hbm>>
    %dma_wait3A_2920 = tpu.memref_squeeze %dma_wait3A_2919 : memref<1x128xi32, #tpu.memory_space<hbm>> -> memref<128xi32, #tpu.memory_space<hbm>>
    tpu.wait_dma2 semaphore(%arg21 : memref<!tpu.dma_semaphore, #tpu.memory_space<semaphore_mem>>) src(%dma_wait3A_2920 : memref<128xi32, #tpu.memory_space<hbm>>) dst(%dma_wait3A_2918 : memref<128xi32, #tpu.memory_space<vmem>>)
    %dma_wait3A_2921 = arith.constant 5248 : i32
    %dma_wait3A_2922 = tpu.memref_slice %arg5[%dma_wait3A_2921] : memref<6400xi32, #tpu.memory_space<vmem>> -> memref<128xi32, #tpu.memory_space<vmem>>
    %dma_wait3A_2923 = tpu.memref_slice %arg2[%select_n3A_1824, %mul3A_1842] : memref<50x4096xi32, #tpu.memory_space<hbm>> -> memref<1x128xi32, #tpu.memory_space<hbm>>
    %dma_wait3A_2924 = tpu.memref_squeeze %dma_wait3A_2923 : memref<1x128xi32, #tpu.memory_space<hbm>> -> memref<128xi32, #tpu.memory_space<hbm>>
    %dma_wait3A_2925 = arith.constant 5248 : i32
    %dma_wait3A_2926 = tpu.memref_slice %arg5[%dma_wait3A_2925] : memref<6400xi32, #tpu.memory_space<vmem>> -> memref<128xi32, #tpu.memory_space<vmem>>
    %dma_wait3A_2927 = tpu.memref_slice %arg2[%select_n3A_1824, %mul3A_1842] : memref<50x4096xi32, #tpu.memory_space<hbm>> -> memref<1x128xi32, #tpu.memory_space<hbm>>
    %dma_wait3A_2928 = tpu.memref_squeeze %dma_wait3A_2927 : memref<1x128xi32, #tpu.memory_space<hbm>> -> memref<128xi32, #tpu.memory_space<hbm>>
    tpu.wait_dma2 semaphore(%arg21 : memref<!tpu.dma_semaphore, #tpu.memory_space<semaphore_mem>>) src(%dma_wait3A_2928 : memref<128xi32, #tpu.memory_space<hbm>>) dst(%dma_wait3A_2926 : memref<128xi32, #tpu.memory_space<vmem>>)
    %dma_wait3A_2929 = arith.constant 5376 : i32
    %dma_wait3A_2930 = tpu.memref_slice %arg5[%dma_wait3A_2929] : memref<6400xi32, #tpu.memory_space<vmem>> -> memref<128xi32, #tpu.memory_space<vmem>>
    %dma_wait3A_2931 = tpu.memref_slice %arg2[%select_n3A_1868, %mul3A_1886] : memref<50x4096xi32, #tpu.memory_space<hbm>> -> memref<1x128xi32, #tpu.memory_space<hbm>>
    %dma_wait3A_2932 = tpu.memref_squeeze %dma_wait3A_2931 : memref<1x128xi32, #tpu.memory_space<hbm>> -> memref<128xi32, #tpu.memory_space<hbm>>
    %dma_wait3A_2933 = arith.constant 5376 : i32
    %dma_wait3A_2934 = tpu.memref_slice %arg5[%dma_wait3A_2933] : memref<6400xi32, #tpu.memory_space<vmem>> -> memref<128xi32, #tpu.memory_space<vmem>>
    %dma_wait3A_2935 = tpu.memref_slice %arg2[%select_n3A_1868, %mul3A_1886] : memref<50x4096xi32, #tpu.memory_space<hbm>> -> memref<1x128xi32, #tpu.memory_space<hbm>>
    %dma_wait3A_2936 = tpu.memref_squeeze %dma_wait3A_2935 : memref<1x128xi32, #tpu.memory_space<hbm>> -> memref<128xi32, #tpu.memory_space<hbm>>
    tpu.wait_dma2 semaphore(%arg21 : memref<!tpu.dma_semaphore, #tpu.memory_space<semaphore_mem>>) src(%dma_wait3A_2936 : memref<128xi32, #tpu.memory_space<hbm>>) dst(%dma_wait3A_2934 : memref<128xi32, #tpu.memory_space<vmem>>)
    %dma_wait3A_2937 = arith.constant 5504 : i32
    %dma_wait3A_2938 = tpu.memref_slice %arg5[%dma_wait3A_2937] : memref<6400xi32, #tpu.memory_space<vmem>> -> memref<128xi32, #tpu.memory_space<vmem>>
    %dma_wait3A_2939 = tpu.memref_slice %arg2[%select_n3A_1912, %mul3A_1930] : memref<50x4096xi32, #tpu.memory_space<hbm>> -> memref<1x128xi32, #tpu.memory_space<hbm>>
    %dma_wait3A_2940 = tpu.memref_squeeze %dma_wait3A_2939 : memref<1x128xi32, #tpu.memory_space<hbm>> -> memref<128xi32, #tpu.memory_space<hbm>>
    %dma_wait3A_2941 = arith.constant 5504 : i32
    %dma_wait3A_2942 = tpu.memref_slice %arg5[%dma_wait3A_2941] : memref<6400xi32, #tpu.memory_space<vmem>> -> memref<128xi32, #tpu.memory_space<vmem>>
    %dma_wait3A_2943 = tpu.memref_slice %arg2[%select_n3A_1912, %mul3A_1930] : memref<50x4096xi32, #tpu.memory_space<hbm>> -> memref<1x128xi32, #tpu.memory_space<hbm>>
    %dma_wait3A_2944 = tpu.memref_squeeze %dma_wait3A_2943 : memref<1x128xi32, #tpu.memory_space<hbm>> -> memref<128xi32, #tpu.memory_space<hbm>>
    tpu.wait_dma2 semaphore(%arg21 : memref<!tpu.dma_semaphore, #tpu.memory_space<semaphore_mem>>) src(%dma_wait3A_2944 : memref<128xi32, #tpu.memory_space<hbm>>) dst(%dma_wait3A_2942 : memref<128xi32, #tpu.memory_space<vmem>>)
    %dma_wait3A_2945 = arith.constant 5632 : i32
    %dma_wait3A_2946 = tpu.memref_slice %arg5[%dma_wait3A_2945] : memref<6400xi32, #tpu.memory_space<vmem>> -> memref<128xi32, #tpu.memory_space<vmem>>
    %dma_wait3A_2947 = tpu.memref_slice %arg2[%select_n3A_1956, %mul3A_1974] : memref<50x4096xi32, #tpu.memory_space<hbm>> -> memref<1x128xi32, #tpu.memory_space<hbm>>
    %dma_wait3A_2948 = tpu.memref_squeeze %dma_wait3A_2947 : memref<1x128xi32, #tpu.memory_space<hbm>> -> memref<128xi32, #tpu.memory_space<hbm>>
    %dma_wait3A_2949 = arith.constant 5632 : i32
    %dma_wait3A_2950 = tpu.memref_slice %arg5[%dma_wait3A_2949] : memref<6400xi32, #tpu.memory_space<vmem>> -> memref<128xi32, #tpu.memory_space<vmem>>
    %dma_wait3A_2951 = tpu.memref_slice %arg2[%select_n3A_1956, %mul3A_1974] : memref<50x4096xi32, #tpu.memory_space<hbm>> -> memref<1x128xi32, #tpu.memory_space<hbm>>
    %dma_wait3A_2952 = tpu.memref_squeeze %dma_wait3A_2951 : memref<1x128xi32, #tpu.memory_space<hbm>> -> memref<128xi32, #tpu.memory_space<hbm>>
    tpu.wait_dma2 semaphore(%arg21 : memref<!tpu.dma_semaphore, #tpu.memory_space<semaphore_mem>>) src(%dma_wait3A_2952 : memref<128xi32, #tpu.memory_space<hbm>>) dst(%dma_wait3A_2950 : memref<128xi32, #tpu.memory_space<vmem>>)
    %dma_wait3A_2953 = arith.constant 5760 : i32
    %dma_wait3A_2954 = tpu.memref_slice %arg5[%dma_wait3A_2953] : memref<6400xi32, #tpu.memory_space<vmem>> -> memref<128xi32, #tpu.memory_space<vmem>>
    %dma_wait3A_2955 = tpu.memref_slice %arg2[%select_n3A_2000, %mul3A_2018] : memref<50x4096xi32, #tpu.memory_space<hbm>> -> memref<1x128xi32, #tpu.memory_space<hbm>>
    %dma_wait3A_2956 = tpu.memref_squeeze %dma_wait3A_2955 : memref<1x128xi32, #tpu.memory_space<hbm>> -> memref<128xi32, #tpu.memory_space<hbm>>
    %dma_wait3A_2957 = arith.constant 5760 : i32
    %dma_wait3A_2958 = tpu.memref_slice %arg5[%dma_wait3A_2957] : memref<6400xi32, #tpu.memory_space<vmem>> -> memref<128xi32, #tpu.memory_space<vmem>>
    %dma_wait3A_2959 = tpu.memref_slice %arg2[%select_n3A_2000, %mul3A_2018] : memref<50x4096xi32, #tpu.memory_space<hbm>> -> memref<1x128xi32, #tpu.memory_space<hbm>>
    %dma_wait3A_2960 = tpu.memref_squeeze %dma_wait3A_2959 : memref<1x128xi32, #tpu.memory_space<hbm>> -> memref<128xi32, #tpu.memory_space<hbm>>
    tpu.wait_dma2 semaphore(%arg21 : memref<!tpu.dma_semaphore, #tpu.memory_space<semaphore_mem>>) src(%dma_wait3A_2960 : memref<128xi32, #tpu.memory_space<hbm>>) dst(%dma_wait3A_2958 : memref<128xi32, #tpu.memory_space<vmem>>)
    %dma_wait3A_2961 = arith.constant 5888 : i32
    %dma_wait3A_2962 = tpu.memref_slice %arg5[%dma_wait3A_2961] : memref<6400xi32, #tpu.memory_space<vmem>> -> memref<128xi32, #tpu.memory_space<vmem>>
    %dma_wait3A_2963 = tpu.memref_slice %arg2[%select_n3A_2044, %mul3A_2062] : memref<50x4096xi32, #tpu.memory_space<hbm>> -> memref<1x128xi32, #tpu.memory_space<hbm>>
    %dma_wait3A_2964 = tpu.memref_squeeze %dma_wait3A_2963 : memref<1x128xi32, #tpu.memory_space<hbm>> -> memref<128xi32, #tpu.memory_space<hbm>>
    %dma_wait3A_2965 = arith.constant 5888 : i32
    %dma_wait3A_2966 = tpu.memref_slice %arg5[%dma_wait3A_2965] : memref<6400xi32, #tpu.memory_space<vmem>> -> memref<128xi32, #tpu.memory_space<vmem>>
    %dma_wait3A_2967 = tpu.memref_slice %arg2[%select_n3A_2044, %mul3A_2062] : memref<50x4096xi32, #tpu.memory_space<hbm>> -> memref<1x128xi32, #tpu.memory_space<hbm>>
    %dma_wait3A_2968 = tpu.memref_squeeze %dma_wait3A_2967 : memref<1x128xi32, #tpu.memory_space<hbm>> -> memref<128xi32, #tpu.memory_space<hbm>>
    tpu.wait_dma2 semaphore(%arg21 : memref<!tpu.dma_semaphore, #tpu.memory_space<semaphore_mem>>) src(%dma_wait3A_2968 : memref<128xi32, #tpu.memory_space<hbm>>) dst(%dma_wait3A_2966 : memref<128xi32, #tpu.memory_space<vmem>>)
    %dma_wait3A_2969 = arith.constant 6016 : i32
    %dma_wait3A_2970 = tpu.memref_slice %arg5[%dma_wait3A_2969] : memref<6400xi32, #tpu.memory_space<vmem>> -> memref<128xi32, #tpu.memory_space<vmem>>
    %dma_wait3A_2971 = tpu.memref_slice %arg2[%select_n3A_2088, %mul3A_2106] : memref<50x4096xi32, #tpu.memory_space<hbm>> -> memref<1x128xi32, #tpu.memory_space<hbm>>
    %dma_wait3A_2972 = tpu.memref_squeeze %dma_wait3A_2971 : memref<1x128xi32, #tpu.memory_space<hbm>> -> memref<128xi32, #tpu.memory_space<hbm>>
    %dma_wait3A_2973 = arith.constant 6016 : i32
    %dma_wait3A_2974 = tpu.memref_slice %arg5[%dma_wait3A_2973] : memref<6400xi32, #tpu.memory_space<vmem>> -> memref<128xi32, #tpu.memory_space<vmem>>
    %dma_wait3A_2975 = tpu.memref_slice %arg2[%select_n3A_2088, %mul3A_2106] : memref<50x4096xi32, #tpu.memory_space<hbm>> -> memref<1x128xi32, #tpu.memory_space<hbm>>
    %dma_wait3A_2976 = tpu.memref_squeeze %dma_wait3A_2975 : memref<1x128xi32, #tpu.memory_space<hbm>> -> memref<128xi32, #tpu.memory_space<hbm>>
    tpu.wait_dma2 semaphore(%arg21 : memref<!tpu.dma_semaphore, #tpu.memory_space<semaphore_mem>>) src(%dma_wait3A_2976 : memref<128xi32, #tpu.memory_space<hbm>>) dst(%dma_wait3A_2974 : memref<128xi32, #tpu.memory_space<vmem>>)
    %dma_wait3A_2977 = arith.constant 6144 : i32
    %dma_wait3A_2978 = tpu.memref_slice %arg5[%dma_wait3A_2977] : memref<6400xi32, #tpu.memory_space<vmem>> -> memref<128xi32, #tpu.memory_space<vmem>>
    %dma_wait3A_2979 = tpu.memref_slice %arg2[%select_n3A_2132, %mul3A_2150] : memref<50x4096xi32, #tpu.memory_space<hbm>> -> memref<1x128xi32, #tpu.memory_space<hbm>>
    %dma_wait3A_2980 = tpu.memref_squeeze %dma_wait3A_2979 : memref<1x128xi32, #tpu.memory_space<hbm>> -> memref<128xi32, #tpu.memory_space<hbm>>
    %dma_wait3A_2981 = arith.constant 6144 : i32
    %dma_wait3A_2982 = tpu.memref_slice %arg5[%dma_wait3A_2981] : memref<6400xi32, #tpu.memory_space<vmem>> -> memref<128xi32, #tpu.memory_space<vmem>>
    %dma_wait3A_2983 = tpu.memref_slice %arg2[%select_n3A_2132, %mul3A_2150] : memref<50x4096xi32, #tpu.memory_space<hbm>> -> memref<1x128xi32, #tpu.memory_space<hbm>>
    %dma_wait3A_2984 = tpu.memref_squeeze %dma_wait3A_2983 : memref<1x128xi32, #tpu.memory_space<hbm>> -> memref<128xi32, #tpu.memory_space<hbm>>
    tpu.wait_dma2 semaphore(%arg21 : memref<!tpu.dma_semaphore, #tpu.memory_space<semaphore_mem>>) src(%dma_wait3A_2984 : memref<128xi32, #tpu.memory_space<hbm>>) dst(%dma_wait3A_2982 : memref<128xi32, #tpu.memory_space<vmem>>)
    %dma_wait3A_2985 = arith.constant 6272 : i32
    %dma_wait3A_2986 = tpu.memref_slice %arg5[%dma_wait3A_2985] : memref<6400xi32, #tpu.memory_space<vmem>> -> memref<128xi32, #tpu.memory_space<vmem>>
    %dma_wait3A_2987 = tpu.memref_slice %arg2[%select_n3A_2176, %mul3A_2194] : memref<50x4096xi32, #tpu.memory_space<hbm>> -> memref<1x128xi32, #tpu.memory_space<hbm>>
    %dma_wait3A_2988 = tpu.memref_squeeze %dma_wait3A_2987 : memref<1x128xi32, #tpu.memory_space<hbm>> -> memref<128xi32, #tpu.memory_space<hbm>>
    %dma_wait3A_2989 = arith.constant 6272 : i32
    %dma_wait3A_2990 = tpu.memref_slice %arg5[%dma_wait3A_2989] : memref<6400xi32, #tpu.memory_space<vmem>> -> memref<128xi32, #tpu.memory_space<vmem>>
    %dma_wait3A_2991 = tpu.memref_slice %arg2[%select_n3A_2176, %mul3A_2194] : memref<50x4096xi32, #tpu.memory_space<hbm>> -> memref<1x128xi32, #tpu.memory_space<hbm>>
    %dma_wait3A_2992 = tpu.memref_squeeze %dma_wait3A_2991 : memref<1x128xi32, #tpu.memory_space<hbm>> -> memref<128xi32, #tpu.memory_space<hbm>>
    tpu.wait_dma2 semaphore(%arg21 : memref<!tpu.dma_semaphore, #tpu.memory_space<semaphore_mem>>) src(%dma_wait3A_2992 : memref<128xi32, #tpu.memory_space<hbm>>) dst(%dma_wait3A_2990 : memref<128xi32, #tpu.memory_space<vmem>>)
    %dma_start3A_2993 = arith.constant 0 : i32
    %dma_start3A_2994 = tpu.memref_slice %arg5[%dma_start3A_2993] : memref<6400xi32, #tpu.memory_space<vmem>> -> memref<128xi32, #tpu.memory_space<vmem>>
    %dma_start3A_2995 = arith.constant 0 : i32
    %dma_start3A_2996 = arith.constant 0 : i32
    %dma_start3A_2997 = tpu.memref_slice %arg3[%dma_start3A_2995, %dma_start3A_2996] : memref<1000000x64xf32, #tpu.memory_space<hbm>> -> memref<1000000x64xf32, #tpu.memory_space<hbm>>
    tpu.enqueue_indirect_dma source(%dma_start3A_2997 : memref<1000000x64xf32, #tpu.memory_space<hbm>>) target(%arg6 : memref<128x64xf32, #tpu.memory_space<vmem>>) offsets(%dma_start3A_2994 : memref<128xi32, #tpu.memory_space<vmem>>) semaphore(%arg11 : memref<!tpu.dma_semaphore, #tpu.memory_space<semaphore_mem>>)
    %dma_start3A_2998 = arith.constant 128 : i32
    %dma_start3A_2999 = tpu.memref_slice %arg5[%dma_start3A_2998] : memref<6400xi32, #tpu.memory_space<vmem>> -> memref<128xi32, #tpu.memory_space<vmem>>
    %dma_start3A_3000 = arith.constant 0 : i32
    %dma_start3A_3001 = arith.constant 0 : i32
    %dma_start3A_3002 = tpu.memref_slice %arg3[%dma_start3A_3000, %dma_start3A_3001] : memref<1000000x64xf32, #tpu.memory_space<hbm>> -> memref<1000000x64xf32, #tpu.memory_space<hbm>>
    tpu.enqueue_indirect_dma source(%dma_start3A_3002 : memref<1000000x64xf32, #tpu.memory_space<hbm>>) target(%arg7 : memref<128x64xf32, #tpu.memory_space<vmem>>) offsets(%dma_start3A_2999 : memref<128xi32, #tpu.memory_space<vmem>>) semaphore(%arg12 : memref<!tpu.dma_semaphore, #tpu.memory_space<semaphore_mem>>)
    %dma_start3A_3003 = arith.constant 256 : i32
    %dma_start3A_3004 = tpu.memref_slice %arg5[%dma_start3A_3003] : memref<6400xi32, #tpu.memory_space<vmem>> -> memref<128xi32, #tpu.memory_space<vmem>>
    %dma_start3A_3005 = arith.constant 0 : i32
    %dma_start3A_3006 = arith.constant 0 : i32
    %dma_start3A_3007 = tpu.memref_slice %arg3[%dma_start3A_3005, %dma_start3A_3006] : memref<1000000x64xf32, #tpu.memory_space<hbm>> -> memref<1000000x64xf32, #tpu.memory_space<hbm>>
    tpu.enqueue_indirect_dma source(%dma_start3A_3007 : memref<1000000x64xf32, #tpu.memory_space<hbm>>) target(%arg8 : memref<128x64xf32, #tpu.memory_space<vmem>>) offsets(%dma_start3A_3004 : memref<128xi32, #tpu.memory_space<vmem>>) semaphore(%arg13 : memref<!tpu.dma_semaphore, #tpu.memory_space<semaphore_mem>>)
    %dma_start3A_3008 = arith.constant 384 : i32
    %dma_start3A_3009 = tpu.memref_slice %arg5[%dma_start3A_3008] : memref<6400xi32, #tpu.memory_space<vmem>> -> memref<128xi32, #tpu.memory_space<vmem>>
    %dma_start3A_3010 = arith.constant 0 : i32
    %dma_start3A_3011 = arith.constant 0 : i32
    %dma_start3A_3012 = tpu.memref_slice %arg3[%dma_start3A_3010, %dma_start3A_3011] : memref<1000000x64xf32, #tpu.memory_space<hbm>> -> memref<1000000x64xf32, #tpu.memory_space<hbm>>
    tpu.enqueue_indirect_dma source(%dma_start3A_3012 : memref<1000000x64xf32, #tpu.memory_space<hbm>>) target(%arg9 : memref<128x64xf32, #tpu.memory_space<vmem>>) offsets(%dma_start3A_3009 : memref<128xi32, #tpu.memory_space<vmem>>) semaphore(%arg14 : memref<!tpu.dma_semaphore, #tpu.memory_space<semaphore_mem>>)
    %dma_start3A_3013 = arith.constant 512 : i32
    %dma_start3A_3014 = tpu.memref_slice %arg5[%dma_start3A_3013] : memref<6400xi32, #tpu.memory_space<vmem>> -> memref<128xi32, #tpu.memory_space<vmem>>
    %dma_start3A_3015 = arith.constant 0 : i32
    %dma_start3A_3016 = arith.constant 0 : i32
    %dma_start3A_3017 = tpu.memref_slice %arg3[%dma_start3A_3015, %dma_start3A_3016] : memref<1000000x64xf32, #tpu.memory_space<hbm>> -> memref<1000000x64xf32, #tpu.memory_space<hbm>>
    tpu.enqueue_indirect_dma source(%dma_start3A_3017 : memref<1000000x64xf32, #tpu.memory_space<hbm>>) target(%arg10 : memref<128x64xf32, #tpu.memory_space<vmem>>) offsets(%dma_start3A_3014 : memref<128xi32, #tpu.memory_space<vmem>>) semaphore(%arg15 : memref<!tpu.dma_semaphore, #tpu.memory_space<semaphore_mem>>)
    %scan3A = arith.constant 0 : i32
    %scan3A_3018 = arith.constant 0 : i32
    %scan3A_3019 = arith.constant 9 : i32
    %scan3A_3020 = arith.addi %scan3A_3018, %scan3A_3019 : i32
    %scan3A_3021 = arith.constant 1 : i32
    scf.for %scan3A_3548 = %scan3A_3018 to %scan3A_3020 step %scan3A_3021  : i32 {
      %mul3A_3549 = arith.constant 5 : i32
      %mul3A_3550 = arith.muli %scan3A_3548, %mul3A_3549 : i32
      %add3A_3551 = arith.constant 0 : i32
      %add3A_3552 = arith.addi %mul3A_3550, %add3A_3551 : i32
      %mul3A_3553 = arith.constant 128 : i32
      %mul3A_3554 = arith.muli %add3A_3552, %mul3A_3553 : i32
      %dma_wait3A_3555 = tpu.memref_slice %arg5[%mul3A_3554] : memref<6400xi32, #tpu.memory_space<vmem>> -> memref<128xi32, #tpu.memory_space<vmem>>
      %dma_wait3A_3556 = arith.constant 0 : i32
      %dma_wait3A_3557 = arith.constant 0 : i32
      %dma_wait3A_3558 = tpu.memref_slice %arg3[%dma_wait3A_3556, %dma_wait3A_3557] : memref<1000000x64xf32, #tpu.memory_space<hbm>> -> memref<1000000x64xf32, #tpu.memory_space<hbm>>
      tpu.wait_indirect_dma semaphore(%arg11 : memref<!tpu.dma_semaphore, #tpu.memory_space<semaphore_mem>>) src(%dma_wait3A_3558 : memref<1000000x64xf32, #tpu.memory_space<hbm>>) dst(%arg6 : memref<128x64xf32, #tpu.memory_space<vmem>>)
      %add3A_3559 = arith.constant 0 : i32
      %add3A_3560 = arith.addi %mul3A_3550, %add3A_3559 : i32
      %add3A_3561 = arith.addi %mul3A_4, %add3A_3560 : i32
      %jit3A_3562 = arith.constant 32 : i32
      %div3A_3563 = arith.divsi %add3A_3561, %jit3A_3562 : i32
      %sign3A_3564 = arith.constant 0 : i32
      %sign3A_3565 = arith.cmpi sgt, %add3A_3561, %sign3A_3564 : i32
      %sign3A_3566 = arith.extui %sign3A_3565 : i1 to i32
      %sign3A_3567 = arith.constant 0 : i32
      %sign3A_3568 = arith.cmpi slt, %add3A_3561, %sign3A_3567 : i32
      %sign3A_3569 = arith.extui %sign3A_3568 : i1 to i32
      %sign3A_3570 = arith.subi %sign3A_3566, %sign3A_3569 : i32
      %sign3A_3571 = arith.constant 0 : i32
      %sign3A_3572 = arith.cmpi sgt, %jit3A_3562, %sign3A_3571 : i32
      %sign3A_3573 = arith.extui %sign3A_3572 : i1 to i32
      %sign3A_3574 = arith.constant 0 : i32
      %sign3A_3575 = arith.cmpi slt, %jit3A_3562, %sign3A_3574 : i32
      %sign3A_3576 = arith.extui %sign3A_3575 : i1 to i32
      %sign3A_3577 = arith.subi %sign3A_3573, %sign3A_3576 : i32
      %ne3A_3578 = arith.cmpi ne, %sign3A_3570, %sign3A_3577 : i32
      %rem3A_3579 = arith.remsi %add3A_3561, %jit3A_3562 : i32
      %ne3A_3580 = arith.constant 0 : i32
      %ne3A_3581 = arith.cmpi ne, %rem3A_3579, %ne3A_3580 : i32
      %and3A_3582 = arith.andi %ne3A_3578, %ne3A_3581 : i1
      %sub3A_3583 = arith.constant 1 : i32
      %sub3A_3584 = arith.subi %div3A_3563, %sub3A_3583 : i32
      %select_n3A_3585 = arith.select %and3A_3582, %sub3A_3584, %div3A_3563 : i32
      %jit3A_3586 = arith.constant 32 : i32
      %eq3A_3587 = arith.constant 0 : i32
      %eq3A_3588 = arith.cmpi eq, %jit3A_3586, %eq3A_3587 : i32
      %jit3A_3589 = arith.constant 1 : i32
      %select_n3A_3590 = arith.select %eq3A_3588, %jit3A_3589, %jit3A_3586 : i32
      %rem3A_3591 = arith.remsi %add3A_3561, %select_n3A_3590 : i32
      %ne3A_3592 = arith.constant 0 : i32
      %ne3A_3593 = arith.cmpi ne, %rem3A_3591, %ne3A_3592 : i32
      %lt3A_3594 = arith.constant 0 : i32
      %lt3A_3595 = arith.cmpi slt, %rem3A_3591, %lt3A_3594 : i32
      %lt3A_3596 = arith.constant 0 : i32
      %lt3A_3597 = arith.cmpi slt, %select_n3A_3590, %lt3A_3596 : i32
      %ne3A_3598 = arith.xori %lt3A_3595, %lt3A_3597 : i1
      %and3A_3599 = arith.andi %ne3A_3598, %ne3A_3593 : i1
      %add3A_3600 = arith.addi %rem3A_3591, %select_n3A_3590 : i32
      %select_n3A_3601 = arith.select %and3A_3599, %add3A_3600, %rem3A_3591 : i32
      %mul3A_3602 = arith.constant 128 : i32
      %mul3A_3603 = arith.muli %select_n3A_3601, %mul3A_3602 : i32
      %dma_start3A_3604 = arith.constant 0 : i32
      %dma_start3A_3605 = tpu.memref_slice %arg4[%select_n3A_3585, %mul3A_3603, %dma_start3A_3604] : memref<50x4096x64xf32, #tpu.memory_space<hbm>> -> memref<1x128x64xf32, #tpu.memory_space<hbm>>
      %dma_start3A_3606 = tpu.memref_squeeze %dma_start3A_3605 : memref<1x128x64xf32, #tpu.memory_space<hbm>> -> memref<128x64xf32, #tpu.memory_space<hbm>>
      %dma_start3A_3607 = arith.constant 0 : i32
      %dma_start3A_3608 = tpu.memref_slice %arg4[%select_n3A_3585, %mul3A_3603, %dma_start3A_3607] : memref<50x4096x64xf32, #tpu.memory_space<hbm>> -> memref<1x128x64xf32, #tpu.memory_space<hbm>>
      %dma_start3A_3609 = tpu.memref_squeeze %dma_start3A_3608 : memref<1x128x64xf32, #tpu.memory_space<hbm>> -> memref<128x64xf32, #tpu.memory_space<hbm>>
      tpu.enqueue_dma source(%arg6 : memref<128x64xf32, #tpu.memory_space<vmem>>) target(%dma_start3A_3609 : memref<128x64xf32, #tpu.memory_space<hbm>>) target_semaphore(%arg16 : memref<!tpu.dma_semaphore, #tpu.memory_space<semaphore_mem>>)
      %add3A_3610 = arith.constant 1 : i32
      %add3A_3611 = arith.addi %mul3A_3550, %add3A_3610 : i32
      %mul3A_3612 = arith.constant 128 : i32
      %mul3A_3613 = arith.muli %add3A_3611, %mul3A_3612 : i32
      %dma_wait3A_3614 = tpu.memref_slice %arg5[%mul3A_3613] : memref<6400xi32, #tpu.memory_space<vmem>> -> memref<128xi32, #tpu.memory_space<vmem>>
      %dma_wait3A_3615 = arith.constant 0 : i32
      %dma_wait3A_3616 = arith.constant 0 : i32
      %dma_wait3A_3617 = tpu.memref_slice %arg3[%dma_wait3A_3615, %dma_wait3A_3616] : memref<1000000x64xf32, #tpu.memory_space<hbm>> -> memref<1000000x64xf32, #tpu.memory_space<hbm>>
      tpu.wait_indirect_dma semaphore(%arg12 : memref<!tpu.dma_semaphore, #tpu.memory_space<semaphore_mem>>) src(%dma_wait3A_3617 : memref<1000000x64xf32, #tpu.memory_space<hbm>>) dst(%arg7 : memref<128x64xf32, #tpu.memory_space<vmem>>)
      %add3A_3618 = arith.constant 1 : i32
      %add3A_3619 = arith.addi %mul3A_3550, %add3A_3618 : i32
      %add3A_3620 = arith.addi %mul3A_4, %add3A_3619 : i32
      %jit3A_3621 = arith.constant 32 : i32
      %div3A_3622 = arith.divsi %add3A_3620, %jit3A_3621 : i32
      %sign3A_3623 = arith.constant 0 : i32
      %sign3A_3624 = arith.cmpi sgt, %add3A_3620, %sign3A_3623 : i32
      %sign3A_3625 = arith.extui %sign3A_3624 : i1 to i32
      %sign3A_3626 = arith.constant 0 : i32
      %sign3A_3627 = arith.cmpi slt, %add3A_3620, %sign3A_3626 : i32
      %sign3A_3628 = arith.extui %sign3A_3627 : i1 to i32
      %sign3A_3629 = arith.subi %sign3A_3625, %sign3A_3628 : i32
      %sign3A_3630 = arith.constant 0 : i32
      %sign3A_3631 = arith.cmpi sgt, %jit3A_3621, %sign3A_3630 : i32
      %sign3A_3632 = arith.extui %sign3A_3631 : i1 to i32
      %sign3A_3633 = arith.constant 0 : i32
      %sign3A_3634 = arith.cmpi slt, %jit3A_3621, %sign3A_3633 : i32
      %sign3A_3635 = arith.extui %sign3A_3634 : i1 to i32
      %sign3A_3636 = arith.subi %sign3A_3632, %sign3A_3635 : i32
      %ne3A_3637 = arith.cmpi ne, %sign3A_3629, %sign3A_3636 : i32
      %rem3A_3638 = arith.remsi %add3A_3620, %jit3A_3621 : i32
      %ne3A_3639 = arith.constant 0 : i32
      %ne3A_3640 = arith.cmpi ne, %rem3A_3638, %ne3A_3639 : i32
      %and3A_3641 = arith.andi %ne3A_3637, %ne3A_3640 : i1
      %sub3A_3642 = arith.constant 1 : i32
      %sub3A_3643 = arith.subi %div3A_3622, %sub3A_3642 : i32
      %select_n3A_3644 = arith.select %and3A_3641, %sub3A_3643, %div3A_3622 : i32
      %jit3A_3645 = arith.constant 32 : i32
      %eq3A_3646 = arith.constant 0 : i32
      %eq3A_3647 = arith.cmpi eq, %jit3A_3645, %eq3A_3646 : i32
      %jit3A_3648 = arith.constant 1 : i32
      %select_n3A_3649 = arith.select %eq3A_3647, %jit3A_3648, %jit3A_3645 : i32
      %rem3A_3650 = arith.remsi %add3A_3620, %select_n3A_3649 : i32
      %ne3A_3651 = arith.constant 0 : i32
      %ne3A_3652 = arith.cmpi ne, %rem3A_3650, %ne3A_3651 : i32
      %lt3A_3653 = arith.constant 0 : i32
      %lt3A_3654 = arith.cmpi slt, %rem3A_3650, %lt3A_3653 : i32
      %lt3A_3655 = arith.constant 0 : i32
      %lt3A_3656 = arith.cmpi slt, %select_n3A_3649, %lt3A_3655 : i32
      %ne3A_3657 = arith.xori %lt3A_3654, %lt3A_3656 : i1
      %and3A_3658 = arith.andi %ne3A_3657, %ne3A_3652 : i1
      %add3A_3659 = arith.addi %rem3A_3650, %select_n3A_3649 : i32
      %select_n3A_3660 = arith.select %and3A_3658, %add3A_3659, %rem3A_3650 : i32
      %mul3A_3661 = arith.constant 128 : i32
      %mul3A_3662 = arith.muli %select_n3A_3660, %mul3A_3661 : i32
      %dma_start3A_3663 = arith.constant 0 : i32
      %dma_start3A_3664 = tpu.memref_slice %arg4[%select_n3A_3644, %mul3A_3662, %dma_start3A_3663] : memref<50x4096x64xf32, #tpu.memory_space<hbm>> -> memref<1x128x64xf32, #tpu.memory_space<hbm>>
      %dma_start3A_3665 = tpu.memref_squeeze %dma_start3A_3664 : memref<1x128x64xf32, #tpu.memory_space<hbm>> -> memref<128x64xf32, #tpu.memory_space<hbm>>
      %dma_start3A_3666 = arith.constant 0 : i32
      %dma_start3A_3667 = tpu.memref_slice %arg4[%select_n3A_3644, %mul3A_3662, %dma_start3A_3666] : memref<50x4096x64xf32, #tpu.memory_space<hbm>> -> memref<1x128x64xf32, #tpu.memory_space<hbm>>
      %dma_start3A_3668 = tpu.memref_squeeze %dma_start3A_3667 : memref<1x128x64xf32, #tpu.memory_space<hbm>> -> memref<128x64xf32, #tpu.memory_space<hbm>>
      tpu.enqueue_dma source(%arg7 : memref<128x64xf32, #tpu.memory_space<vmem>>) target(%dma_start3A_3668 : memref<128x64xf32, #tpu.memory_space<hbm>>) target_semaphore(%arg17 : memref<!tpu.dma_semaphore, #tpu.memory_space<semaphore_mem>>)
      %add3A_3669 = arith.constant 2 : i32
      %add3A_3670 = arith.addi %mul3A_3550, %add3A_3669 : i32
      %mul3A_3671 = arith.constant 128 : i32
      %mul3A_3672 = arith.muli %add3A_3670, %mul3A_3671 : i32
      %dma_wait3A_3673 = tpu.memref_slice %arg5[%mul3A_3672] : memref<6400xi32, #tpu.memory_space<vmem>> -> memref<128xi32, #tpu.memory_space<vmem>>
      %dma_wait3A_3674 = arith.constant 0 : i32
      %dma_wait3A_3675 = arith.constant 0 : i32
      %dma_wait3A_3676 = tpu.memref_slice %arg3[%dma_wait3A_3674, %dma_wait3A_3675] : memref<1000000x64xf32, #tpu.memory_space<hbm>> -> memref<1000000x64xf32, #tpu.memory_space<hbm>>
      tpu.wait_indirect_dma semaphore(%arg13 : memref<!tpu.dma_semaphore, #tpu.memory_space<semaphore_mem>>) src(%dma_wait3A_3676 : memref<1000000x64xf32, #tpu.memory_space<hbm>>) dst(%arg8 : memref<128x64xf32, #tpu.memory_space<vmem>>)
      %add3A_3677 = arith.constant 2 : i32
      %add3A_3678 = arith.addi %mul3A_3550, %add3A_3677 : i32
      %add3A_3679 = arith.addi %mul3A_4, %add3A_3678 : i32
      %jit3A_3680 = arith.constant 32 : i32
      %div3A_3681 = arith.divsi %add3A_3679, %jit3A_3680 : i32
      %sign3A_3682 = arith.constant 0 : i32
      %sign3A_3683 = arith.cmpi sgt, %add3A_3679, %sign3A_3682 : i32
      %sign3A_3684 = arith.extui %sign3A_3683 : i1 to i32
      %sign3A_3685 = arith.constant 0 : i32
      %sign3A_3686 = arith.cmpi slt, %add3A_3679, %sign3A_3685 : i32
      %sign3A_3687 = arith.extui %sign3A_3686 : i1 to i32
      %sign3A_3688 = arith.subi %sign3A_3684, %sign3A_3687 : i32
      %sign3A_3689 = arith.constant 0 : i32
      %sign3A_3690 = arith.cmpi sgt, %jit3A_3680, %sign3A_3689 : i32
      %sign3A_3691 = arith.extui %sign3A_3690 : i1 to i32
      %sign3A_3692 = arith.constant 0 : i32
      %sign3A_3693 = arith.cmpi slt, %jit3A_3680, %sign3A_3692 : i32
      %sign3A_3694 = arith.extui %sign3A_3693 : i1 to i32
      %sign3A_3695 = arith.subi %sign3A_3691, %sign3A_3694 : i32
      %ne3A_3696 = arith.cmpi ne, %sign3A_3688, %sign3A_3695 : i32
      %rem3A_3697 = arith.remsi %add3A_3679, %jit3A_3680 : i32
      %ne3A_3698 = arith.constant 0 : i32
      %ne3A_3699 = arith.cmpi ne, %rem3A_3697, %ne3A_3698 : i32
      %and3A_3700 = arith.andi %ne3A_3696, %ne3A_3699 : i1
      %sub3A_3701 = arith.constant 1 : i32
      %sub3A_3702 = arith.subi %div3A_3681, %sub3A_3701 : i32
      %select_n3A_3703 = arith.select %and3A_3700, %sub3A_3702, %div3A_3681 : i32
      %jit3A_3704 = arith.constant 32 : i32
      %eq3A_3705 = arith.constant 0 : i32
      %eq3A_3706 = arith.cmpi eq, %jit3A_3704, %eq3A_3705 : i32
      %jit3A_3707 = arith.constant 1 : i32
      %select_n3A_3708 = arith.select %eq3A_3706, %jit3A_3707, %jit3A_3704 : i32
      %rem3A_3709 = arith.remsi %add3A_3679, %select_n3A_3708 : i32
      %ne3A_3710 = arith.constant 0 : i32
      %ne3A_3711 = arith.cmpi ne, %rem3A_3709, %ne3A_3710 : i32
      %lt3A_3712 = arith.constant 0 : i32
      %lt3A_3713 = arith.cmpi slt, %rem3A_3709, %lt3A_3712 : i32
      %lt3A_3714 = arith.constant 0 : i32
      %lt3A_3715 = arith.cmpi slt, %select_n3A_3708, %lt3A_3714 : i32
      %ne3A_3716 = arith.xori %lt3A_3713, %lt3A_3715 : i1
      %and3A_3717 = arith.andi %ne3A_3716, %ne3A_3711 : i1
      %add3A_3718 = arith.addi %rem3A_3709, %select_n3A_3708 : i32
      %select_n3A_3719 = arith.select %and3A_3717, %add3A_3718, %rem3A_3709 : i32
      %mul3A_3720 = arith.constant 128 : i32
      %mul3A_3721 = arith.muli %select_n3A_3719, %mul3A_3720 : i32
      %dma_start3A_3722 = arith.constant 0 : i32
      %dma_start3A_3723 = tpu.memref_slice %arg4[%select_n3A_3703, %mul3A_3721, %dma_start3A_3722] : memref<50x4096x64xf32, #tpu.memory_space<hbm>> -> memref<1x128x64xf32, #tpu.memory_space<hbm>>
      %dma_start3A_3724 = tpu.memref_squeeze %dma_start3A_3723 : memref<1x128x64xf32, #tpu.memory_space<hbm>> -> memref<128x64xf32, #tpu.memory_space<hbm>>
      %dma_start3A_3725 = arith.constant 0 : i32
      %dma_start3A_3726 = tpu.memref_slice %arg4[%select_n3A_3703, %mul3A_3721, %dma_start3A_3725] : memref<50x4096x64xf32, #tpu.memory_space<hbm>> -> memref<1x128x64xf32, #tpu.memory_space<hbm>>
      %dma_start3A_3727 = tpu.memref_squeeze %dma_start3A_3726 : memref<1x128x64xf32, #tpu.memory_space<hbm>> -> memref<128x64xf32, #tpu.memory_space<hbm>>
      tpu.enqueue_dma source(%arg8 : memref<128x64xf32, #tpu.memory_space<vmem>>) target(%dma_start3A_3727 : memref<128x64xf32, #tpu.memory_space<hbm>>) target_semaphore(%arg18 : memref<!tpu.dma_semaphore, #tpu.memory_space<semaphore_mem>>)
      %add3A_3728 = arith.constant 3 : i32
      %add3A_3729 = arith.addi %mul3A_3550, %add3A_3728 : i32
      %mul3A_3730 = arith.constant 128 : i32
      %mul3A_3731 = arith.muli %add3A_3729, %mul3A_3730 : i32
      %dma_wait3A_3732 = tpu.memref_slice %arg5[%mul3A_3731] : memref<6400xi32, #tpu.memory_space<vmem>> -> memref<128xi32, #tpu.memory_space<vmem>>
      %dma_wait3A_3733 = arith.constant 0 : i32
      %dma_wait3A_3734 = arith.constant 0 : i32
      %dma_wait3A_3735 = tpu.memref_slice %arg3[%dma_wait3A_3733, %dma_wait3A_3734] : memref<1000000x64xf32, #tpu.memory_space<hbm>> -> memref<1000000x64xf32, #tpu.memory_space<hbm>>
      tpu.wait_indirect_dma semaphore(%arg14 : memref<!tpu.dma_semaphore, #tpu.memory_space<semaphore_mem>>) src(%dma_wait3A_3735 : memref<1000000x64xf32, #tpu.memory_space<hbm>>) dst(%arg9 : memref<128x64xf32, #tpu.memory_space<vmem>>)
      %add3A_3736 = arith.constant 3 : i32
      %add3A_3737 = arith.addi %mul3A_3550, %add3A_3736 : i32
      %add3A_3738 = arith.addi %mul3A_4, %add3A_3737 : i32
      %jit3A_3739 = arith.constant 32 : i32
      %div3A_3740 = arith.divsi %add3A_3738, %jit3A_3739 : i32
      %sign3A_3741 = arith.constant 0 : i32
      %sign3A_3742 = arith.cmpi sgt, %add3A_3738, %sign3A_3741 : i32
      %sign3A_3743 = arith.extui %sign3A_3742 : i1 to i32
      %sign3A_3744 = arith.constant 0 : i32
      %sign3A_3745 = arith.cmpi slt, %add3A_3738, %sign3A_3744 : i32
      %sign3A_3746 = arith.extui %sign3A_3745 : i1 to i32
      %sign3A_3747 = arith.subi %sign3A_3743, %sign3A_3746 : i32
      %sign3A_3748 = arith.constant 0 : i32
      %sign3A_3749 = arith.cmpi sgt, %jit3A_3739, %sign3A_3748 : i32
      %sign3A_3750 = arith.extui %sign3A_3749 : i1 to i32
      %sign3A_3751 = arith.constant 0 : i32
      %sign3A_3752 = arith.cmpi slt, %jit3A_3739, %sign3A_3751 : i32
      %sign3A_3753 = arith.extui %sign3A_3752 : i1 to i32
      %sign3A_3754 = arith.subi %sign3A_3750, %sign3A_3753 : i32
      %ne3A_3755 = arith.cmpi ne, %sign3A_3747, %sign3A_3754 : i32
      %rem3A_3756 = arith.remsi %add3A_3738, %jit3A_3739 : i32
      %ne3A_3757 = arith.constant 0 : i32
      %ne3A_3758 = arith.cmpi ne, %rem3A_3756, %ne3A_3757 : i32
      %and3A_3759 = arith.andi %ne3A_3755, %ne3A_3758 : i1
      %sub3A_3760 = arith.constant 1 : i32
      %sub3A_3761 = arith.subi %div3A_3740, %sub3A_3760 : i32
      %select_n3A_3762 = arith.select %and3A_3759, %sub3A_3761, %div3A_3740 : i32
      %jit3A_3763 = arith.constant 32 : i32
      %eq3A_3764 = arith.constant 0 : i32
      %eq3A_3765 = arith.cmpi eq, %jit3A_3763, %eq3A_3764 : i32
      %jit3A_3766 = arith.constant 1 : i32
      %select_n3A_3767 = arith.select %eq3A_3765, %jit3A_3766, %jit3A_3763 : i32
      %rem3A_3768 = arith.remsi %add3A_3738, %select_n3A_3767 : i32
      %ne3A_3769 = arith.constant 0 : i32
      %ne3A_3770 = arith.cmpi ne, %rem3A_3768, %ne3A_3769 : i32
      %lt3A_3771 = arith.constant 0 : i32
      %lt3A_3772 = arith.cmpi slt, %rem3A_3768, %lt3A_3771 : i32
      %lt3A_3773 = arith.constant 0 : i32
      %lt3A_3774 = arith.cmpi slt, %select_n3A_3767, %lt3A_3773 : i32
      %ne3A_3775 = arith.xori %lt3A_3772, %lt3A_3774 : i1
      %and3A_3776 = arith.andi %ne3A_3775, %ne3A_3770 : i1
      %add3A_3777 = arith.addi %rem3A_3768, %select_n3A_3767 : i32
      %select_n3A_3778 = arith.select %and3A_3776, %add3A_3777, %rem3A_3768 : i32
      %mul3A_3779 = arith.constant 128 : i32
      %mul3A_3780 = arith.muli %select_n3A_3778, %mul3A_3779 : i32
      %dma_start3A_3781 = arith.constant 0 : i32
      %dma_start3A_3782 = tpu.memref_slice %arg4[%select_n3A_3762, %mul3A_3780, %dma_start3A_3781] : memref<50x4096x64xf32, #tpu.memory_space<hbm>> -> memref<1x128x64xf32, #tpu.memory_space<hbm>>
      %dma_start3A_3783 = tpu.memref_squeeze %dma_start3A_3782 : memref<1x128x64xf32, #tpu.memory_space<hbm>> -> memref<128x64xf32, #tpu.memory_space<hbm>>
      %dma_start3A_3784 = arith.constant 0 : i32
      %dma_start3A_3785 = tpu.memref_slice %arg4[%select_n3A_3762, %mul3A_3780, %dma_start3A_3784] : memref<50x4096x64xf32, #tpu.memory_space<hbm>> -> memref<1x128x64xf32, #tpu.memory_space<hbm>>
      %dma_start3A_3786 = tpu.memref_squeeze %dma_start3A_3785 : memref<1x128x64xf32, #tpu.memory_space<hbm>> -> memref<128x64xf32, #tpu.memory_space<hbm>>
      tpu.enqueue_dma source(%arg9 : memref<128x64xf32, #tpu.memory_space<vmem>>) target(%dma_start3A_3786 : memref<128x64xf32, #tpu.memory_space<hbm>>) target_semaphore(%arg19 : memref<!tpu.dma_semaphore, #tpu.memory_space<semaphore_mem>>)
      %add3A_3787 = arith.constant 4 : i32
      %add3A_3788 = arith.addi %mul3A_3550, %add3A_3787 : i32
      %mul3A_3789 = arith.constant 128 : i32
      %mul3A_3790 = arith.muli %add3A_3788, %mul3A_3789 : i32
      %dma_wait3A_3791 = tpu.memref_slice %arg5[%mul3A_3790] : memref<6400xi32, #tpu.memory_space<vmem>> -> memref<128xi32, #tpu.memory_space<vmem>>
      %dma_wait3A_3792 = arith.constant 0 : i32
      %dma_wait3A_3793 = arith.constant 0 : i32
      %dma_wait3A_3794 = tpu.memref_slice %arg3[%dma_wait3A_3792, %dma_wait3A_3793] : memref<1000000x64xf32, #tpu.memory_space<hbm>> -> memref<1000000x64xf32, #tpu.memory_space<hbm>>
      tpu.wait_indirect_dma semaphore(%arg15 : memref<!tpu.dma_semaphore, #tpu.memory_space<semaphore_mem>>) src(%dma_wait3A_3794 : memref<1000000x64xf32, #tpu.memory_space<hbm>>) dst(%arg10 : memref<128x64xf32, #tpu.memory_space<vmem>>)
      %add3A_3795 = arith.constant 4 : i32
      %add3A_3796 = arith.addi %mul3A_3550, %add3A_3795 : i32
      %add3A_3797 = arith.addi %mul3A_4, %add3A_3796 : i32
      %jit3A_3798 = arith.constant 32 : i32
      %div3A_3799 = arith.divsi %add3A_3797, %jit3A_3798 : i32
      %sign3A_3800 = arith.constant 0 : i32
      %sign3A_3801 = arith.cmpi sgt, %add3A_3797, %sign3A_3800 : i32
      %sign3A_3802 = arith.extui %sign3A_3801 : i1 to i32
      %sign3A_3803 = arith.constant 0 : i32
      %sign3A_3804 = arith.cmpi slt, %add3A_3797, %sign3A_3803 : i32
      %sign3A_3805 = arith.extui %sign3A_3804 : i1 to i32
      %sign3A_3806 = arith.subi %sign3A_3802, %sign3A_3805 : i32
      %sign3A_3807 = arith.constant 0 : i32
      %sign3A_3808 = arith.cmpi sgt, %jit3A_3798, %sign3A_3807 : i32
      %sign3A_3809 = arith.extui %sign3A_3808 : i1 to i32
      %sign3A_3810 = arith.constant 0 : i32
      %sign3A_3811 = arith.cmpi slt, %jit3A_3798, %sign3A_3810 : i32
      %sign3A_3812 = arith.extui %sign3A_3811 : i1 to i32
      %sign3A_3813 = arith.subi %sign3A_3809, %sign3A_3812 : i32
      %ne3A_3814 = arith.cmpi ne, %sign3A_3806, %sign3A_3813 : i32
      %rem3A_3815 = arith.remsi %add3A_3797, %jit3A_3798 : i32
      %ne3A_3816 = arith.constant 0 : i32
      %ne3A_3817 = arith.cmpi ne, %rem3A_3815, %ne3A_3816 : i32
      %and3A_3818 = arith.andi %ne3A_3814, %ne3A_3817 : i1
      %sub3A_3819 = arith.constant 1 : i32
      %sub3A_3820 = arith.subi %div3A_3799, %sub3A_3819 : i32
      %select_n3A_3821 = arith.select %and3A_3818, %sub3A_3820, %div3A_3799 : i32
      %jit3A_3822 = arith.constant 32 : i32
      %eq3A_3823 = arith.constant 0 : i32
      %eq3A_3824 = arith.cmpi eq, %jit3A_3822, %eq3A_3823 : i32
      %jit3A_3825 = arith.constant 1 : i32
      %select_n3A_3826 = arith.select %eq3A_3824, %jit3A_3825, %jit3A_3822 : i32
      %rem3A_3827 = arith.remsi %add3A_3797, %select_n3A_3826 : i32
      %ne3A_3828 = arith.constant 0 : i32
      %ne3A_3829 = arith.cmpi ne, %rem3A_3827, %ne3A_3828 : i32
      %lt3A_3830 = arith.constant 0 : i32
      %lt3A_3831 = arith.cmpi slt, %rem3A_3827, %lt3A_3830 : i32
      %lt3A_3832 = arith.constant 0 : i32
      %lt3A_3833 = arith.cmpi slt, %select_n3A_3826, %lt3A_3832 : i32
      %ne3A_3834 = arith.xori %lt3A_3831, %lt3A_3833 : i1
      %and3A_3835 = arith.andi %ne3A_3834, %ne3A_3829 : i1
      %add3A_3836 = arith.addi %rem3A_3827, %select_n3A_3826 : i32
      %select_n3A_3837 = arith.select %and3A_3835, %add3A_3836, %rem3A_3827 : i32
      %mul3A_3838 = arith.constant 128 : i32
      %mul3A_3839 = arith.muli %select_n3A_3837, %mul3A_3838 : i32
      %dma_start3A_3840 = arith.constant 0 : i32
      %dma_start3A_3841 = tpu.memref_slice %arg4[%select_n3A_3821, %mul3A_3839, %dma_start3A_3840] : memref<50x4096x64xf32, #tpu.memory_space<hbm>> -> memref<1x128x64xf32, #tpu.memory_space<hbm>>
      %dma_start3A_3842 = tpu.memref_squeeze %dma_start3A_3841 : memref<1x128x64xf32, #tpu.memory_space<hbm>> -> memref<128x64xf32, #tpu.memory_space<hbm>>
      %dma_start3A_3843 = arith.constant 0 : i32
      %dma_start3A_3844 = tpu.memref_slice %arg4[%select_n3A_3821, %mul3A_3839, %dma_start3A_3843] : memref<50x4096x64xf32, #tpu.memory_space<hbm>> -> memref<1x128x64xf32, #tpu.memory_space<hbm>>
      %dma_start3A_3845 = tpu.memref_squeeze %dma_start3A_3844 : memref<1x128x64xf32, #tpu.memory_space<hbm>> -> memref<128x64xf32, #tpu.memory_space<hbm>>
      tpu.enqueue_dma source(%arg10 : memref<128x64xf32, #tpu.memory_space<vmem>>) target(%dma_start3A_3845 : memref<128x64xf32, #tpu.memory_space<hbm>>) target_semaphore(%arg20 : memref<!tpu.dma_semaphore, #tpu.memory_space<semaphore_mem>>)
      %add3A_3846 = arith.constant 0 : i32
      %add3A_3847 = arith.addi %mul3A_3550, %add3A_3846 : i32
      %add3A_3848 = arith.addi %mul3A_4, %add3A_3847 : i32
      %jit3A_3849 = arith.constant 32 : i32
      %div3A_3850 = arith.divsi %add3A_3848, %jit3A_3849 : i32
      %sign3A_3851 = arith.constant 0 : i32
      %sign3A_3852 = arith.cmpi sgt, %add3A_3848, %sign3A_3851 : i32
      %sign3A_3853 = arith.extui %sign3A_3852 : i1 to i32
      %sign3A_3854 = arith.constant 0 : i32
      %sign3A_3855 = arith.cmpi slt, %add3A_3848, %sign3A_3854 : i32
      %sign3A_3856 = arith.extui %sign3A_3855 : i1 to i32
      %sign3A_3857 = arith.subi %sign3A_3853, %sign3A_3856 : i32
      %sign3A_3858 = arith.constant 0 : i32
      %sign3A_3859 = arith.cmpi sgt, %jit3A_3849, %sign3A_3858 : i32
      %sign3A_3860 = arith.extui %sign3A_3859 : i1 to i32
      %sign3A_3861 = arith.constant 0 : i32
      %sign3A_3862 = arith.cmpi slt, %jit3A_3849, %sign3A_3861 : i32
      %sign3A_3863 = arith.extui %sign3A_3862 : i1 to i32
      %sign3A_3864 = arith.subi %sign3A_3860, %sign3A_3863 : i32
      %ne3A_3865 = arith.cmpi ne, %sign3A_3857, %sign3A_3864 : i32
      %rem3A_3866 = arith.remsi %add3A_3848, %jit3A_3849 : i32
      %ne3A_3867 = arith.constant 0 : i32
      %ne3A_3868 = arith.cmpi ne, %rem3A_3866, %ne3A_3867 : i32
      %and3A_3869 = arith.andi %ne3A_3865, %ne3A_3868 : i1
      %sub3A_3870 = arith.constant 1 : i32
      %sub3A_3871 = arith.subi %div3A_3850, %sub3A_3870 : i32
      %select_n3A_3872 = arith.select %and3A_3869, %sub3A_3871, %div3A_3850 : i32
      %jit3A_3873 = arith.constant 32 : i32
      %eq3A_3874 = arith.constant 0 : i32
      %eq3A_3875 = arith.cmpi eq, %jit3A_3873, %eq3A_3874 : i32
      %jit3A_3876 = arith.constant 1 : i32
      %select_n3A_3877 = arith.select %eq3A_3875, %jit3A_3876, %jit3A_3873 : i32
      %rem3A_3878 = arith.remsi %add3A_3848, %select_n3A_3877 : i32
      %ne3A_3879 = arith.constant 0 : i32
      %ne3A_3880 = arith.cmpi ne, %rem3A_3878, %ne3A_3879 : i32
      %lt3A_3881 = arith.constant 0 : i32
      %lt3A_3882 = arith.cmpi slt, %rem3A_3878, %lt3A_3881 : i32
      %lt3A_3883 = arith.constant 0 : i32
      %lt3A_3884 = arith.cmpi slt, %select_n3A_3877, %lt3A_3883 : i32
      %ne3A_3885 = arith.xori %lt3A_3882, %lt3A_3884 : i1
      %and3A_3886 = arith.andi %ne3A_3885, %ne3A_3880 : i1
      %add3A_3887 = arith.addi %rem3A_3878, %select_n3A_3877 : i32
      %select_n3A_3888 = arith.select %and3A_3886, %add3A_3887, %rem3A_3878 : i32
      %mul3A_3889 = arith.constant 128 : i32
      %mul3A_3890 = arith.muli %select_n3A_3888, %mul3A_3889 : i32
      %dma_wait3A_3891 = arith.constant 0 : i32
      %dma_wait3A_3892 = tpu.memref_slice %arg4[%select_n3A_3872, %mul3A_3890, %dma_wait3A_3891] : memref<50x4096x64xf32, #tpu.memory_space<hbm>> -> memref<1x128x64xf32, #tpu.memory_space<hbm>>
      %dma_wait3A_3893 = tpu.memref_squeeze %dma_wait3A_3892 : memref<1x128x64xf32, #tpu.memory_space<hbm>> -> memref<128x64xf32, #tpu.memory_space<hbm>>
      %dma_wait3A_3894 = arith.constant 0 : i32
      %dma_wait3A_3895 = tpu.memref_slice %arg4[%select_n3A_3872, %mul3A_3890, %dma_wait3A_3894] : memref<50x4096x64xf32, #tpu.memory_space<hbm>> -> memref<1x128x64xf32, #tpu.memory_space<hbm>>
      %dma_wait3A_3896 = tpu.memref_squeeze %dma_wait3A_3895 : memref<1x128x64xf32, #tpu.memory_space<hbm>> -> memref<128x64xf32, #tpu.memory_space<hbm>>
      tpu.wait_dma2 semaphore(%arg16 : memref<!tpu.dma_semaphore, #tpu.memory_space<semaphore_mem>>) src(%arg6 : memref<128x64xf32, #tpu.memory_space<vmem>>) dst(%dma_wait3A_3896 : memref<128x64xf32, #tpu.memory_space<hbm>>)
      %add3A_3897 = arith.constant 5 : i32
      %add3A_3898 = arith.addi %mul3A_3550, %add3A_3897 : i32
      %add3A_3899 = arith.constant 0 : i32
      %add3A_3900 = arith.addi %add3A_3898, %add3A_3899 : i32
      %mul3A_3901 = arith.constant 128 : i32
      %mul3A_3902 = arith.muli %add3A_3900, %mul3A_3901 : i32
      %dma_start3A_3903 = tpu.memref_slice %arg5[%mul3A_3902] : memref<6400xi32, #tpu.memory_space<vmem>> -> memref<128xi32, #tpu.memory_space<vmem>>
      %dma_start3A_3904 = arith.constant 0 : i32
      %dma_start3A_3905 = arith.constant 0 : i32
      %dma_start3A_3906 = tpu.memref_slice %arg3[%dma_start3A_3904, %dma_start3A_3905] : memref<1000000x64xf32, #tpu.memory_space<hbm>> -> memref<1000000x64xf32, #tpu.memory_space<hbm>>
      tpu.enqueue_indirect_dma source(%dma_start3A_3906 : memref<1000000x64xf32, #tpu.memory_space<hbm>>) target(%arg6 : memref<128x64xf32, #tpu.memory_space<vmem>>) offsets(%dma_start3A_3903 : memref<128xi32, #tpu.memory_space<vmem>>) semaphore(%arg11 : memref<!tpu.dma_semaphore, #tpu.memory_space<semaphore_mem>>)
      %add3A_3907 = arith.constant 1 : i32
      %add3A_3908 = arith.addi %mul3A_3550, %add3A_3907 : i32
      %add3A_3909 = arith.addi %mul3A_4, %add3A_3908 : i32
      %jit3A_3910 = arith.constant 32 : i32
      %div3A_3911 = arith.divsi %add3A_3909, %jit3A_3910 : i32
      %sign3A_3912 = arith.constant 0 : i32
      %sign3A_3913 = arith.cmpi sgt, %add3A_3909, %sign3A_3912 : i32
      %sign3A_3914 = arith.extui %sign3A_3913 : i1 to i32
      %sign3A_3915 = arith.constant 0 : i32
      %sign3A_3916 = arith.cmpi slt, %add3A_3909, %sign3A_3915 : i32
      %sign3A_3917 = arith.extui %sign3A_3916 : i1 to i32
      %sign3A_3918 = arith.subi %sign3A_3914, %sign3A_3917 : i32
      %sign3A_3919 = arith.constant 0 : i32
      %sign3A_3920 = arith.cmpi sgt, %jit3A_3910, %sign3A_3919 : i32
      %sign3A_3921 = arith.extui %sign3A_3920 : i1 to i32
      %sign3A_3922 = arith.constant 0 : i32
      %sign3A_3923 = arith.cmpi slt, %jit3A_3910, %sign3A_3922 : i32
      %sign3A_3924 = arith.extui %sign3A_3923 : i1 to i32
      %sign3A_3925 = arith.subi %sign3A_3921, %sign3A_3924 : i32
      %ne3A_3926 = arith.cmpi ne, %sign3A_3918, %sign3A_3925 : i32
      %rem3A_3927 = arith.remsi %add3A_3909, %jit3A_3910 : i32
      %ne3A_3928 = arith.constant 0 : i32
      %ne3A_3929 = arith.cmpi ne, %rem3A_3927, %ne3A_3928 : i32
      %and3A_3930 = arith.andi %ne3A_3926, %ne3A_3929 : i1
      %sub3A_3931 = arith.constant 1 : i32
      %sub3A_3932 = arith.subi %div3A_3911, %sub3A_3931 : i32
      %select_n3A_3933 = arith.select %and3A_3930, %sub3A_3932, %div3A_3911 : i32
      %jit3A_3934 = arith.constant 32 : i32
      %eq3A_3935 = arith.constant 0 : i32
      %eq3A_3936 = arith.cmpi eq, %jit3A_3934, %eq3A_3935 : i32
      %jit3A_3937 = arith.constant 1 : i32
      %select_n3A_3938 = arith.select %eq3A_3936, %jit3A_3937, %jit3A_3934 : i32
      %rem3A_3939 = arith.remsi %add3A_3909, %select_n3A_3938 : i32
      %ne3A_3940 = arith.constant 0 : i32
      %ne3A_3941 = arith.cmpi ne, %rem3A_3939, %ne3A_3940 : i32
      %lt3A_3942 = arith.constant 0 : i32
      %lt3A_3943 = arith.cmpi slt, %rem3A_3939, %lt3A_3942 : i32
      %lt3A_3944 = arith.constant 0 : i32
      %lt3A_3945 = arith.cmpi slt, %select_n3A_3938, %lt3A_3944 : i32
      %ne3A_3946 = arith.xori %lt3A_3943, %lt3A_3945 : i1
      %and3A_3947 = arith.andi %ne3A_3946, %ne3A_3941 : i1
      %add3A_3948 = arith.addi %rem3A_3939, %select_n3A_3938 : i32
      %select_n3A_3949 = arith.select %and3A_3947, %add3A_3948, %rem3A_3939 : i32
      %mul3A_3950 = arith.constant 128 : i32
      %mul3A_3951 = arith.muli %select_n3A_3949, %mul3A_3950 : i32
      %dma_wait3A_3952 = arith.constant 0 : i32
      %dma_wait3A_3953 = tpu.memref_slice %arg4[%select_n3A_3933, %mul3A_3951, %dma_wait3A_3952] : memref<50x4096x64xf32, #tpu.memory_space<hbm>> -> memref<1x128x64xf32, #tpu.memory_space<hbm>>
      %dma_wait3A_3954 = tpu.memref_squeeze %dma_wait3A_3953 : memref<1x128x64xf32, #tpu.memory_space<hbm>> -> memref<128x64xf32, #tpu.memory_space<hbm>>
      %dma_wait3A_3955 = arith.constant 0 : i32
      %dma_wait3A_3956 = tpu.memref_slice %arg4[%select_n3A_3933, %mul3A_3951, %dma_wait3A_3955] : memref<50x4096x64xf32, #tpu.memory_space<hbm>> -> memref<1x128x64xf32, #tpu.memory_space<hbm>>
      %dma_wait3A_3957 = tpu.memref_squeeze %dma_wait3A_3956 : memref<1x128x64xf32, #tpu.memory_space<hbm>> -> memref<128x64xf32, #tpu.memory_space<hbm>>
      tpu.wait_dma2 semaphore(%arg17 : memref<!tpu.dma_semaphore, #tpu.memory_space<semaphore_mem>>) src(%arg7 : memref<128x64xf32, #tpu.memory_space<vmem>>) dst(%dma_wait3A_3957 : memref<128x64xf32, #tpu.memory_space<hbm>>)
      %add3A_3958 = arith.constant 5 : i32
      %add3A_3959 = arith.addi %mul3A_3550, %add3A_3958 : i32
      %add3A_3960 = arith.constant 1 : i32
      %add3A_3961 = arith.addi %add3A_3959, %add3A_3960 : i32
      %mul3A_3962 = arith.constant 128 : i32
      %mul3A_3963 = arith.muli %add3A_3961, %mul3A_3962 : i32
      %dma_start3A_3964 = tpu.memref_slice %arg5[%mul3A_3963] : memref<6400xi32, #tpu.memory_space<vmem>> -> memref<128xi32, #tpu.memory_space<vmem>>
      %dma_start3A_3965 = arith.constant 0 : i32
      %dma_start3A_3966 = arith.constant 0 : i32
      %dma_start3A_3967 = tpu.memref_slice %arg3[%dma_start3A_3965, %dma_start3A_3966] : memref<1000000x64xf32, #tpu.memory_space<hbm>> -> memref<1000000x64xf32, #tpu.memory_space<hbm>>
      tpu.enqueue_indirect_dma source(%dma_start3A_3967 : memref<1000000x64xf32, #tpu.memory_space<hbm>>) target(%arg7 : memref<128x64xf32, #tpu.memory_space<vmem>>) offsets(%dma_start3A_3964 : memref<128xi32, #tpu.memory_space<vmem>>) semaphore(%arg12 : memref<!tpu.dma_semaphore, #tpu.memory_space<semaphore_mem>>)
      %add3A_3968 = arith.constant 2 : i32
      %add3A_3969 = arith.addi %mul3A_3550, %add3A_3968 : i32
      %add3A_3970 = arith.addi %mul3A_4, %add3A_3969 : i32
      %jit3A_3971 = arith.constant 32 : i32
      %div3A_3972 = arith.divsi %add3A_3970, %jit3A_3971 : i32
      %sign3A_3973 = arith.constant 0 : i32
      %sign3A_3974 = arith.cmpi sgt, %add3A_3970, %sign3A_3973 : i32
      %sign3A_3975 = arith.extui %sign3A_3974 : i1 to i32
      %sign3A_3976 = arith.constant 0 : i32
      %sign3A_3977 = arith.cmpi slt, %add3A_3970, %sign3A_3976 : i32
      %sign3A_3978 = arith.extui %sign3A_3977 : i1 to i32
      %sign3A_3979 = arith.subi %sign3A_3975, %sign3A_3978 : i32
      %sign3A_3980 = arith.constant 0 : i32
      %sign3A_3981 = arith.cmpi sgt, %jit3A_3971, %sign3A_3980 : i32
      %sign3A_3982 = arith.extui %sign3A_3981 : i1 to i32
      %sign3A_3983 = arith.constant 0 : i32
      %sign3A_3984 = arith.cmpi slt, %jit3A_3971, %sign3A_3983 : i32
      %sign3A_3985 = arith.extui %sign3A_3984 : i1 to i32
      %sign3A_3986 = arith.subi %sign3A_3982, %sign3A_3985 : i32
      %ne3A_3987 = arith.cmpi ne, %sign3A_3979, %sign3A_3986 : i32
      %rem3A_3988 = arith.remsi %add3A_3970, %jit3A_3971 : i32
      %ne3A_3989 = arith.constant 0 : i32
      %ne3A_3990 = arith.cmpi ne, %rem3A_3988, %ne3A_3989 : i32
      %and3A_3991 = arith.andi %ne3A_3987, %ne3A_3990 : i1
      %sub3A_3992 = arith.constant 1 : i32
      %sub3A_3993 = arith.subi %div3A_3972, %sub3A_3992 : i32
      %select_n3A_3994 = arith.select %and3A_3991, %sub3A_3993, %div3A_3972 : i32
      %jit3A_3995 = arith.constant 32 : i32
      %eq3A_3996 = arith.constant 0 : i32
      %eq3A_3997 = arith.cmpi eq, %jit3A_3995, %eq3A_3996 : i32
      %jit3A_3998 = arith.constant 1 : i32
      %select_n3A_3999 = arith.select %eq3A_3997, %jit3A_3998, %jit3A_3995 : i32
      %rem3A_4000 = arith.remsi %add3A_3970, %select_n3A_3999 : i32
      %ne3A_4001 = arith.constant 0 : i32
      %ne3A_4002 = arith.cmpi ne, %rem3A_4000, %ne3A_4001 : i32
      %lt3A_4003 = arith.constant 0 : i32
      %lt3A_4004 = arith.cmpi slt, %rem3A_4000, %lt3A_4003 : i32
      %lt3A_4005 = arith.constant 0 : i32
      %lt3A_4006 = arith.cmpi slt, %select_n3A_3999, %lt3A_4005 : i32
      %ne3A_4007 = arith.xori %lt3A_4004, %lt3A_4006 : i1
      %and3A_4008 = arith.andi %ne3A_4007, %ne3A_4002 : i1
      %add3A_4009 = arith.addi %rem3A_4000, %select_n3A_3999 : i32
      %select_n3A_4010 = arith.select %and3A_4008, %add3A_4009, %rem3A_4000 : i32
      %mul3A_4011 = arith.constant 128 : i32
      %mul3A_4012 = arith.muli %select_n3A_4010, %mul3A_4011 : i32
      %dma_wait3A_4013 = arith.constant 0 : i32
      %dma_wait3A_4014 = tpu.memref_slice %arg4[%select_n3A_3994, %mul3A_4012, %dma_wait3A_4013] : memref<50x4096x64xf32, #tpu.memory_space<hbm>> -> memref<1x128x64xf32, #tpu.memory_space<hbm>>
      %dma_wait3A_4015 = tpu.memref_squeeze %dma_wait3A_4014 : memref<1x128x64xf32, #tpu.memory_space<hbm>> -> memref<128x64xf32, #tpu.memory_space<hbm>>
      %dma_wait3A_4016 = arith.constant 0 : i32
      %dma_wait3A_4017 = tpu.memref_slice %arg4[%select_n3A_3994, %mul3A_4012, %dma_wait3A_4016] : memref<50x4096x64xf32, #tpu.memory_space<hbm>> -> memref<1x128x64xf32, #tpu.memory_space<hbm>>
      %dma_wait3A_4018 = tpu.memref_squeeze %dma_wait3A_4017 : memref<1x128x64xf32, #tpu.memory_space<hbm>> -> memref<128x64xf32, #tpu.memory_space<hbm>>
      tpu.wait_dma2 semaphore(%arg18 : memref<!tpu.dma_semaphore, #tpu.memory_space<semaphore_mem>>) src(%arg8 : memref<128x64xf32, #tpu.memory_space<vmem>>) dst(%dma_wait3A_4018 : memref<128x64xf32, #tpu.memory_space<hbm>>)
      %add3A_4019 = arith.constant 5 : i32
      %add3A_4020 = arith.addi %mul3A_3550, %add3A_4019 : i32
      %add3A_4021 = arith.constant 2 : i32
      %add3A_4022 = arith.addi %add3A_4020, %add3A_4021 : i32
      %mul3A_4023 = arith.constant 128 : i32
      %mul3A_4024 = arith.muli %add3A_4022, %mul3A_4023 : i32
      %dma_start3A_4025 = tpu.memref_slice %arg5[%mul3A_4024] : memref<6400xi32, #tpu.memory_space<vmem>> -> memref<128xi32, #tpu.memory_space<vmem>>
      %dma_start3A_4026 = arith.constant 0 : i32
      %dma_start3A_4027 = arith.constant 0 : i32
      %dma_start3A_4028 = tpu.memref_slice %arg3[%dma_start3A_4026, %dma_start3A_4027] : memref<1000000x64xf32, #tpu.memory_space<hbm>> -> memref<1000000x64xf32, #tpu.memory_space<hbm>>
      tpu.enqueue_indirect_dma source(%dma_start3A_4028 : memref<1000000x64xf32, #tpu.memory_space<hbm>>) target(%arg8 : memref<128x64xf32, #tpu.memory_space<vmem>>) offsets(%dma_start3A_4025 : memref<128xi32, #tpu.memory_space<vmem>>) semaphore(%arg13 : memref<!tpu.dma_semaphore, #tpu.memory_space<semaphore_mem>>)
      %add3A_4029 = arith.constant 3 : i32
      %add3A_4030 = arith.addi %mul3A_3550, %add3A_4029 : i32
      %add3A_4031 = arith.addi %mul3A_4, %add3A_4030 : i32
      %jit3A_4032 = arith.constant 32 : i32
      %div3A_4033 = arith.divsi %add3A_4031, %jit3A_4032 : i32
      %sign3A_4034 = arith.constant 0 : i32
      %sign3A_4035 = arith.cmpi sgt, %add3A_4031, %sign3A_4034 : i32
      %sign3A_4036 = arith.extui %sign3A_4035 : i1 to i32
      %sign3A_4037 = arith.constant 0 : i32
      %sign3A_4038 = arith.cmpi slt, %add3A_4031, %sign3A_4037 : i32
      %sign3A_4039 = arith.extui %sign3A_4038 : i1 to i32
      %sign3A_4040 = arith.subi %sign3A_4036, %sign3A_4039 : i32
      %sign3A_4041 = arith.constant 0 : i32
      %sign3A_4042 = arith.cmpi sgt, %jit3A_4032, %sign3A_4041 : i32
      %sign3A_4043 = arith.extui %sign3A_4042 : i1 to i32
      %sign3A_4044 = arith.constant 0 : i32
      %sign3A_4045 = arith.cmpi slt, %jit3A_4032, %sign3A_4044 : i32
      %sign3A_4046 = arith.extui %sign3A_4045 : i1 to i32
      %sign3A_4047 = arith.subi %sign3A_4043, %sign3A_4046 : i32
      %ne3A_4048 = arith.cmpi ne, %sign3A_4040, %sign3A_4047 : i32
      %rem3A_4049 = arith.remsi %add3A_4031, %jit3A_4032 : i32
      %ne3A_4050 = arith.constant 0 : i32
      %ne3A_4051 = arith.cmpi ne, %rem3A_4049, %ne3A_4050 : i32
      %and3A_4052 = arith.andi %ne3A_4048, %ne3A_4051 : i1
      %sub3A_4053 = arith.constant 1 : i32
      %sub3A_4054 = arith.subi %div3A_4033, %sub3A_4053 : i32
      %select_n3A_4055 = arith.select %and3A_4052, %sub3A_4054, %div3A_4033 : i32
      %jit3A_4056 = arith.constant 32 : i32
      %eq3A_4057 = arith.constant 0 : i32
      %eq3A_4058 = arith.cmpi eq, %jit3A_4056, %eq3A_4057 : i32
      %jit3A_4059 = arith.constant 1 : i32
      %select_n3A_4060 = arith.select %eq3A_4058, %jit3A_4059, %jit3A_4056 : i32
      %rem3A_4061 = arith.remsi %add3A_4031, %select_n3A_4060 : i32
      %ne3A_4062 = arith.constant 0 : i32
      %ne3A_4063 = arith.cmpi ne, %rem3A_4061, %ne3A_4062 : i32
      %lt3A_4064 = arith.constant 0 : i32
      %lt3A_4065 = arith.cmpi slt, %rem3A_4061, %lt3A_4064 : i32
      %lt3A_4066 = arith.constant 0 : i32
      %lt3A_4067 = arith.cmpi slt, %select_n3A_4060, %lt3A_4066 : i32
      %ne3A_4068 = arith.xori %lt3A_4065, %lt3A_4067 : i1
      %and3A_4069 = arith.andi %ne3A_4068, %ne3A_4063 : i1
      %add3A_4070 = arith.addi %rem3A_4061, %select_n3A_4060 : i32
      %select_n3A_4071 = arith.select %and3A_4069, %add3A_4070, %rem3A_4061 : i32
      %mul3A_4072 = arith.constant 128 : i32
      %mul3A_4073 = arith.muli %select_n3A_4071, %mul3A_4072 : i32
      %dma_wait3A_4074 = arith.constant 0 : i32
      %dma_wait3A_4075 = tpu.memref_slice %arg4[%select_n3A_4055, %mul3A_4073, %dma_wait3A_4074] : memref<50x4096x64xf32, #tpu.memory_space<hbm>> -> memref<1x128x64xf32, #tpu.memory_space<hbm>>
      %dma_wait3A_4076 = tpu.memref_squeeze %dma_wait3A_4075 : memref<1x128x64xf32, #tpu.memory_space<hbm>> -> memref<128x64xf32, #tpu.memory_space<hbm>>
      %dma_wait3A_4077 = arith.constant 0 : i32
      %dma_wait3A_4078 = tpu.memref_slice %arg4[%select_n3A_4055, %mul3A_4073, %dma_wait3A_4077] : memref<50x4096x64xf32, #tpu.memory_space<hbm>> -> memref<1x128x64xf32, #tpu.memory_space<hbm>>
      %dma_wait3A_4079 = tpu.memref_squeeze %dma_wait3A_4078 : memref<1x128x64xf32, #tpu.memory_space<hbm>> -> memref<128x64xf32, #tpu.memory_space<hbm>>
      tpu.wait_dma2 semaphore(%arg19 : memref<!tpu.dma_semaphore, #tpu.memory_space<semaphore_mem>>) src(%arg9 : memref<128x64xf32, #tpu.memory_space<vmem>>) dst(%dma_wait3A_4079 : memref<128x64xf32, #tpu.memory_space<hbm>>)
      %add3A_4080 = arith.constant 5 : i32
      %add3A_4081 = arith.addi %mul3A_3550, %add3A_4080 : i32
      %add3A_4082 = arith.constant 3 : i32
      %add3A_4083 = arith.addi %add3A_4081, %add3A_4082 : i32
      %mul3A_4084 = arith.constant 128 : i32
      %mul3A_4085 = arith.muli %add3A_4083, %mul3A_4084 : i32
      %dma_start3A_4086 = tpu.memref_slice %arg5[%mul3A_4085] : memref<6400xi32, #tpu.memory_space<vmem>> -> memref<128xi32, #tpu.memory_space<vmem>>
      %dma_start3A_4087 = arith.constant 0 : i32
      %dma_start3A_4088 = arith.constant 0 : i32
      %dma_start3A_4089 = tpu.memref_slice %arg3[%dma_start3A_4087, %dma_start3A_4088] : memref<1000000x64xf32, #tpu.memory_space<hbm>> -> memref<1000000x64xf32, #tpu.memory_space<hbm>>
      tpu.enqueue_indirect_dma source(%dma_start3A_4089 : memref<1000000x64xf32, #tpu.memory_space<hbm>>) target(%arg9 : memref<128x64xf32, #tpu.memory_space<vmem>>) offsets(%dma_start3A_4086 : memref<128xi32, #tpu.memory_space<vmem>>) semaphore(%arg14 : memref<!tpu.dma_semaphore, #tpu.memory_space<semaphore_mem>>)
      %add3A_4090 = arith.constant 4 : i32
      %add3A_4091 = arith.addi %mul3A_3550, %add3A_4090 : i32
      %add3A_4092 = arith.addi %mul3A_4, %add3A_4091 : i32
      %jit3A_4093 = arith.constant 32 : i32
      %div3A_4094 = arith.divsi %add3A_4092, %jit3A_4093 : i32
      %sign3A_4095 = arith.constant 0 : i32
      %sign3A_4096 = arith.cmpi sgt, %add3A_4092, %sign3A_4095 : i32
      %sign3A_4097 = arith.extui %sign3A_4096 : i1 to i32
      %sign3A_4098 = arith.constant 0 : i32
      %sign3A_4099 = arith.cmpi slt, %add3A_4092, %sign3A_4098 : i32
      %sign3A_4100 = arith.extui %sign3A_4099 : i1 to i32
      %sign3A_4101 = arith.subi %sign3A_4097, %sign3A_4100 : i32
      %sign3A_4102 = arith.constant 0 : i32
      %sign3A_4103 = arith.cmpi sgt, %jit3A_4093, %sign3A_4102 : i32
      %sign3A_4104 = arith.extui %sign3A_4103 : i1 to i32
      %sign3A_4105 = arith.constant 0 : i32
      %sign3A_4106 = arith.cmpi slt, %jit3A_4093, %sign3A_4105 : i32
      %sign3A_4107 = arith.extui %sign3A_4106 : i1 to i32
      %sign3A_4108 = arith.subi %sign3A_4104, %sign3A_4107 : i32
      %ne3A_4109 = arith.cmpi ne, %sign3A_4101, %sign3A_4108 : i32
      %rem3A_4110 = arith.remsi %add3A_4092, %jit3A_4093 : i32
      %ne3A_4111 = arith.constant 0 : i32
      %ne3A_4112 = arith.cmpi ne, %rem3A_4110, %ne3A_4111 : i32
      %and3A_4113 = arith.andi %ne3A_4109, %ne3A_4112 : i1
      %sub3A_4114 = arith.constant 1 : i32
      %sub3A_4115 = arith.subi %div3A_4094, %sub3A_4114 : i32
      %select_n3A_4116 = arith.select %and3A_4113, %sub3A_4115, %div3A_4094 : i32
      %jit3A_4117 = arith.constant 32 : i32
      %eq3A_4118 = arith.constant 0 : i32
      %eq3A_4119 = arith.cmpi eq, %jit3A_4117, %eq3A_4118 : i32
      %jit3A_4120 = arith.constant 1 : i32
      %select_n3A_4121 = arith.select %eq3A_4119, %jit3A_4120, %jit3A_4117 : i32
      %rem3A_4122 = arith.remsi %add3A_4092, %select_n3A_4121 : i32
      %ne3A_4123 = arith.constant 0 : i32
      %ne3A_4124 = arith.cmpi ne, %rem3A_4122, %ne3A_4123 : i32
      %lt3A_4125 = arith.constant 0 : i32
      %lt3A_4126 = arith.cmpi slt, %rem3A_4122, %lt3A_4125 : i32
      %lt3A_4127 = arith.constant 0 : i32
      %lt3A_4128 = arith.cmpi slt, %select_n3A_4121, %lt3A_4127 : i32
      %ne3A_4129 = arith.xori %lt3A_4126, %lt3A_4128 : i1
      %and3A_4130 = arith.andi %ne3A_4129, %ne3A_4124 : i1
      %add3A_4131 = arith.addi %rem3A_4122, %select_n3A_4121 : i32
      %select_n3A_4132 = arith.select %and3A_4130, %add3A_4131, %rem3A_4122 : i32
      %mul3A_4133 = arith.constant 128 : i32
      %mul3A_4134 = arith.muli %select_n3A_4132, %mul3A_4133 : i32
      %dma_wait3A_4135 = arith.constant 0 : i32
      %dma_wait3A_4136 = tpu.memref_slice %arg4[%select_n3A_4116, %mul3A_4134, %dma_wait3A_4135] : memref<50x4096x64xf32, #tpu.memory_space<hbm>> -> memref<1x128x64xf32, #tpu.memory_space<hbm>>
      %dma_wait3A_4137 = tpu.memref_squeeze %dma_wait3A_4136 : memref<1x128x64xf32, #tpu.memory_space<hbm>> -> memref<128x64xf32, #tpu.memory_space<hbm>>
      %dma_wait3A_4138 = arith.constant 0 : i32
      %dma_wait3A_4139 = tpu.memref_slice %arg4[%select_n3A_4116, %mul3A_4134, %dma_wait3A_4138] : memref<50x4096x64xf32, #tpu.memory_space<hbm>> -> memref<1x128x64xf32, #tpu.memory_space<hbm>>
      %dma_wait3A_4140 = tpu.memref_squeeze %dma_wait3A_4139 : memref<1x128x64xf32, #tpu.memory_space<hbm>> -> memref<128x64xf32, #tpu.memory_space<hbm>>
      tpu.wait_dma2 semaphore(%arg20 : memref<!tpu.dma_semaphore, #tpu.memory_space<semaphore_mem>>) src(%arg10 : memref<128x64xf32, #tpu.memory_space<vmem>>) dst(%dma_wait3A_4140 : memref<128x64xf32, #tpu.memory_space<hbm>>)
      %add3A_4141 = arith.constant 5 : i32
      %add3A_4142 = arith.addi %mul3A_3550, %add3A_4141 : i32
      %add3A_4143 = arith.constant 4 : i32
      %add3A_4144 = arith.addi %add3A_4142, %add3A_4143 : i32
      %mul3A_4145 = arith.constant 128 : i32
      %mul3A_4146 = arith.muli %add3A_4144, %mul3A_4145 : i32
      %dma_start3A_4147 = tpu.memref_slice %arg5[%mul3A_4146] : memref<6400xi32, #tpu.memory_space<vmem>> -> memref<128xi32, #tpu.memory_space<vmem>>
      %dma_start3A_4148 = arith.constant 0 : i32
      %dma_start3A_4149 = arith.constant 0 : i32
      %dma_start3A_4150 = tpu.memref_slice %arg3[%dma_start3A_4148, %dma_start3A_4149] : memref<1000000x64xf32, #tpu.memory_space<hbm>> -> memref<1000000x64xf32, #tpu.memory_space<hbm>>
      tpu.enqueue_indirect_dma source(%dma_start3A_4150 : memref<1000000x64xf32, #tpu.memory_space<hbm>>) target(%arg10 : memref<128x64xf32, #tpu.memory_space<vmem>>) offsets(%dma_start3A_4147 : memref<128xi32, #tpu.memory_space<vmem>>) semaphore(%arg15 : memref<!tpu.dma_semaphore, #tpu.memory_space<semaphore_mem>>)
    }
    %scan3A_3022 = arith.constant 9 : i32
    %dma_wait3A_3023 = arith.constant 5760 : i32
    %dma_wait3A_3024 = tpu.memref_slice %arg5[%dma_wait3A_3023] : memref<6400xi32, #tpu.memory_space<vmem>> -> memref<128xi32, #tpu.memory_space<vmem>>
    %dma_wait3A_3025 = arith.constant 0 : i32
    %dma_wait3A_3026 = arith.constant 0 : i32
    %dma_wait3A_3027 = tpu.memref_slice %arg3[%dma_wait3A_3025, %dma_wait3A_3026] : memref<1000000x64xf32, #tpu.memory_space<hbm>> -> memref<1000000x64xf32, #tpu.memory_space<hbm>>
    tpu.wait_indirect_dma semaphore(%arg11 : memref<!tpu.dma_semaphore, #tpu.memory_space<semaphore_mem>>) src(%dma_wait3A_3027 : memref<1000000x64xf32, #tpu.memory_space<hbm>>) dst(%arg6 : memref<128x64xf32, #tpu.memory_space<vmem>>)
    %add3A_3028 = arith.constant 45 : i32
    %add3A_3029 = arith.addi %mul3A_4, %add3A_3028 : i32
    %jit3A_3030 = arith.constant 32 : i32
    %div3A_3031 = arith.divsi %add3A_3029, %jit3A_3030 : i32
    %sign3A_3032 = arith.constant 0 : i32
    %sign3A_3033 = arith.cmpi sgt, %add3A_3029, %sign3A_3032 : i32
    %sign3A_3034 = arith.extui %sign3A_3033 : i1 to i32
    %sign3A_3035 = arith.constant 0 : i32
    %sign3A_3036 = arith.cmpi slt, %add3A_3029, %sign3A_3035 : i32
    %sign3A_3037 = arith.extui %sign3A_3036 : i1 to i32
    %sign3A_3038 = arith.subi %sign3A_3034, %sign3A_3037 : i32
    %sign3A_3039 = arith.constant 0 : i32
    %sign3A_3040 = arith.cmpi sgt, %jit3A_3030, %sign3A_3039 : i32
    %sign3A_3041 = arith.extui %sign3A_3040 : i1 to i32
    %sign3A_3042 = arith.constant 0 : i32
    %sign3A_3043 = arith.cmpi slt, %jit3A_3030, %sign3A_3042 : i32
    %sign3A_3044 = arith.extui %sign3A_3043 : i1 to i32
    %sign3A_3045 = arith.subi %sign3A_3041, %sign3A_3044 : i32
    %ne3A_3046 = arith.cmpi ne, %sign3A_3038, %sign3A_3045 : i32
    %rem3A_3047 = arith.remsi %add3A_3029, %jit3A_3030 : i32
    %ne3A_3048 = arith.constant 0 : i32
    %ne3A_3049 = arith.cmpi ne, %rem3A_3047, %ne3A_3048 : i32
    %and3A_3050 = arith.andi %ne3A_3046, %ne3A_3049 : i1
    %sub3A_3051 = arith.constant 1 : i32
    %sub3A_3052 = arith.subi %div3A_3031, %sub3A_3051 : i32
    %select_n3A_3053 = arith.select %and3A_3050, %sub3A_3052, %div3A_3031 : i32
    %jit3A_3054 = arith.constant 32 : i32
    %eq3A_3055 = arith.constant 0 : i32
    %eq3A_3056 = arith.cmpi eq, %jit3A_3054, %eq3A_3055 : i32
    %jit3A_3057 = arith.constant 1 : i32
    %select_n3A_3058 = arith.select %eq3A_3056, %jit3A_3057, %jit3A_3054 : i32
    %rem3A_3059 = arith.remsi %add3A_3029, %select_n3A_3058 : i32
    %ne3A_3060 = arith.constant 0 : i32
    %ne3A_3061 = arith.cmpi ne, %rem3A_3059, %ne3A_3060 : i32
    %lt3A_3062 = arith.constant 0 : i32
    %lt3A_3063 = arith.cmpi slt, %rem3A_3059, %lt3A_3062 : i32
    %lt3A_3064 = arith.constant 0 : i32
    %lt3A_3065 = arith.cmpi slt, %select_n3A_3058, %lt3A_3064 : i32
    %ne3A_3066 = arith.xori %lt3A_3063, %lt3A_3065 : i1
    %and3A_3067 = arith.andi %ne3A_3066, %ne3A_3061 : i1
    %add3A_3068 = arith.addi %rem3A_3059, %select_n3A_3058 : i32
    %select_n3A_3069 = arith.select %and3A_3067, %add3A_3068, %rem3A_3059 : i32
    %mul3A_3070 = arith.constant 128 : i32
    %mul3A_3071 = arith.muli %select_n3A_3069, %mul3A_3070 : i32
    %dma_start3A_3072 = arith.constant 0 : i32
    %dma_start3A_3073 = tpu.memref_slice %arg4[%select_n3A_3053, %mul3A_3071, %dma_start3A_3072] : memref<50x4096x64xf32, #tpu.memory_space<hbm>> -> memref<1x128x64xf32, #tpu.memory_space<hbm>>
    %dma_start3A_3074 = tpu.memref_squeeze %dma_start3A_3073 : memref<1x128x64xf32, #tpu.memory_space<hbm>> -> memref<128x64xf32, #tpu.memory_space<hbm>>
    %dma_start3A_3075 = arith.constant 0 : i32
    %dma_start3A_3076 = tpu.memref_slice %arg4[%select_n3A_3053, %mul3A_3071, %dma_start3A_3075] : memref<50x4096x64xf32, #tpu.memory_space<hbm>> -> memref<1x128x64xf32, #tpu.memory_space<hbm>>
    %dma_start3A_3077 = tpu.memref_squeeze %dma_start3A_3076 : memref<1x128x64xf32, #tpu.memory_space<hbm>> -> memref<128x64xf32, #tpu.memory_space<hbm>>
    tpu.enqueue_dma source(%arg6 : memref<128x64xf32, #tpu.memory_space<vmem>>) target(%dma_start3A_3077 : memref<128x64xf32, #tpu.memory_space<hbm>>) target_semaphore(%arg16 : memref<!tpu.dma_semaphore, #tpu.memory_space<semaphore_mem>>)
    %dma_wait3A_3078 = arith.constant 5888 : i32
    %dma_wait3A_3079 = tpu.memref_slice %arg5[%dma_wait3A_3078] : memref<6400xi32, #tpu.memory_space<vmem>> -> memref<128xi32, #tpu.memory_space<vmem>>
    %dma_wait3A_3080 = arith.constant 0 : i32
    %dma_wait3A_3081 = arith.constant 0 : i32
    %dma_wait3A_3082 = tpu.memref_slice %arg3[%dma_wait3A_3080, %dma_wait3A_3081] : memref<1000000x64xf32, #tpu.memory_space<hbm>> -> memref<1000000x64xf32, #tpu.memory_space<hbm>>
    tpu.wait_indirect_dma semaphore(%arg12 : memref<!tpu.dma_semaphore, #tpu.memory_space<semaphore_mem>>) src(%dma_wait3A_3082 : memref<1000000x64xf32, #tpu.memory_space<hbm>>) dst(%arg7 : memref<128x64xf32, #tpu.memory_space<vmem>>)
    %add3A_3083 = arith.constant 46 : i32
    %add3A_3084 = arith.addi %mul3A_4, %add3A_3083 : i32
    %jit3A_3085 = arith.constant 32 : i32
    %div3A_3086 = arith.divsi %add3A_3084, %jit3A_3085 : i32
    %sign3A_3087 = arith.constant 0 : i32
    %sign3A_3088 = arith.cmpi sgt, %add3A_3084, %sign3A_3087 : i32
    %sign3A_3089 = arith.extui %sign3A_3088 : i1 to i32
    %sign3A_3090 = arith.constant 0 : i32
    %sign3A_3091 = arith.cmpi slt, %add3A_3084, %sign3A_3090 : i32
    %sign3A_3092 = arith.extui %sign3A_3091 : i1 to i32
    %sign3A_3093 = arith.subi %sign3A_3089, %sign3A_3092 : i32
    %sign3A_3094 = arith.constant 0 : i32
    %sign3A_3095 = arith.cmpi sgt, %jit3A_3085, %sign3A_3094 : i32
    %sign3A_3096 = arith.extui %sign3A_3095 : i1 to i32
    %sign3A_3097 = arith.constant 0 : i32
    %sign3A_3098 = arith.cmpi slt, %jit3A_3085, %sign3A_3097 : i32
    %sign3A_3099 = arith.extui %sign3A_3098 : i1 to i32
    %sign3A_3100 = arith.subi %sign3A_3096, %sign3A_3099 : i32
    %ne3A_3101 = arith.cmpi ne, %sign3A_3093, %sign3A_3100 : i32
    %rem3A_3102 = arith.remsi %add3A_3084, %jit3A_3085 : i32
    %ne3A_3103 = arith.constant 0 : i32
    %ne3A_3104 = arith.cmpi ne, %rem3A_3102, %ne3A_3103 : i32
    %and3A_3105 = arith.andi %ne3A_3101, %ne3A_3104 : i1
    %sub3A_3106 = arith.constant 1 : i32
    %sub3A_3107 = arith.subi %div3A_3086, %sub3A_3106 : i32
    %select_n3A_3108 = arith.select %and3A_3105, %sub3A_3107, %div3A_3086 : i32
    %jit3A_3109 = arith.constant 32 : i32
    %eq3A_3110 = arith.constant 0 : i32
    %eq3A_3111 = arith.cmpi eq, %jit3A_3109, %eq3A_3110 : i32
    %jit3A_3112 = arith.constant 1 : i32
    %select_n3A_3113 = arith.select %eq3A_3111, %jit3A_3112, %jit3A_3109 : i32
    %rem3A_3114 = arith.remsi %add3A_3084, %select_n3A_3113 : i32
    %ne3A_3115 = arith.constant 0 : i32
    %ne3A_3116 = arith.cmpi ne, %rem3A_3114, %ne3A_3115 : i32
    %lt3A_3117 = arith.constant 0 : i32
    %lt3A_3118 = arith.cmpi slt, %rem3A_3114, %lt3A_3117 : i32
    %lt3A_3119 = arith.constant 0 : i32
    %lt3A_3120 = arith.cmpi slt, %select_n3A_3113, %lt3A_3119 : i32
    %ne3A_3121 = arith.xori %lt3A_3118, %lt3A_3120 : i1
    %and3A_3122 = arith.andi %ne3A_3121, %ne3A_3116 : i1
    %add3A_3123 = arith.addi %rem3A_3114, %select_n3A_3113 : i32
    %select_n3A_3124 = arith.select %and3A_3122, %add3A_3123, %rem3A_3114 : i32
    %mul3A_3125 = arith.constant 128 : i32
    %mul3A_3126 = arith.muli %select_n3A_3124, %mul3A_3125 : i32
    %dma_start3A_3127 = arith.constant 0 : i32
    %dma_start3A_3128 = tpu.memref_slice %arg4[%select_n3A_3108, %mul3A_3126, %dma_start3A_3127] : memref<50x4096x64xf32, #tpu.memory_space<hbm>> -> memref<1x128x64xf32, #tpu.memory_space<hbm>>
    %dma_start3A_3129 = tpu.memref_squeeze %dma_start3A_3128 : memref<1x128x64xf32, #tpu.memory_space<hbm>> -> memref<128x64xf32, #tpu.memory_space<hbm>>
    %dma_start3A_3130 = arith.constant 0 : i32
    %dma_start3A_3131 = tpu.memref_slice %arg4[%select_n3A_3108, %mul3A_3126, %dma_start3A_3130] : memref<50x4096x64xf32, #tpu.memory_space<hbm>> -> memref<1x128x64xf32, #tpu.memory_space<hbm>>
    %dma_start3A_3132 = tpu.memref_squeeze %dma_start3A_3131 : memref<1x128x64xf32, #tpu.memory_space<hbm>> -> memref<128x64xf32, #tpu.memory_space<hbm>>
    tpu.enqueue_dma source(%arg7 : memref<128x64xf32, #tpu.memory_space<vmem>>) target(%dma_start3A_3132 : memref<128x64xf32, #tpu.memory_space<hbm>>) target_semaphore(%arg17 : memref<!tpu.dma_semaphore, #tpu.memory_space<semaphore_mem>>)
    %dma_wait3A_3133 = arith.constant 6016 : i32
    %dma_wait3A_3134 = tpu.memref_slice %arg5[%dma_wait3A_3133] : memref<6400xi32, #tpu.memory_space<vmem>> -> memref<128xi32, #tpu.memory_space<vmem>>
    %dma_wait3A_3135 = arith.constant 0 : i32
    %dma_wait3A_3136 = arith.constant 0 : i32
    %dma_wait3A_3137 = tpu.memref_slice %arg3[%dma_wait3A_3135, %dma_wait3A_3136] : memref<1000000x64xf32, #tpu.memory_space<hbm>> -> memref<1000000x64xf32, #tpu.memory_space<hbm>>
    tpu.wait_indirect_dma semaphore(%arg13 : memref<!tpu.dma_semaphore, #tpu.memory_space<semaphore_mem>>) src(%dma_wait3A_3137 : memref<1000000x64xf32, #tpu.memory_space<hbm>>) dst(%arg8 : memref<128x64xf32, #tpu.memory_space<vmem>>)
    %add3A_3138 = arith.constant 47 : i32
    %add3A_3139 = arith.addi %mul3A_4, %add3A_3138 : i32
    %jit3A_3140 = arith.constant 32 : i32
    %div3A_3141 = arith.divsi %add3A_3139, %jit3A_3140 : i32
    %sign3A_3142 = arith.constant 0 : i32
    %sign3A_3143 = arith.cmpi sgt, %add3A_3139, %sign3A_3142 : i32
    %sign3A_3144 = arith.extui %sign3A_3143 : i1 to i32
    %sign3A_3145 = arith.constant 0 : i32
    %sign3A_3146 = arith.cmpi slt, %add3A_3139, %sign3A_3145 : i32
    %sign3A_3147 = arith.extui %sign3A_3146 : i1 to i32
    %sign3A_3148 = arith.subi %sign3A_3144, %sign3A_3147 : i32
    %sign3A_3149 = arith.constant 0 : i32
    %sign3A_3150 = arith.cmpi sgt, %jit3A_3140, %sign3A_3149 : i32
    %sign3A_3151 = arith.extui %sign3A_3150 : i1 to i32
    %sign3A_3152 = arith.constant 0 : i32
    %sign3A_3153 = arith.cmpi slt, %jit3A_3140, %sign3A_3152 : i32
    %sign3A_3154 = arith.extui %sign3A_3153 : i1 to i32
    %sign3A_3155 = arith.subi %sign3A_3151, %sign3A_3154 : i32
    %ne3A_3156 = arith.cmpi ne, %sign3A_3148, %sign3A_3155 : i32
    %rem3A_3157 = arith.remsi %add3A_3139, %jit3A_3140 : i32
    %ne3A_3158 = arith.constant 0 : i32
    %ne3A_3159 = arith.cmpi ne, %rem3A_3157, %ne3A_3158 : i32
    %and3A_3160 = arith.andi %ne3A_3156, %ne3A_3159 : i1
    %sub3A_3161 = arith.constant 1 : i32
    %sub3A_3162 = arith.subi %div3A_3141, %sub3A_3161 : i32
    %select_n3A_3163 = arith.select %and3A_3160, %sub3A_3162, %div3A_3141 : i32
    %jit3A_3164 = arith.constant 32 : i32
    %eq3A_3165 = arith.constant 0 : i32
    %eq3A_3166 = arith.cmpi eq, %jit3A_3164, %eq3A_3165 : i32
    %jit3A_3167 = arith.constant 1 : i32
    %select_n3A_3168 = arith.select %eq3A_3166, %jit3A_3167, %jit3A_3164 : i32
    %rem3A_3169 = arith.remsi %add3A_3139, %select_n3A_3168 : i32
    %ne3A_3170 = arith.constant 0 : i32
    %ne3A_3171 = arith.cmpi ne, %rem3A_3169, %ne3A_3170 : i32
    %lt3A_3172 = arith.constant 0 : i32
    %lt3A_3173 = arith.cmpi slt, %rem3A_3169, %lt3A_3172 : i32
    %lt3A_3174 = arith.constant 0 : i32
    %lt3A_3175 = arith.cmpi slt, %select_n3A_3168, %lt3A_3174 : i32
    %ne3A_3176 = arith.xori %lt3A_3173, %lt3A_3175 : i1
    %and3A_3177 = arith.andi %ne3A_3176, %ne3A_3171 : i1
    %add3A_3178 = arith.addi %rem3A_3169, %select_n3A_3168 : i32
    %select_n3A_3179 = arith.select %and3A_3177, %add3A_3178, %rem3A_3169 : i32
    %mul3A_3180 = arith.constant 128 : i32
    %mul3A_3181 = arith.muli %select_n3A_3179, %mul3A_3180 : i32
    %dma_start3A_3182 = arith.constant 0 : i32
    %dma_start3A_3183 = tpu.memref_slice %arg4[%select_n3A_3163, %mul3A_3181, %dma_start3A_3182] : memref<50x4096x64xf32, #tpu.memory_space<hbm>> -> memref<1x128x64xf32, #tpu.memory_space<hbm>>
    %dma_start3A_3184 = tpu.memref_squeeze %dma_start3A_3183 : memref<1x128x64xf32, #tpu.memory_space<hbm>> -> memref<128x64xf32, #tpu.memory_space<hbm>>
    %dma_start3A_3185 = arith.constant 0 : i32
    %dma_start3A_3186 = tpu.memref_slice %arg4[%select_n3A_3163, %mul3A_3181, %dma_start3A_3185] : memref<50x4096x64xf32, #tpu.memory_space<hbm>> -> memref<1x128x64xf32, #tpu.memory_space<hbm>>
    %dma_start3A_3187 = tpu.memref_squeeze %dma_start3A_3186 : memref<1x128x64xf32, #tpu.memory_space<hbm>> -> memref<128x64xf32, #tpu.memory_space<hbm>>
    tpu.enqueue_dma source(%arg8 : memref<128x64xf32, #tpu.memory_space<vmem>>) target(%dma_start3A_3187 : memref<128x64xf32, #tpu.memory_space<hbm>>) target_semaphore(%arg18 : memref<!tpu.dma_semaphore, #tpu.memory_space<semaphore_mem>>)
    %dma_wait3A_3188 = arith.constant 6144 : i32
    %dma_wait3A_3189 = tpu.memref_slice %arg5[%dma_wait3A_3188] : memref<6400xi32, #tpu.memory_space<vmem>> -> memref<128xi32, #tpu.memory_space<vmem>>
    %dma_wait3A_3190 = arith.constant 0 : i32
    %dma_wait3A_3191 = arith.constant 0 : i32
    %dma_wait3A_3192 = tpu.memref_slice %arg3[%dma_wait3A_3190, %dma_wait3A_3191] : memref<1000000x64xf32, #tpu.memory_space<hbm>> -> memref<1000000x64xf32, #tpu.memory_space<hbm>>
    tpu.wait_indirect_dma semaphore(%arg14 : memref<!tpu.dma_semaphore, #tpu.memory_space<semaphore_mem>>) src(%dma_wait3A_3192 : memref<1000000x64xf32, #tpu.memory_space<hbm>>) dst(%arg9 : memref<128x64xf32, #tpu.memory_space<vmem>>)
    %add3A_3193 = arith.constant 48 : i32
    %add3A_3194 = arith.addi %mul3A_4, %add3A_3193 : i32
    %jit3A_3195 = arith.constant 32 : i32
    %div3A_3196 = arith.divsi %add3A_3194, %jit3A_3195 : i32
    %sign3A_3197 = arith.constant 0 : i32
    %sign3A_3198 = arith.cmpi sgt, %add3A_3194, %sign3A_3197 : i32
    %sign3A_3199 = arith.extui %sign3A_3198 : i1 to i32
    %sign3A_3200 = arith.constant 0 : i32
    %sign3A_3201 = arith.cmpi slt, %add3A_3194, %sign3A_3200 : i32
    %sign3A_3202 = arith.extui %sign3A_3201 : i1 to i32
    %sign3A_3203 = arith.subi %sign3A_3199, %sign3A_3202 : i32
    %sign3A_3204 = arith.constant 0 : i32
    %sign3A_3205 = arith.cmpi sgt, %jit3A_3195, %sign3A_3204 : i32
    %sign3A_3206 = arith.extui %sign3A_3205 : i1 to i32
    %sign3A_3207 = arith.constant 0 : i32
    %sign3A_3208 = arith.cmpi slt, %jit3A_3195, %sign3A_3207 : i32
    %sign3A_3209 = arith.extui %sign3A_3208 : i1 to i32
    %sign3A_3210 = arith.subi %sign3A_3206, %sign3A_3209 : i32
    %ne3A_3211 = arith.cmpi ne, %sign3A_3203, %sign3A_3210 : i32
    %rem3A_3212 = arith.remsi %add3A_3194, %jit3A_3195 : i32
    %ne3A_3213 = arith.constant 0 : i32
    %ne3A_3214 = arith.cmpi ne, %rem3A_3212, %ne3A_3213 : i32
    %and3A_3215 = arith.andi %ne3A_3211, %ne3A_3214 : i1
    %sub3A_3216 = arith.constant 1 : i32
    %sub3A_3217 = arith.subi %div3A_3196, %sub3A_3216 : i32
    %select_n3A_3218 = arith.select %and3A_3215, %sub3A_3217, %div3A_3196 : i32
    %jit3A_3219 = arith.constant 32 : i32
    %eq3A_3220 = arith.constant 0 : i32
    %eq3A_3221 = arith.cmpi eq, %jit3A_3219, %eq3A_3220 : i32
    %jit3A_3222 = arith.constant 1 : i32
    %select_n3A_3223 = arith.select %eq3A_3221, %jit3A_3222, %jit3A_3219 : i32
    %rem3A_3224 = arith.remsi %add3A_3194, %select_n3A_3223 : i32
    %ne3A_3225 = arith.constant 0 : i32
    %ne3A_3226 = arith.cmpi ne, %rem3A_3224, %ne3A_3225 : i32
    %lt3A_3227 = arith.constant 0 : i32
    %lt3A_3228 = arith.cmpi slt, %rem3A_3224, %lt3A_3227 : i32
    %lt3A_3229 = arith.constant 0 : i32
    %lt3A_3230 = arith.cmpi slt, %select_n3A_3223, %lt3A_3229 : i32
    %ne3A_3231 = arith.xori %lt3A_3228, %lt3A_3230 : i1
    %and3A_3232 = arith.andi %ne3A_3231, %ne3A_3226 : i1
    %add3A_3233 = arith.addi %rem3A_3224, %select_n3A_3223 : i32
    %select_n3A_3234 = arith.select %and3A_3232, %add3A_3233, %rem3A_3224 : i32
    %mul3A_3235 = arith.constant 128 : i32
    %mul3A_3236 = arith.muli %select_n3A_3234, %mul3A_3235 : i32
    %dma_start3A_3237 = arith.constant 0 : i32
    %dma_start3A_3238 = tpu.memref_slice %arg4[%select_n3A_3218, %mul3A_3236, %dma_start3A_3237] : memref<50x4096x64xf32, #tpu.memory_space<hbm>> -> memref<1x128x64xf32, #tpu.memory_space<hbm>>
    %dma_start3A_3239 = tpu.memref_squeeze %dma_start3A_3238 : memref<1x128x64xf32, #tpu.memory_space<hbm>> -> memref<128x64xf32, #tpu.memory_space<hbm>>
    %dma_start3A_3240 = arith.constant 0 : i32
    %dma_start3A_3241 = tpu.memref_slice %arg4[%select_n3A_3218, %mul3A_3236, %dma_start3A_3240] : memref<50x4096x64xf32, #tpu.memory_space<hbm>> -> memref<1x128x64xf32, #tpu.memory_space<hbm>>
    %dma_start3A_3242 = tpu.memref_squeeze %dma_start3A_3241 : memref<1x128x64xf32, #tpu.memory_space<hbm>> -> memref<128x64xf32, #tpu.memory_space<hbm>>
    tpu.enqueue_dma source(%arg9 : memref<128x64xf32, #tpu.memory_space<vmem>>) target(%dma_start3A_3242 : memref<128x64xf32, #tpu.memory_space<hbm>>) target_semaphore(%arg19 : memref<!tpu.dma_semaphore, #tpu.memory_space<semaphore_mem>>)
    %dma_wait3A_3243 = arith.constant 6272 : i32
    %dma_wait3A_3244 = tpu.memref_slice %arg5[%dma_wait3A_3243] : memref<6400xi32, #tpu.memory_space<vmem>> -> memref<128xi32, #tpu.memory_space<vmem>>
    %dma_wait3A_3245 = arith.constant 0 : i32
    %dma_wait3A_3246 = arith.constant 0 : i32
    %dma_wait3A_3247 = tpu.memref_slice %arg3[%dma_wait3A_3245, %dma_wait3A_3246] : memref<1000000x64xf32, #tpu.memory_space<hbm>> -> memref<1000000x64xf32, #tpu.memory_space<hbm>>
    tpu.wait_indirect_dma semaphore(%arg15 : memref<!tpu.dma_semaphore, #tpu.memory_space<semaphore_mem>>) src(%dma_wait3A_3247 : memref<1000000x64xf32, #tpu.memory_space<hbm>>) dst(%arg10 : memref<128x64xf32, #tpu.memory_space<vmem>>)
    %add3A_3248 = arith.constant 49 : i32
    %add3A_3249 = arith.addi %mul3A_4, %add3A_3248 : i32
    %jit3A_3250 = arith.constant 32 : i32
    %div3A_3251 = arith.divsi %add3A_3249, %jit3A_3250 : i32
    %sign3A_3252 = arith.constant 0 : i32
    %sign3A_3253 = arith.cmpi sgt, %add3A_3249, %sign3A_3252 : i32
    %sign3A_3254 = arith.extui %sign3A_3253 : i1 to i32
    %sign3A_3255 = arith.constant 0 : i32
    %sign3A_3256 = arith.cmpi slt, %add3A_3249, %sign3A_3255 : i32
    %sign3A_3257 = arith.extui %sign3A_3256 : i1 to i32
    %sign3A_3258 = arith.subi %sign3A_3254, %sign3A_3257 : i32
    %sign3A_3259 = arith.constant 0 : i32
    %sign3A_3260 = arith.cmpi sgt, %jit3A_3250, %sign3A_3259 : i32
    %sign3A_3261 = arith.extui %sign3A_3260 : i1 to i32
    %sign3A_3262 = arith.constant 0 : i32
    %sign3A_3263 = arith.cmpi slt, %jit3A_3250, %sign3A_3262 : i32
    %sign3A_3264 = arith.extui %sign3A_3263 : i1 to i32
    %sign3A_3265 = arith.subi %sign3A_3261, %sign3A_3264 : i32
    %ne3A_3266 = arith.cmpi ne, %sign3A_3258, %sign3A_3265 : i32
    %rem3A_3267 = arith.remsi %add3A_3249, %jit3A_3250 : i32
    %ne3A_3268 = arith.constant 0 : i32
    %ne3A_3269 = arith.cmpi ne, %rem3A_3267, %ne3A_3268 : i32
    %and3A_3270 = arith.andi %ne3A_3266, %ne3A_3269 : i1
    %sub3A_3271 = arith.constant 1 : i32
    %sub3A_3272 = arith.subi %div3A_3251, %sub3A_3271 : i32
    %select_n3A_3273 = arith.select %and3A_3270, %sub3A_3272, %div3A_3251 : i32
    %jit3A_3274 = arith.constant 32 : i32
    %eq3A_3275 = arith.constant 0 : i32
    %eq3A_3276 = arith.cmpi eq, %jit3A_3274, %eq3A_3275 : i32
    %jit3A_3277 = arith.constant 1 : i32
    %select_n3A_3278 = arith.select %eq3A_3276, %jit3A_3277, %jit3A_3274 : i32
    %rem3A_3279 = arith.remsi %add3A_3249, %select_n3A_3278 : i32
    %ne3A_3280 = arith.constant 0 : i32
    %ne3A_3281 = arith.cmpi ne, %rem3A_3279, %ne3A_3280 : i32
    %lt3A_3282 = arith.constant 0 : i32
    %lt3A_3283 = arith.cmpi slt, %rem3A_3279, %lt3A_3282 : i32
    %lt3A_3284 = arith.constant 0 : i32
    %lt3A_3285 = arith.cmpi slt, %select_n3A_3278, %lt3A_3284 : i32
    %ne3A_3286 = arith.xori %lt3A_3283, %lt3A_3285 : i1
    %and3A_3287 = arith.andi %ne3A_3286, %ne3A_3281 : i1
    %add3A_3288 = arith.addi %rem3A_3279, %select_n3A_3278 : i32
    %select_n3A_3289 = arith.select %and3A_3287, %add3A_3288, %rem3A_3279 : i32
    %mul3A_3290 = arith.constant 128 : i32
    %mul3A_3291 = arith.muli %select_n3A_3289, %mul3A_3290 : i32
    %dma_start3A_3292 = arith.constant 0 : i32
    %dma_start3A_3293 = tpu.memref_slice %arg4[%select_n3A_3273, %mul3A_3291, %dma_start3A_3292] : memref<50x4096x64xf32, #tpu.memory_space<hbm>> -> memref<1x128x64xf32, #tpu.memory_space<hbm>>
    %dma_start3A_3294 = tpu.memref_squeeze %dma_start3A_3293 : memref<1x128x64xf32, #tpu.memory_space<hbm>> -> memref<128x64xf32, #tpu.memory_space<hbm>>
    %dma_start3A_3295 = arith.constant 0 : i32
    %dma_start3A_3296 = tpu.memref_slice %arg4[%select_n3A_3273, %mul3A_3291, %dma_start3A_3295] : memref<50x4096x64xf32, #tpu.memory_space<hbm>> -> memref<1x128x64xf32, #tpu.memory_space<hbm>>
    %dma_start3A_3297 = tpu.memref_squeeze %dma_start3A_3296 : memref<1x128x64xf32, #tpu.memory_space<hbm>> -> memref<128x64xf32, #tpu.memory_space<hbm>>
    tpu.enqueue_dma source(%arg10 : memref<128x64xf32, #tpu.memory_space<vmem>>) target(%dma_start3A_3297 : memref<128x64xf32, #tpu.memory_space<hbm>>) target_semaphore(%arg20 : memref<!tpu.dma_semaphore, #tpu.memory_space<semaphore_mem>>)
    %add3A_3298 = arith.constant 45 : i32
    %add3A_3299 = arith.addi %mul3A_4, %add3A_3298 : i32
    %jit3A_3300 = arith.constant 32 : i32
    %div3A_3301 = arith.divsi %add3A_3299, %jit3A_3300 : i32
    %sign3A_3302 = arith.constant 0 : i32
    %sign3A_3303 = arith.cmpi sgt, %add3A_3299, %sign3A_3302 : i32
    %sign3A_3304 = arith.extui %sign3A_3303 : i1 to i32
    %sign3A_3305 = arith.constant 0 : i32
    %sign3A_3306 = arith.cmpi slt, %add3A_3299, %sign3A_3305 : i32
    %sign3A_3307 = arith.extui %sign3A_3306 : i1 to i32
    %sign3A_3308 = arith.subi %sign3A_3304, %sign3A_3307 : i32
    %sign3A_3309 = arith.constant 0 : i32
    %sign3A_3310 = arith.cmpi sgt, %jit3A_3300, %sign3A_3309 : i32
    %sign3A_3311 = arith.extui %sign3A_3310 : i1 to i32
    %sign3A_3312 = arith.constant 0 : i32
    %sign3A_3313 = arith.cmpi slt, %jit3A_3300, %sign3A_3312 : i32
    %sign3A_3314 = arith.extui %sign3A_3313 : i1 to i32
    %sign3A_3315 = arith.subi %sign3A_3311, %sign3A_3314 : i32
    %ne3A_3316 = arith.cmpi ne, %sign3A_3308, %sign3A_3315 : i32
    %rem3A_3317 = arith.remsi %add3A_3299, %jit3A_3300 : i32
    %ne3A_3318 = arith.constant 0 : i32
    %ne3A_3319 = arith.cmpi ne, %rem3A_3317, %ne3A_3318 : i32
    %and3A_3320 = arith.andi %ne3A_3316, %ne3A_3319 : i1
    %sub3A_3321 = arith.constant 1 : i32
    %sub3A_3322 = arith.subi %div3A_3301, %sub3A_3321 : i32
    %select_n3A_3323 = arith.select %and3A_3320, %sub3A_3322, %div3A_3301 : i32
    %jit3A_3324 = arith.constant 32 : i32
    %eq3A_3325 = arith.constant 0 : i32
    %eq3A_3326 = arith.cmpi eq, %jit3A_3324, %eq3A_3325 : i32
    %jit3A_3327 = arith.constant 1 : i32
    %select_n3A_3328 = arith.select %eq3A_3326, %jit3A_3327, %jit3A_3324 : i32
    %rem3A_3329 = arith.remsi %add3A_3299, %select_n3A_3328 : i32
    %ne3A_3330 = arith.constant 0 : i32
    %ne3A_3331 = arith.cmpi ne, %rem3A_3329, %ne3A_3330 : i32
    %lt3A_3332 = arith.constant 0 : i32
    %lt3A_3333 = arith.cmpi slt, %rem3A_3329, %lt3A_3332 : i32
    %lt3A_3334 = arith.constant 0 : i32
    %lt3A_3335 = arith.cmpi slt, %select_n3A_3328, %lt3A_3334 : i32
    %ne3A_3336 = arith.xori %lt3A_3333, %lt3A_3335 : i1
    %and3A_3337 = arith.andi %ne3A_3336, %ne3A_3331 : i1
    %add3A_3338 = arith.addi %rem3A_3329, %select_n3A_3328 : i32
    %select_n3A_3339 = arith.select %and3A_3337, %add3A_3338, %rem3A_3329 : i32
    %mul3A_3340 = arith.constant 128 : i32
    %mul3A_3341 = arith.muli %select_n3A_3339, %mul3A_3340 : i32
    %dma_wait3A_3342 = arith.constant 0 : i32
    %dma_wait3A_3343 = tpu.memref_slice %arg4[%select_n3A_3323, %mul3A_3341, %dma_wait3A_3342] : memref<50x4096x64xf32, #tpu.memory_space<hbm>> -> memref<1x128x64xf32, #tpu.memory_space<hbm>>
    %dma_wait3A_3344 = tpu.memref_squeeze %dma_wait3A_3343 : memref<1x128x64xf32, #tpu.memory_space<hbm>> -> memref<128x64xf32, #tpu.memory_space<hbm>>
    %dma_wait3A_3345 = arith.constant 0 : i32
    %dma_wait3A_3346 = tpu.memref_slice %arg4[%select_n3A_3323, %mul3A_3341, %dma_wait3A_3345] : memref<50x4096x64xf32, #tpu.memory_space<hbm>> -> memref<1x128x64xf32, #tpu.memory_space<hbm>>
    %dma_wait3A_3347 = tpu.memref_squeeze %dma_wait3A_3346 : memref<1x128x64xf32, #tpu.memory_space<hbm>> -> memref<128x64xf32, #tpu.memory_space<hbm>>
    tpu.wait_dma2 semaphore(%arg16 : memref<!tpu.dma_semaphore, #tpu.memory_space<semaphore_mem>>) src(%arg6 : memref<128x64xf32, #tpu.memory_space<vmem>>) dst(%dma_wait3A_3347 : memref<128x64xf32, #tpu.memory_space<hbm>>)
    %add3A_3348 = arith.constant 46 : i32
    %add3A_3349 = arith.addi %mul3A_4, %add3A_3348 : i32
    %jit3A_3350 = arith.constant 32 : i32
    %div3A_3351 = arith.divsi %add3A_3349, %jit3A_3350 : i32
    %sign3A_3352 = arith.constant 0 : i32
    %sign3A_3353 = arith.cmpi sgt, %add3A_3349, %sign3A_3352 : i32
    %sign3A_3354 = arith.extui %sign3A_3353 : i1 to i32
    %sign3A_3355 = arith.constant 0 : i32
    %sign3A_3356 = arith.cmpi slt, %add3A_3349, %sign3A_3355 : i32
    %sign3A_3357 = arith.extui %sign3A_3356 : i1 to i32
    %sign3A_3358 = arith.subi %sign3A_3354, %sign3A_3357 : i32
    %sign3A_3359 = arith.constant 0 : i32
    %sign3A_3360 = arith.cmpi sgt, %jit3A_3350, %sign3A_3359 : i32
    %sign3A_3361 = arith.extui %sign3A_3360 : i1 to i32
    %sign3A_3362 = arith.constant 0 : i32
    %sign3A_3363 = arith.cmpi slt, %jit3A_3350, %sign3A_3362 : i32
    %sign3A_3364 = arith.extui %sign3A_3363 : i1 to i32
    %sign3A_3365 = arith.subi %sign3A_3361, %sign3A_3364 : i32
    %ne3A_3366 = arith.cmpi ne, %sign3A_3358, %sign3A_3365 : i32
    %rem3A_3367 = arith.remsi %add3A_3349, %jit3A_3350 : i32
    %ne3A_3368 = arith.constant 0 : i32
    %ne3A_3369 = arith.cmpi ne, %rem3A_3367, %ne3A_3368 : i32
    %and3A_3370 = arith.andi %ne3A_3366, %ne3A_3369 : i1
    %sub3A_3371 = arith.constant 1 : i32
    %sub3A_3372 = arith.subi %div3A_3351, %sub3A_3371 : i32
    %select_n3A_3373 = arith.select %and3A_3370, %sub3A_3372, %div3A_3351 : i32
    %jit3A_3374 = arith.constant 32 : i32
    %eq3A_3375 = arith.constant 0 : i32
    %eq3A_3376 = arith.cmpi eq, %jit3A_3374, %eq3A_3375 : i32
    %jit3A_3377 = arith.constant 1 : i32
    %select_n3A_3378 = arith.select %eq3A_3376, %jit3A_3377, %jit3A_3374 : i32
    %rem3A_3379 = arith.remsi %add3A_3349, %select_n3A_3378 : i32
    %ne3A_3380 = arith.constant 0 : i32
    %ne3A_3381 = arith.cmpi ne, %rem3A_3379, %ne3A_3380 : i32
    %lt3A_3382 = arith.constant 0 : i32
    %lt3A_3383 = arith.cmpi slt, %rem3A_3379, %lt3A_3382 : i32
    %lt3A_3384 = arith.constant 0 : i32
    %lt3A_3385 = arith.cmpi slt, %select_n3A_3378, %lt3A_3384 : i32
    %ne3A_3386 = arith.xori %lt3A_3383, %lt3A_3385 : i1
    %and3A_3387 = arith.andi %ne3A_3386, %ne3A_3381 : i1
    %add3A_3388 = arith.addi %rem3A_3379, %select_n3A_3378 : i32
    %select_n3A_3389 = arith.select %and3A_3387, %add3A_3388, %rem3A_3379 : i32
    %mul3A_3390 = arith.constant 128 : i32
    %mul3A_3391 = arith.muli %select_n3A_3389, %mul3A_3390 : i32
    %dma_wait3A_3392 = arith.constant 0 : i32
    %dma_wait3A_3393 = tpu.memref_slice %arg4[%select_n3A_3373, %mul3A_3391, %dma_wait3A_3392] : memref<50x4096x64xf32, #tpu.memory_space<hbm>> -> memref<1x128x64xf32, #tpu.memory_space<hbm>>
    %dma_wait3A_3394 = tpu.memref_squeeze %dma_wait3A_3393 : memref<1x128x64xf32, #tpu.memory_space<hbm>> -> memref<128x64xf32, #tpu.memory_space<hbm>>
    %dma_wait3A_3395 = arith.constant 0 : i32
    %dma_wait3A_3396 = tpu.memref_slice %arg4[%select_n3A_3373, %mul3A_3391, %dma_wait3A_3395] : memref<50x4096x64xf32, #tpu.memory_space<hbm>> -> memref<1x128x64xf32, #tpu.memory_space<hbm>>
    %dma_wait3A_3397 = tpu.memref_squeeze %dma_wait3A_3396 : memref<1x128x64xf32, #tpu.memory_space<hbm>> -> memref<128x64xf32, #tpu.memory_space<hbm>>
    tpu.wait_dma2 semaphore(%arg17 : memref<!tpu.dma_semaphore, #tpu.memory_space<semaphore_mem>>) src(%arg7 : memref<128x64xf32, #tpu.memory_space<vmem>>) dst(%dma_wait3A_3397 : memref<128x64xf32, #tpu.memory_space<hbm>>)
    %add3A_3398 = arith.constant 47 : i32
    %add3A_3399 = arith.addi %mul3A_4, %add3A_3398 : i32
    %jit3A_3400 = arith.constant 32 : i32
    %div3A_3401 = arith.divsi %add3A_3399, %jit3A_3400 : i32
    %sign3A_3402 = arith.constant 0 : i32
    %sign3A_3403 = arith.cmpi sgt, %add3A_3399, %sign3A_3402 : i32
    %sign3A_3404 = arith.extui %sign3A_3403 : i1 to i32
    %sign3A_3405 = arith.constant 0 : i32
    %sign3A_3406 = arith.cmpi slt, %add3A_3399, %sign3A_3405 : i32
    %sign3A_3407 = arith.extui %sign3A_3406 : i1 to i32
    %sign3A_3408 = arith.subi %sign3A_3404, %sign3A_3407 : i32
    %sign3A_3409 = arith.constant 0 : i32
    %sign3A_3410 = arith.cmpi sgt, %jit3A_3400, %sign3A_3409 : i32
    %sign3A_3411 = arith.extui %sign3A_3410 : i1 to i32
    %sign3A_3412 = arith.constant 0 : i32
    %sign3A_3413 = arith.cmpi slt, %jit3A_3400, %sign3A_3412 : i32
    %sign3A_3414 = arith.extui %sign3A_3413 : i1 to i32
    %sign3A_3415 = arith.subi %sign3A_3411, %sign3A_3414 : i32
    %ne3A_3416 = arith.cmpi ne, %sign3A_3408, %sign3A_3415 : i32
    %rem3A_3417 = arith.remsi %add3A_3399, %jit3A_3400 : i32
    %ne3A_3418 = arith.constant 0 : i32
    %ne3A_3419 = arith.cmpi ne, %rem3A_3417, %ne3A_3418 : i32
    %and3A_3420 = arith.andi %ne3A_3416, %ne3A_3419 : i1
    %sub3A_3421 = arith.constant 1 : i32
    %sub3A_3422 = arith.subi %div3A_3401, %sub3A_3421 : i32
    %select_n3A_3423 = arith.select %and3A_3420, %sub3A_3422, %div3A_3401 : i32
    %jit3A_3424 = arith.constant 32 : i32
    %eq3A_3425 = arith.constant 0 : i32
    %eq3A_3426 = arith.cmpi eq, %jit3A_3424, %eq3A_3425 : i32
    %jit3A_3427 = arith.constant 1 : i32
    %select_n3A_3428 = arith.select %eq3A_3426, %jit3A_3427, %jit3A_3424 : i32
    %rem3A_3429 = arith.remsi %add3A_3399, %select_n3A_3428 : i32
    %ne3A_3430 = arith.constant 0 : i32
    %ne3A_3431 = arith.cmpi ne, %rem3A_3429, %ne3A_3430 : i32
    %lt3A_3432 = arith.constant 0 : i32
    %lt3A_3433 = arith.cmpi slt, %rem3A_3429, %lt3A_3432 : i32
    %lt3A_3434 = arith.constant 0 : i32
    %lt3A_3435 = arith.cmpi slt, %select_n3A_3428, %lt3A_3434 : i32
    %ne3A_3436 = arith.xori %lt3A_3433, %lt3A_3435 : i1
    %and3A_3437 = arith.andi %ne3A_3436, %ne3A_3431 : i1
    %add3A_3438 = arith.addi %rem3A_3429, %select_n3A_3428 : i32
    %select_n3A_3439 = arith.select %and3A_3437, %add3A_3438, %rem3A_3429 : i32
    %mul3A_3440 = arith.constant 128 : i32
    %mul3A_3441 = arith.muli %select_n3A_3439, %mul3A_3440 : i32
    %dma_wait3A_3442 = arith.constant 0 : i32
    %dma_wait3A_3443 = tpu.memref_slice %arg4[%select_n3A_3423, %mul3A_3441, %dma_wait3A_3442] : memref<50x4096x64xf32, #tpu.memory_space<hbm>> -> memref<1x128x64xf32, #tpu.memory_space<hbm>>
    %dma_wait3A_3444 = tpu.memref_squeeze %dma_wait3A_3443 : memref<1x128x64xf32, #tpu.memory_space<hbm>> -> memref<128x64xf32, #tpu.memory_space<hbm>>
    %dma_wait3A_3445 = arith.constant 0 : i32
    %dma_wait3A_3446 = tpu.memref_slice %arg4[%select_n3A_3423, %mul3A_3441, %dma_wait3A_3445] : memref<50x4096x64xf32, #tpu.memory_space<hbm>> -> memref<1x128x64xf32, #tpu.memory_space<hbm>>
    %dma_wait3A_3447 = tpu.memref_squeeze %dma_wait3A_3446 : memref<1x128x64xf32, #tpu.memory_space<hbm>> -> memref<128x64xf32, #tpu.memory_space<hbm>>
    tpu.wait_dma2 semaphore(%arg18 : memref<!tpu.dma_semaphore, #tpu.memory_space<semaphore_mem>>) src(%arg8 : memref<128x64xf32, #tpu.memory_space<vmem>>) dst(%dma_wait3A_3447 : memref<128x64xf32, #tpu.memory_space<hbm>>)
    %add3A_3448 = arith.constant 48 : i32
    %add3A_3449 = arith.addi %mul3A_4, %add3A_3448 : i32
    %jit3A_3450 = arith.constant 32 : i32
    %div3A_3451 = arith.divsi %add3A_3449, %jit3A_3450 : i32
    %sign3A_3452 = arith.constant 0 : i32
    %sign3A_3453 = arith.cmpi sgt, %add3A_3449, %sign3A_3452 : i32
    %sign3A_3454 = arith.extui %sign3A_3453 : i1 to i32
    %sign3A_3455 = arith.constant 0 : i32
    %sign3A_3456 = arith.cmpi slt, %add3A_3449, %sign3A_3455 : i32
    %sign3A_3457 = arith.extui %sign3A_3456 : i1 to i32
    %sign3A_3458 = arith.subi %sign3A_3454, %sign3A_3457 : i32
    %sign3A_3459 = arith.constant 0 : i32
    %sign3A_3460 = arith.cmpi sgt, %jit3A_3450, %sign3A_3459 : i32
    %sign3A_3461 = arith.extui %sign3A_3460 : i1 to i32
    %sign3A_3462 = arith.constant 0 : i32
    %sign3A_3463 = arith.cmpi slt, %jit3A_3450, %sign3A_3462 : i32
    %sign3A_3464 = arith.extui %sign3A_3463 : i1 to i32
    %sign3A_3465 = arith.subi %sign3A_3461, %sign3A_3464 : i32
    %ne3A_3466 = arith.cmpi ne, %sign3A_3458, %sign3A_3465 : i32
    %rem3A_3467 = arith.remsi %add3A_3449, %jit3A_3450 : i32
    %ne3A_3468 = arith.constant 0 : i32
    %ne3A_3469 = arith.cmpi ne, %rem3A_3467, %ne3A_3468 : i32
    %and3A_3470 = arith.andi %ne3A_3466, %ne3A_3469 : i1
    %sub3A_3471 = arith.constant 1 : i32
    %sub3A_3472 = arith.subi %div3A_3451, %sub3A_3471 : i32
    %select_n3A_3473 = arith.select %and3A_3470, %sub3A_3472, %div3A_3451 : i32
    %jit3A_3474 = arith.constant 32 : i32
    %eq3A_3475 = arith.constant 0 : i32
    %eq3A_3476 = arith.cmpi eq, %jit3A_3474, %eq3A_3475 : i32
    %jit3A_3477 = arith.constant 1 : i32
    %select_n3A_3478 = arith.select %eq3A_3476, %jit3A_3477, %jit3A_3474 : i32
    %rem3A_3479 = arith.remsi %add3A_3449, %select_n3A_3478 : i32
    %ne3A_3480 = arith.constant 0 : i32
    %ne3A_3481 = arith.cmpi ne, %rem3A_3479, %ne3A_3480 : i32
    %lt3A_3482 = arith.constant 0 : i32
    %lt3A_3483 = arith.cmpi slt, %rem3A_3479, %lt3A_3482 : i32
    %lt3A_3484 = arith.constant 0 : i32
    %lt3A_3485 = arith.cmpi slt, %select_n3A_3478, %lt3A_3484 : i32
    %ne3A_3486 = arith.xori %lt3A_3483, %lt3A_3485 : i1
    %and3A_3487 = arith.andi %ne3A_3486, %ne3A_3481 : i1
    %add3A_3488 = arith.addi %rem3A_3479, %select_n3A_3478 : i32
    %select_n3A_3489 = arith.select %and3A_3487, %add3A_3488, %rem3A_3479 : i32
    %mul3A_3490 = arith.constant 128 : i32
    %mul3A_3491 = arith.muli %select_n3A_3489, %mul3A_3490 : i32
    %dma_wait3A_3492 = arith.constant 0 : i32
    %dma_wait3A_3493 = tpu.memref_slice %arg4[%select_n3A_3473, %mul3A_3491, %dma_wait3A_3492] : memref<50x4096x64xf32, #tpu.memory_space<hbm>> -> memref<1x128x64xf32, #tpu.memory_space<hbm>>
    %dma_wait3A_3494 = tpu.memref_squeeze %dma_wait3A_3493 : memref<1x128x64xf32, #tpu.memory_space<hbm>> -> memref<128x64xf32, #tpu.memory_space<hbm>>
    %dma_wait3A_3495 = arith.constant 0 : i32
    %dma_wait3A_3496 = tpu.memref_slice %arg4[%select_n3A_3473, %mul3A_3491, %dma_wait3A_3495] : memref<50x4096x64xf32, #tpu.memory_space<hbm>> -> memref<1x128x64xf32, #tpu.memory_space<hbm>>
    %dma_wait3A_3497 = tpu.memref_squeeze %dma_wait3A_3496 : memref<1x128x64xf32, #tpu.memory_space<hbm>> -> memref<128x64xf32, #tpu.memory_space<hbm>>
    tpu.wait_dma2 semaphore(%arg19 : memref<!tpu.dma_semaphore, #tpu.memory_space<semaphore_mem>>) src(%arg9 : memref<128x64xf32, #tpu.memory_space<vmem>>) dst(%dma_wait3A_3497 : memref<128x64xf32, #tpu.memory_space<hbm>>)
    %add3A_3498 = arith.constant 49 : i32
    %add3A_3499 = arith.addi %mul3A_4, %add3A_3498 : i32
    %jit3A_3500 = arith.constant 32 : i32
    %div3A_3501 = arith.divsi %add3A_3499, %jit3A_3500 : i32
    %sign3A_3502 = arith.constant 0 : i32
    %sign3A_3503 = arith.cmpi sgt, %add3A_3499, %sign3A_3502 : i32
    %sign3A_3504 = arith.extui %sign3A_3503 : i1 to i32
    %sign3A_3505 = arith.constant 0 : i32
    %sign3A_3506 = arith.cmpi slt, %add3A_3499, %sign3A_3505 : i32
    %sign3A_3507 = arith.extui %sign3A_3506 : i1 to i32
    %sign3A_3508 = arith.subi %sign3A_3504, %sign3A_3507 : i32
    %sign3A_3509 = arith.constant 0 : i32
    %sign3A_3510 = arith.cmpi sgt, %jit3A_3500, %sign3A_3509 : i32
    %sign3A_3511 = arith.extui %sign3A_3510 : i1 to i32
    %sign3A_3512 = arith.constant 0 : i32
    %sign3A_3513 = arith.cmpi slt, %jit3A_3500, %sign3A_3512 : i32
    %sign3A_3514 = arith.extui %sign3A_3513 : i1 to i32
    %sign3A_3515 = arith.subi %sign3A_3511, %sign3A_3514 : i32
    %ne3A_3516 = arith.cmpi ne, %sign3A_3508, %sign3A_3515 : i32
    %rem3A_3517 = arith.remsi %add3A_3499, %jit3A_3500 : i32
    %ne3A_3518 = arith.constant 0 : i32
    %ne3A_3519 = arith.cmpi ne, %rem3A_3517, %ne3A_3518 : i32
    %and3A_3520 = arith.andi %ne3A_3516, %ne3A_3519 : i1
    %sub3A_3521 = arith.constant 1 : i32
    %sub3A_3522 = arith.subi %div3A_3501, %sub3A_3521 : i32
    %select_n3A_3523 = arith.select %and3A_3520, %sub3A_3522, %div3A_3501 : i32
    %jit3A_3524 = arith.constant 32 : i32
    %eq3A_3525 = arith.constant 0 : i32
    %eq3A_3526 = arith.cmpi eq, %jit3A_3524, %eq3A_3525 : i32
    %jit3A_3527 = arith.constant 1 : i32
    %select_n3A_3528 = arith.select %eq3A_3526, %jit3A_3527, %jit3A_3524 : i32
    %rem3A_3529 = arith.remsi %add3A_3499, %select_n3A_3528 : i32
    %ne3A_3530 = arith.constant 0 : i32
    %ne3A_3531 = arith.cmpi ne, %rem3A_3529, %ne3A_3530 : i32
    %lt3A_3532 = arith.constant 0 : i32
    %lt3A_3533 = arith.cmpi slt, %rem3A_3529, %lt3A_3532 : i32
    %lt3A_3534 = arith.constant 0 : i32
    %lt3A_3535 = arith.cmpi slt, %select_n3A_3528, %lt3A_3534 : i32
    %ne3A_3536 = arith.xori %lt3A_3533, %lt3A_3535 : i1
    %and3A_3537 = arith.andi %ne3A_3536, %ne3A_3531 : i1
    %add3A_3538 = arith.addi %rem3A_3529, %select_n3A_3528 : i32
    %select_n3A_3539 = arith.select %and3A_3537, %add3A_3538, %rem3A_3529 : i32
    %mul3A_3540 = arith.constant 128 : i32
    %mul3A_3541 = arith.muli %select_n3A_3539, %mul3A_3540 : i32
    %dma_wait3A_3542 = arith.constant 0 : i32
    %dma_wait3A_3543 = tpu.memref_slice %arg4[%select_n3A_3523, %mul3A_3541, %dma_wait3A_3542] : memref<50x4096x64xf32, #tpu.memory_space<hbm>> -> memref<1x128x64xf32, #tpu.memory_space<hbm>>
    %dma_wait3A_3544 = tpu.memref_squeeze %dma_wait3A_3543 : memref<1x128x64xf32, #tpu.memory_space<hbm>> -> memref<128x64xf32, #tpu.memory_space<hbm>>
    %dma_wait3A_3545 = arith.constant 0 : i32
    %dma_wait3A_3546 = tpu.memref_slice %arg4[%select_n3A_3523, %mul3A_3541, %dma_wait3A_3545] : memref<50x4096x64xf32, #tpu.memory_space<hbm>> -> memref<1x128x64xf32, #tpu.memory_space<hbm>>
    %dma_wait3A_3547 = tpu.memref_squeeze %dma_wait3A_3546 : memref<1x128x64xf32, #tpu.memory_space<hbm>> -> memref<128x64xf32, #tpu.memory_space<hbm>>
    tpu.wait_dma2 semaphore(%arg20 : memref<!tpu.dma_semaphore, #tpu.memory_space<semaphore_mem>>) src(%arg10 : memref<128x64xf32, #tpu.memory_space<vmem>>) dst(%dma_wait3A_3547 : memref<128x64xf32, #tpu.memory_space<hbm>>)
    return
  }
}

</mosaic_0001>

<sc_bundles>
// kernel: _embedding_lookup.3.cloned.1.call-start
scs
__scs_entry_jumppad:
0x0: {  	(pc) =	sbr.rel $0x88, $3  }
0x1: {  	(tag) =	ssettag $0x0;
	lr =	simm.s32 $0x1  }
0x2: {  	[smem:$0x3F9F] =	sst lr;
	_ =	strace $0xD0000000  }
0x3: {  	_ = 	snop  }
0x4: {  	_ = 	snop  }
0x5: {  	_ = 	snop  }
0x6: {  	_ = 	snop  }
0x7: {  	_ = 	snop  }
__scs_overlays_trampoline_lowered:
0x8: {  	[smem:$0x3FAE] =	sst s0  }
0x9: {  	[smem:$0x3FAF] =	sst s1  }
0xa: {  	[smem:$0x3FB0] =	sst s2  }
0xb: {  	[smem:$0x3FB1] =	sst s3  }
0xc: {  	[smem:$0x3FB2] =	sst s4  }
0xd: {  	[smem:$0x3FB3] =	sst s5  }
0xe: {  	[smem:$0x3FB4] =	sst s6  }
0xf: {  	[smem:$0x3FB5] =	sst s7  }
0x10: {  	[smem:$0x3FB6] =	sst s8  }
0x11: {  	[smem:$0x3FB7] =	sst s9;
	s0 =	simm.s32 @!p0 $0x0  }
0x12: {  	s1 =	sld [smem:$0x3F9D];
	s0 =	simm.s32 @p0 $0x1  }
0x13: {  	[smem:$0x3FB8] =	sst s0;
	s0 =	simm.s32 @!p1 $0x0  }
0x14: {  	s2 =	sld [smem:$0x3F9C];
	s0 =	simm.s32 @p1 $0x1  }
0x15: {  	[smem:$0x3FB9] =	sst s0;
	s0 =	simm.s32 @!p2 $0x0  }
0x16: {  	s3 =	sld [smem:$0x3FDB];
	s0 =	simm.s32 @p2 $0x1  }
0x17: {  	s4 =	simm.s32 $0x1BF5;
	[smem:$0x3FBB] =	sst s0  }
0x18: {  	s0 =	sld [smem:$0x3F9E];
	_ =	swait.ge [sflag:s4], $0x0  }
0x19: {  	s7 =	sld [smem:$0x3F9F]  }
0x1a: {  	s8 =	sadd.s32 $0xFFFFE003, lr  }
0x1b: {  	s9 =	sadd.s32 $0xFFFFFEF7, lr;
	s5 =	simm.s32 $0xFFFFFFFF;
	p2 =	slt.u32 s8, $0xFFFFF086  }
0x1c: {  	p1 =	slt.u32 s9, $0xF7A;
	s5 =	simm.s32 @!p2 $0x0  }
0x1d: {  	s5 =	simm.s32 @p1 $0x1;
	p0 =	seq.s32 s7, s2  }
0x1e: {  	s7 =	smul.u32 @!p0 $0xF7A, s2;
	p2 =	seq.s32 @!p0 s5, $0x0  }
0x1f: {  	s9 =	smul.u32 $0xF7A, s1;
	s8 =	simm.s32 @!p0 $0x1BF5;
	p2 =	por !p2, p0  }
0x20: {  	[sflag:s8] =	ssyncset.s32 @!p0 $0xFFFFF086;
	s6 =	sadd.s32 @!p0 s3, s7;
	s7 =	simm.s32 @!p0 $0x108  }
0x21: {  	s3 =	sadd.s32 s3, s9;
	s6 =	sadd.s32 @!p0 $0x88, s6;
	s7 =	simm.s32 @p2 $0x1082  }
0x22: {  	[simem:s7], [sflag:s8] =	dma.local @!p0 [hbm:s6], $0xF7A  }
0x23: {  	s9 =	sor.u32 $0xD0000000, s2;
	s6 =	simm.s32 $0x108;
	_ =	swait.ge @!p0 [sflag:s8], $0x0  }
0x24: {  	s3 =	sadd.s32 $0x88, s3;
	s6 =	simm.s32 @!p1 $0x1082;
	[sflag:s4] =	ssyncset.s32 $0xFFFFF086  }
0x25: {  	[simem:s6], [sflag:s4] =	dma.local [hbm:s3], $0xF7A  }
0x26: {  	[smem:$0x3F9F] =	sst s1;
	(tag) =	ssettag s2;
	_ =	strace s9  }
0x27: {  	s1 =	sld [smem:$0x3FAF]  }
0x28: {  	s2 =	sld [smem:$0x3FB0]  }
0x29: {  	s4 =	sld [smem:$0x3FB2]  }
0x2a: {  	p0 =	seq.s32 s5, $0x0;
	s5 =	sld [smem:$0x3FB3]  }
0x2b: {  	s6 =	sld [smem:$0x3FB4]  }
0x2c: {  	s7 =	sld [smem:$0x3FB5]  }
0x2d: {  	s3 =	simm.s32 $0x108;
	s8 =	sld [smem:$0x3FB6]  }
0x2e: {  	s3 =	simm.s32 @!p0 $0x1082;
	s9 =	sld [smem:$0x3FB7]  }
0x2f: {  	lr =	sadd.s32 s0, s3;
	s0 =	sld [smem:$0x3FAE]  }
0x30: {  	s3 =	sld [smem:$0x3FB1]  }
0x31: {  	[smem:$0x3FBA] =	sst s10  }
0x32: {  	s10 =	sld [smem:$0x3FB8];
	_ =	sdelay $0x3  }
0x33: {  	p0 =	seq.s32 s10, $0x1;
	s10 =	sld [smem:$0x3FBA];
	_ =	sdelay $0x3  }
0x34: {  	[smem:$0x3FBA] =	sst s10  }
0x35: {  	s10 =	sld [smem:$0x3FB9];
	_ =	sdelay $0x3  }
0x36: {  	p1 =	seq.s32 s10, $0x1;
	s10 =	sld [smem:$0x3FBA];
	_ =	sdelay $0x3  }
0x37: {  	[smem:$0x3FBA] =	sst s10  }
0x38: {  	s10 =	sld [smem:$0x3FBB]  }
0x39: {  	_ = 	snop;
	(pc) =	sbr.ind lr, $3  }
0x3a: {  	_ = 	snop  }
0x3b: {  	_ = 	snop  }
0x3c: {  	p2 =	seq.s32 s10, $0x1;
	s10 =	sld [smem:$0x3FBA]  }
0x3d: {  	_ =	shalt  }
0x3e: {  	_ =	shalt  }
0x3f: {  	_ =	shalt  }
0x40: {  	_ =	shalt  }
0x41: {  	_ =	shalt  }
0x42: {  	_ =	shalt  }
0x43: {  	_ =	shalt  }
0x44: {  	_ =	shalt  }
0x45: {  	_ =	shalt  }
0x46: {  	_ =	shalt  }
0x47: {  	_ =	shalt  }
0x48: {  	_ =	shalt  }
0x49: {  	_ =	shalt  }
0x4a: {  	_ =	shalt  }
0x4b: {  	_ =	shalt  }
0x4c: {  	_ =	shalt  }
0x4d: {  	_ =	shalt  }
0x4e: {  	_ =	shalt  }
0x4f: {  	_ =	shalt  }
0x50: {  	_ =	shalt  }
0x51: {  	_ =	shalt  }
0x52: {  	_ =	shalt  }
0x53: {  	_ =	shalt  }
0x54: {  	_ =	shalt  }
0x55: {  	_ =	shalt  }
0x56: {  	_ =	shalt  }
0x57: {  	_ =	shalt  }
0x58: {  	_ =	shalt  }
0x59: {  	_ =	shalt  }
0x5a: {  	_ =	shalt  }
0x5b: {  	_ =	shalt  }
0x5c: {  	_ =	shalt  }
0x5d: {  	_ =	shalt  }
0x5e: {  	_ =	shalt  }
0x5f: {  	_ =	shalt  }
0x60: {  	_ =	shalt  }
0x61: {  	_ =	shalt  }
0x62: {  	_ =	shalt  }
0x63: {  	_ =	shalt  }
0x64: {  	_ =	shalt  }
0x65: {  	_ =	shalt  }
0x66: {  	_ =	shalt  }
0x67: {  	_ =	shalt  }
0x68: {  	_ =	shalt  }
0x69: {  	_ =	shalt  }
0x6a: {  	_ =	shalt  }
0x6b: {  	_ =	shalt  }
0x6c: {  	_ =	shalt  }
0x6d: {  	_ =	shalt  }
0x6e: {  	_ =	shalt  }
0x6f: {  	_ =	shalt  }
0x70: {  	_ =	shalt  }
0x71: {  	_ =	shalt  }
0x72: {  	_ =	shalt  }
0x73: {  	_ =	shalt  }
0x74: {  	_ =	shalt  }
0x75: {  	_ =	shalt  }
0x76: {  	_ =	shalt  }
0x77: {  	_ =	shalt  }
0x78: {  	_ =	shalt  }
0x79: {  	_ =	shalt  }
0x7a: {  	_ =	shalt  }
0x7b: {  	_ =	shalt  }
0x7c: {  	_ =	shalt  }
0x7d: {  	_ =	shalt  }
0x7e: {  	_ =	shalt  }
0x7f: {  	_ =	shalt  }
0x80: {  	_ =	shalt  }
0x81: {  	_ =	shalt  }
0x82: {  	_ =	shalt  }
0x83: {  	_ =	shalt  }
0x84: {  	_ =	shalt  }
0x85: {  	_ =	shalt  }
0x86: {  	_ =	shalt  }
0x87: {  	_ =	shalt  }
.Lfunc_end0:
.L_simem_size_0:
called_computation.1_lowered:
.L_overlay_start_0:
0x88: {  	s2 =	sld [smem:$0x3FD9]  }
0x89: {  	s3 =	sld [smem:$0x3FFE];
	_ =	sdelay $0x1  }
0x8a: {  	s1 =	srdreg.scid  }
0x8b: {  	s0 =	sand.u32 $0x1, s1  }
0x8c: {  	s17 =	sshll.u32 s0, $0xA;
	s2 =	sadd.s32 s3, s2  }
0x8d: {  	s2 =	sadd.s32 s2, s17  }
0x8e: {  	[smem:$0x3FC6] =	sst s2  }
0x8f: {  	_ = 	snop  }
0x90: {  	s2 =	sld [smem:$0x3FD0];
	(tm) =	ssettm $0x1  }
0x91: {  	s18 =	sld [smem:$0x3FFB];
	_ =	sdelay $0x3  }
0x92: {  	_ =	strace s18  }
0x93: {  	s3 =	sld [smem:$0x3FFC];
	_ =	sdelay $0x3  }
0x94: {  	_ =	strace s3  }
0x95: {  	s3 =	sld [smem:$0x3FFD];
	_ =	sdelay $0x3  }
0x96: {  	_ =	strace s3  }
0x97: {  	_ =	strace $0x8FFFFFFF  }
0x98: {  	s19 =	sld [smem:$0x3FDB];
	_ =	sdelay $0x1  }
0x99: {  	s4 =	simm.s32 $_scs_section_size  }
0x9a: {  	s5 =	simm.s32 $_size__tile_overlayer_lowered;
	s6 =	simm.s32 $_tile_overlayer_lowered  }
0x9b: {  	s22 =	simm.s32 $0x1BFF;
	s21 =	sshll.u32 s6, $0x1;
	s3 =	sadd.s32 s4, s19  }
0x9c: {  	s7 =	simm.s32 $0x0;
	s20 =	sshll.u32 s5, $0x1;
	s5 =	sadd.s32 s21, s3  }
0x9d: {  	[timem:s7], [sflag:s22] =	dma.local [hbm:s5], s20  }
0x9e: {  	_ =	swait.ge [sflag:s22], s20  }
0x9f: {  	s4 =	ssub.s32 $0x0, s20;
	[sflag:s22] =	ssyncset.done $0x0  }
0xa0: {  	[sflag:s22] =	ssyncadd.s32 s4;
	_ =	sdelay $0x1  }
0xa1: {  	s23 =	simm.s32 $0x1B8B  }
0xa2: {  	_ =	swait.ge [sflag:s23], $0x1  }
0xa3: {  	[sflag:s23] =	ssyncset.done $0x0  }
0xa4: {  	s25 =	simm.s32 $0x1B8E;
	s24 =	sld [smem:$0x3FFE];
	[sflag:s23] =	ssyncadd.s32 $0xFFFFFFFF  }
0xa5: {  	s26 =	simm.s32 $execute0_lowered;
	[smem:$0x3FD2] =	sst s25  }
0xa6: {  	s5 =	sshll.u32 s26, $0x1;
	_ =	strace $0x80000046;
	[dreg:$0x1] =	wrdreg $0xFFFFFFFF  }
0xa7: {  	s28 =	simm.s32 $_size_execute0_lowered;
	s3 =	sadd.s32 s3, s5;
	[dreg:$0x0] =	wrdreg $0x0  }
0xa8: {  	s5 =	sshll.u32 s28, $0x1;
	[dreg:$0x2] =	wrdreg s3  }
0xa9: {  	[dreg:$0x3] =	wrdreg s5  }
0xaa: {  	[dreg:$0x4] =	wrdreg $0xC0  }
0xab: {  	_ =	task [dreg:s7], $0x5FFFF  }
0xac: {  	[dreg:$0x1] =	wrdreg $0xFFFFFFFF  }
0xad: {  	[dreg:$0x0] =	wrdreg $0x60  }
0xae: {  	[dreg:$0x2] =	wrdreg s24  }
0xaf: {  	[dreg:$0x3] =	wrdreg s2  }
0xb0: {  	[dreg:$0x4] =	wrdreg $0x9  }
0xb1: {  	_ =	task.clear_ibuf [dreg:s7], $0x5FFFF;
	_ =	strace $0x90000046  }
0xb2: {  	s29 =	simm.s32 $0x9;
	_ =	strace $0x80000048  }
0xb3: {  	_ =	swait.ge [sflag:s29], $0x1  }
0xb4: {  	[sflag:s29] =	ssyncadd.s32 $0xFFFFFFFF  }
0xb5: {  	_ =	strace $0x90000048  }
0xb6: {  	_ =	sfence  }
0xb7: {  	s30 =	sld [smem:$0x0];
	_ =	sdelay $0x2  }
0xb8: {  	s31 =	sshll.u32 s1, $0xD;
	s1 =	sshrl.u32 s1, $0x2  }
0xb9: {  	s3 =	sand.u32 $0x4000, s31;
	s1 =	sadd.s32 s1, s30  }
0xba: {  	s0 =	sor.u32 s3, s0;
	s1 =	sshll.u32 s1, $0x11  }
0xbb: {  	s0 =	sor.u32 s1, s0  }
0xbc: {  	s0 =	sadd.s32 $0x8F2B, s0  }
0xbd: {  	[sflag:s0] =	ssyncadd.remote.s32 $0x1  }
0xbe: {  	_ =	sfence.sel $0xFFFF  }
0xbf: {  	[dreg:$0x0] =	wrdreg $0xFFFFFFFF;
	(pc) =	sbr.abs _section_cstart, $3  }
0xc0: {  	[dreg:$0x1] =	wrdreg $0xFFFFFFFF  }
0xc1: {  	_ =	task.clear_ibuf [dreg:s7], $0x2FFFF;
	_ =	strace $0x9FFFFFFF  }
0xc2: {  	(tm) =	ssettm $0x7FFFFFFF  }
0xc3: {  	_ =	shalt  }
tec
execute0_lowered:
.L_overlay_start_1:
0x0: {  	(tag) =	ssettag $0x1  }
0x1: {  	s2 =	srdreg.scid;
	s20 =	stileid.u32  }
0x2: {  	s0 =	rddreg [dreg:$0x0];
	s5 =	sand.u32 $0x1, s2;
	s3 =	sshll.u32 s20, $0x1  }
0x3: {  	s1 =	rddreg [dreg:$0x1];
	s2 =	simm.s32 $0x0;
	s4 =	sor.u32 s5, s3  }
0x4: {  	s8 =	sadd.s32 $0xA00, s0;
	[smem:$0x7FF] =	sst s2;
	s6 =	smul.u32 $0x32, s4  }
0x5: {  	s7 =	ssub.s32 $0x2, s5;
	s3 =	sadd.s32 $0xF42E00, s0;
	s14 =	smul.u32 $0x1900, s4  }
0x6: {  	_ =	strace $0x80000047;
	s9 =	sshrl.u32 s7, $0x1;
	s4 =	smul.u32 $0x900, s4  }
0x7: {  	s0 =	ssub.s32 s7, s9;
	s10 =	sadd.s32 $0x2D, s6;
	s21 =	sadd.s32 $0x2E, s6  }
0x8: {  	s12 =	sadd.s32 $0x2F, s6;
	s15 =	sadd.s32 $0x30, s6;
	s6 =	sadd.s32 $0x31, s6  }
0x9: {  	s17 =	sand.u32 $0x3F000, s14;
	s4 =	sand.u32 $0xF00, s4;
	s14 =	sshrl.u32 s14, $0x3  }
0xa: {  	s0 =	smax.u32 s0, $0x1;
	s19 =	sshll.u32 s10, $0x7;
	s9 =	sshrl.u32 s10, $0x5  }
0xb: {  	s11 =	sshrl.u32 s21, $0x5;
	s10 =	sshll.u32 s21, $0x7;
	s13 =	sshrl.u32 s12, $0x5  }
0xc: {  	s12 =	sshll.u32 s12, $0x7;
	s16 =	sshrl.u32 s15, $0x5;
	s15 =	sshll.u32 s15, $0x7  }
0xd: {  	s18 =	sshrl.u32 s6, $0x5;
	s17 =	sor.u32 s4, s17;
	s22 =	sshll.u32 s6, $0x7  }
0xe: {  	s4 =	sadd.s32 s8, s14;
	[smem:$0x7FC] =	sst s0;
	s7 =	sand.u32 $0xF80, s19  }
0xf: {  	s10 =	sand.u32 $0xF00, s10;
	s12 =	sand.u32 $0xF80, s12;
	s15 =	sand.u32 $0xF00, s15  }
0x10: {  	s23 =	sshrl.u32 s17, $0x3;
	s19 =	sand.u32 $0xF80, s22;
	s24 =	sadd.s32 $0x1000, s17  }
0x11: {  	s25 =	sshll.u32 s9, $0xC;
	s26 =	sshll.u32 s11, $0xC;
	s21 =	sshll.u32 s16, $0xC  }
0x12: {  	s22 =	sadd.s32 s8, s23;
	s6 =	sshrl.u32 s24, $0x3;
	s14 =	sor.u32 s7, s25  }
0x13: {  	s17 =	sor.u32 s10, s26;
	s23 =	sshll.u32 s18, $0xC;
	s6 =	sadd.s32 s8, s6  }
0x14: {  	s30 =	sshrl.u32 s14, $0x3;
	s31 =	sshrl.u32 s17, $0x3;
	[dreg:$0x3] =	wrdreg s22  }
0x15: {  	s17 =	sshll.u32 s13, $0xC;
	[dreg:$0x4] =	wrdreg s6;
	s6 =	sadd.s32 s8, s30  }
0x16: {  	s14 =	sadd.s32 s8, s31;
	s30 =	sshll.u32 s9, $0xF;
	s31 =	sadd.s32 $0x20, s4  }
0x17: {  	s9 =	sshll.u32 s11, $0xF;
	s11 =	sshll.u32 s13, $0xF;
	[dreg:$0x5] =	wrdreg s6  }
0x18: {  	s13 =	sshll.u32 s12, $0x3;
	[dreg:$0x6] =	wrdreg s14;
	s6 =	sor.u32 s12, s17  }
0x19: {  	s14 =	sor.u32 s15, s21;
	s17 =	sor.u32 s19, s23;
	[dreg:$0xa] =	wrdreg s31  }
0x1a: {  	s23 =	sshll.u32 s19, $0x3;
	s12 =	sadd.s32 $0x80, s4;
	s19 =	sadd.s32 $0xF0, s4  }
0x1b: {  	s24 =	sshrl.u32 s14, $0x3;
	s25 =	sshrl.u32 s17, $0x3;
	[dreg:$0x15] =	wrdreg s12  }
0x1c: {  	s14 =	sadd.s32 s1, s11;
	s11 =	sadd.s32 $0x70, s4;
	[dreg:$0x1c] =	wrdreg s19  }
0x1d: {  	s17 =	sshll.u32 s15, $0x3;
	s15 =	sadd.s32 $0xB0, s4;
	[dreg:$0x14] =	wrdreg s11  }
0x1e: {  	s12 =	sadd.s32 $0x1D0, s4;
	[dreg:$0x18] =	wrdreg s15  }
0x1f: {  	s6 =	sshrl.u32 s6, $0x3;
	s19 =	sadd.s32 $0x250, s4;
	[smem:$0x7ED] =	sst s12  }
0x20: {  	s6 =	sadd.s32 s8, s6;
	[smem:$0x7F4] =	sst s19  }
0x21: {  	s26 =	sadd.s32 s8, s25;
	[dreg:$0x7] =	wrdreg s6  }
0x22: {  	s11 =	sadd.s32 $0x1C0, s4;
	[dreg:$0x9] =	wrdreg s26  }
0x23: {  	s15 =	sadd.s32 $0x210, s4;
	[smem:$0x7EC] =	sst s11  }
0x24: {  	s18 =	sshll.u32 s18, $0xF;
	s6 =	sadd.s32 s8, s24;
	[smem:$0x7F0] =	sst s15  }
0x25: {  	s21 =	smul.u32 $0x64, s20;
	s8 =	sadd.s32 $0x30, s4;
	[dreg:$0x8] =	wrdreg s6  }
0x26: {  	s26 =	smul.u32 $0x19000, s20;
	s20 =	sadd.s32 $0x100, s4;
	[dreg:$0xc] =	wrdreg s8  }
0x27: {  	s6 =	sadd.s32 s1, s30;
	s30 =	sadd.s32 $0x40, s4;
	[dreg:$0x1d] =	wrdreg s20  }
0x28: {  	s8 =	sadd.s32 s1, s18;
	s18 =	sadd.s32 $0xE0, s4;
	[dreg:$0x11] =	wrdreg s30  }
0x29: {  	s7 =	sshll.u32 s7, $0x3;
	s20 =	sadd.s32 $0x260, s4;
	[dreg:$0x1b] =	wrdreg s18  }
0x2a: {  	s6 =	sadd.s32 s7, s6;
	[smem:$0x7F5] =	sst s20  }
0x2b: {  	s24 =	smul.u32 $0x32, s5;
	s25 =	sadd.s32 s23, s8;
	[dreg:$0xb] =	wrdreg s6  }
0x2c: {  	s23 =	sadd.s32 $0x110, s4;
	[dreg:$0x10] =	wrdreg s25  }
0x2d: {  	s31 =	sadd.s32 s24, s21;
	s24 =	sadd.s32 $0x120, s4;
	[dreg:$0x1e] =	wrdreg s23  }
0x2e: {  	s30 =	sadd.s32 $0x150, s4;
	[dreg:$0x1f] =	wrdreg s24  }
0x2f: {  	s8 =	sadd.s32 $0x190, s4;
	[smem:$0x7E5] =	sst s30  }
0x30: {  	s18 =	sadd.s32 $0x240, s4;
	[smem:$0x7E9] =	sst s8  }
0x31: {  	s6 =	sadd.s32 s1, s9;
	s9 =	sadd.s32 $0x50, s4;
	[smem:$0x7F3] =	sst s18  }
0x32: {  	s25 =	sadd.s32 $0x130, s4;
	[dreg:$0x12] =	wrdreg s9  }
0x33: {  	s7 =	sshll.u32 s31, $0xA;
	s31 =	sadd.s32 $0x160, s4;
	[smem:$0x7E3] =	sst s25  }
0x34: {  	s23 =	sadd.s32 $0x270, s4;
	[smem:$0x7E6] =	sst s31  }
0x35: {  	s28 =	simm.s32 $0xA;
	s24 =	sadd.s32 $0x280, s4;
	[smem:$0x7F6] =	sst s23  }
0x36: {  	s10 =	sshll.u32 s10, $0x3;
	s30 =	sadd.s32 $0x2B0, s4;
	[smem:$0x7F7] =	sst s24  }
0x37: {  	s29 =	simm.s32 $0x0;
	s6 =	sadd.s32 s10, s6;
	[smem:$0x7FA] =	sst s30  }
0x38: {  	s16 =	sshll.u32 s16, $0xF;
	s10 =	sadd.s32 $0x60, s4;
	[dreg:$0xd] =	wrdreg s6  }
0x39: {  	s12 =	simm.s32 $0x1900;
	s9 =	sadd.s32 $0x1A0, s4;
	[dreg:$0x13] =	wrdreg s10  }
0x3a: {  	s19 =	simm.s32 $0x3;
	s25 =	sadd.s32 $0x290, s4;
	[smem:$0x7EA] =	sst s9  }
0x3b: {  	s5 =	smul.u32 $0xC800, s5;
	s31 =	sadd.s32 $0x10, s22;
	[smem:$0x7F8] =	sst s25  }
0x3c: {  	s11 =	simm.s32 $0xB;
	s6 =	sadd.s32 s13, s14;
	[smem:$0x7FD] =	sst s31  }
0x3d: {  	s15 =	simm.s32 $0x7900;
	s13 =	sadd.s32 $0x90, s4;
	[dreg:$0xe] =	wrdreg s6  }
0x3e: {  	s20 =	simm.s32 $0x4;
	s14 =	sadd.s32 $0xA0, s4;
	[dreg:$0x16] =	wrdreg s13  }
0x3f: {  	s18 =	simm.s32 $0x2;
	s10 =	sadd.s32 $0x1B0, s4;
	[dreg:$0x17] =	wrdreg s14  }
0x40: {  	s6 =	sadd.s32 s1, s16;
	s16 =	sadd.s32 $0xC0, s4;
	[smem:$0x7EB] =	sst s10  }
0x41: {  	s22 =	simm.s32 $0x5;
	s13 =	sadd.s32 $0x1E0, s4;
	[dreg:$0x19] =	wrdreg s16  }
0x42: {  	s23 =	simm.s32 $0x6;
	s14 =	sadd.s32 $0x1F0, s4;
	[smem:$0x7EE] =	sst s13  }
0x43: {  	s24 =	simm.s32 $0x7;
	s6 =	sadd.s32 s17, s6;
	[smem:$0x7EF] =	sst s14  }
0x44: {  	s25 =	simm.s32 $0x8;
	s17 =	sadd.s32 $0xD0, s4;
	[dreg:$0xf] =	wrdreg s6  }
0x45: {  	s16 =	sadd.s32 $0x220, s4;
	s13 =	simm.s32 $0x3900;
	[dreg:$0x1a] =	wrdreg s17  }
0x46: {  	s6 =	sadd.s32 s26, s1;
	s26 =	sadd.s32 $0x140, s4;
	[smem:$0x7F1] =	sst s16  }
0x47: {  	s1 =	sadd.s32 s7, s1;
	s7 =	sadd.s32 $0x180, s4;
	[smem:$0x7E4] =	sst s26  }
0x48: {  	s14 =	simm.s32 $0x5900;
	s17 =	sadd.s32 $0x230, s4;
	[smem:$0x7E8] =	sst s7  }
0x49: {  	s21 =	sadd.s32 s5, s6;
	s6 =	sadd.s32 $0x170, s4;
	[smem:$0x7F2] =	sst s17  }
0x4a: {  	s16 =	simm.s32 $0x9900;
	s26 =	sadd.s32 $0x2A0, s4;
	[smem:$0x7E7] =	sst s6  }
0x4b: {  	s4 =	sadd.s32 $0x2C0, s4;
	s0 =	sadd.s32 $0x1000, s1;
	[smem:$0x7F9] =	sst s26  }
0x4c: {  	s5 =	sadd.s32 $0xC00, s1;
	s17 =	simm.s32 $0x1;
	[smem:$0x7FB] =	sst s4  }
0x4d: {  	s6 =	sadd.s32 $0x400, s1;
	s4 =	simm.s32 $0x80;
	s26 =	simm.s32 $0x9  }
.LBB2_1:
0x4e: {  	s1 =	rddreg [dreg:$0x3]  }
0x4f: {  	s7 =	sld [smem:$0x7FD]  }
0x50: {  	[tilespmem:s2], [sflag:$0xB] =	stream.linear.gather [hbm4b:s1+s2], $0x80, $0x38;
	[tilespmem:$0xB900] =	vst v63  }
0x51: {  	_ = 	snop  }
0x52: {  	[tilespmem:s4], [sflag:$0xB] =	stream.linear.gather [hbm4b:s7+s2], $0x80, $0x38;
	[tilespmem:$0xB900] =	vst v63  }
0x53: {  	s8 =	rddreg [dreg:$0xa];
	s7 =	simm.s32 $0x100  }
0x54: {  	[tilespmem:s7], [sflag:$0xB] =	stream.linear.gather [hbm4b:s8+s2], $0x80, $0x38;
	[tilespmem:$0xB900] =	vst v63  }
0x55: {  	s9 =	rddreg [dreg:$0xc];
	s8 =	simm.s32 $0x180  }
0x56: {  	[tilespmem:s8], [sflag:$0xB] =	stream.linear.gather [hbm4b:s9+s2], $0x80, $0x38;
	[tilespmem:$0xB900] =	vst v63  }
0x57: {  	s10 =	rddreg [dreg:$0x11];
	s9 =	simm.s32 $0x200  }
0x58: {  	[tilespmem:s9], [sflag:$0xB] =	stream.linear.gather [hbm4b:s10+s2], $0x80, $0x38;
	[tilespmem:$0xB900] =	vst v63  }
0x59: {  	s1 =	rddreg [dreg:$0x12];
	s10 =	simm.s32 $0x280  }
0x5a: {  	[tilespmem:s10], [sflag:$0xB] =	stream.linear.gather [hbm4b:s1+s2], $0x80, $0x38;
	[tilespmem:$0xB900] =	vst v63  }
0x5b: {  	s1 =	rddreg [dreg:$0x13];
	s10 =	simm.s32 $0x300  }
0x5c: {  	[tilespmem:s10], [sflag:$0xB] =	stream.linear.gather [hbm4b:s1+s2], $0x80, $0x38;
	[tilespmem:$0xB900] =	vst v63  }
0x5d: {  	s1 =	rddreg [dreg:$0x14];
	s10 =	simm.s32 $0x380  }
0x5e: {  	[tilespmem:s10], [sflag:$0xB] =	stream.linear.gather [hbm4b:s1+s2], $0x80, $0x38;
	[tilespmem:$0xB900] =	vst v63  }
0x5f: {  	s1 =	rddreg [dreg:$0x15];
	s10 =	simm.s32 $0x400  }
0x60: {  	[tilespmem:s10], [sflag:$0xB] =	stream.linear.gather [hbm4b:s1+s2], $0x80, $0x38;
	[tilespmem:$0xB900] =	vst v63  }
0x61: {  	s1 =	rddreg [dreg:$0x16];
	s10 =	simm.s32 $0x480  }
0x62: {  	[tilespmem:s10], [sflag:$0xB] =	stream.linear.gather [hbm4b:s1+s2], $0x80, $0x38;
	[tilespmem:$0xB900] =	vst v63  }
0x63: {  	s1 =	rddreg [dreg:$0x17];
	s10 =	simm.s32 $0x500  }
0x64: {  	[tilespmem:s10], [sflag:$0xB] =	stream.linear.gather [hbm4b:s1+s2], $0x80, $0x38;
	[tilespmem:$0xB900] =	vst v63  }
0x65: {  	s1 =	rddreg [dreg:$0x18];
	s10 =	simm.s32 $0x580  }
0x66: {  	[tilespmem:s10], [sflag:$0xB] =	stream.linear.gather [hbm4b:s1+s2], $0x80, $0x38;
	[tilespmem:$0xB900] =	vst v63  }
0x67: {  	s1 =	rddreg [dreg:$0x19];
	s10 =	simm.s32 $0x600  }
0x68: {  	[tilespmem:s10], [sflag:$0xB] =	stream.linear.gather [hbm4b:s1+s2], $0x80, $0x38;
	[tilespmem:$0xB900] =	vst v63  }
0x69: {  	s1 =	rddreg [dreg:$0x1a];
	s10 =	simm.s32 $0x680  }
0x6a: {  	[tilespmem:s10], [sflag:$0xB] =	stream.linear.gather [hbm4b:s1+s2], $0x80, $0x38;
	[tilespmem:$0xB900] =	vst v63  }
0x6b: {  	s1 =	rddreg [dreg:$0x1b];
	s10 =	simm.s32 $0x700  }
0x6c: {  	[tilespmem:s10], [sflag:$0xB] =	stream.linear.gather [hbm4b:s1+s2], $0x80, $0x38;
	[tilespmem:$0xB900] =	vst v63  }
0x6d: {  	s1 =	rddreg [dreg:$0x1c];
	s10 =	simm.s32 $0x780  }
0x6e: {  	[tilespmem:s10], [sflag:$0xB] =	stream.linear.gather [hbm4b:s1+s2], $0x80, $0x38;
	[tilespmem:$0xB900] =	vst v63  }
0x6f: {  	s1 =	rddreg [dreg:$0x1d];
	s10 =	simm.s32 $0x800  }
0x70: {  	[tilespmem:s10], [sflag:$0xB] =	stream.linear.gather [hbm4b:s1+s2], $0x80, $0x38;
	[tilespmem:$0xB900] =	vst v63  }
0x71: {  	s1 =	rddreg [dreg:$0x1e];
	s10 =	simm.s32 $0x880  }
0x72: {  	[tilespmem:s10], [sflag:$0xB] =	stream.linear.gather [hbm4b:s1+s2], $0x80, $0x38;
	[tilespmem:$0xB900] =	vst v63  }
0x73: {  	s1 =	rddreg [dreg:$0x1f];
	s10 =	simm.s32 $0x900  }
0x74: {  	[tilespmem:s10], [sflag:$0xB] =	stream.linear.gather [hbm4b:s1+s2], $0x80, $0x38;
	[tilespmem:$0xB900] =	vst v63  }
0x75: {  	s1 =	sld [smem:$0x7E3];
	_ =	sdelay $0x1  }
0x76: {  	s10 =	simm.s32 $0x980  }
0x77: {  	[tilespmem:s10], [sflag:$0xB] =	stream.linear.gather [hbm4b:s1+s2], $0x80, $0x38;
	[tilespmem:$0xB900] =	vst v63  }
0x78: {  	s1 =	sld [smem:$0x7E4];
	_ =	sdelay $0x1  }
0x79: {  	s10 =	simm.s32 $0xA00  }
0x7a: {  	[tilespmem:s10], [sflag:$0xB] =	stream.linear.gather [hbm4b:s1+s2], $0x80, $0x38;
	[tilespmem:$0xB900] =	vst v63  }
0x7b: {  	s1 =	sld [smem:$0x7E5];
	_ =	sdelay $0x1  }
0x7c: {  	s10 =	simm.s32 $0xA80  }
0x7d: {  	[tilespmem:s10], [sflag:$0xB] =	stream.linear.gather [hbm4b:s1+s2], $0x80, $0x38;
	[tilespmem:$0xB900] =	vst v63  }
0x7e: {  	s1 =	sld [smem:$0x7E6];
	_ =	sdelay $0x1  }
0x7f: {  	s10 =	simm.s32 $0xB00  }
0x80: {  	[tilespmem:s10], [sflag:$0xB] =	stream.linear.gather [hbm4b:s1+s2], $0x80, $0x38;
	[tilespmem:$0xB900] =	vst v63  }
0x81: {  	s1 =	sld [smem:$0x7E7];
	_ =	sdelay $0x1  }
0x82: {  	s10 =	simm.s32 $0xB80  }
0x83: {  	[tilespmem:s10], [sflag:$0xB] =	stream.linear.gather [hbm4b:s1+s2], $0x80, $0x38;
	[tilespmem:$0xB900] =	vst v63  }
0x84: {  	s1 =	sld [smem:$0x7E8];
	_ =	sdelay $0x1  }
0x85: {  	s10 =	simm.s32 $0xC00  }
0x86: {  	[tilespmem:s10], [sflag:$0xB] =	stream.linear.gather [hbm4b:s1+s2], $0x80, $0x38;
	[tilespmem:$0xB900] =	vst v63  }
0x87: {  	s1 =	sld [smem:$0x7E9];
	_ =	sdelay $0x1  }
0x88: {  	s10 =	simm.s32 $0xC80  }
0x89: {  	[tilespmem:s10], [sflag:$0xB] =	stream.linear.gather [hbm4b:s1+s2], $0x80, $0x38;
	[tilespmem:$0xB900] =	vst v63  }
0x8a: {  	s1 =	sld [smem:$0x7EA];
	_ =	sdelay $0x1  }
0x8b: {  	s10 =	simm.s32 $0xD00  }
0x8c: {  	[tilespmem:s10], [sflag:$0xB] =	stream.linear.gather [hbm4b:s1+s2], $0x80, $0x38;
	[tilespmem:$0xB900] =	vst v63  }
0x8d: {  	s1 =	sld [smem:$0x7EB];
	_ =	sdelay $0x1  }
0x8e: {  	s10 =	simm.s32 $0xD80  }
0x8f: {  	[tilespmem:s10], [sflag:$0xB] =	stream.linear.gather [hbm4b:s1+s2], $0x80, $0x38;
	[tilespmem:$0xB900] =	vst v63  }
0x90: {  	s1 =	sld [smem:$0x7EC];
	_ =	sdelay $0x1  }
0x91: {  	s10 =	simm.s32 $0xE00  }
0x92: {  	[tilespmem:s10], [sflag:$0xB] =	stream.linear.gather [hbm4b:s1+s2], $0x80, $0x38;
	[tilespmem:$0xB900] =	vst v63  }
0x93: {  	s1 =	sld [smem:$0x7ED];
	_ =	sdelay $0x1  }
0x94: {  	s10 =	simm.s32 $0xE80  }
0x95: {  	[tilespmem:s10], [sflag:$0xB] =	stream.linear.gather [hbm4b:s1+s2], $0x80, $0x38;
	[tilespmem:$0xB900] =	vst v63  }
0x96: {  	s1 =	sld [smem:$0x7EE];
	_ =	sdelay $0x1  }
0x97: {  	s10 =	simm.s32 $0xF00  }
0x98: {  	[tilespmem:s10], [sflag:$0xB] =	stream.linear.gather [hbm4b:s1+s2], $0x80, $0x38;
	[tilespmem:$0xB900] =	vst v63  }
0x99: {  	s1 =	sld [smem:$0x7EF];
	_ =	sdelay $0x1  }
0x9a: {  	s10 =	simm.s32 $0xF80  }
0x9b: {  	[tilespmem:s10], [sflag:$0xB] =	stream.linear.gather [hbm4b:s1+s2], $0x80, $0x38;
	[tilespmem:$0xB900] =	vst v63  }
0x9c: {  	s1 =	rddreg [dreg:$0x4];
	s10 =	simm.s32 $0x1000  }
0x9d: {  	[tilespmem:s10], [sflag:$0xB] =	stream.linear.gather [hbm4b:s1+s2], $0x80, $0x38;
	[tilespmem:$0xB900] =	vst v63  }
0x9e: {  	s1 =	sld [smem:$0x7F0];
	_ =	sdelay $0x1  }
0x9f: {  	s10 =	simm.s32 $0x1080  }
0xa0: {  	[tilespmem:s10], [sflag:$0xB] =	stream.linear.gather [hbm4b:s1+s2], $0x80, $0x38;
	[tilespmem:$0xB900] =	vst v63  }
0xa1: {  	s1 =	sld [smem:$0x7F1];
	_ =	sdelay $0x1  }
0xa2: {  	s10 =	simm.s32 $0x1100  }
0xa3: {  	[tilespmem:s10], [sflag:$0xB] =	stream.linear.gather [hbm4b:s1+s2], $0x80, $0x38;
	[tilespmem:$0xB900] =	vst v63  }
0xa4: {  	s1 =	sld [smem:$0x7F2];
	_ =	sdelay $0x1  }
0xa5: {  	s10 =	simm.s32 $0x1180  }
0xa6: {  	[tilespmem:s10], [sflag:$0xB] =	stream.linear.gather [hbm4b:s1+s2], $0x80, $0x38;
	[tilespmem:$0xB900] =	vst v63  }
0xa7: {  	s1 =	sld [smem:$0x7F3];
	_ =	sdelay $0x1  }
0xa8: {  	s10 =	simm.s32 $0x1200  }
0xa9: {  	[tilespmem:s10], [sflag:$0xB] =	stream.linear.gather [hbm4b:s1+s2], $0x80, $0x38;
	[tilespmem:$0xB900] =	vst v63  }
0xaa: {  	s1 =	sld [smem:$0x7F4];
	_ =	sdelay $0x1  }
0xab: {  	s10 =	simm.s32 $0x1280  }
0xac: {  	[tilespmem:s10], [sflag:$0xB] =	stream.linear.gather [hbm4b:s1+s2], $0x80, $0x38;
	[tilespmem:$0xB900] =	vst v63  }
0xad: {  	s1 =	sld [smem:$0x7F5];
	_ =	sdelay $0x1  }
0xae: {  	s10 =	simm.s32 $0x1300  }
0xaf: {  	[tilespmem:s10], [sflag:$0xB] =	stream.linear.gather [hbm4b:s1+s2], $0x80, $0x38;
	[tilespmem:$0xB900] =	vst v63  }
0xb0: {  	s1 =	sld [smem:$0x7F6];
	_ =	sdelay $0x1  }
0xb1: {  	s10 =	simm.s32 $0x1380  }
0xb2: {  	[tilespmem:s10], [sflag:$0xB] =	stream.linear.gather [hbm4b:s1+s2], $0x80, $0x38;
	[tilespmem:$0xB900] =	vst v63  }
0xb3: {  	s1 =	sld [smem:$0x7F7];
	_ =	sdelay $0x1  }
0xb4: {  	s10 =	simm.s32 $0x1400  }
0xb5: {  	[tilespmem:s10], [sflag:$0xB] =	stream.linear.gather [hbm4b:s1+s2], $0x80, $0x38;
	[tilespmem:$0xB900] =	vst v63  }
0xb6: {  	s1 =	sld [smem:$0x7F8];
	_ =	sdelay $0x1  }
0xb7: {  	s10 =	simm.s32 $0x1480  }
0xb8: {  	[tilespmem:s10], [sflag:$0xB] =	stream.linear.gather [hbm4b:s1+s2], $0x80, $0x38;
	[tilespmem:$0xB900] =	vst v63  }
0xb9: {  	s1 =	sld [smem:$0x7F9];
	_ =	sdelay $0x1  }
0xba: {  	s10 =	simm.s32 $0x1500  }
0xbb: {  	[tilespmem:s10], [sflag:$0xB] =	stream.linear.gather [hbm4b:s1+s2], $0x80, $0x38;
	[tilespmem:$0xB900] =	vst v63  }
0xbc: {  	s1 =	sld [smem:$0x7FA];
	_ =	sdelay $0x1  }
0xbd: {  	s10 =	simm.s32 $0x1580  }
0xbe: {  	[tilespmem:s10], [sflag:$0xB] =	stream.linear.gather [hbm4b:s1+s2], $0x80, $0x38;
	[tilespmem:$0xB900] =	vst v63  }
0xbf: {  	s1 =	sld [smem:$0x7FB];
	_ =	sdelay $0x1  }
0xc0: {  	s10 =	simm.s32 $0x1600  }
0xc1: {  	[tilespmem:s10], [sflag:$0xB] =	stream.linear.gather [hbm4b:s1+s2], $0x80, $0x38;
	[tilespmem:$0xB900] =	vst v63  }
0xc2: {  	s1 =	rddreg [dreg:$0x5];
	s10 =	simm.s32 $0x1680  }
0xc3: {  	[tilespmem:s10], [sflag:$0xB] =	stream.linear.gather [hbm4b:s1+s2], $0x80, $0x38;
	[tilespmem:$0xB900] =	vst v63  }
0xc4: {  	s1 =	rddreg [dreg:$0x6];
	s10 =	simm.s32 $0x1700  }
0xc5: {  	[tilespmem:s10], [sflag:$0xB] =	stream.linear.gather [hbm4b:s1+s2], $0x80, $0x38;
	[tilespmem:$0xB900] =	vst v63  }
0xc6: {  	s1 =	rddreg [dreg:$0x7];
	s10 =	simm.s32 $0x1780  }
0xc7: {  	[tilespmem:s10], [sflag:$0xB] =	stream.linear.gather [hbm4b:s1+s2], $0x80, $0x38;
	[tilespmem:$0xB900] =	vst v63  }
0xc8: {  	s1 =	rddreg [dreg:$0x8];
	s10 =	simm.s32 $0x1800  }
0xc9: {  	[tilespmem:s10], [sflag:$0xB] =	stream.linear.gather [hbm4b:s1+s2], $0x80, $0x38;
	[tilespmem:$0xB900] =	vst v63  }
0xca: {  	s1 =	rddreg [dreg:$0x9];
	s10 =	simm.s32 $0x1880  }
0xcb: {  	[tilespmem:s10], [sflag:$0xB] =	stream.linear.gather [hbm4b:s1+s2], $0x80, $0x38;
	[tilespmem:$0xB900] =	vst v63  }
0xcc: {  	_ =	swait.ge [sflag:s11], $0x80  }
0xcd: {  	[sflag:s11] =	ssyncset.done $0x0  }
0xce: {  	[sflag:s11] =	ssyncadd.s32 $0xFFFFFF80  }
0xcf: {  	_ =	swait.ge [sflag:s11], $0x80  }
0xd0: {  	[sflag:s11] =	ssyncset.done $0x0  }
0xd1: {  	[sflag:s11] =	ssyncadd.s32 $0xFFFFFF80  }
0xd2: {  	_ =	swait.ge [sflag:s11], $0x80  }
0xd3: {  	[sflag:s11] =	ssyncset.done $0x0  }
0xd4: {  	[sflag:s11] =	ssyncadd.s32 $0xFFFFFF80  }
0xd5: {  	_ =	swait.ge [sflag:s11], $0x80  }
0xd6: {  	[sflag:s11] =	ssyncset.done $0x0  }
0xd7: {  	[sflag:s11] =	ssyncadd.s32 $0xFFFFFF80  }
0xd8: {  	_ =	swait.ge [sflag:s11], $0x80  }
0xd9: {  	[sflag:s11] =	ssyncset.done $0x0  }
0xda: {  	[sflag:s11] =	ssyncadd.s32 $0xFFFFFF80  }
0xdb: {  	_ =	swait.ge [sflag:s11], $0x80  }
0xdc: {  	[sflag:s11] =	ssyncset.done $0x0  }
0xdd: {  	[sflag:s11] =	ssyncadd.s32 $0xFFFFFF80  }
0xde: {  	_ =	swait.ge [sflag:s11], $0x80  }
0xdf: {  	[sflag:s11] =	ssyncset.done $0x0  }
0xe0: {  	[sflag:s11] =	ssyncadd.s32 $0xFFFFFF80  }
0xe1: {  	_ =	swait.ge [sflag:s11], $0x80  }
0xe2: {  	[sflag:s11] =	ssyncset.done $0x0  }
0xe3: {  	[sflag:s11] =	ssyncadd.s32 $0xFFFFFF80  }
0xe4: {  	_ =	swait.ge [sflag:s11], $0x80  }
0xe5: {  	[sflag:s11] =	ssyncset.done $0x0  }
0xe6: {  	[sflag:s11] =	ssyncadd.s32 $0xFFFFFF80  }
0xe7: {  	_ =	swait.ge [sflag:s11], $0x80  }
0xe8: {  	[sflag:s11] =	ssyncset.done $0x0  }
0xe9: {  	[sflag:s11] =	ssyncadd.s32 $0xFFFFFF80  }
0xea: {  	_ =	swait.ge [sflag:s11], $0x80  }
0xeb: {  	[sflag:s11] =	ssyncset.done $0x0  }
0xec: {  	[sflag:s11] =	ssyncadd.s32 $0xFFFFFF80  }
0xed: {  	_ =	swait.ge [sflag:s11], $0x80  }
0xee: {  	[sflag:s11] =	ssyncset.done $0x0  }
0xef: {  	[sflag:s11] =	ssyncadd.s32 $0xFFFFFF80  }
0xf0: {  	_ =	swait.ge [sflag:s11], $0x80  }
0xf1: {  	[sflag:s11] =	ssyncset.done $0x0  }
0xf2: {  	[sflag:s11] =	ssyncadd.s32 $0xFFFFFF80  }
0xf3: {  	_ =	swait.ge [sflag:s11], $0x80  }
0xf4: {  	[sflag:s11] =	ssyncset.done $0x0  }
0xf5: {  	[sflag:s11] =	ssyncadd.s32 $0xFFFFFF80  }
0xf6: {  	_ =	swait.ge [sflag:s11], $0x80  }
0xf7: {  	[sflag:s11] =	ssyncset.done $0x0  }
0xf8: {  	[sflag:s11] =	ssyncadd.s32 $0xFFFFFF80  }
0xf9: {  	_ =	swait.ge [sflag:s11], $0x80  }
0xfa: {  	[sflag:s11] =	ssyncset.done $0x0  }
0xfb: {  	[sflag:s11] =	ssyncadd.s32 $0xFFFFFF80  }
0xfc: {  	_ =	swait.ge [sflag:s11], $0x80  }
0xfd: {  	[sflag:s11] =	ssyncset.done $0x0  }
0xfe: {  	[sflag:s11] =	ssyncadd.s32 $0xFFFFFF80  }
0xff: {  	_ =	swait.ge [sflag:s11], $0x80  }
0x100: {  	[sflag:s11] =	ssyncset.done $0x0  }
0x101: {  	[sflag:s11] =	ssyncadd.s32 $0xFFFFFF80  }
0x102: {  	_ =	swait.ge [sflag:s11], $0x80  }
0x103: {  	[sflag:s11] =	ssyncset.done $0x0  }
0x104: {  	[sflag:s11] =	ssyncadd.s32 $0xFFFFFF80  }
0x105: {  	_ =	swait.ge [sflag:s11], $0x80  }
0x106: {  	[sflag:s11] =	ssyncset.done $0x0  }
0x107: {  	[sflag:s11] =	ssyncadd.s32 $0xFFFFFF80  }
0x108: {  	_ =	swait.ge [sflag:s11], $0x80  }
0x109: {  	[sflag:s11] =	ssyncset.done $0x0  }
0x10a: {  	[sflag:s11] =	ssyncadd.s32 $0xFFFFFF80  }
0x10b: {  	_ =	swait.ge [sflag:s11], $0x80  }
0x10c: {  	[sflag:s11] =	ssyncset.done $0x0  }
0x10d: {  	[sflag:s11] =	ssyncadd.s32 $0xFFFFFF80  }
0x10e: {  	_ =	swait.ge [sflag:s11], $0x80  }
0x10f: {  	[sflag:s11] =	ssyncset.done $0x0  }
0x110: {  	[sflag:s11] =	ssyncadd.s32 $0xFFFFFF80  }
0x111: {  	_ =	swait.ge [sflag:s11], $0x80  }
0x112: {  	[sflag:s11] =	ssyncset.done $0x0  }
0x113: {  	[sflag:s11] =	ssyncadd.s32 $0xFFFFFF80  }
0x114: {  	_ =	swait.ge [sflag:s11], $0x80  }
0x115: {  	[sflag:s11] =	ssyncset.done $0x0  }
0x116: {  	[sflag:s11] =	ssyncadd.s32 $0xFFFFFF80  }
0x117: {  	_ =	swait.ge [sflag:s11], $0x80  }
0x118: {  	[sflag:s11] =	ssyncset.done $0x0  }
0x119: {  	[sflag:s11] =	ssyncadd.s32 $0xFFFFFF80  }
0x11a: {  	_ =	swait.ge [sflag:s11], $0x80  }
0x11b: {  	[sflag:s11] =	ssyncset.done $0x0  }
0x11c: {  	[sflag:s11] =	ssyncadd.s32 $0xFFFFFF80  }
0x11d: {  	_ =	swait.ge [sflag:s11], $0x80  }
0x11e: {  	[sflag:s11] =	ssyncset.done $0x0  }
0x11f: {  	[sflag:s11] =	ssyncadd.s32 $0xFFFFFF80  }
0x120: {  	_ =	swait.ge [sflag:s11], $0x80  }
0x121: {  	[sflag:s11] =	ssyncset.done $0x0  }
0x122: {  	[sflag:s11] =	ssyncadd.s32 $0xFFFFFF80  }
0x123: {  	_ =	swait.ge [sflag:s11], $0x80  }
0x124: {  	[sflag:s11] =	ssyncset.done $0x0  }
0x125: {  	[sflag:s11] =	ssyncadd.s32 $0xFFFFFF80  }
0x126: {  	_ =	swait.ge [sflag:s11], $0x80  }
0x127: {  	[sflag:s11] =	ssyncset.done $0x0  }
0x128: {  	[sflag:s11] =	ssyncadd.s32 $0xFFFFFF80  }
0x129: {  	_ =	swait.ge [sflag:s11], $0x80  }
0x12a: {  	[sflag:s11] =	ssyncset.done $0x0  }
0x12b: {  	[sflag:s11] =	ssyncadd.s32 $0xFFFFFF80  }
0x12c: {  	_ =	swait.ge [sflag:s11], $0x80  }
0x12d: {  	[sflag:s11] =	ssyncset.done $0x0  }
0x12e: {  	[sflag:s11] =	ssyncadd.s32 $0xFFFFFF80  }
0x12f: {  	_ =	swait.ge [sflag:s11], $0x80  }
0x130: {  	[sflag:s11] =	ssyncset.done $0x0  }
0x131: {  	[sflag:s11] =	ssyncadd.s32 $0xFFFFFF80  }
0x132: {  	_ =	swait.ge [sflag:s11], $0x80  }
0x133: {  	[sflag:s11] =	ssyncset.done $0x0  }
0x134: {  	[sflag:s11] =	ssyncadd.s32 $0xFFFFFF80  }
0x135: {  	_ =	swait.ge [sflag:s11], $0x80  }
0x136: {  	[sflag:s11] =	ssyncset.done $0x0  }
0x137: {  	[sflag:s11] =	ssyncadd.s32 $0xFFFFFF80  }
0x138: {  	_ =	swait.ge [sflag:s11], $0x80  }
0x139: {  	[sflag:s11] =	ssyncset.done $0x0  }
0x13a: {  	[sflag:s11] =	ssyncadd.s32 $0xFFFFFF80  }
0x13b: {  	_ =	swait.ge [sflag:s11], $0x80  }
0x13c: {  	[sflag:s11] =	ssyncset.done $0x0  }
0x13d: {  	[sflag:s11] =	ssyncadd.s32 $0xFFFFFF80  }
0x13e: {  	_ =	swait.ge [sflag:s11], $0x80  }
0x13f: {  	[sflag:s11] =	ssyncset.done $0x0  }
0x140: {  	[sflag:s11] =	ssyncadd.s32 $0xFFFFFF80  }
0x141: {  	_ =	swait.ge [sflag:s11], $0x80  }
0x142: {  	[sflag:s11] =	ssyncset.done $0x0  }
0x143: {  	[sflag:s11] =	ssyncadd.s32 $0xFFFFFF80  }
0x144: {  	_ =	swait.ge [sflag:s11], $0x80  }
0x145: {  	[sflag:s11] =	ssyncset.done $0x0  }
0x146: {  	[sflag:s11] =	ssyncadd.s32 $0xFFFFFF80  }
0x147: {  	_ =	swait.ge [sflag:s11], $0x80  }
0x148: {  	[sflag:s11] =	ssyncset.done $0x0  }
0x149: {  	[sflag:s11] =	ssyncadd.s32 $0xFFFFFF80  }
0x14a: {  	_ =	swait.ge [sflag:s11], $0x80  }
0x14b: {  	[sflag:s11] =	ssyncset.done $0x0  }
0x14c: {  	[sflag:s11] =	ssyncadd.s32 $0xFFFFFF80  }
0x14d: {  	_ =	swait.ge [sflag:s11], $0x80  }
0x14e: {  	[sflag:s11] =	ssyncset.done $0x0  }
0x14f: {  	[sflag:s11] =	ssyncadd.s32 $0xFFFFFF80  }
0x150: {  	_ =	swait.ge [sflag:s11], $0x80  }
0x151: {  	[sflag:s11] =	ssyncset.done $0x0  }
0x152: {  	[sflag:s11] =	ssyncadd.s32 $0xFFFFFF80  }
0x153: {  	_ =	swait.ge [sflag:s11], $0x80  }
0x154: {  	[sflag:s11] =	ssyncset.done $0x0  }
0x155: {  	[sflag:s11] =	ssyncadd.s32 $0xFFFFFF80  }
0x156: {  	_ =	swait.ge [sflag:s11], $0x80  }
0x157: {  	[sflag:s11] =	ssyncset.done $0x0  }
0x158: {  	[sflag:s11] =	ssyncadd.s32 $0xFFFFFF80  }
0x159: {  	_ =	swait.ge [sflag:s11], $0x80  }
0x15a: {  	[sflag:s11] =	ssyncset.done $0x0  }
0x15b: {  	[sflag:s11] =	ssyncadd.s32 $0xFFFFFF80  }
0x15c: {  	_ =	swait.ge [sflag:s11], $0x80  }
0x15d: {  	[sflag:s11] =	ssyncset.done $0x0  }
0x15e: {  	[sflag:s11] =	ssyncadd.s32 $0xFFFFFF80  }
0x15f: {  	_ =	swait.ge [sflag:s11], $0x80  }
0x160: {  	[sflag:s11] =	ssyncset.done $0x0  }
0x161: {  	[sflag:s11] =	ssyncadd.s32 $0xFFFFFF80  }
0x162: {  	[tilespmem:s12], [sflag:$0x1] =	stream.indirect.gather [hbm4b:s3+s4], $0x40, s2, s4, $0xb8;
	[tilespmem:$0xB900] =	vst v63  }
0x163: {  	_ = 	snop  }
0x164: {  	[tilespmem:s13], [sflag:$0x2] =	stream.indirect.gather [hbm4b:s3+s4], $0x40, s4, s4, $0xb8;
	[tilespmem:$0xB900] =	vst v63  }
0x165: {  	_ = 	snop  }
0x166: {  	[tilespmem:s14], [sflag:$0x3] =	stream.indirect.gather [hbm4b:s3+s4], $0x40, s7, s4, $0xb8;
	[tilespmem:$0xB900] =	vst v63  }
0x167: {  	_ = 	snop  }
0x168: {  	[tilespmem:s15], [sflag:$0x4] =	stream.indirect.gather [hbm4b:s3+s4], $0x40, s8, s4, $0xb8;
	[tilespmem:$0xB900] =	vst v63  }
0x169: {  	_ = 	snop  }
0x16a: {  	[tilespmem:s16], [sflag:$0x5] =	stream.indirect.gather [hbm4b:s3+s4], $0x40, s9, s4, $0xb8;
	[tilespmem:$0xB900] =	vst v63  }
0x16b: {  	_ =	swait.ge [sflag:s17], $0x2000  }
0x16c: {  	[sflag:s17] =	ssyncset.done $0x0  }
0x16d: {  	[sflag:s17] =	ssyncadd.s32 $0xFFFFE000  }
0x16e: {  	[hbm4b:s21+s2] =	stream.linear.scatter [tilespmem:s12], [sflag:$0x6], $0x2000, $0x38;
	[tilespmem:$0xB900] =	vst v63  }
0x16f: {  	_ =	swait.ge [sflag:s18], $0x2000  }
0x170: {  	[sflag:s18] =	ssyncset.done $0x0  }
0x171: {  	[sflag:s18] =	ssyncadd.s32 $0xFFFFE000  }
0x172: {  	[hbm4b:s6+s2] =	stream.linear.scatter [tilespmem:s13], [sflag:$0x7], $0x2000, $0x38;
	[tilespmem:$0xB900] =	vst v63  }
0x173: {  	_ =	swait.ge [sflag:s19], $0x2000  }
0x174: {  	[sflag:s19] =	ssyncset.done $0x0  }
0x175: {  	s10 =	sadd.s32 $0xFFFFFC00, s5;
	[sflag:s19] =	ssyncadd.s32 $0xFFFFE000  }
0x176: {  	[hbm4b:s10+s2] =	stream.linear.scatter [tilespmem:s14], [sflag:$0x8], $0x2000, $0x38;
	[tilespmem:$0xB900] =	vst v63  }
0x177: {  	_ =	swait.ge [sflag:s20], $0x2000  }
0x178: {  	[sflag:s20] =	ssyncset.done $0x0  }
0x179: {  	[sflag:s20] =	ssyncadd.s32 $0xFFFFE000  }
0x17a: {  	[hbm4b:s5+s2] =	stream.linear.scatter [tilespmem:s15], [sflag:$0x9], $0x2000, $0x38;
	[tilespmem:$0xB900] =	vst v63  }
0x17b: {  	_ =	swait.ge [sflag:s22], $0x2000  }
0x17c: {  	[sflag:s22] =	ssyncset.done $0x0  }
0x17d: {  	[sflag:s22] =	ssyncadd.s32 $0xFFFFE000  }
0x17e: {  	[hbm4b:s0+s2] =	stream.linear.scatter [tilespmem:s16], [sflag:$0xA], $0x2000, $0x38;
	[tilespmem:$0xB900] =	vst v63  }
0x17f: {  	_ =	swait.ge [sflag:s23], $0x2000  }
0x180: {  	[sflag:s23] =	ssyncset.done $0x0  }
0x181: {  	s7 =	simm.s32 $0x280;
	[sflag:s23] =	ssyncadd.s32 $0xFFFFE000  }
0x182: {  	[tilespmem:s12], [sflag:$0x1] =	stream.indirect.gather [hbm4b:s3+s4], $0x40, s7, s4, $0xb8;
	[tilespmem:$0xB900] =	vst v63  }
0x183: {  	_ =	swait.ge [sflag:s24], $0x2000  }
0x184: {  	[sflag:s24] =	ssyncset.done $0x0  }
0x185: {  	s8 =	simm.s32 $0x300;
	[sflag:s24] =	ssyncadd.s32 $0xFFFFE000  }
0x186: {  	[tilespmem:s13], [sflag:$0x2] =	stream.indirect.gather [hbm4b:s3+s4], $0x40, s8, s4, $0xb8;
	[tilespmem:$0xB900] =	vst v63  }
0x187: {  	_ =	swait.ge [sflag:s25], $0x2000  }
0x188: {  	[sflag:s25] =	ssyncset.done $0x0  }
0x189: {  	s9 =	simm.s32 $0x380;
	[sflag:s25] =	ssyncadd.s32 $0xFFFFE000  }
0x18a: {  	[tilespmem:s14], [sflag:$0x3] =	stream.indirect.gather [hbm4b:s3+s4], $0x40, s9, s4, $0xb8;
	[tilespmem:$0xB900] =	vst v63  }
0x18b: {  	_ =	swait.ge [sflag:s26], $0x2000  }
0x18c: {  	[sflag:s26] =	ssyncset.done $0x0  }
0x18d: {  	s10 =	simm.s32 $0x400;
	[sflag:s26] =	ssyncadd.s32 $0xFFFFE000  }
0x18e: {  	[tilespmem:s15], [sflag:$0x4] =	stream.indirect.gather [hbm4b:s3+s4], $0x40, s10, s4, $0xb8;
	[tilespmem:$0xB900] =	vst v63  }
0x18f: {  	s30 =	simm.s32 $0xA00;
	s31 =	sadd.s32 $0x1400, s5;
	_ =	swait.ge [sflag:s28], $0x2000  }
0x190: {  	s1 =	sadd.s32 $0x1400, s0;
	s8 =	sadd.s32 $0x1400, s21;
	[sflag:s28] =	ssyncset.done $0x0  }
0x191: {  	s9 =	sadd.s32 $0x1400, s6;
	s10 =	simm.s32 $0x480;
	[sflag:s28] =	ssyncadd.s32 $0xFFFFE000  }
.LBB2_2:
0x192: {  	[tilespmem:s16], [sflag:$0x5] =	stream.indirect.gather [hbm4b:s3+s4], $0x40, s10, s4, $0xb8;
	[tilespmem:$0xB900] =	vst v63  }
0x193: {  	s10 =	smov.u32 s30  }
0x194: {  	p0 =	sne.s32 s30, $0x5000;
	s30 =	sadd.s32 $0xA00, s30;
	_ =	swait.ge [sflag:s17], $0x2000  }
0x195: {  	[sflag:s17] =	ssyncset.done $0x0  }
0x196: {  	[sflag:s17] =	ssyncadd.s32 $0xFFFFE000  }
0x197: {  	[hbm4b:s8+s2] =	stream.linear.scatter [tilespmem:s12], [sflag:$0x6], $0x2000, $0x38;
	[tilespmem:$0xB900] =	vst v63  }
0x198: {  	_ =	swait.ge [sflag:s18], $0x2000  }
0x199: {  	[sflag:s18] =	ssyncset.done $0x0  }
0x19a: {  	[sflag:s18] =	ssyncadd.s32 $0xFFFFE000  }
0x19b: {  	[hbm4b:s9+s2] =	stream.linear.scatter [tilespmem:s13], [sflag:$0x7], $0x2000, $0x38;
	[tilespmem:$0xB900] =	vst v63  }
0x19c: {  	_ =	swait.ge [sflag:s19], $0x2000  }
0x19d: {  	[sflag:s19] =	ssyncset.done $0x0  }
0x19e: {  	s7 =	sadd.s32 $0xFFFFFC00, s31;
	[sflag:s19] =	ssyncadd.s32 $0xFFFFE000  }
0x19f: {  	[hbm4b:s7+s2] =	stream.linear.scatter [tilespmem:s14], [sflag:$0x8], $0x2000, $0x38;
	[tilespmem:$0xB900] =	vst v63  }
0x1a0: {  	_ =	swait.ge [sflag:s20], $0x2000  }
0x1a1: {  	[sflag:s20] =	ssyncset.done $0x0  }
0x1a2: {  	[sflag:s20] =	ssyncadd.s32 $0xFFFFE000  }
0x1a3: {  	[hbm4b:s31+s2] =	stream.linear.scatter [tilespmem:s15], [sflag:$0x9], $0x2000, $0x38;
	[tilespmem:$0xB900] =	vst v63  }
0x1a4: {  	_ =	swait.ge [sflag:s22], $0x2000  }
0x1a5: {  	[sflag:s22] =	ssyncset.done $0x0  }
0x1a6: {  	[sflag:s22] =	ssyncadd.s32 $0xFFFFE000  }
0x1a7: {  	[hbm4b:s1+s2] =	stream.linear.scatter [tilespmem:s16], [sflag:$0xA], $0x2000, $0x38;
	[tilespmem:$0xB900] =	vst v63  }
0x1a8: {  	_ =	swait.ge [sflag:s23], $0x2000  }
0x1a9: {  	s7 =	sshra.s32 s10, $0x2;
	[sflag:s23] =	ssyncset.done $0x0  }
0x1aa: {  	s10 =	sadd.s32 $0x280, s7;
	[sflag:s23] =	ssyncadd.s32 $0xFFFFE000  }
0x1ab: {  	[tilespmem:s12], [sflag:$0x1] =	stream.indirect.gather [hbm4b:s3+s4], $0x40, s10, s4, $0xb8;
	[tilespmem:$0xB900] =	vst v63  }
0x1ac: {  	_ =	swait.ge [sflag:s24], $0x2000  }
0x1ad: {  	[sflag:s24] =	ssyncset.done $0x0  }
0x1ae: {  	s10 =	sadd.s32 $0x300, s7;
	[sflag:s24] =	ssyncadd.s32 $0xFFFFE000  }
0x1af: {  	[tilespmem:s13], [sflag:$0x2] =	stream.indirect.gather [hbm4b:s3+s4], $0x40, s10, s4, $0xb8;
	[tilespmem:$0xB900] =	vst v63  }
0x1b0: {  	_ =	swait.ge [sflag:s25], $0x2000  }
0x1b1: {  	[sflag:s25] =	ssyncset.done $0x0  }
0x1b2: {  	s10 =	sadd.s32 $0x380, s7;
	[sflag:s25] =	ssyncadd.s32 $0xFFFFE000  }
0x1b3: {  	[tilespmem:s14], [sflag:$0x3] =	stream.indirect.gather [hbm4b:s3+s4], $0x40, s10, s4, $0xb8;
	[tilespmem:$0xB900] =	vst v63  }
0x1b4: {  	_ =	swait.ge [sflag:s26], $0x2000  }
0x1b5: {  	[sflag:s26] =	ssyncset.done $0x0  }
.Ltmp0:
0x1b6: {  	s10 =	sadd.s32 $0x400, s7;
	[sflag:s26] =	ssyncadd.s32 $0xFFFFE000;
	(pc) =	sbr.rel @p0 .LBB2_2-.Ltmp0, $4  }
0x1b7: {  	[tilespmem:s15], [sflag:$0x4] =	stream.indirect.gather [hbm4b:s3+s4], $0x40, s10, s4, $0xb8;
	[tilespmem:$0xB900] =	vst v63  }
0x1b8: {  	s8 =	sadd.s32 $0x1400, s8;
	_ =	swait.ge [sflag:s28], $0x2000  }
0x1b9: {  	s9 =	sadd.s32 $0x1400, s9;
	s31 =	sadd.s32 $0x1400, s31;
	[sflag:s28] =	ssyncset.done $0x0  }
0x1ba: {  	s1 =	sadd.s32 $0x1400, s1;
	s10 =	sadd.s32 $0x480, s7;
	[sflag:s28] =	ssyncadd.s32 $0xFFFFE000  }
0x1bb: {  	[tilespmem:s16], [sflag:$0x5] =	stream.indirect.gather [hbm4b:s3+s4], $0x40, s10, s4, $0xb8;
	[tilespmem:$0xB900] =	vst v63  }
0x1bc: {  	_ =	swait.ge [sflag:s17], $0x2000  }
0x1bd: {  	[sflag:s17] =	ssyncset.done $0x0  }
0x1be: {  	s1 =	rddreg [dreg:$0xb];
	[sflag:s17] =	ssyncadd.s32 $0xFFFFE000  }
0x1bf: {  	[hbm4b:s1+s2] =	stream.linear.scatter [tilespmem:s12], [sflag:$0x6], $0x2000, $0x38;
	[tilespmem:$0xB900] =	vst v63  }
0x1c0: {  	_ =	swait.ge [sflag:s18], $0x2000  }
0x1c1: {  	[sflag:s18] =	ssyncset.done $0x0  }
0x1c2: {  	s8 =	rddreg [dreg:$0xd];
	[sflag:s18] =	ssyncadd.s32 $0xFFFFE000  }
0x1c3: {  	[hbm4b:s8+s2] =	stream.linear.scatter [tilespmem:s13], [sflag:$0x7], $0x2000, $0x38;
	[tilespmem:$0xB900] =	vst v63  }
0x1c4: {  	_ =	swait.ge [sflag:s19], $0x2000  }
0x1c5: {  	[sflag:s19] =	ssyncset.done $0x0  }
0x1c6: {  	s9 =	rddreg [dreg:$0xe];
	[sflag:s19] =	ssyncadd.s32 $0xFFFFE000  }
0x1c7: {  	[hbm4b:s9+s2] =	stream.linear.scatter [tilespmem:s14], [sflag:$0x8], $0x2000, $0x38;
	[tilespmem:$0xB900] =	vst v63  }
0x1c8: {  	_ =	swait.ge [sflag:s20], $0x2000  }
0x1c9: {  	[sflag:s20] =	ssyncset.done $0x0  }
0x1ca: {  	s10 =	rddreg [dreg:$0xf];
	[sflag:s20] =	ssyncadd.s32 $0xFFFFE000  }
0x1cb: {  	[hbm4b:s10+s2] =	stream.linear.scatter [tilespmem:s15], [sflag:$0x9], $0x2000, $0x38;
	[tilespmem:$0xB900] =	vst v63  }
0x1cc: {  	_ =	swait.ge [sflag:s22], $0x2000  }
0x1cd: {  	[sflag:s22] =	ssyncset.done $0x0  }
0x1ce: {  	s30 =	rddreg [dreg:$0x10];
	[sflag:s22] =	ssyncadd.s32 $0xFFFFE000  }
0x1cf: {  	[hbm4b:s30+s2] =	stream.linear.scatter [tilespmem:s16], [sflag:$0xA], $0x2000, $0x38;
	[tilespmem:$0xB900] =	vst v63  }
0x1d0: {  	_ =	swait.ge [sflag:s23], $0x2000  }
0x1d1: {  	[sflag:s23] =	ssyncset.done $0x0  }
0x1d2: {  	[sflag:s23] =	ssyncadd.s32 $0xFFFFE000  }
0x1d3: {  	_ =	swait.ge [sflag:s24], $0x2000  }
0x1d4: {  	[sflag:s24] =	ssyncset.done $0x0  }
0x1d5: {  	[sflag:s24] =	ssyncadd.s32 $0xFFFFE000  }
0x1d6: {  	_ =	swait.ge [sflag:s25], $0x2000  }
0x1d7: {  	[sflag:s25] =	ssyncset.done $0x0  }
0x1d8: {  	[sflag:s25] =	ssyncadd.s32 $0xFFFFE000  }
0x1d9: {  	_ =	swait.ge [sflag:s26], $0x2000  }
0x1da: {  	[sflag:s26] =	ssyncset.done $0x0  }
0x1db: {  	[sflag:s26] =	ssyncadd.s32 $0xFFFFE000  }
0x1dc: {  	_ =	swait.ge [sflag:s28], $0x2000  }
0x1dd: {  	s31 =	sld [smem:$0x7FC];
	_ =	sdelay $0x1  }
0x1de: {  	s29 =	sadd.s32 $0x1, s29  }
0x1df: {  	p0 =	sne.s32 s29, s31  }
.Ltmp1:
0x1e0: {  	_ = 	snop;
	(pc) =	sbr.rel @p0 .LBB2_1-.Ltmp1, $3  }
0x1e1: {  	_ =	sdelay $0x1  }
0x1e2: {  	[sflag:s28] =	ssyncset.done $0x0  }
0x1e3: {  	[sflag:s28] =	ssyncadd.s32 $0xFFFFE000  }
0x1e4: {  	_ =	sfence.sel $0x180000  }
0x1e5: {  	[bflag:$0x0] =	sbarrier.arrive $0xFFFF  }
0x1e6: {  	_ =	strace $0x90000047  }
0x1e7: {  	s0 =	stileid.u32;
	[bflag:$0x2] =	sbarrier.arrive $0xFFFF  }
0x1e8: {  	p0 =	sne.s32 s0, $0x0;
	s0 =	rddreg [dreg:$0x2]  }
0x1e9: {  	s0 =	sadd.s32 @!p0 $0x100000, s0  }
0x1ea: {  	[sflag:s0] =	ssyncadd.tile.s32 @!p0 $0x1;
	_ =	shalt  }
.Lfunc_end2:
_tile_overlayer_lowered:
.L_overlay_start_2:
0x1eb: {  	(tag) =	ssettag $0x2  }
0x1ec: {  	s0 =	rddreg [dreg:$0x0];
	s2 =	stileid.u32  }
0x1ed: {  	s1 =	rddreg [dreg:$0x1];
	p0 =	sne.s32 s2, $0x0  }
0x1ee: {  	s3 =	rddreg [dreg:$0x2];
	[bflag:$0x3] =	sbarrier.arrive $0xFFFF;
	s2 =	simm.s32 @!p0 $0x1C0C  }
0x1ef: {  	[timem:s3], [sflag:s2] =	dma.local @!p0 [hbm:s0], s1  }
0x1f0: {  	s0 =	simm.s32 @!p0 $0xC  }
0x1f1: {  	_ =	swait.ge @!p0 [sflag:s0], s1  }
0x1f2: {  	s1 =	ssub.s32 @!p0 $0x0, s1;
	[sflag:s0] =	ssyncset.done @!p0 $0x0  }
0x1f3: {  	[sflag:s0] =	ssyncadd.s32 @!p0 s1  }
0x1f4: {  	[bflag:$0x3] =	sbarrier.arrive $0xFFFF  }
0x1f5: {  	_ =	shalt  }

// kernel: sparse-core-data-format-call.cloned.1.call-start
scs
called_computation_lowered:
.L_overlay_start_0:
0x0: {  	s2 =	sld [smem:$0x3FD9]  }
0x1: {  	s3 =	sld [smem:$0x3FFE];
	_ =	sdelay $0x1  }
0x2: {  	s1 =	srdreg.scid  }
0x3: {  	s0 =	sand.u32 $0x1, s1  }
0x4: {  	s18 =	sshll.u32 s0, $0xA;
	s2 =	sadd.s32 s3, s2  }
0x5: {  	s2 =	sadd.s32 s2, s18  }
0x6: {  	[smem:$0x3FC6] =	sst s2  }
0x7: {  	_ = 	snop  }
0x8: {  	s2 =	sld [smem:$0x3FD0];
	(tm) =	ssettm $0x1  }
0x9: {  	s19 =	sld [smem:$0x3FFB];
	_ =	sdelay $0x3  }
0xa: {  	_ =	strace s19  }
0xb: {  	s3 =	sld [smem:$0x3FFC];
	_ =	sdelay $0x3  }
0xc: {  	_ =	strace s3  }
0xd: {  	s3 =	sld [smem:$0x3FFD];
	_ =	sdelay $0x3  }
0xe: {  	_ =	strace s3  }
0xf: {  	_ =	strace $0x8FFFFFFF  }
0x10: {  	s20 =	sld [smem:$0x3FDB];
	_ =	sdelay $0x1  }
0x11: {  	s4 =	simm.s32 $_scs_section_size  }
0x12: {  	s5 =	simm.s32 $_size__tile_overlayer_lowered;
	s6 =	simm.s32 $_tile_overlayer_lowered  }
0x13: {  	s23 =	simm.s32 $0x1BFF;
	s22 =	sshll.u32 s6, $0x1;
	s3 =	sadd.s32 s4, s20  }
0x14: {  	s7 =	simm.s32 $0x0;
	s21 =	sshll.u32 s5, $0x1;
	s5 =	sadd.s32 s22, s3  }
0x15: {  	[timem:s7], [sflag:s23] =	dma.local [hbm:s5], s21  }
0x16: {  	_ =	swait.ge [sflag:s23], s21  }
0x17: {  	s4 =	ssub.s32 $0x0, s21;
	[sflag:s23] =	ssyncset.done $0x0  }
0x18: {  	[sflag:s23] =	ssyncadd.s32 s4;
	_ =	sdelay $0x1  }
0x19: {  	s24 =	simm.s32 $0x1B8B  }
0x1a: {  	_ =	swait.ge [sflag:s24], $0x1  }
0x1b: {  	[sflag:s24] =	ssyncset.done $0x0  }
0x1c: {  	s26 =	simm.s32 $0x1B8E;
	s25 =	sld [smem:$0x3FFE];
	[sflag:s24] =	ssyncadd.s32 $0xFFFFFFFF  }
0x1d: {  	s27 =	simm.s32 $execute0_lowered;
	[smem:$0x3FD2] =	sst s26  }
0x1e: {  	s5 =	sshll.u32 s27, $0x1;
	_ =	strace $0x80000049;
	[dreg:$0x1] =	wrdreg $0xFFFFFFFF  }
0x1f: {  	s28 =	simm.s32 $_size_execute0_lowered;
	s3 =	sadd.s32 s3, s5;
	[dreg:$0x0] =	wrdreg $0x0  }
0x20: {  	s5 =	sshll.u32 s28, $0x1;
	[dreg:$0x2] =	wrdreg s3  }
0x21: {  	[dreg:$0x3] =	wrdreg s5  }
0x22: {  	[dreg:$0x4] =	wrdreg $0xC0  }
0x23: {  	_ =	task [dreg:s7], $0x5FFFF  }
0x24: {  	[dreg:$0x1] =	wrdreg $0xFFFFFFFF  }
0x25: {  	[dreg:$0x0] =	wrdreg $0x60  }
0x26: {  	[dreg:$0x2] =	wrdreg s25  }
0x27: {  	[dreg:$0x3] =	wrdreg s2  }
0x28: {  	[dreg:$0x4] =	wrdreg $0x9  }
0x29: {  	_ =	task.clear_ibuf [dreg:s7], $0x5FFFF;
	_ =	strace $0x90000049  }
0x2a: {  	s29 =	simm.s32 $0x9;
	_ =	strace $0x8000004B  }
0x2b: {  	_ =	swait.ge [sflag:s29], $0x1  }
0x2c: {  	[sflag:s29] =	ssyncadd.s32 $0xFFFFFFFF  }
0x2d: {  	_ =	strace $0x9000004B  }
0x2e: {  	_ =	sfence  }
0x2f: {  	s30 =	sld [smem:$0x0];
	_ =	sdelay $0x2  }
0x30: {  	s31 =	sshll.u32 s1, $0xD;
	s1 =	sshrl.u32 s1, $0x2  }
0x31: {  	s3 =	sand.u32 $0x4000, s31;
	s1 =	sadd.s32 s1, s30  }
0x32: {  	s0 =	sor.u32 s3, s0;
	s1 =	sshll.u32 s1, $0x11  }
0x33: {  	s0 =	sor.u32 s1, s0  }
0x34: {  	s0 =	sadd.s32 $0x8F2B, s0  }
0x35: {  	[sflag:s0] =	ssyncadd.remote.s32 $0x1  }
0x36: {  	_ =	sfence.sel $0xFFFF  }
0x37: {  	[dreg:$0x0] =	wrdreg $0xFFFFFFFF;
	(pc) =	sbr.abs _section_cstart, $3  }
0x38: {  	[dreg:$0x1] =	wrdreg $0xFFFFFFFF  }
0x39: {  	_ =	task.clear_ibuf [dreg:s7], $0x2FFFF;
	_ =	strace $0x9FFFFFFF  }
0x3a: {  	(tm) =	ssettm $0x7FFFFFFF  }
0x3b: {  	_ =	shalt  }
tec
execute0_lowered:
.L_overlay_start_1:
0x0: {  	(tag) =	ssettag $0x1  }
0x1: {  	s0 =	srdreg.scid  }
0x2: {  	s1 =	sshll.u32 s0, $0x4  }
0x3: {  	s5 =	rddreg [dreg:$0x0];
	s0 =	stileid.u32;
	s1 =	sand.u32 $0x10, s1  }
0x4: {  	s3 =	rddreg [dreg:$0x1];
	s31 =	simm.s32 $0x2;
	s4 =	sor.u32 s0, s1  }
0x5: {  	s13 =	simm.s32 $0x0;
	s9 =	simm.s32 $0x400;
	s2 =	sshll.u32 s4, $0x7  }
0x6: {  	s10 =	simm.s32 $0x8000;
	s14 =	simm.s32 $0x0;
	s6 =	ssub.s32 $0x1000, s2  }
0x7: {  	s1 =	rddreg [dreg:$0x2];
	_ =	strace $0x8000004A;
	s7 =	sand.u32 $0xF80, s6  }
0x8: {  	s4 =	sshll.u32 s4, $0xB;
	p0 =	sne.s32 s7, $0x0;
	s7 =	simm.s32 $0x1  }
.Ltmp0:
0x9: {  	s6 =	sshrl.u32 s6, $0xC;
	s7 =	simm.s32 @!p0 $0x0;
	(pc) =	sbr.rel .LBB1_1-.Ltmp0, $4  }
0xa: {  	s8 =	sadd.s32 s4, s5;
	s4 =	simm.s32 $0x1;
	s30 =	sadd.s32 s7, s6  }
0xb: {  	s11 =	simm.s32 $0x0;
	[sflag:s4] =	ssyncpa.u1 $0x0;
	s5 =	smul.u32 $0x19, s30  }
0xc: {  	s12 =	simm.s32 $0x0;
	[sflag:s31] =	ssyncpa.u1 $0x0;
	p0 =	por $0x0, $0x0  }
0xd: {  	s6 =	sadd.s32 $0xA00, s8;
	s7 =	sadd.s32 $0x10A00, s8;
	s8 =	sadd.s32 $0x1, s5  }
.LBB1_7:
0xe: {  	s15 =	sadd.s32 $0x2, s11  }
0xf: {  	p2 =	sgt.s32 s15, $0x31  }
0x10: {  	s15 =	simm.s32 @p2 $0x0;
	p2 =	sne.s32 s12, s8  }
.Ltmp1:
0x11: {  	p1 =	slt.u32 s12, $0x2;
	(pc) =	sbr.rel @!p2 .LBB1_8-.Ltmp1, $4  }
0x12: {  	s13 =	simm.s32 @!p1 $0x2  }
0x13: {  	s16 =	sadd.s32 $0x1, s12;
	s14 =	smov.u32 s11;
	_ =	swait.ge @!p1 [sflag:s13], $0x4000  }
0x14: {  	p0 =	por !p0, !p0;
	s12 =	smov.u32 s16;
	[sflag:s13] =	ssyncset.done @!p1 $0x0  }
0x15: {  	s11 =	smov.u32 s15;
	[sflag:s13] =	ssyncadd.s32 @!p1 $0xFFFFC000;
	s13 =	smov.u32 s2  }
.LBB1_1:
0x16: {  	p1 =	sge.u32 s12, s5  }
0x17: {  	s15 =	sxor.u32 @!p1 $0xFFFFFFFF, s12  }
0x18: {  	s16 =	sshll.u32 @!p1 s11, $0x10;
	s18 =	simm.s32 @!p1 $0x40;
	s15 =	sshll.u32 @!p1 s15, $0xE  }
0x19: {  	s19 =	simm.s32 @!p1 $0x80;
	s17 =	sadd.s32 @!p1 s16, s6;
	s15 =	sand.u32 @!p1 $0x4000, s15  }
0x1a: {  	[tilespmem:s15], [sflag:$0x1] =	stream.strided.gather @!p1 [hbm4b:s17+s18], $0x2000, s19, s18, $0x38;
	[tilespmem:$0x10100] =	vst v63  }
0x1b: {  	s31 =	sadd.s32 $0xFFFFFFFF, s12;
	s16 =	sadd.s32 @!p1 s16, s7;
	s15 =	sor.u32 @!p1 $0x2000, s15  }
0x1c: {  	[tilespmem:s15], [sflag:$0x1] =	stream.strided.gather @!p1 [hbm4b:s16+s18], $0x2000, s19, s18, $0x38;
	[tilespmem:$0x10100] =	vst v63  }
0x1d: {  	p1 =	sge.u32 s31, s5  }
.Ltmp2:
0x1e: {  	_ = 	snop;
	(pc) =	sbr.rel @p1 .LBB1_7-.Ltmp2, $1  }
0x1f: {  	_ =	sdelay $0x3  }
0x20: {  	s15 =	simm.s32 $0x1;
	s17 =	sand.u32 $0x1, s12  }
0x21: {  	_ =	swait.ge [sflag:s4], $0x4000;
	s15 =	simm.s32 @!p0 $0x0;
	s17 =	smul.u32 $0x10200, s17  }
0x22: {  	p2 =	por $0x1, $0x1;
	[sflag:s4] =	ssyncset.done $0x0;
	s16 =	smul.u32 $0x10200, s15  }
0x23: {  	s18 =	sshll.u32 s15, $0x10;
	[sflag:s4] =	ssyncadd.s32 $0xFFFFC000;
	s30 =	sshrl.u32 s17, $0x2  }
0x24: {  	s31 =	sshrl.u32 s18, $0x2;
	s18 =	simm.s32 $0x0;
	s16 =	sshrl.u32 s16, $0x2  }
0x25: {  	s15 =	sor.u32 $0x8000, s30;
	s17 =	sadd.s32 $0x20, s31;
	s16 =	sor.u32 $0x8000, s16  }
.LBB1_3:
0x26: {  	s19 =	sshll.u32 s18, $0xD  }
0x27: {  	s19 =	sand.u32 $0x3FFFE000, s19  }
0x28: {  	s21 =	sadd.s32 s19, s17  }
0x29: {  	s31 =	smul.u32 $0x8100, s18;
	v3 =	vld [tilespmem:s21+$0x10]  }
0x2a: {  	v1 =	vld [tilespmem:s21+$0xFFFFFFF0]  }
0x2b: {  	s18 =	sshra.s32 s31, $0x2;
	v0 =	vld [tilespmem:s21+$0x0]  }
0x2c: {  	s18 =	sadd.s32 s18, s16;
	v2 =	vld [tilespmem:s21+$0xFFFFFFE0]  }
0x2d: {  	s19 =	sadd.s32 $0x0, s18  }
0x2e: {  	p1 =	por p2, p2;
	s20 =	simm.s32 $0x4;
	s21 =	sadd.s32 $0x40, s21;
	[tilespmem:s19+$0x1830 ss:$0x81] =	vst.msk $0xffff, v3  }
.LBB1_4:
0x2f: {  	v3 =	vld [tilespmem:s21+$0x10];
	p2 =	sne.s32 s20, $0x1FC;
	[tilespmem:s19+$0x810 ss:$0x81] =	vst.msk $0xffff, v1;
	s22 =	smov.u32 s20;
	s20 =	sadd.s32 $0x4, s20  }
.Ltmp3:
0x30: {  	v1 =	vld [tilespmem:s21+$0xFFFFFFF0];
	[tilespmem:s19+$0x1020 ss:$0x81] =	vst.msk $0xffff, v0;
	(pc) =	sbr.rel @p2 .LBB1_4-.Ltmp3, $4  }
0x31: {  	v0 =	vld [tilespmem:s21+$0x0];
	[tilespmem:s19+$0x0 ss:$0x81] =	vst.msk $0xffff, v2  }
0x32: {  	s19 =	sshra.s32 s22, $0x2;
	v2 =	vld [tilespmem:s21+$0xFFFFFFE0]  }
0x33: {  	s19 =	sadd.s32 s19, s18  }
0x34: {  	s21 =	sadd.s32 $0x40, s21;
	[tilespmem:s19+$0x1830 ss:$0x81] =	vst.msk $0xffff, v3  }
.Ltmp4:
0x35: {  	(pc) =	sbr.rel @p1 .LBB1_3-.Ltmp4, $4  }
0x36: {  	_ = 	snop  }
0x37: {  	[tilespmem:s19+$0x810 ss:$0x81] =	vst.msk $0xffff, v1  }
0x38: {  	[tilespmem:s19+$0x1020 ss:$0x81] =	vst.msk $0xffff, v0  }
0x39: {  	s18 =	simm.s32 $0x1;
	p2 =	por $0x0, $0x0;
	[tilespmem:s19+$0x0 ss:$0x81] =	vst.msk $0xffff, v2  }
.Ltmp5:
0x3a: {  	(pc) =	sbr.rel .LBB1_7-.Ltmp5, $4  }
0x3b: {  	s14 =	sshll.u32 s14, $0xF  }
0x3c: {  	s14 =	sadd.s32 s3, s14  }
0x3d: {  	s13 =	sadd.s32 s13, s14  }
0x3e: {  	[hbm4b:s13+s9] =	stream.strided.scatter [tilespmem:s15], [sflag:$0x2], $0x4000, s10, s9, $0x20;
	[tilespmem:$0x10100] =	vst v63  }
.LBB1_8:
0x3f: {  	_ =	sfence.sel $0x180000  }
0x40: {  	s2 =	simm.s32 $0x1;
	[bflag:$0x0] =	sbarrier.arrive $0xFFFF  }
0x41: {  	s31 =	simm.s32 $0x2;
	[sflag:s2] =	ssyncpa.u1 $0x1  }
0x42: {  	[sflag:s31] =	ssyncpa.u1 $0x1  }
0x43: {  	p0 =	sne.s32 s0, $0x0;
	_ =	strace $0x9000004A  }
0x44: {  	s0 =	sadd.s32 @!p0 $0x100000, s1;
	[bflag:$0x2] =	sbarrier.arrive $0xFFFF  }
0x45: {  	[sflag:s0] =	ssyncadd.tile.s32 @!p0 $0x1;
	_ =	shalt  }
.Lfunc_end1:
_tile_overlayer_lowered:
.L_overlay_start_2:
0x46: {  	(tag) =	ssettag $0x2  }
0x47: {  	s0 =	rddreg [dreg:$0x0];
	s2 =	stileid.u32  }
0x48: {  	s1 =	rddreg [dreg:$0x1];
	p0 =	sne.s32 s2, $0x0  }
0x49: {  	s3 =	rddreg [dreg:$0x2];
	[bflag:$0x3] =	sbarrier.arrive $0xFFFF;
	s2 =	simm.s32 @!p0 $0x1C01  }
0x4a: {  	[timem:s3], [sflag:s2] =	dma.local @!p0 [hbm:s0], s1  }
0x4b: {  	s0 =	simm.s32 @!p0 $0x1  }
0x4c: {  	_ =	swait.ge @!p0 [sflag:s0], s1  }
0x4d: {  	s1 =	ssub.s32 @!p0 $0x0, s1;
	[sflag:s0] =	ssyncset.done @!p0 $0x0  }
0x4e: {  	[sflag:s0] =	ssyncadd.s32 @!p0 s1  }
0x4f: {  	[bflag:$0x3] =	sbarrier.arrive $0xFFFF  }
0x50: {  	_ =	shalt  }

</sc_bundles>
